<compile_context>
chip_gen: v7x
topology: tpu7x:2x2x1
jax: 0.10.2.dev20260603
libtpu: 0.0.44.dev20260713+nightly
codegen_flags: <defaults>
</compile_context>

<pallas_src>
import functools

import jax
import jax.numpy as jnp
from jax import lax
from jax.experimental import pallas as pl
from jax.experimental.pallas import tpu as pltpu
from jax.experimental.pallas import tpu_sc as plsc

NC = 2
NS = 16
NW = NC * NS
CH = 128


def _mesh():
    return plsc.VectorSubcoreMesh(
        core_axis_name="c", subcore_axis_name="s", num_cores=NC,
        num_subcores=NS)


_SC_PARAMS = pltpu.CompilerParams(use_tc_tiling_on_sc=False)


def _zero_vmem(ref, rows, cols):
    z = jnp.zeros((16,), jnp.float32)

    def row(i, _):
        for k in range(cols // 16):
            ref[i, pl.ds(k * 16, 16)] = z
        return _

    lax.fori_loop(0, rows, row, 0)


def _make_deg(n_chunks, npad):
    cmax = -(-n_chunks // NW)
    per_tile = npad // NS

    @functools.partial(
        pl.kernel,
        out_type=jax.ShapeDtypeStruct((NC, npad), jnp.float32),
        mesh=_mesh(),
        scratch_types=[
            pltpu.VMEM((cmax, CH), jnp.int32),
            pltpu.VMEM((CH,), jnp.float32),
            pltpu.VMEM((per_tile,), jnp.float32),
            pltpu.VMEM_SHARED((npad,), jnp.float32),
        ],
        compiler_params=_SC_PARAMS,
    )
    def deg_kernel(dst_hbm, out_hbm, idx_v, ones_v, stage_v, deg_sh):
        c = lax.axis_index("c")
        s = lax.axis_index("s")
        wid = c * NS + s
        start = wid * n_chunks // NW
        count = (wid + 1) * n_chunks // NW - start

        one = jnp.ones((16,), jnp.float32)
        z = jnp.zeros((16,), jnp.float32)
        for k in range(CH // 16):
            ones_v[pl.ds(k * 16, 16)] = one

        def zrow(i, carry):
            stage_v[pl.ds(i * 16, 16)] = z
            return carry

        lax.fori_loop(0, per_tile // 16, zrow, 0)
        pltpu.sync_copy(stage_v, deg_sh.at[pl.ds(s * per_tile, per_tile)])
        plsc.subcore_barrier()

        pltpu.sync_copy(dst_hbm.at[pl.ds(start, cmax)], idx_v)

        def body(j, carry):
            @pl.when(j < count)
            def _():
                pltpu.sync_copy(ones_v, deg_sh.at[idx_v.at[j]], add=True)
            return carry

        lax.fori_loop(0, cmax, body, 0)
        plsc.subcore_barrier()
        pltpu.sync_copy(deg_sh.at[pl.ds(s * per_tile, per_tile)], stage_v)
        pltpu.sync_copy(stage_v, out_hbm.at[c, pl.ds(s * per_tile, per_tile)])

    return deg_kernel


GROUP = 16


def _make_prop(n, d, n_chunks):
    rows_per_tile = n // NS
    zr = rows_per_tile // 5
    assert rows_per_tile % 5 == 0 and zr <= CH

    @functools.partial(
        pl.kernel,
        out_type=jax.ShapeDtypeStruct((NC, n, d), jnp.float32),
        mesh=_mesh(),
        scratch_types=[
            pltpu.VMEM((2, GROUP, CH), jnp.int32),
            pltpu.VMEM((2, GROUP, CH), jnp.int32),
            pltpu.VMEM((CH, d), jnp.float32),
            pltpu.VMEM((CH, d), jnp.float32),
            pltpu.VMEM_SHARED((n, d), jnp.float32),
            pltpu.SemaphoreType.DMA,
            pltpu.SemaphoreType.DMA,
            pltpu.SemaphoreType.DMA,
            pltpu.SemaphoreType.DMA,
        ],
        compiler_params=_SC_PARAMS,
    )
    def prop_kernel(g_hbm, src_hbm, dst_hbm, out_hbm, src_v, dst_v,
                    rows_a, rows_b, acc_sh, sem_a, sem_b, sem_sa, sem_sb):
        c = lax.axis_index("c")
        s = lax.axis_index("s")
        wid = c * NS + s
        start = wid * n_chunks // NW
        count = (wid + 1) * n_chunks // NW - start

        pltpu.sync_copy(src_hbm.at[pl.ds(start, GROUP)], src_v.at[0])
        pltpu.sync_copy(dst_hbm.at[pl.ds(start, GROUP)], dst_v.at[0])
        pltpu.async_copy(g_hbm.at[src_v.at[0, 0]], rows_a, sem_a)

        _zero_vmem(rows_b, zr, d)
        for k in range(5):
            pltpu.sync_copy(
                rows_b.at[pl.ds(0, zr)],
                acc_sh.at[pl.ds(s * rows_per_tile + k * zr, zr)])
        plsc.subcore_barrier()

        def body(j, carry):
            p = lax.rem(j // GROUP, 2)
            jj = lax.rem(j, GROUP)

            @pl.when(jj == 0)
            def _():
                pltpu.sync_copy(
                    src_hbm.at[pl.ds(start + j + GROUP, GROUP)],
                    src_v.at[1 - p])
                pltpu.sync_copy(
                    dst_hbm.at[pl.ds(start + j + GROUP, GROUP)],
                    dst_v.at[1 - p])

            @pl.when(j + 1 < count)
            def _():
                pn = lax.rem((j + 1) // GROUP, 2)
                jn = lax.rem(j + 1, GROUP)

                @pl.when(lax.rem(j, 2) == 0)
                def _():
                    @pl.when(j > 0)
                    def _():
                        pltpu.make_async_copy(
                            rows_b, acc_sh.at[dst_v.at[0, 0]], sem_sb).wait()
                    pltpu.async_copy(g_hbm.at[src_v.at[pn, jn]], rows_b,
                                     sem_b)

                @pl.when(lax.rem(j, 2) == 1)
                def _():
                    pltpu.make_async_copy(
                        rows_a, acc_sh.at[dst_v.at[0, 0]], sem_sa).wait()
                    pltpu.async_copy(g_hbm.at[src_v.at[pn, jn]], rows_a,
                                     sem_a)

            @pl.when(lax.rem(j, 2) == 0)
            def _():
                pltpu.make_async_copy(g_hbm.at[src_v.at[p, jj]], rows_a,
                                      sem_a).wait()
                pltpu.make_async_copy(
                    rows_a, acc_sh.at[dst_v.at[p, jj]], sem_sa).start(add=True)

            @pl.when(lax.rem(j, 2) == 1)
            def _():
                pltpu.make_async_copy(g_hbm.at[src_v.at[p, jj]], rows_b,
                                      sem_b).wait()
                pltpu.make_async_copy(
                    rows_b, acc_sh.at[dst_v.at[p, jj]], sem_sb).start(add=True)

            return carry

        lax.fori_loop(0, count, body, 0)
        pltpu.make_async_copy(rows_a, acc_sh.at[dst_v.at[0, 0]], sem_sa).wait()
        pltpu.make_async_copy(rows_b, acc_sh.at[dst_v.at[0, 0]], sem_sb).wait()
        plsc.subcore_barrier()

        for k in range(5):
            off = s * rows_per_tile + k * zr
            pltpu.sync_copy(acc_sh.at[pl.ds(off, zr)],
                            out_hbm.at[c, pl.ds(off, zr)])

    return prop_kernel


def _prep_call(deg2, x, n, npad, d):
    def body(deg_ref, x_ref, dinv_ref, g_ref):
        total = deg_ref[0] + deg_ref[1] + 1.0
        dinv = lax.rsqrt(total)
        dinv_ref[...] = dinv
        g_ref[...] = x_ref[...] * dinv[:n]

    return pl.pallas_call(
        body,
        out_shape=[
            jax.ShapeDtypeStruct((npad, 1), jnp.float32),
            jax.ShapeDtypeStruct((n, d), jnp.float32),
        ],
    )(deg2, x)


def _layer_call(s2, g, dinv, w, b, relu, scale_out, n, d):
    rb = 2000

    def body(s_ref, g_ref, dinv_ref, w_ref, b_ref, o_ref):
        u = (s_ref[0] + s_ref[1] + g_ref[...]) * dinv_ref[...]
        t = jnp.dot(u, w_ref[...], preferred_element_type=jnp.float32)
        t = t + b_ref[...]
        if relu:
            t = jnp.maximum(t, 0.0)
        if scale_out:
            t = t * dinv_ref[...]
        o_ref[...] = t

    return pl.pallas_call(
        body,
        grid=(n // rb,),
        in_specs=[
            pl.BlockSpec((2, rb, d), lambda i: (0, i, 0)),
            pl.BlockSpec((rb, d), lambda i: (i, 0)),
            pl.BlockSpec((rb, 1), lambda i: (i, 0)),
            pl.BlockSpec((d, d), lambda i: (0, 0)),
            pl.BlockSpec((1, d), lambda i: (0, 0)),
        ],
        out_specs=pl.BlockSpec((rb, d), lambda i: (i, 0)),
        out_shape=jax.ShapeDtypeStruct((n, d), jnp.float32),
    )(s2, g, dinv, w, b)


def kernel(x, edge_index, W1, b1, W2, b2, Wl, bl):
    n, d = x.shape
    e = edge_index.shape[1]
    assert e % CH == 0
    n_chunks = e // CH
    npad = -(-n // (NS * 16)) * (NS * 16)

    starts = [w * n_chunks // NW for w in range(NW)]
    counts = [(w + 1) * n_chunks // NW - starts[w] for w in range(NW)]
    npc = max(
        max(starts[w] + ((counts[w] - 1) // GROUP) * GROUP + 2 * GROUP
            for w in range(NW)),
        n_chunks)

    src = edge_index[0].astype(jnp.int32).reshape(n_chunks, CH)
    dst = edge_index[1].astype(jnp.int32).reshape(n_chunks, CH)
    if npc > n_chunks:
        pad = ((0, npc - n_chunks), (0, 0))
        src = jnp.pad(src, pad)
        dst = jnp.pad(dst, pad)

    deg2 = _make_deg(n_chunks, npad)(dst)
    dinv_p, g = _prep_call(deg2.reshape(NC, npad, 1), x, n, npad, d)
    dinv = dinv_p[:n]

    prop = _make_prop(n, d, n_chunks)
    b1r = b1.reshape(1, d)
    b2r = b2.reshape(1, d)
    blr = bl.reshape(1, d)

    s2 = prop(g, src, dst)
    g = _layer_call(s2, g, dinv, W1, b1r, True, True, n, d)
    s2 = prop(g, src, dst)
    g = _layer_call(s2, g, dinv, W2, b2r, True, True, n, d)
    s2 = prop(g, src, dst)
    out = _layer_call(s2, g, dinv, Wl, blr, False, False, n, d)
    return out

# --- scband reference (transcript-rebuilt; emitter-appended) ---
"""Pipeline reference for scband-gcn-60868276519239 (READ-ONLY COPY).

The authoritative reference and input builder live on the scoring server;
editing this copy changes nothing except your own understanding.
"""

import jax, jax.numpy as jnp
import numpy as np

N_NODES = 10000
N_EDGES = 320000
D_IN = 128
D_H1 = 128
D_H2 = 128
D_OUT = 128


def gcn_conv(x, edge_index, W, b, num_nodes):
    # PyG-style GCNConv: out = D^{-1/2} (A + I) D^{-1/2} X W + b
    src = edge_index[0]
    dst = edge_index[1]
    loop = jnp.arange(num_nodes, dtype=edge_index.dtype)
    src = jnp.concatenate([src, loop])
    dst = jnp.concatenate([dst, loop])
    deg = jnp.zeros((num_nodes,), dtype=x.dtype).at[dst].add(1.0)
    deg_inv_sqrt = jnp.where(deg > 0, deg ** -0.5, 0.0)
    norm = deg_inv_sqrt[src] * deg_inv_sqrt[dst]
    h = x @ W
    msg = h[src] * norm[:, None]
    out = jnp.zeros((num_nodes, W.shape[1]), dtype=x.dtype).at[dst].add(msg)
    return out + b


def setup_inputs(seed: int = 0) -> dict:
    key = jax.random.key(seed)
    k_x, k_e, k1, k2, k3 = jax.random.split(key, 5)
    x = jax.random.normal(k_x, (N_NODES, D_IN), dtype=jnp.float32)
    edge_index = jax.random.randint(k_e, (2, N_EDGES), 0, N_NODES, dtype=jnp.int64)
    W1 = jax.random.normal(k1, (D_IN, D_H1), dtype=jnp.float32) * (1.0 / np.sqrt(D_IN))
    b1 = jnp.zeros((D_H1,), dtype=jnp.float32)
    W2 = jax.random.normal(k2, (D_H1, D_H2), dtype=jnp.float32) * (1.0 / np.sqrt(D_H1))
    b2 = jnp.zeros((D_H2,), dtype=jnp.float32)
    Wl = jax.random.normal(k3, (D_H2, D_OUT), dtype=jnp.float32) * (1.0 / np.sqrt(D_H2))
    bl = jnp.zeros((D_OUT,), dtype=jnp.float32)
    return {"x": x, "edge_index": edge_index, "W1": W1, "b1": b1, "W2": W2, "b2": b2, "Wl": Wl, "bl": bl}


def reference(x, edge_index, W1, b1, W2, b2, Wl, bl):
    n = x.shape[0]
    h = gcn_conv(x, edge_index, W1, b1, n)
    h = jax.nn.relu(h)
    # dropout=0.0 -> identity
    h = gcn_conv(h, edge_index, W2, b2, n)
    h = jax.nn.relu(h)
    out = gcn_conv(h, edge_index, Wl, bl, n)
    return out

if __name__ == "__main__":
    import jax
    _d = setup_inputs()
    print(jax.jit(kernel)(*tuple(_d.values())))

</pallas_src>

<mosaic_0001>
#map = affine_map<(d0, d1) -> (0, 0)>
#map1 = affine_map<(d0, d1) -> (0, 0, 0)>
module attributes {stable_mosaic.version = 14 : i64} {
  func.func @prop_kernel(%arg0: i32, %arg1: i32, %arg2: memref<10000x128xf32, #tpu.memory_space<hbm>>, %arg3: memref<2517x128xi32, #tpu.memory_space<hbm>>, %arg4: memref<2517x128xi32, #tpu.memory_space<hbm>>, %arg5: memref<2x10000x128xf32, #tpu.memory_space<hbm>>, %arg6: memref<2x16x128xi32, #tpu.memory_space<vmem>>, %arg7: memref<2x16x128xi32, #tpu.memory_space<vmem>>, %arg8: memref<128x128xf32, #tpu.memory_space<vmem>>, %arg9: memref<128x128xf32, #tpu.memory_space<vmem>>, %arg10: memref<10000x128xf32, #tpu.memory_space<vmem_shared>>, %arg11: memref<!tpu.dma_semaphore, #tpu.memory_space<semaphore_mem>>, %arg12: memref<!tpu.dma_semaphore, #tpu.memory_space<semaphore_mem>>, %arg13: memref<!tpu.dma_semaphore, #tpu.memory_space<semaphore_mem>>, %arg14: memref<!tpu.dma_semaphore, #tpu.memory_space<semaphore_mem>>) attributes {dimension_semantics = [#tpu.dimension_semantics<core_parallel>, #tpu.dimension_semantics<subcore_parallel>], iteration_bounds = array<i64: 2, 16>, scalar_prefetch = 0 : i64, scratch_operands = 9 : i64, tpu.core_type = #tpu.core_type<sc_vector_subcore>, window_params = [{transform_indices = #map}, {transform_indices = #map}, {transform_indices = #map}, {transform_indices = #map1}]} {
    %mul3A = arith.constant 16 : i32
    %mul3A_0 = arith.muli %arg0, %mul3A : i32
    %add3A = arith.addi %mul3A_0, %arg1 : i32
    %mul3A_1 = arith.constant 2500 : i32
    %mul3A_2 = arith.muli %add3A, %mul3A_1 : i32
    %jit3A = arith.constant 32 : i32
    %div3A = arith.divsi %mul3A_2, %jit3A : i32
    %sign3A = arith.constant 0 : i32
    %sign3A_3 = arith.cmpi sgt, %mul3A_2, %sign3A : i32
    %sign3A_4 = arith.extui %sign3A_3 : i1 to i32
    %sign3A_5 = arith.constant 0 : i32
    %sign3A_6 = arith.cmpi slt, %mul3A_2, %sign3A_5 : i32
    %sign3A_7 = arith.extui %sign3A_6 : i1 to i32
    %sign3A_8 = arith.subi %sign3A_4, %sign3A_7 : i32
    %sign3A_9 = arith.constant 0 : i32
    %sign3A_10 = arith.cmpi sgt, %jit3A, %sign3A_9 : i32
    %sign3A_11 = arith.extui %sign3A_10 : i1 to i32
    %sign3A_12 = arith.constant 0 : i32
    %sign3A_13 = arith.cmpi slt, %jit3A, %sign3A_12 : i32
    %sign3A_14 = arith.extui %sign3A_13 : i1 to i32
    %sign3A_15 = arith.subi %sign3A_11, %sign3A_14 : i32
    %ne3A = arith.cmpi ne, %sign3A_8, %sign3A_15 : i32
    %rem3A = arith.remsi %mul3A_2, %jit3A : i32
    %ne3A_16 = arith.constant 0 : i32
    %ne3A_17 = arith.cmpi ne, %rem3A, %ne3A_16 : i32
    %and3A = arith.andi %ne3A, %ne3A_17 : i1
    %sub3A = arith.constant 1 : i32
    %sub3A_18 = arith.subi %div3A, %sub3A : i32
    %select_n3A = arith.select %and3A, %sub3A_18, %div3A : i32
    %add3A_19 = arith.constant 1 : i32
    %add3A_20 = arith.addi %add3A, %add3A_19 : i32
    %mul3A_21 = arith.constant 2500 : i32
    %mul3A_22 = arith.muli %add3A_20, %mul3A_21 : i32
    %jit3A_23 = arith.constant 32 : i32
    %div3A_24 = arith.divsi %mul3A_22, %jit3A_23 : i32
    %sign3A_25 = arith.constant 0 : i32
    %sign3A_26 = arith.cmpi sgt, %mul3A_22, %sign3A_25 : i32
    %sign3A_27 = arith.extui %sign3A_26 : i1 to i32
    %sign3A_28 = arith.constant 0 : i32
    %sign3A_29 = arith.cmpi slt, %mul3A_22, %sign3A_28 : i32
    %sign3A_30 = arith.extui %sign3A_29 : i1 to i32
    %sign3A_31 = arith.subi %sign3A_27, %sign3A_30 : i32
    %sign3A_32 = arith.constant 0 : i32
    %sign3A_33 = arith.cmpi sgt, %jit3A_23, %sign3A_32 : i32
    %sign3A_34 = arith.extui %sign3A_33 : i1 to i32
    %sign3A_35 = arith.constant 0 : i32
    %sign3A_36 = arith.cmpi slt, %jit3A_23, %sign3A_35 : i32
    %sign3A_37 = arith.extui %sign3A_36 : i1 to i32
    %sign3A_38 = arith.subi %sign3A_34, %sign3A_37 : i32
    %ne3A_39 = arith.cmpi ne, %sign3A_31, %sign3A_38 : i32
    %rem3A_40 = arith.remsi %mul3A_22, %jit3A_23 : i32
    %ne3A_41 = arith.constant 0 : i32
    %ne3A_42 = arith.cmpi ne, %rem3A_40, %ne3A_41 : i32
    %and3A_43 = arith.andi %ne3A_39, %ne3A_42 : i1
    %sub3A_44 = arith.constant 1 : i32
    %sub3A_45 = arith.subi %div3A_24, %sub3A_44 : i32
    %select_n3A_46 = arith.select %and3A_43, %sub3A_45, %div3A_24 : i32
    %sub3A_47 = arith.subi %select_n3A_46, %select_n3A : i32
    %run_scoped3A = arith.constant 0 : i32
    "tpu.region"() ({
      %run_scoped3A_127 = tpu.sem_alloc : memref<!tpu.dma_semaphore, #tpu.memory_space<semaphore_mem>>
      %dma_start3A_128 = arith.constant 0 : i32
      %dma_start3A_129 = arith.constant 0 : i32
      %dma_start3A_130 = tpu.memref_slice %arg6[%run_scoped3A, %dma_start3A_128, %dma_start3A_129] : memref<2x16x128xi32, #tpu.memory_space<vmem>> -> memref<1x16x128xi32, #tpu.memory_space<vmem>>
      %dma_start3A_131 = tpu.memref_squeeze %dma_start3A_130 : memref<1x16x128xi32, #tpu.memory_space<vmem>> -> memref<16x128xi32, #tpu.memory_space<vmem>>
      %dma_start3A_132 = arith.constant 0 : i32
      %dma_start3A_133 = tpu.memref_slice %arg3[%select_n3A, %dma_start3A_132] : memref<2517x128xi32, #tpu.memory_space<hbm>> -> memref<16x128xi32, #tpu.memory_space<hbm>>
      %dma_start3A_134 = arith.constant 0 : i32
      %dma_start3A_135 = arith.constant 0 : i32
      %dma_start3A_136 = tpu.memref_slice %arg6[%run_scoped3A, %dma_start3A_134, %dma_start3A_135] : memref<2x16x128xi32, #tpu.memory_space<vmem>> -> memref<1x16x128xi32, #tpu.memory_space<vmem>>
      %dma_start3A_137 = tpu.memref_squeeze %dma_start3A_136 : memref<1x16x128xi32, #tpu.memory_space<vmem>> -> memref<16x128xi32, #tpu.memory_space<vmem>>
      %dma_start3A_138 = arith.constant 0 : i32
      %dma_start3A_139 = tpu.memref_slice %arg3[%select_n3A, %dma_start3A_138] : memref<2517x128xi32, #tpu.memory_space<hbm>> -> memref<16x128xi32, #tpu.memory_space<hbm>>
      tpu.enqueue_dma source(%dma_start3A_139 : memref<16x128xi32, #tpu.memory_space<hbm>>) target(%dma_start3A_137 : memref<16x128xi32, #tpu.memory_space<vmem>>) target_semaphore(%run_scoped3A_127 : memref<!tpu.dma_semaphore, #tpu.memory_space<semaphore_mem>>)
      %dma_wait3A_140 = arith.constant 0 : i32
      %dma_wait3A_141 = arith.constant 0 : i32
      %dma_wait3A_142 = tpu.memref_slice %arg6[%run_scoped3A, %dma_wait3A_140, %dma_wait3A_141] : memref<2x16x128xi32, #tpu.memory_space<vmem>> -> memref<1x16x128xi32, #tpu.memory_space<vmem>>
      %dma_wait3A_143 = tpu.memref_squeeze %dma_wait3A_142 : memref<1x16x128xi32, #tpu.memory_space<vmem>> -> memref<16x128xi32, #tpu.memory_space<vmem>>
      %dma_wait3A_144 = arith.constant 0 : i32
      %dma_wait3A_145 = tpu.memref_slice %arg3[%select_n3A, %dma_wait3A_144] : memref<2517x128xi32, #tpu.memory_space<hbm>> -> memref<16x128xi32, #tpu.memory_space<hbm>>
      %dma_wait3A_146 = arith.constant 0 : i32
      %dma_wait3A_147 = arith.constant 0 : i32
      %dma_wait3A_148 = tpu.memref_slice %arg6[%run_scoped3A, %dma_wait3A_146, %dma_wait3A_147] : memref<2x16x128xi32, #tpu.memory_space<vmem>> -> memref<1x16x128xi32, #tpu.memory_space<vmem>>
      %dma_wait3A_149 = tpu.memref_squeeze %dma_wait3A_148 : memref<1x16x128xi32, #tpu.memory_space<vmem>> -> memref<16x128xi32, #tpu.memory_space<vmem>>
      %dma_wait3A_150 = arith.constant 0 : i32
      %dma_wait3A_151 = tpu.memref_slice %arg3[%select_n3A, %dma_wait3A_150] : memref<2517x128xi32, #tpu.memory_space<hbm>> -> memref<16x128xi32, #tpu.memory_space<hbm>>
      tpu.wait_dma2 semaphore(%run_scoped3A_127 : memref<!tpu.dma_semaphore, #tpu.memory_space<semaphore_mem>>) src(%dma_wait3A_151 : memref<16x128xi32, #tpu.memory_space<hbm>>) dst(%dma_wait3A_149 : memref<16x128xi32, #tpu.memory_space<vmem>>)
      tpu.yield
    }) : () -> ()
    %run_scoped3A_48 = arith.constant 0 : i32
    "tpu.region"() ({
      %run_scoped3A_127 = tpu.sem_alloc : memref<!tpu.dma_semaphore, #tpu.memory_space<semaphore_mem>>
      %dma_start3A_128 = arith.constant 0 : i32
      %dma_start3A_129 = arith.constant 0 : i32
      %dma_start3A_130 = tpu.memref_slice %arg7[%run_scoped3A_48, %dma_start3A_128, %dma_start3A_129] : memref<2x16x128xi32, #tpu.memory_space<vmem>> -> memref<1x16x128xi32, #tpu.memory_space<vmem>>
      %dma_start3A_131 = tpu.memref_squeeze %dma_start3A_130 : memref<1x16x128xi32, #tpu.memory_space<vmem>> -> memref<16x128xi32, #tpu.memory_space<vmem>>
      %dma_start3A_132 = arith.constant 0 : i32
      %dma_start3A_133 = tpu.memref_slice %arg4[%select_n3A, %dma_start3A_132] : memref<2517x128xi32, #tpu.memory_space<hbm>> -> memref<16x128xi32, #tpu.memory_space<hbm>>
      %dma_start3A_134 = arith.constant 0 : i32
      %dma_start3A_135 = arith.constant 0 : i32
      %dma_start3A_136 = tpu.memref_slice %arg7[%run_scoped3A_48, %dma_start3A_134, %dma_start3A_135] : memref<2x16x128xi32, #tpu.memory_space<vmem>> -> memref<1x16x128xi32, #tpu.memory_space<vmem>>
      %dma_start3A_137 = tpu.memref_squeeze %dma_start3A_136 : memref<1x16x128xi32, #tpu.memory_space<vmem>> -> memref<16x128xi32, #tpu.memory_space<vmem>>
      %dma_start3A_138 = arith.constant 0 : i32
      %dma_start3A_139 = tpu.memref_slice %arg4[%select_n3A, %dma_start3A_138] : memref<2517x128xi32, #tpu.memory_space<hbm>> -> memref<16x128xi32, #tpu.memory_space<hbm>>
      tpu.enqueue_dma source(%dma_start3A_139 : memref<16x128xi32, #tpu.memory_space<hbm>>) target(%dma_start3A_137 : memref<16x128xi32, #tpu.memory_space<vmem>>) target_semaphore(%run_scoped3A_127 : memref<!tpu.dma_semaphore, #tpu.memory_space<semaphore_mem>>)
      %dma_wait3A_140 = arith.constant 0 : i32
      %dma_wait3A_141 = arith.constant 0 : i32
      %dma_wait3A_142 = tpu.memref_slice %arg7[%run_scoped3A_48, %dma_wait3A_140, %dma_wait3A_141] : memref<2x16x128xi32, #tpu.memory_space<vmem>> -> memref<1x16x128xi32, #tpu.memory_space<vmem>>
      %dma_wait3A_143 = tpu.memref_squeeze %dma_wait3A_142 : memref<1x16x128xi32, #tpu.memory_space<vmem>> -> memref<16x128xi32, #tpu.memory_space<vmem>>
      %dma_wait3A_144 = arith.constant 0 : i32
      %dma_wait3A_145 = tpu.memref_slice %arg4[%select_n3A, %dma_wait3A_144] : memref<2517x128xi32, #tpu.memory_space<hbm>> -> memref<16x128xi32, #tpu.memory_space<hbm>>
      %dma_wait3A_146 = arith.constant 0 : i32
      %dma_wait3A_147 = arith.constant 0 : i32
      %dma_wait3A_148 = tpu.memref_slice %arg7[%run_scoped3A_48, %dma_wait3A_146, %dma_wait3A_147] : memref<2x16x128xi32, #tpu.memory_space<vmem>> -> memref<1x16x128xi32, #tpu.memory_space<vmem>>
      %dma_wait3A_149 = tpu.memref_squeeze %dma_wait3A_148 : memref<1x16x128xi32, #tpu.memory_space<vmem>> -> memref<16x128xi32, #tpu.memory_space<vmem>>
      %dma_wait3A_150 = arith.constant 0 : i32
      %dma_wait3A_151 = tpu.memref_slice %arg4[%select_n3A, %dma_wait3A_150] : memref<2517x128xi32, #tpu.memory_space<hbm>> -> memref<16x128xi32, #tpu.memory_space<hbm>>
      tpu.wait_dma2 semaphore(%run_scoped3A_127 : memref<!tpu.dma_semaphore, #tpu.memory_space<semaphore_mem>>) src(%dma_wait3A_151 : memref<16x128xi32, #tpu.memory_space<hbm>>) dst(%dma_wait3A_149 : memref<16x128xi32, #tpu.memory_space<vmem>>)
      tpu.yield
    }) : () -> ()
    %dma_start3A = arith.constant 0 : i32
    %dma_start3A_49 = arith.constant 0 : i32
    %dma_start3A_50 = arith.constant 0 : i32
    %dma_start3A_51 = tpu.memref_slice %arg6[%dma_start3A, %dma_start3A_49, %dma_start3A_50] : memref<2x16x128xi32, #tpu.memory_space<vmem>> -> memref<1x1x128xi32, #tpu.memory_space<vmem>>
    %dma_start3A_52 = tpu.memref_squeeze %dma_start3A_51 : memref<1x1x128xi32, #tpu.memory_space<vmem>> -> memref<128xi32, #tpu.memory_space<vmem>>
    %dma_start3A_53 = arith.constant 0 : i32
    %dma_start3A_54 = arith.constant 0 : i32
    %dma_start3A_55 = tpu.memref_slice %arg2[%dma_start3A_53, %dma_start3A_54] : memref<10000x128xf32, #tpu.memory_space<hbm>> -> memref<10000x128xf32, #tpu.memory_space<hbm>>
    tpu.enqueue_indirect_dma source(%dma_start3A_55 : memref<10000x128xf32, #tpu.memory_space<hbm>>) target(%arg8 : memref<128x128xf32, #tpu.memory_space<vmem>>) offsets(%dma_start3A_52 : memref<128xi32, #tpu.memory_space<vmem>>) semaphore(%arg11 : memref<!tpu.dma_semaphore, #tpu.memory_space<semaphore_mem>>)
    %broadcast_in_dim3A = arith.constant 0.000000e+00 : f32
    %broadcast_in_dim3A_56 = vector.broadcast %broadcast_in_dim3A : f32 to vector<16xf32>
    %scan3A = arith.constant 0 : i32
    %scan3A_57 = arith.constant 0 : i32
    %scan3A_58 = arith.constant 125 : i32
    %scan3A_59 = arith.addi %scan3A_57, %scan3A_58 : i32
    %scan3A_60 = arith.constant 1 : i32
    scf.for %scan3A_127 = %scan3A_57 to %scan3A_59 step %scan3A_60  : i32 {
      %swap3A = arith.index_cast %scan3A_127 : i32 to index
      %swap3A_128 = arith.constant 0 : index
      %swap3A_129 = tpu.vector_load %arg9[%swap3A, %swap3A_128] {strides = array<i32>} : memref<128x128xf32, #tpu.memory_space<vmem>>, vector<1x16xf32>,
      %swap3A_130 = vector.shape_cast %swap3A_129 : vector<1x16xf32> to vector<16xf32>
      %swap3A_131 = vector.shape_cast %broadcast_in_dim3A_56 : vector<16xf32> to vector<1x16xf32>
      tpu.vector_store %arg9[%swap3A, %swap3A_128], %swap3A_131 {strides = array<i32>} : memref<128x128xf32, #tpu.memory_space<vmem>>, vector<1x16xf32>,
      %swap3A_132 = arith.index_cast %scan3A_127 : i32 to index
      %swap3A_133 = arith.constant 16 : index
      %swap3A_134 = tpu.vector_load %arg9[%swap3A_132, %swap3A_133] {strides = array<i32>} : memref<128x128xf32, #tpu.memory_space<vmem>>, vector<1x16xf32>,
      %swap3A_135 = vector.shape_cast %swap3A_134 : vector<1x16xf32> to vector<16xf32>
      %swap3A_136 = vector.shape_cast %broadcast_in_dim3A_56 : vector<16xf32> to vector<1x16xf32>
      tpu.vector_store %arg9[%swap3A_132, %swap3A_133], %swap3A_136 {strides = array<i32>} : memref<128x128xf32, #tpu.memory_space<vmem>>, vector<1x16xf32>,
      %swap3A_137 = arith.index_cast %scan3A_127 : i32 to index
      %swap3A_138 = arith.constant 32 : index
      %swap3A_139 = tpu.vector_load %arg9[%swap3A_137, %swap3A_138] {strides = array<i32>} : memref<128x128xf32, #tpu.memory_space<vmem>>, vector<1x16xf32>,
      %swap3A_140 = vector.shape_cast %swap3A_139 : vector<1x16xf32> to vector<16xf32>
      %swap3A_141 = vector.shape_cast %broadcast_in_dim3A_56 : vector<16xf32> to vector<1x16xf32>
      tpu.vector_store %arg9[%swap3A_137, %swap3A_138], %swap3A_141 {strides = array<i32>} : memref<128x128xf32, #tpu.memory_space<vmem>>, vector<1x16xf32>,
      %swap3A_142 = arith.index_cast %scan3A_127 : i32 to index
      %swap3A_143 = arith.constant 48 : index
      %swap3A_144 = tpu.vector_load %arg9[%swap3A_142, %swap3A_143] {strides = array<i32>} : memref<128x128xf32, #tpu.memory_space<vmem>>, vector<1x16xf32>,
      %swap3A_145 = vector.shape_cast %swap3A_144 : vector<1x16xf32> to vector<16xf32>
      %swap3A_146 = vector.shape_cast %broadcast_in_dim3A_56 : vector<16xf32> to vector<1x16xf32>
      tpu.vector_store %arg9[%swap3A_142, %swap3A_143], %swap3A_146 {strides = array<i32>} : memref<128x128xf32, #tpu.memory_space<vmem>>, vector<1x16xf32>,
      %swap3A_147 = arith.index_cast %scan3A_127 : i32 to index
      %swap3A_148 = arith.constant 64 : index
      %swap3A_149 = tpu.vector_load %arg9[%swap3A_147, %swap3A_148] {strides = array<i32>} : memref<128x128xf32, #tpu.memory_space<vmem>>, vector<1x16xf32>,
      %swap3A_150 = vector.shape_cast %swap3A_149 : vector<1x16xf32> to vector<16xf32>
      %swap3A_151 = vector.shape_cast %broadcast_in_dim3A_56 : vector<16xf32> to vector<1x16xf32>
      tpu.vector_store %arg9[%swap3A_147, %swap3A_148], %swap3A_151 {strides = array<i32>} : memref<128x128xf32, #tpu.memory_space<vmem>>, vector<1x16xf32>,
      %swap3A_152 = arith.index_cast %scan3A_127 : i32 to index
      %swap3A_153 = arith.constant 80 : index
      %swap3A_154 = tpu.vector_load %arg9[%swap3A_152, %swap3A_153] {strides = array<i32>} : memref<128x128xf32, #tpu.memory_space<vmem>>, vector<1x16xf32>,
      %swap3A_155 = vector.shape_cast %swap3A_154 : vector<1x16xf32> to vector<16xf32>
      %swap3A_156 = vector.shape_cast %broadcast_in_dim3A_56 : vector<16xf32> to vector<1x16xf32>
      tpu.vector_store %arg9[%swap3A_152, %swap3A_153], %swap3A_156 {strides = array<i32>} : memref<128x128xf32, #tpu.memory_space<vmem>>, vector<1x16xf32>,
      %swap3A_157 = arith.index_cast %scan3A_127 : i32 to index
      %swap3A_158 = arith.constant 96 : index
      %swap3A_159 = tpu.vector_load %arg9[%swap3A_157, %swap3A_158] {strides = array<i32>} : memref<128x128xf32, #tpu.memory_space<vmem>>, vector<1x16xf32>,
      %swap3A_160 = vector.shape_cast %swap3A_159 : vector<1x16xf32> to vector<16xf32>
      %swap3A_161 = vector.shape_cast %broadcast_in_dim3A_56 : vector<16xf32> to vector<1x16xf32>
      tpu.vector_store %arg9[%swap3A_157, %swap3A_158], %swap3A_161 {strides = array<i32>} : memref<128x128xf32, #tpu.memory_space<vmem>>, vector<1x16xf32>,
      %swap3A_162 = arith.index_cast %scan3A_127 : i32 to index
      %swap3A_163 = arith.constant 112 : index
      %swap3A_164 = tpu.vector_load %arg9[%swap3A_162, %swap3A_163] {strides = array<i32>} : memref<128x128xf32, #tpu.memory_space<vmem>>, vector<1x16xf32>,
      %swap3A_165 = vector.shape_cast %swap3A_164 : vector<1x16xf32> to vector<16xf32>
      %swap3A_166 = vector.shape_cast %broadcast_in_dim3A_56 : vector<16xf32> to vector<1x16xf32>
      tpu.vector_store %arg9[%swap3A_162, %swap3A_163], %swap3A_166 {strides = array<i32>} : memref<128x128xf32, #tpu.memory_space<vmem>>, vector<1x16xf32>,
    }
    %scan3A_61 = arith.constant 125 : i32
    %mul3A_62 = arith.constant 625 : i32
    %mul3A_63 = arith.muli %arg1, %mul3A_62 : i32
    %add3A_64 = arith.constant 0 : i32
    %add3A_65 = arith.addi %mul3A_63, %add3A_64 : i32
    "tpu.region"() ({
      %run_scoped3A_127 = tpu.sem_alloc : memref<!tpu.dma_semaphore, #tpu.memory_space<semaphore_mem>>
      %dma_start3A_128 = arith.constant 0 : i32
      %dma_start3A_129 = arith.constant 0 : i32
      %dma_start3A_130 = tpu.memref_slice %arg9[%dma_start3A_128, %dma_start3A_129] : memref<128x128xf32, #tpu.memory_space<vmem>> -> memref<125x128xf32, #tpu.memory_space<vmem>>
      %dma_start3A_131 = arith.constant 0 : i32
      %dma_start3A_132 = tpu.memref_slice %arg10[%add3A_65, %dma_start3A_131] : memref<10000x128xf32, #tpu.memory_space<vmem_shared>> -> memref<125x128xf32, #tpu.memory_space<vmem_shared>>
      %dma_start3A_133 = arith.constant 0 : i32
      %dma_start3A_134 = tpu.memref_slice %arg10[%add3A_65, %dma_start3A_133] : memref<10000x128xf32, #tpu.memory_space<vmem_shared>> -> memref<125x128xf32, #tpu.memory_space<vmem_shared>>
      %dma_start3A_135 = arith.constant 0 : i32
      %dma_start3A_136 = arith.constant 0 : i32
      %dma_start3A_137 = tpu.memref_slice %arg9[%dma_start3A_135, %dma_start3A_136] : memref<128x128xf32, #tpu.memory_space<vmem>> -> memref<125x128xf32, #tpu.memory_space<vmem>>
      tpu.enqueue_dma source(%dma_start3A_137 : memref<125x128xf32, #tpu.memory_space<vmem>>) target(%dma_start3A_134 : memref<125x128xf32, #tpu.memory_space<vmem_shared>>) target_semaphore(%run_scoped3A_127 : memref<!tpu.dma_semaphore, #tpu.memory_space<semaphore_mem>>)
      %dma_wait3A_138 = arith.constant 0 : i32
      %dma_wait3A_139 = arith.constant 0 : i32
      %dma_wait3A_140 = tpu.memref_slice %arg9[%dma_wait3A_138, %dma_wait3A_139] : memref<128x128xf32, #tpu.memory_space<vmem>> -> memref<125x128xf32, #tpu.memory_space<vmem>>
      %dma_wait3A_141 = arith.constant 0 : i32
      %dma_wait3A_142 = tpu.memref_slice %arg10[%add3A_65, %dma_wait3A_141] : memref<10000x128xf32, #tpu.memory_space<vmem_shared>> -> memref<125x128xf32, #tpu.memory_space<vmem_shared>>
      %dma_wait3A_143 = arith.constant 0 : i32
      %dma_wait3A_144 = tpu.memref_slice %arg10[%add3A_65, %dma_wait3A_143] : memref<10000x128xf32, #tpu.memory_space<vmem_shared>> -> memref<125x128xf32, #tpu.memory_space<vmem_shared>>
      %dma_wait3A_145 = arith.constant 0 : i32
      %dma_wait3A_146 = arith.constant 0 : i32
      %dma_wait3A_147 = tpu.memref_slice %arg9[%dma_wait3A_145, %dma_wait3A_146] : memref<128x128xf32, #tpu.memory_space<vmem>> -> memref<125x128xf32, #tpu.memory_space<vmem>>
      tpu.wait_dma2 semaphore(%run_scoped3A_127 : memref<!tpu.dma_semaphore, #tpu.memory_space<semaphore_mem>>) src(%dma_wait3A_147 : memref<125x128xf32, #tpu.memory_space<vmem>>) dst(%dma_wait3A_144 : memref<125x128xf32, #tpu.memory_space<vmem_shared>>)
      tpu.yield
    }) : () -> ()
    %mul3A_66 = arith.constant 625 : i32
    %mul3A_67 = arith.muli %arg1, %mul3A_66 : i32
    %add3A_68 = arith.constant 125 : i32
    %add3A_69 = arith.addi %mul3A_67, %add3A_68 : i32
    "tpu.region"() ({
      %run_scoped3A_127 = tpu.sem_alloc : memref<!tpu.dma_semaphore, #tpu.memory_space<semaphore_mem>>
      %dma_start3A_128 = arith.constant 0 : i32
      %dma_start3A_129 = arith.constant 0 : i32
      %dma_start3A_130 = tpu.memref_slice %arg9[%dma_start3A_128, %dma_start3A_129] : memref<128x128xf32, #tpu.memory_space<vmem>> -> memref<125x128xf32, #tpu.memory_space<vmem>>
      %dma_start3A_131 = arith.constant 0 : i32
      %dma_start3A_132 = tpu.memref_slice %arg10[%add3A_69, %dma_start3A_131] : memref<10000x128xf32, #tpu.memory_space<vmem_shared>> -> memref<125x128xf32, #tpu.memory_space<vmem_shared>>
      %dma_start3A_133 = arith.constant 0 : i32
      %dma_start3A_134 = tpu.memref_slice %arg10[%add3A_69, %dma_start3A_133] : memref<10000x128xf32, #tpu.memory_space<vmem_shared>> -> memref<125x128xf32, #tpu.memory_space<vmem_shared>>
      %dma_start3A_135 = arith.constant 0 : i32
      %dma_start3A_136 = arith.constant 0 : i32
      %dma_start3A_137 = tpu.memref_slice %arg9[%dma_start3A_135, %dma_start3A_136] : memref<128x128xf32, #tpu.memory_space<vmem>> -> memref<125x128xf32, #tpu.memory_space<vmem>>
      tpu.enqueue_dma source(%dma_start3A_137 : memref<125x128xf32, #tpu.memory_space<vmem>>) target(%dma_start3A_134 : memref<125x128xf32, #tpu.memory_space<vmem_shared>>) target_semaphore(%run_scoped3A_127 : memref<!tpu.dma_semaphore, #tpu.memory_space<semaphore_mem>>)
      %dma_wait3A_138 = arith.constant 0 : i32
      %dma_wait3A_139 = arith.constant 0 : i32
      %dma_wait3A_140 = tpu.memref_slice %arg9[%dma_wait3A_138, %dma_wait3A_139] : memref<128x128xf32, #tpu.memory_space<vmem>> -> memref<125x128xf32, #tpu.memory_space<vmem>>
      %dma_wait3A_141 = arith.constant 0 : i32
      %dma_wait3A_142 = tpu.memref_slice %arg10[%add3A_69, %dma_wait3A_141] : memref<10000x128xf32, #tpu.memory_space<vmem_shared>> -> memref<125x128xf32, #tpu.memory_space<vmem_shared>>
      %dma_wait3A_143 = arith.constant 0 : i32
      %dma_wait3A_144 = tpu.memref_slice %arg10[%add3A_69, %dma_wait3A_143] : memref<10000x128xf32, #tpu.memory_space<vmem_shared>> -> memref<125x128xf32, #tpu.memory_space<vmem_shared>>
      %dma_wait3A_145 = arith.constant 0 : i32
      %dma_wait3A_146 = arith.constant 0 : i32
      %dma_wait3A_147 = tpu.memref_slice %arg9[%dma_wait3A_145, %dma_wait3A_146] : memref<128x128xf32, #tpu.memory_space<vmem>> -> memref<125x128xf32, #tpu.memory_space<vmem>>
      tpu.wait_dma2 semaphore(%run_scoped3A_127 : memref<!tpu.dma_semaphore, #tpu.memory_space<semaphore_mem>>) src(%dma_wait3A_147 : memref<125x128xf32, #tpu.memory_space<vmem>>) dst(%dma_wait3A_144 : memref<125x128xf32, #tpu.memory_space<vmem_shared>>)
      tpu.yield
    }) : () -> ()
    %mul3A_70 = arith.constant 625 : i32
    %mul3A_71 = arith.muli %arg1, %mul3A_70 : i32
    %add3A_72 = arith.constant 250 : i32
    %add3A_73 = arith.addi %mul3A_71, %add3A_72 : i32
    "tpu.region"() ({
      %run_scoped3A_127 = tpu.sem_alloc : memref<!tpu.dma_semaphore, #tpu.memory_space<semaphore_mem>>
      %dma_start3A_128 = arith.constant 0 : i32
      %dma_start3A_129 = arith.constant 0 : i32
      %dma_start3A_130 = tpu.memref_slice %arg9[%dma_start3A_128, %dma_start3A_129] : memref<128x128xf32, #tpu.memory_space<vmem>> -> memref<125x128xf32, #tpu.memory_space<vmem>>
      %dma_start3A_131 = arith.constant 0 : i32
      %dma_start3A_132 = tpu.memref_slice %arg10[%add3A_73, %dma_start3A_131] : memref<10000x128xf32, #tpu.memory_space<vmem_shared>> -> memref<125x128xf32, #tpu.memory_space<vmem_shared>>
      %dma_start3A_133 = arith.constant 0 : i32
      %dma_start3A_134 = tpu.memref_slice %arg10[%add3A_73, %dma_start3A_133] : memref<10000x128xf32, #tpu.memory_space<vmem_shared>> -> memref<125x128xf32, #tpu.memory_space<vmem_shared>>
      %dma_start3A_135 = arith.constant 0 : i32
      %dma_start3A_136 = arith.constant 0 : i32
      %dma_start3A_137 = tpu.memref_slice %arg9[%dma_start3A_135, %dma_start3A_136] : memref<128x128xf32, #tpu.memory_space<vmem>> -> memref<125x128xf32, #tpu.memory_space<vmem>>
      tpu.enqueue_dma source(%dma_start3A_137 : memref<125x128xf32, #tpu.memory_space<vmem>>) target(%dma_start3A_134 : memref<125x128xf32, #tpu.memory_space<vmem_shared>>) target_semaphore(%run_scoped3A_127 : memref<!tpu.dma_semaphore, #tpu.memory_space<semaphore_mem>>)
      %dma_wait3A_138 = arith.constant 0 : i32
      %dma_wait3A_139 = arith.constant 0 : i32
      %dma_wait3A_140 = tpu.memref_slice %arg9[%dma_wait3A_138, %dma_wait3A_139] : memref<128x128xf32, #tpu.memory_space<vmem>> -> memref<125x128xf32, #tpu.memory_space<vmem>>
      %dma_wait3A_141 = arith.constant 0 : i32
      %dma_wait3A_142 = tpu.memref_slice %arg10[%add3A_73, %dma_wait3A_141] : memref<10000x128xf32, #tpu.memory_space<vmem_shared>> -> memref<125x128xf32, #tpu.memory_space<vmem_shared>>
      %dma_wait3A_143 = arith.constant 0 : i32
      %dma_wait3A_144 = tpu.memref_slice %arg10[%add3A_73, %dma_wait3A_143] : memref<10000x128xf32, #tpu.memory_space<vmem_shared>> -> memref<125x128xf32, #tpu.memory_space<vmem_shared>>
      %dma_wait3A_145 = arith.constant 0 : i32
      %dma_wait3A_146 = arith.constant 0 : i32
      %dma_wait3A_147 = tpu.memref_slice %arg9[%dma_wait3A_145, %dma_wait3A_146] : memref<128x128xf32, #tpu.memory_space<vmem>> -> memref<125x128xf32, #tpu.memory_space<vmem>>
      tpu.wait_dma2 semaphore(%run_scoped3A_127 : memref<!tpu.dma_semaphore, #tpu.memory_space<semaphore_mem>>) src(%dma_wait3A_147 : memref<125x128xf32, #tpu.memory_space<vmem>>) dst(%dma_wait3A_144 : memref<125x128xf32, #tpu.memory_space<vmem_shared>>)
      tpu.yield
    }) : () -> ()
    %mul3A_74 = arith.constant 625 : i32
    %mul3A_75 = arith.muli %arg1, %mul3A_74 : i32
    %add3A_76 = arith.constant 375 : i32
    %add3A_77 = arith.addi %mul3A_75, %add3A_76 : i32
    "tpu.region"() ({
      %run_scoped3A_127 = tpu.sem_alloc : memref<!tpu.dma_semaphore, #tpu.memory_space<semaphore_mem>>
      %dma_start3A_128 = arith.constant 0 : i32
      %dma_start3A_129 = arith.constant 0 : i32
      %dma_start3A_130 = tpu.memref_slice %arg9[%dma_start3A_128, %dma_start3A_129] : memref<128x128xf32, #tpu.memory_space<vmem>> -> memref<125x128xf32, #tpu.memory_space<vmem>>
      %dma_start3A_131 = arith.constant 0 : i32
      %dma_start3A_132 = tpu.memref_slice %arg10[%add3A_77, %dma_start3A_131] : memref<10000x128xf32, #tpu.memory_space<vmem_shared>> -> memref<125x128xf32, #tpu.memory_space<vmem_shared>>
      %dma_start3A_133 = arith.constant 0 : i32
      %dma_start3A_134 = tpu.memref_slice %arg10[%add3A_77, %dma_start3A_133] : memref<10000x128xf32, #tpu.memory_space<vmem_shared>> -> memref<125x128xf32, #tpu.memory_space<vmem_shared>>
      %dma_start3A_135 = arith.constant 0 : i32
      %dma_start3A_136 = arith.constant 0 : i32
      %dma_start3A_137 = tpu.memref_slice %arg9[%dma_start3A_135, %dma_start3A_136] : memref<128x128xf32, #tpu.memory_space<vmem>> -> memref<125x128xf32, #tpu.memory_space<vmem>>
      tpu.enqueue_dma source(%dma_start3A_137 : memref<125x128xf32, #tpu.memory_space<vmem>>) target(%dma_start3A_134 : memref<125x128xf32, #tpu.memory_space<vmem_shared>>) target_semaphore(%run_scoped3A_127 : memref<!tpu.dma_semaphore, #tpu.memory_space<semaphore_mem>>)
      %dma_wait3A_138 = arith.constant 0 : i32
      %dma_wait3A_139 = arith.constant 0 : i32
      %dma_wait3A_140 = tpu.memref_slice %arg9[%dma_wait3A_138, %dma_wait3A_139] : memref<128x128xf32, #tpu.memory_space<vmem>> -> memref<125x128xf32, #tpu.memory_space<vmem>>
      %dma_wait3A_141 = arith.constant 0 : i32
      %dma_wait3A_142 = tpu.memref_slice %arg10[%add3A_77, %dma_wait3A_141] : memref<10000x128xf32, #tpu.memory_space<vmem_shared>> -> memref<125x128xf32, #tpu.memory_space<vmem_shared>>
      %dma_wait3A_143 = arith.constant 0 : i32
      %dma_wait3A_144 = tpu.memref_slice %arg10[%add3A_77, %dma_wait3A_143] : memref<10000x128xf32, #tpu.memory_space<vmem_shared>> -> memref<125x128xf32, #tpu.memory_space<vmem_shared>>
      %dma_wait3A_145 = arith.constant 0 : i32
      %dma_wait3A_146 = arith.constant 0 : i32
      %dma_wait3A_147 = tpu.memref_slice %arg9[%dma_wait3A_145, %dma_wait3A_146] : memref<128x128xf32, #tpu.memory_space<vmem>> -> memref<125x128xf32, #tpu.memory_space<vmem>>
      tpu.wait_dma2 semaphore(%run_scoped3A_127 : memref<!tpu.dma_semaphore, #tpu.memory_space<semaphore_mem>>) src(%dma_wait3A_147 : memref<125x128xf32, #tpu.memory_space<vmem>>) dst(%dma_wait3A_144 : memref<125x128xf32, #tpu.memory_space<vmem_shared>>)
      tpu.yield
    }) : () -> ()
    %mul3A_78 = arith.constant 625 : i32
    %mul3A_79 = arith.muli %arg1, %mul3A_78 : i32
    %add3A_80 = arith.constant 500 : i32
    %add3A_81 = arith.addi %mul3A_79, %add3A_80 : i32
    "tpu.region"() ({
      %run_scoped3A_127 = tpu.sem_alloc : memref<!tpu.dma_semaphore, #tpu.memory_space<semaphore_mem>>
      %dma_start3A_128 = arith.constant 0 : i32
      %dma_start3A_129 = arith.constant 0 : i32
      %dma_start3A_130 = tpu.memref_slice %arg9[%dma_start3A_128, %dma_start3A_129] : memref<128x128xf32, #tpu.memory_space<vmem>> -> memref<125x128xf32, #tpu.memory_space<vmem>>
      %dma_start3A_131 = arith.constant 0 : i32
      %dma_start3A_132 = tpu.memref_slice %arg10[%add3A_81, %dma_start3A_131] : memref<10000x128xf32, #tpu.memory_space<vmem_shared>> -> memref<125x128xf32, #tpu.memory_space<vmem_shared>>
      %dma_start3A_133 = arith.constant 0 : i32
      %dma_start3A_134 = tpu.memref_slice %arg10[%add3A_81, %dma_start3A_133] : memref<10000x128xf32, #tpu.memory_space<vmem_shared>> -> memref<125x128xf32, #tpu.memory_space<vmem_shared>>
      %dma_start3A_135 = arith.constant 0 : i32
      %dma_start3A_136 = arith.constant 0 : i32
      %dma_start3A_137 = tpu.memref_slice %arg9[%dma_start3A_135, %dma_start3A_136] : memref<128x128xf32, #tpu.memory_space<vmem>> -> memref<125x128xf32, #tpu.memory_space<vmem>>
      tpu.enqueue_dma source(%dma_start3A_137 : memref<125x128xf32, #tpu.memory_space<vmem>>) target(%dma_start3A_134 : memref<125x128xf32, #tpu.memory_space<vmem_shared>>) target_semaphore(%run_scoped3A_127 : memref<!tpu.dma_semaphore, #tpu.memory_space<semaphore_mem>>)
      %dma_wait3A_138 = arith.constant 0 : i32
      %dma_wait3A_139 = arith.constant 0 : i32
      %dma_wait3A_140 = tpu.memref_slice %arg9[%dma_wait3A_138, %dma_wait3A_139] : memref<128x128xf32, #tpu.memory_space<vmem>> -> memref<125x128xf32, #tpu.memory_space<vmem>>
      %dma_wait3A_141 = arith.constant 0 : i32
      %dma_wait3A_142 = tpu.memref_slice %arg10[%add3A_81, %dma_wait3A_141] : memref<10000x128xf32, #tpu.memory_space<vmem_shared>> -> memref<125x128xf32, #tpu.memory_space<vmem_shared>>
      %dma_wait3A_143 = arith.constant 0 : i32
      %dma_wait3A_144 = tpu.memref_slice %arg10[%add3A_81, %dma_wait3A_143] : memref<10000x128xf32, #tpu.memory_space<vmem_shared>> -> memref<125x128xf32, #tpu.memory_space<vmem_shared>>
      %dma_wait3A_145 = arith.constant 0 : i32
      %dma_wait3A_146 = arith.constant 0 : i32
      %dma_wait3A_147 = tpu.memref_slice %arg9[%dma_wait3A_145, %dma_wait3A_146] : memref<128x128xf32, #tpu.memory_space<vmem>> -> memref<125x128xf32, #tpu.memory_space<vmem>>
      tpu.wait_dma2 semaphore(%run_scoped3A_127 : memref<!tpu.dma_semaphore, #tpu.memory_space<semaphore_mem>>) src(%dma_wait3A_147 : memref<125x128xf32, #tpu.memory_space<vmem>>) dst(%dma_wait3A_144 : memref<125x128xf32, #tpu.memory_space<vmem_shared>>)
      tpu.yield
    }) : () -> ()
    %barrier3A = arith.constant 0 : index
    tpu.barrier barrier_id(%barrier3A)
    %while3A = arith.constant 0 : i32
    %while3A_82 = arith.constant 0 : i32
    %while3A_83 = arith.subi %sub3A_47, %while3A_82 : i32
    %while3A_84 = arith.addi %while3A_82, %while3A_83 : i32
    %while3A_85 = arith.constant 1 : i32
    %while3A_86 = arith.divsi %while3A_83, %while3A_85 : i32
    %while3A_87 = arith.muli %while3A_86, %while3A_85 : i32
    %while3A_88 = arith.addi %while3A_82, %while3A_87 : i32
    %while3A_89 = arith.constant 1 : i32
    scf.for %while3A_127 = %while3A_82 to %while3A_88 step %while3A_89  : i32 {
      %jit3A_128 = arith.constant 16 : i32
      %div3A_129 = arith.divsi %while3A_127, %jit3A_128 : i32
      %sign3A_130 = arith.constant 0 : i32
      %sign3A_131 = arith.cmpi sgt, %while3A_127, %sign3A_130 : i32
      %sign3A_132 = arith.extui %sign3A_131 : i1 to i32
      %sign3A_133 = arith.constant 0 : i32
      %sign3A_134 = arith.cmpi slt, %while3A_127, %sign3A_133 : i32
      %sign3A_135 = arith.extui %sign3A_134 : i1 to i32
      %sign3A_136 = arith.subi %sign3A_132, %sign3A_135 : i32
      %sign3A_137 = arith.constant 0 : i32
      %sign3A_138 = arith.cmpi sgt, %jit3A_128, %sign3A_137 : i32
      %sign3A_139 = arith.extui %sign3A_138 : i1 to i32
      %sign3A_140 = arith.constant 0 : i32
      %sign3A_141 = arith.cmpi slt, %jit3A_128, %sign3A_140 : i32
      %sign3A_142 = arith.extui %sign3A_141 : i1 to i32
      %sign3A_143 = arith.subi %sign3A_139, %sign3A_142 : i32
      %ne3A_144 = arith.cmpi ne, %sign3A_136, %sign3A_143 : i32
      %rem3A_145 = arith.remsi %while3A_127, %jit3A_128 : i32
      %ne3A_146 = arith.constant 0 : i32
      %ne3A_147 = arith.cmpi ne, %rem3A_145, %ne3A_146 : i32
      %and3A_148 = arith.andi %ne3A_144, %ne3A_147 : i1
      %sub3A_149 = arith.constant 1 : i32
      %sub3A_150 = arith.subi %div3A_129, %sub3A_149 : i32
      %select_n3A_151 = arith.select %and3A_148, %sub3A_150, %div3A_129 : i32
      %rem3A_152 = arith.constant 2 : i32
      %rem3A_153 = arith.remsi %select_n3A_151, %rem3A_152 : i32
      %rem3A_154 = arith.constant 16 : i32
      %rem3A_155 = arith.remsi %while3A_127, %rem3A_154 : i32
      %eq3A = arith.constant 0 : i32
      %eq3A_156 = arith.cmpi eq, %rem3A_155, %eq3A : i32
      %convert_element_type3A = arith.extui %eq3A_156 : i1 to i32
      %cond3A = arith.constant 0 : i32
      %cond3A_157 = arith.cmpi ne, %convert_element_type3A, %cond3A : i32
      scf.if %cond3A_157 {
        %add3A_177 = arith.addi %select_n3A, %while3A_127 : i32
        %add3A_178 = arith.constant 16 : i32
        %add3A_179 = arith.addi %add3A_177, %add3A_178 : i32
        %sub3A_180 = arith.constant 1 : i32
        %sub3A_181 = arith.subi %sub3A_180, %rem3A_153 : i32
        "tpu.region"() ({
          %run_scoped3A_187 = tpu.sem_alloc : memref<!tpu.dma_semaphore, #tpu.memory_space<semaphore_mem>>
          %dma_start3A_188 = arith.constant 0 : i32
          %dma_start3A_189 = arith.constant 0 : i32
          %dma_start3A_190 = tpu.memref_slice %arg6[%sub3A_181, %dma_start3A_188, %dma_start3A_189] : memref<2x16x128xi32, #tpu.memory_space<vmem>> -> memref<1x16x128xi32, #tpu.memory_space<vmem>>
          %dma_start3A_191 = tpu.memref_squeeze %dma_start3A_190 : memref<1x16x128xi32, #tpu.memory_space<vmem>> -> memref<16x128xi32, #tpu.memory_space<vmem>>
          %dma_start3A_192 = arith.constant 0 : i32
          %dma_start3A_193 = tpu.memref_slice %arg3[%add3A_179, %dma_start3A_192] : memref<2517x128xi32, #tpu.memory_space<hbm>> -> memref<16x128xi32, #tpu.memory_space<hbm>>
          %dma_start3A_194 = arith.constant 0 : i32
          %dma_start3A_195 = arith.constant 0 : i32
          %dma_start3A_196 = tpu.memref_slice %arg6[%sub3A_181, %dma_start3A_194, %dma_start3A_195] : memref<2x16x128xi32, #tpu.memory_space<vmem>> -> memref<1x16x128xi32, #tpu.memory_space<vmem>>
          %dma_start3A_197 = tpu.memref_squeeze %dma_start3A_196 : memref<1x16x128xi32, #tpu.memory_space<vmem>> -> memref<16x128xi32, #tpu.memory_space<vmem>>
          %dma_start3A_198 = arith.constant 0 : i32
          %dma_start3A_199 = tpu.memref_slice %arg3[%add3A_179, %dma_start3A_198] : memref<2517x128xi32, #tpu.memory_space<hbm>> -> memref<16x128xi32, #tpu.memory_space<hbm>>
          tpu.enqueue_dma source(%dma_start3A_199 : memref<16x128xi32, #tpu.memory_space<hbm>>) target(%dma_start3A_197 : memref<16x128xi32, #tpu.memory_space<vmem>>) target_semaphore(%run_scoped3A_187 : memref<!tpu.dma_semaphore, #tpu.memory_space<semaphore_mem>>)
          %dma_wait3A_200 = arith.constant 0 : i32
          %dma_wait3A_201 = arith.constant 0 : i32
          %dma_wait3A_202 = tpu.memref_slice %arg6[%sub3A_181, %dma_wait3A_200, %dma_wait3A_201] : memref<2x16x128xi32, #tpu.memory_space<vmem>> -> memref<1x16x128xi32, #tpu.memory_space<vmem>>
          %dma_wait3A_203 = tpu.memref_squeeze %dma_wait3A_202 : memref<1x16x128xi32, #tpu.memory_space<vmem>> -> memref<16x128xi32, #tpu.memory_space<vmem>>
          %dma_wait3A_204 = arith.constant 0 : i32
          %dma_wait3A_205 = tpu.memref_slice %arg3[%add3A_179, %dma_wait3A_204] : memref<2517x128xi32, #tpu.memory_space<hbm>> -> memref<16x128xi32, #tpu.memory_space<hbm>>
          %dma_wait3A_206 = arith.constant 0 : i32
          %dma_wait3A_207 = arith.constant 0 : i32
          %dma_wait3A_208 = tpu.memref_slice %arg6[%sub3A_181, %dma_wait3A_206, %dma_wait3A_207] : memref<2x16x128xi32, #tpu.memory_space<vmem>> -> memref<1x16x128xi32, #tpu.memory_space<vmem>>
          %dma_wait3A_209 = tpu.memref_squeeze %dma_wait3A_208 : memref<1x16x128xi32, #tpu.memory_space<vmem>> -> memref<16x128xi32, #tpu.memory_space<vmem>>
          %dma_wait3A_210 = arith.constant 0 : i32
          %dma_wait3A_211 = tpu.memref_slice %arg3[%add3A_179, %dma_wait3A_210] : memref<2517x128xi32, #tpu.memory_space<hbm>> -> memref<16x128xi32, #tpu.memory_space<hbm>>
          tpu.wait_dma2 semaphore(%run_scoped3A_187 : memref<!tpu.dma_semaphore, #tpu.memory_space<semaphore_mem>>) src(%dma_wait3A_211 : memref<16x128xi32, #tpu.memory_space<hbm>>) dst(%dma_wait3A_209 : memref<16x128xi32, #tpu.memory_space<vmem>>)
          tpu.yield
        }) : () -> ()
        %add3A_182 = arith.addi %select_n3A, %while3A_127 : i32
        %add3A_183 = arith.constant 16 : i32
        %add3A_184 = arith.addi %add3A_182, %add3A_183 : i32
        %sub3A_185 = arith.constant 1 : i32
        %sub3A_186 = arith.subi %sub3A_185, %rem3A_153 : i32
        "tpu.region"() ({
          %run_scoped3A_187 = tpu.sem_alloc : memref<!tpu.dma_semaphore, #tpu.memory_space<semaphore_mem>>
          %dma_start3A_188 = arith.constant 0 : i32
          %dma_start3A_189 = arith.constant 0 : i32
          %dma_start3A_190 = tpu.memref_slice %arg7[%sub3A_186, %dma_start3A_188, %dma_start3A_189] : memref<2x16x128xi32, #tpu.memory_space<vmem>> -> memref<1x16x128xi32, #tpu.memory_space<vmem>>
          %dma_start3A_191 = tpu.memref_squeeze %dma_start3A_190 : memref<1x16x128xi32, #tpu.memory_space<vmem>> -> memref<16x128xi32, #tpu.memory_space<vmem>>
          %dma_start3A_192 = arith.constant 0 : i32
          %dma_start3A_193 = tpu.memref_slice %arg4[%add3A_184, %dma_start3A_192] : memref<2517x128xi32, #tpu.memory_space<hbm>> -> memref<16x128xi32, #tpu.memory_space<hbm>>
          %dma_start3A_194 = arith.constant 0 : i32
          %dma_start3A_195 = arith.constant 0 : i32
          %dma_start3A_196 = tpu.memref_slice %arg7[%sub3A_186, %dma_start3A_194, %dma_start3A_195] : memref<2x16x128xi32, #tpu.memory_space<vmem>> -> memref<1x16x128xi32, #tpu.memory_space<vmem>>
          %dma_start3A_197 = tpu.memref_squeeze %dma_start3A_196 : memref<1x16x128xi32, #tpu.memory_space<vmem>> -> memref<16x128xi32, #tpu.memory_space<vmem>>
          %dma_start3A_198 = arith.constant 0 : i32
          %dma_start3A_199 = tpu.memref_slice %arg4[%add3A_184, %dma_start3A_198] : memref<2517x128xi32, #tpu.memory_space<hbm>> -> memref<16x128xi32, #tpu.memory_space<hbm>>
          tpu.enqueue_dma source(%dma_start3A_199 : memref<16x128xi32, #tpu.memory_space<hbm>>) target(%dma_start3A_197 : memref<16x128xi32, #tpu.memory_space<vmem>>) target_semaphore(%run_scoped3A_187 : memref<!tpu.dma_semaphore, #tpu.memory_space<semaphore_mem>>)
          %dma_wait3A_200 = arith.constant 0 : i32
          %dma_wait3A_201 = arith.constant 0 : i32
          %dma_wait3A_202 = tpu.memref_slice %arg7[%sub3A_186, %dma_wait3A_200, %dma_wait3A_201] : memref<2x16x128xi32, #tpu.memory_space<vmem>> -> memref<1x16x128xi32, #tpu.memory_space<vmem>>
          %dma_wait3A_203 = tpu.memref_squeeze %dma_wait3A_202 : memref<1x16x128xi32, #tpu.memory_space<vmem>> -> memref<16x128xi32, #tpu.memory_space<vmem>>
          %dma_wait3A_204 = arith.constant 0 : i32
          %dma_wait3A_205 = tpu.memref_slice %arg4[%add3A_184, %dma_wait3A_204] : memref<2517x128xi32, #tpu.memory_space<hbm>> -> memref<16x128xi32, #tpu.memory_space<hbm>>
          %dma_wait3A_206 = arith.constant 0 : i32
          %dma_wait3A_207 = arith.constant 0 : i32
          %dma_wait3A_208 = tpu.memref_slice %arg7[%sub3A_186, %dma_wait3A_206, %dma_wait3A_207] : memref<2x16x128xi32, #tpu.memory_space<vmem>> -> memref<1x16x128xi32, #tpu.memory_space<vmem>>
          %dma_wait3A_209 = tpu.memref_squeeze %dma_wait3A_208 : memref<1x16x128xi32, #tpu.memory_space<vmem>> -> memref<16x128xi32, #tpu.memory_space<vmem>>
          %dma_wait3A_210 = arith.constant 0 : i32
          %dma_wait3A_211 = tpu.memref_slice %arg4[%add3A_184, %dma_wait3A_210] : memref<2517x128xi32, #tpu.memory_space<hbm>> -> memref<16x128xi32, #tpu.memory_space<hbm>>
          tpu.wait_dma2 semaphore(%run_scoped3A_187 : memref<!tpu.dma_semaphore, #tpu.memory_space<semaphore_mem>>) src(%dma_wait3A_211 : memref<16x128xi32, #tpu.memory_space<hbm>>) dst(%dma_wait3A_209 : memref<16x128xi32, #tpu.memory_space<vmem>>)
          tpu.yield
        }) : () -> ()
      } else {
      }
      %add3A_158 = arith.constant 1 : i32
      %add3A_159 = arith.addi %while3A_127, %add3A_158 : i32
      %lt3A = arith.cmpi slt, %add3A_159, %sub3A_47 : i32
      %convert_element_type3A_160 = arith.extui %lt3A : i1 to i32
      %cond3A_161 = arith.constant 0 : i32
      %cond3A_162 = arith.cmpi ne, %convert_element_type3A_160, %cond3A_161 : i32
      scf.if %cond3A_162 {
        %add3A_177 = arith.constant 1 : i32
        %add3A_178 = arith.addi %while3A_127, %add3A_177 : i32
        %jit3A_179 = arith.constant 16 : i32
        %div3A_180 = arith.divsi %add3A_178, %jit3A_179 : i32
        %sign3A_181 = arith.constant 0 : i32
        %sign3A_182 = arith.cmpi sgt, %add3A_178, %sign3A_181 : i32
        %sign3A_183 = arith.extui %sign3A_182 : i1 to i32
        %sign3A_184 = arith.constant 0 : i32
        %sign3A_185 = arith.cmpi slt, %add3A_178, %sign3A_184 : i32
        %sign3A_186 = arith.extui %sign3A_185 : i1 to i32
        %sign3A_187 = arith.subi %sign3A_183, %sign3A_186 : i32
        %sign3A_188 = arith.constant 0 : i32
        %sign3A_189 = arith.cmpi sgt, %jit3A_179, %sign3A_188 : i32
        %sign3A_190 = arith.extui %sign3A_189 : i1 to i32
        %sign3A_191 = arith.constant 0 : i32
        %sign3A_192 = arith.cmpi slt, %jit3A_179, %sign3A_191 : i32
        %sign3A_193 = arith.extui %sign3A_192 : i1 to i32
        %sign3A_194 = arith.subi %sign3A_190, %sign3A_193 : i32
        %ne3A_195 = arith.cmpi ne, %sign3A_187, %sign3A_194 : i32
        %rem3A_196 = arith.remsi %add3A_178, %jit3A_179 : i32
        %ne3A_197 = arith.constant 0 : i32
        %ne3A_198 = arith.cmpi ne, %rem3A_196, %ne3A_197 : i32
        %and3A_199 = arith.andi %ne3A_195, %ne3A_198 : i1
        %sub3A_200 = arith.constant 1 : i32
        %sub3A_201 = arith.subi %div3A_180, %sub3A_200 : i32
        %select_n3A_202 = arith.select %and3A_199, %sub3A_201, %div3A_180 : i32
        %rem3A_203 = arith.constant 2 : i32
        %rem3A_204 = arith.remsi %select_n3A_202, %rem3A_203 : i32
        %add3A_205 = arith.constant 1 : i32
        %add3A_206 = arith.addi %while3A_127, %add3A_205 : i32
        %rem3A_207 = arith.constant 16 : i32
        %rem3A_208 = arith.remsi %add3A_206, %rem3A_207 : i32
        %rem3A_209 = arith.constant 2 : i32
        %rem3A_210 = arith.remsi %while3A_127, %rem3A_209 : i32
        %eq3A_211 = arith.constant 0 : i32
        %eq3A_212 = arith.cmpi eq, %rem3A_210, %eq3A_211 : i32
        %convert_element_type3A_213 = arith.extui %eq3A_212 : i1 to i32
        %cond3A_214 = arith.constant 0 : i32
        %cond3A_215 = arith.cmpi ne, %convert_element_type3A_213, %cond3A_214 : i32
        scf.if %cond3A_215 {
          %gt3A = arith.constant 0 : i32
          %gt3A_223 = arith.cmpi sgt, %while3A_127, %gt3A : i32
          %convert_element_type3A_224 = arith.extui %gt3A_223 : i1 to i32
          %cond3A_225 = arith.constant 0 : i32
          %cond3A_226 = arith.cmpi ne, %convert_element_type3A_224, %cond3A_225 : i32
          scf.if %cond3A_226 {
            %dma_wait3A_233 = arith.constant 0 : i32
            %dma_wait3A_234 = arith.constant 0 : i32
            %dma_wait3A_235 = arith.constant 0 : i32
            %dma_wait3A_236 = tpu.memref_slice %arg7[%dma_wait3A_233, %dma_wait3A_234, %dma_wait3A_235] : memref<2x16x128xi32, #tpu.memory_space<vmem>> -> memref<1x1x128xi32, #tpu.memory_space<vmem>>
            %dma_wait3A_237 = tpu.memref_squeeze %dma_wait3A_236 : memref<1x1x128xi32, #tpu.memory_space<vmem>> -> memref<128xi32, #tpu.memory_space<vmem>>
            %dma_wait3A_238 = arith.constant 0 : i32
            %dma_wait3A_239 = arith.constant 0 : i32
            %dma_wait3A_240 = tpu.memref_slice %arg10[%dma_wait3A_238, %dma_wait3A_239] : memref<10000x128xf32, #tpu.memory_space<vmem_shared>> -> memref<10000x128xf32, #tpu.memory_space<vmem_shared>>
            tpu.wait_indirect_dma semaphore(%arg14 : memref<!tpu.dma_semaphore, #tpu.memory_space<semaphore_mem>>) src(%arg9 : memref<128x128xf32, #tpu.memory_space<vmem>>) dst(%dma_wait3A_240 : memref<10000x128xf32, #tpu.memory_space<vmem_shared>>)
          } else {
          }
          %dma_start3A_227 = arith.constant 0 : i32
          %dma_start3A_228 = tpu.memref_slice %arg6[%rem3A_204, %rem3A_208, %dma_start3A_227] : memref<2x16x128xi32, #tpu.memory_space<vmem>> -> memref<1x1x128xi32, #tpu.memory_space<vmem>>
          %dma_start3A_229 = tpu.memref_squeeze %dma_start3A_228 : memref<1x1x128xi32, #tpu.memory_space<vmem>> -> memref<128xi32, #tpu.memory_space<vmem>>
          %dma_start3A_230 = arith.constant 0 : i32
          %dma_start3A_231 = arith.constant 0 : i32
          %dma_start3A_232 = tpu.memref_slice %arg2[%dma_start3A_230, %dma_start3A_231] : memref<10000x128xf32, #tpu.memory_space<hbm>> -> memref<10000x128xf32, #tpu.memory_space<hbm>>
          tpu.enqueue_indirect_dma source(%dma_start3A_232 : memref<10000x128xf32, #tpu.memory_space<hbm>>) target(%arg9 : memref<128x128xf32, #tpu.memory_space<vmem>>) offsets(%dma_start3A_229 : memref<128xi32, #tpu.memory_space<vmem>>) semaphore(%arg12 : memref<!tpu.dma_semaphore, #tpu.memory_space<semaphore_mem>>)
        } else {
        }
        %rem3A_216 = arith.constant 2 : i32
        %rem3A_217 = arith.remsi %while3A_127, %rem3A_216 : i32
        %eq3A_218 = arith.constant 1 : i32
        %eq3A_219 = arith.cmpi eq, %rem3A_217, %eq3A_218 : i32
        %convert_element_type3A_220 = arith.extui %eq3A_219 : i1 to i32
        %cond3A_221 = arith.constant 0 : i32
        %cond3A_222 = arith.cmpi ne, %convert_element_type3A_220, %cond3A_221 : i32
        scf.if %cond3A_222 {
          %dma_wait3A_223 = arith.constant 0 : i32
          %dma_wait3A_224 = arith.constant 0 : i32
          %dma_wait3A_225 = arith.constant 0 : i32
          %dma_wait3A_226 = tpu.memref_slice %arg7[%dma_wait3A_223, %dma_wait3A_224, %dma_wait3A_225] : memref<2x16x128xi32, #tpu.memory_space<vmem>> -> memref<1x1x128xi32, #tpu.memory_space<vmem>>
          %dma_wait3A_227 = tpu.memref_squeeze %dma_wait3A_226 : memref<1x1x128xi32, #tpu.memory_space<vmem>> -> memref<128xi32, #tpu.memory_space<vmem>>
          %dma_wait3A_228 = arith.constant 0 : i32
          %dma_wait3A_229 = arith.constant 0 : i32
          %dma_wait3A_230 = tpu.memref_slice %arg10[%dma_wait3A_228, %dma_wait3A_229] : memref<10000x128xf32, #tpu.memory_space<vmem_shared>> -> memref<10000x128xf32, #tpu.memory_space<vmem_shared>>
          tpu.wait_indirect_dma semaphore(%arg13 : memref<!tpu.dma_semaphore, #tpu.memory_space<semaphore_mem>>) src(%arg8 : memref<128x128xf32, #tpu.memory_space<vmem>>) dst(%dma_wait3A_230 : memref<10000x128xf32, #tpu.memory_space<vmem_shared>>)
          %dma_start3A_231 = arith.constant 0 : i32
          %dma_start3A_232 = tpu.memref_slice %arg6[%rem3A_204, %rem3A_208, %dma_start3A_231] : memref<2x16x128xi32, #tpu.memory_space<vmem>> -> memref<1x1x128xi32, #tpu.memory_space<vmem>>
          %dma_start3A_233 = tpu.memref_squeeze %dma_start3A_232 : memref<1x1x128xi32, #tpu.memory_space<vmem>> -> memref<128xi32, #tpu.memory_space<vmem>>
          %dma_start3A_234 = arith.constant 0 : i32
          %dma_start3A_235 = arith.constant 0 : i32
          %dma_start3A_236 = tpu.memref_slice %arg2[%dma_start3A_234, %dma_start3A_235] : memref<10000x128xf32, #tpu.memory_space<hbm>> -> memref<10000x128xf32, #tpu.memory_space<hbm>>
          tpu.enqueue_indirect_dma source(%dma_start3A_236 : memref<10000x128xf32, #tpu.memory_space<hbm>>) target(%arg8 : memref<128x128xf32, #tpu.memory_space<vmem>>) offsets(%dma_start3A_233 : memref<128xi32, #tpu.memory_space<vmem>>) semaphore(%arg11 : memref<!tpu.dma_semaphore, #tpu.memory_space<semaphore_mem>>)
        } else {
        }
      } else {
      }
      %rem3A_163 = arith.constant 2 : i32
      %rem3A_164 = arith.remsi %while3A_127, %rem3A_163 : i32
      %eq3A_165 = arith.constant 0 : i32
      %eq3A_166 = arith.cmpi eq, %rem3A_164, %eq3A_165 : i32
      %convert_element_type3A_167 = arith.extui %eq3A_166 : i1 to i32
      %cond3A_168 = arith.constant 0 : i32
      %cond3A_169 = arith.cmpi ne, %convert_element_type3A_167, %cond3A_168 : i32
      scf.if %cond3A_169 {
        %dma_wait3A_177 = arith.constant 0 : i32
        %dma_wait3A_178 = tpu.memref_slice %arg6[%rem3A_153, %rem3A_155, %dma_wait3A_177] : memref<2x16x128xi32, #tpu.memory_space<vmem>> -> memref<1x1x128xi32, #tpu.memory_space<vmem>>
        %dma_wait3A_179 = tpu.memref_squeeze %dma_wait3A_178 : memref<1x1x128xi32, #tpu.memory_space<vmem>> -> memref<128xi32, #tpu.memory_space<vmem>>
        %dma_wait3A_180 = arith.constant 0 : i32
        %dma_wait3A_181 = arith.constant 0 : i32
        %dma_wait3A_182 = tpu.memref_slice %arg2[%dma_wait3A_180, %dma_wait3A_181] : memref<10000x128xf32, #tpu.memory_space<hbm>> -> memref<10000x128xf32, #tpu.memory_space<hbm>>
        tpu.wait_indirect_dma semaphore(%arg11 : memref<!tpu.dma_semaphore, #tpu.memory_space<semaphore_mem>>) src(%dma_wait3A_182 : memref<10000x128xf32, #tpu.memory_space<hbm>>) dst(%arg8 : memref<128x128xf32, #tpu.memory_space<vmem>>)
        %dma_start3A_183 = arith.constant 0 : i32
        %dma_start3A_184 = tpu.memref_slice %arg7[%rem3A_153, %rem3A_155, %dma_start3A_183] : memref<2x16x128xi32, #tpu.memory_space<vmem>> -> memref<1x1x128xi32, #tpu.memory_space<vmem>>
        %dma_start3A_185 = tpu.memref_squeeze %dma_start3A_184 : memref<1x1x128xi32, #tpu.memory_space<vmem>> -> memref<128xi32, #tpu.memory_space<vmem>>
        %dma_start3A_186 = arith.constant 0 : i32
        %dma_start3A_187 = arith.constant 0 : i32
        %dma_start3A_188 = tpu.memref_slice %arg10[%dma_start3A_186, %dma_start3A_187] : memref<10000x128xf32, #tpu.memory_space<vmem_shared>> -> memref<10000x128xf32, #tpu.memory_space<vmem_shared>>
        tpu.enqueue_indirect_dma source(%arg8 : memref<128x128xf32, #tpu.memory_space<vmem>>) target(%dma_start3A_188 : memref<10000x128xf32, #tpu.memory_space<vmem_shared>>) offsets(%dma_start3A_185 : memref<128xi32, #tpu.memory_space<vmem>>) semaphore(%arg13 : memref<!tpu.dma_semaphore, #tpu.memory_space<semaphore_mem>>) {add = true}
      } else {
      }
      %rem3A_170 = arith.constant 2 : i32
      %rem3A_171 = arith.remsi %while3A_127, %rem3A_170 : i32
      %eq3A_172 = arith.constant 1 : i32
      %eq3A_173 = arith.cmpi eq, %rem3A_171, %eq3A_172 : i32
      %convert_element_type3A_174 = arith.extui %eq3A_173 : i1 to i32
      %cond3A_175 = arith.constant 0 : i32
      %cond3A_176 = arith.cmpi ne, %convert_element_type3A_174, %cond3A_175 : i32
      scf.if %cond3A_176 {
        %dma_wait3A_177 = arith.constant 0 : i32
        %dma_wait3A_178 = tpu.memref_slice %arg6[%rem3A_153, %rem3A_155, %dma_wait3A_177] : memref<2x16x128xi32, #tpu.memory_space<vmem>> -> memref<1x1x128xi32, #tpu.memory_space<vmem>>
        %dma_wait3A_179 = tpu.memref_squeeze %dma_wait3A_178 : memref<1x1x128xi32, #tpu.memory_space<vmem>> -> memref<128xi32, #tpu.memory_space<vmem>>
        %dma_wait3A_180 = arith.constant 0 : i32
        %dma_wait3A_181 = arith.constant 0 : i32
        %dma_wait3A_182 = tpu.memref_slice %arg2[%dma_wait3A_180, %dma_wait3A_181] : memref<10000x128xf32, #tpu.memory_space<hbm>> -> memref<10000x128xf32, #tpu.memory_space<hbm>>
        tpu.wait_indirect_dma semaphore(%arg12 : memref<!tpu.dma_semaphore, #tpu.memory_space<semaphore_mem>>) src(%dma_wait3A_182 : memref<10000x128xf32, #tpu.memory_space<hbm>>) dst(%arg9 : memref<128x128xf32, #tpu.memory_space<vmem>>)
        %dma_start3A_183 = arith.constant 0 : i32
        %dma_start3A_184 = tpu.memref_slice %arg7[%rem3A_153, %rem3A_155, %dma_start3A_183] : memref<2x16x128xi32, #tpu.memory_space<vmem>> -> memref<1x1x128xi32, #tpu.memory_space<vmem>>
        %dma_start3A_185 = tpu.memref_squeeze %dma_start3A_184 : memref<1x1x128xi32, #tpu.memory_space<vmem>> -> memref<128xi32, #tpu.memory_space<vmem>>
        %dma_start3A_186 = arith.constant 0 : i32
        %dma_start3A_187 = arith.constant 0 : i32
        %dma_start3A_188 = tpu.memref_slice %arg10[%dma_start3A_186, %dma_start3A_187] : memref<10000x128xf32, #tpu.memory_space<vmem_shared>> -> memref<10000x128xf32, #tpu.memory_space<vmem_shared>>
        tpu.enqueue_indirect_dma source(%arg9 : memref<128x128xf32, #tpu.memory_space<vmem>>) target(%dma_start3A_188 : memref<10000x128xf32, #tpu.memory_space<vmem_shared>>) offsets(%dma_start3A_185 : memref<128xi32, #tpu.memory_space<vmem>>) semaphore(%arg14 : memref<!tpu.dma_semaphore, #tpu.memory_space<semaphore_mem>>) {add = true}
      } else {
      }
    }
    %while3A_90 = arith.constant 1 : i32
    scf.for %while3A_127 = %while3A_88 to %while3A_84 step %while3A_90  : i32 {
      %jit3A_128 = arith.constant 16 : i32
      %div3A_129 = arith.divsi %while3A_127, %jit3A_128 : i32
      %sign3A_130 = arith.constant 0 : i32
      %sign3A_131 = arith.cmpi sgt, %while3A_127, %sign3A_130 : i32
      %sign3A_132 = arith.extui %sign3A_131 : i1 to i32
      %sign3A_133 = arith.constant 0 : i32
      %sign3A_134 = arith.cmpi slt, %while3A_127, %sign3A_133 : i32
      %sign3A_135 = arith.extui %sign3A_134 : i1 to i32
      %sign3A_136 = arith.subi %sign3A_132, %sign3A_135 : i32
      %sign3A_137 = arith.constant 0 : i32
      %sign3A_138 = arith.cmpi sgt, %jit3A_128, %sign3A_137 : i32
      %sign3A_139 = arith.extui %sign3A_138 : i1 to i32
      %sign3A_140 = arith.constant 0 : i32
      %sign3A_141 = arith.cmpi slt, %jit3A_128, %sign3A_140 : i32
      %sign3A_142 = arith.extui %sign3A_141 : i1 to i32
      %sign3A_143 = arith.subi %sign3A_139, %sign3A_142 : i32
      %ne3A_144 = arith.cmpi ne, %sign3A_136, %sign3A_143 : i32
      %rem3A_145 = arith.remsi %while3A_127, %jit3A_128 : i32
      %ne3A_146 = arith.constant 0 : i32
      %ne3A_147 = arith.cmpi ne, %rem3A_145, %ne3A_146 : i32
      %and3A_148 = arith.andi %ne3A_144, %ne3A_147 : i1
      %sub3A_149 = arith.constant 1 : i32
      %sub3A_150 = arith.subi %div3A_129, %sub3A_149 : i32
      %select_n3A_151 = arith.select %and3A_148, %sub3A_150, %div3A_129 : i32
      %rem3A_152 = arith.constant 2 : i32
      %rem3A_153 = arith.remsi %select_n3A_151, %rem3A_152 : i32
      %rem3A_154 = arith.constant 16 : i32
      %rem3A_155 = arith.remsi %while3A_127, %rem3A_154 : i32
      %eq3A = arith.constant 0 : i32
      %eq3A_156 = arith.cmpi eq, %rem3A_155, %eq3A : i32
      %convert_element_type3A = arith.extui %eq3A_156 : i1 to i32
      %cond3A = arith.constant 0 : i32
      %cond3A_157 = arith.cmpi ne, %convert_element_type3A, %cond3A : i32
      scf.if %cond3A_157 {
        %add3A_177 = arith.addi %select_n3A, %while3A_127 : i32
        %add3A_178 = arith.constant 16 : i32
        %add3A_179 = arith.addi %add3A_177, %add3A_178 : i32
        %sub3A_180 = arith.constant 1 : i32
        %sub3A_181 = arith.subi %sub3A_180, %rem3A_153 : i32
        "tpu.region"() ({
          %run_scoped3A_187 = tpu.sem_alloc : memref<!tpu.dma_semaphore, #tpu.memory_space<semaphore_mem>>
          %dma_start3A_188 = arith.constant 0 : i32
          %dma_start3A_189 = arith.constant 0 : i32
          %dma_start3A_190 = tpu.memref_slice %arg6[%sub3A_181, %dma_start3A_188, %dma_start3A_189] : memref<2x16x128xi32, #tpu.memory_space<vmem>> -> memref<1x16x128xi32, #tpu.memory_space<vmem>>
          %dma_start3A_191 = tpu.memref_squeeze %dma_start3A_190 : memref<1x16x128xi32, #tpu.memory_space<vmem>> -> memref<16x128xi32, #tpu.memory_space<vmem>>
          %dma_start3A_192 = arith.constant 0 : i32
          %dma_start3A_193 = tpu.memref_slice %arg3[%add3A_179, %dma_start3A_192] : memref<2517x128xi32, #tpu.memory_space<hbm>> -> memref<16x128xi32, #tpu.memory_space<hbm>>
          %dma_start3A_194 = arith.constant 0 : i32
          %dma_start3A_195 = arith.constant 0 : i32
          %dma_start3A_196 = tpu.memref_slice %arg6[%sub3A_181, %dma_start3A_194, %dma_start3A_195] : memref<2x16x128xi32, #tpu.memory_space<vmem>> -> memref<1x16x128xi32, #tpu.memory_space<vmem>>
          %dma_start3A_197 = tpu.memref_squeeze %dma_start3A_196 : memref<1x16x128xi32, #tpu.memory_space<vmem>> -> memref<16x128xi32, #tpu.memory_space<vmem>>
          %dma_start3A_198 = arith.constant 0 : i32
          %dma_start3A_199 = tpu.memref_slice %arg3[%add3A_179, %dma_start3A_198] : memref<2517x128xi32, #tpu.memory_space<hbm>> -> memref<16x128xi32, #tpu.memory_space<hbm>>
          tpu.enqueue_dma source(%dma_start3A_199 : memref<16x128xi32, #tpu.memory_space<hbm>>) target(%dma_start3A_197 : memref<16x128xi32, #tpu.memory_space<vmem>>) target_semaphore(%run_scoped3A_187 : memref<!tpu.dma_semaphore, #tpu.memory_space<semaphore_mem>>)
          %dma_wait3A_200 = arith.constant 0 : i32
          %dma_wait3A_201 = arith.constant 0 : i32
          %dma_wait3A_202 = tpu.memref_slice %arg6[%sub3A_181, %dma_wait3A_200, %dma_wait3A_201] : memref<2x16x128xi32, #tpu.memory_space<vmem>> -> memref<1x16x128xi32, #tpu.memory_space<vmem>>
          %dma_wait3A_203 = tpu.memref_squeeze %dma_wait3A_202 : memref<1x16x128xi32, #tpu.memory_space<vmem>> -> memref<16x128xi32, #tpu.memory_space<vmem>>
          %dma_wait3A_204 = arith.constant 0 : i32
          %dma_wait3A_205 = tpu.memref_slice %arg3[%add3A_179, %dma_wait3A_204] : memref<2517x128xi32, #tpu.memory_space<hbm>> -> memref<16x128xi32, #tpu.memory_space<hbm>>
          %dma_wait3A_206 = arith.constant 0 : i32
          %dma_wait3A_207 = arith.constant 0 : i32
          %dma_wait3A_208 = tpu.memref_slice %arg6[%sub3A_181, %dma_wait3A_206, %dma_wait3A_207] : memref<2x16x128xi32, #tpu.memory_space<vmem>> -> memref<1x16x128xi32, #tpu.memory_space<vmem>>
          %dma_wait3A_209 = tpu.memref_squeeze %dma_wait3A_208 : memref<1x16x128xi32, #tpu.memory_space<vmem>> -> memref<16x128xi32, #tpu.memory_space<vmem>>
          %dma_wait3A_210 = arith.constant 0 : i32
          %dma_wait3A_211 = tpu.memref_slice %arg3[%add3A_179, %dma_wait3A_210] : memref<2517x128xi32, #tpu.memory_space<hbm>> -> memref<16x128xi32, #tpu.memory_space<hbm>>
          tpu.wait_dma2 semaphore(%run_scoped3A_187 : memref<!tpu.dma_semaphore, #tpu.memory_space<semaphore_mem>>) src(%dma_wait3A_211 : memref<16x128xi32, #tpu.memory_space<hbm>>) dst(%dma_wait3A_209 : memref<16x128xi32, #tpu.memory_space<vmem>>)
          tpu.yield
        }) : () -> ()
        %add3A_182 = arith.addi %select_n3A, %while3A_127 : i32
        %add3A_183 = arith.constant 16 : i32
        %add3A_184 = arith.addi %add3A_182, %add3A_183 : i32
        %sub3A_185 = arith.constant 1 : i32
        %sub3A_186 = arith.subi %sub3A_185, %rem3A_153 : i32
        "tpu.region"() ({
          %run_scoped3A_187 = tpu.sem_alloc : memref<!tpu.dma_semaphore, #tpu.memory_space<semaphore_mem>>
          %dma_start3A_188 = arith.constant 0 : i32
          %dma_start3A_189 = arith.constant 0 : i32
          %dma_start3A_190 = tpu.memref_slice %arg7[%sub3A_186, %dma_start3A_188, %dma_start3A_189] : memref<2x16x128xi32, #tpu.memory_space<vmem>> -> memref<1x16x128xi32, #tpu.memory_space<vmem>>
          %dma_start3A_191 = tpu.memref_squeeze %dma_start3A_190 : memref<1x16x128xi32, #tpu.memory_space<vmem>> -> memref<16x128xi32, #tpu.memory_space<vmem>>
          %dma_start3A_192 = arith.constant 0 : i32
          %dma_start3A_193 = tpu.memref_slice %arg4[%add3A_184, %dma_start3A_192] : memref<2517x128xi32, #tpu.memory_space<hbm>> -> memref<16x128xi32, #tpu.memory_space<hbm>>
          %dma_start3A_194 = arith.constant 0 : i32
          %dma_start3A_195 = arith.constant 0 : i32
          %dma_start3A_196 = tpu.memref_slice %arg7[%sub3A_186, %dma_start3A_194, %dma_start3A_195] : memref<2x16x128xi32, #tpu.memory_space<vmem>> -> memref<1x16x128xi32, #tpu.memory_space<vmem>>
          %dma_start3A_197 = tpu.memref_squeeze %dma_start3A_196 : memref<1x16x128xi32, #tpu.memory_space<vmem>> -> memref<16x128xi32, #tpu.memory_space<vmem>>
          %dma_start3A_198 = arith.constant 0 : i32
          %dma_start3A_199 = tpu.memref_slice %arg4[%add3A_184, %dma_start3A_198] : memref<2517x128xi32, #tpu.memory_space<hbm>> -> memref<16x128xi32, #tpu.memory_space<hbm>>
          tpu.enqueue_dma source(%dma_start3A_199 : memref<16x128xi32, #tpu.memory_space<hbm>>) target(%dma_start3A_197 : memref<16x128xi32, #tpu.memory_space<vmem>>) target_semaphore(%run_scoped3A_187 : memref<!tpu.dma_semaphore, #tpu.memory_space<semaphore_mem>>)
          %dma_wait3A_200 = arith.constant 0 : i32
          %dma_wait3A_201 = arith.constant 0 : i32
          %dma_wait3A_202 = tpu.memref_slice %arg7[%sub3A_186, %dma_wait3A_200, %dma_wait3A_201] : memref<2x16x128xi32, #tpu.memory_space<vmem>> -> memref<1x16x128xi32, #tpu.memory_space<vmem>>
          %dma_wait3A_203 = tpu.memref_squeeze %dma_wait3A_202 : memref<1x16x128xi32, #tpu.memory_space<vmem>> -> memref<16x128xi32, #tpu.memory_space<vmem>>
          %dma_wait3A_204 = arith.constant 0 : i32
          %dma_wait3A_205 = tpu.memref_slice %arg4[%add3A_184, %dma_wait3A_204] : memref<2517x128xi32, #tpu.memory_space<hbm>> -> memref<16x128xi32, #tpu.memory_space<hbm>>
          %dma_wait3A_206 = arith.constant 0 : i32
          %dma_wait3A_207 = arith.constant 0 : i32
          %dma_wait3A_208 = tpu.memref_slice %arg7[%sub3A_186, %dma_wait3A_206, %dma_wait3A_207] : memref<2x16x128xi32, #tpu.memory_space<vmem>> -> memref<1x16x128xi32, #tpu.memory_space<vmem>>
          %dma_wait3A_209 = tpu.memref_squeeze %dma_wait3A_208 : memref<1x16x128xi32, #tpu.memory_space<vmem>> -> memref<16x128xi32, #tpu.memory_space<vmem>>
          %dma_wait3A_210 = arith.constant 0 : i32
          %dma_wait3A_211 = tpu.memref_slice %arg4[%add3A_184, %dma_wait3A_210] : memref<2517x128xi32, #tpu.memory_space<hbm>> -> memref<16x128xi32, #tpu.memory_space<hbm>>
          tpu.wait_dma2 semaphore(%run_scoped3A_187 : memref<!tpu.dma_semaphore, #tpu.memory_space<semaphore_mem>>) src(%dma_wait3A_211 : memref<16x128xi32, #tpu.memory_space<hbm>>) dst(%dma_wait3A_209 : memref<16x128xi32, #tpu.memory_space<vmem>>)
          tpu.yield
        }) : () -> ()
      } else {
      }
      %add3A_158 = arith.constant 1 : i32
      %add3A_159 = arith.addi %while3A_127, %add3A_158 : i32
      %lt3A = arith.cmpi slt, %add3A_159, %sub3A_47 : i32
      %convert_element_type3A_160 = arith.extui %lt3A : i1 to i32
      %cond3A_161 = arith.constant 0 : i32
      %cond3A_162 = arith.cmpi ne, %convert_element_type3A_160, %cond3A_161 : i32
      scf.if %cond3A_162 {
        %add3A_177 = arith.constant 1 : i32
        %add3A_178 = arith.addi %while3A_127, %add3A_177 : i32
        %jit3A_179 = arith.constant 16 : i32
        %div3A_180 = arith.divsi %add3A_178, %jit3A_179 : i32
        %sign3A_181 = arith.constant 0 : i32
        %sign3A_182 = arith.cmpi sgt, %add3A_178, %sign3A_181 : i32
        %sign3A_183 = arith.extui %sign3A_182 : i1 to i32
        %sign3A_184 = arith.constant 0 : i32
        %sign3A_185 = arith.cmpi slt, %add3A_178, %sign3A_184 : i32
        %sign3A_186 = arith.extui %sign3A_185 : i1 to i32
        %sign3A_187 = arith.subi %sign3A_183, %sign3A_186 : i32
        %sign3A_188 = arith.constant 0 : i32
        %sign3A_189 = arith.cmpi sgt, %jit3A_179, %sign3A_188 : i32
        %sign3A_190 = arith.extui %sign3A_189 : i1 to i32
        %sign3A_191 = arith.constant 0 : i32
        %sign3A_192 = arith.cmpi slt, %jit3A_179, %sign3A_191 : i32
        %sign3A_193 = arith.extui %sign3A_192 : i1 to i32
        %sign3A_194 = arith.subi %sign3A_190, %sign3A_193 : i32
        %ne3A_195 = arith.cmpi ne, %sign3A_187, %sign3A_194 : i32
        %rem3A_196 = arith.remsi %add3A_178, %jit3A_179 : i32
        %ne3A_197 = arith.constant 0 : i32
        %ne3A_198 = arith.cmpi ne, %rem3A_196, %ne3A_197 : i32
        %and3A_199 = arith.andi %ne3A_195, %ne3A_198 : i1
        %sub3A_200 = arith.constant 1 : i32
        %sub3A_201 = arith.subi %div3A_180, %sub3A_200 : i32
        %select_n3A_202 = arith.select %and3A_199, %sub3A_201, %div3A_180 : i32
        %rem3A_203 = arith.constant 2 : i32
        %rem3A_204 = arith.remsi %select_n3A_202, %rem3A_203 : i32
        %add3A_205 = arith.constant 1 : i32
        %add3A_206 = arith.addi %while3A_127, %add3A_205 : i32
        %rem3A_207 = arith.constant 16 : i32
        %rem3A_208 = arith.remsi %add3A_206, %rem3A_207 : i32
        %rem3A_209 = arith.constant 2 : i32
        %rem3A_210 = arith.remsi %while3A_127, %rem3A_209 : i32
        %eq3A_211 = arith.constant 0 : i32
        %eq3A_212 = arith.cmpi eq, %rem3A_210, %eq3A_211 : i32
        %convert_element_type3A_213 = arith.extui %eq3A_212 : i1 to i32
        %cond3A_214 = arith.constant 0 : i32
        %cond3A_215 = arith.cmpi ne, %convert_element_type3A_213, %cond3A_214 : i32
        scf.if %cond3A_215 {
          %gt3A = arith.constant 0 : i32
          %gt3A_223 = arith.cmpi sgt, %while3A_127, %gt3A : i32
          %convert_element_type3A_224 = arith.extui %gt3A_223 : i1 to i32
          %cond3A_225 = arith.constant 0 : i32
          %cond3A_226 = arith.cmpi ne, %convert_element_type3A_224, %cond3A_225 : i32
          scf.if %cond3A_226 {
            %dma_wait3A_233 = arith.constant 0 : i32
            %dma_wait3A_234 = arith.constant 0 : i32
            %dma_wait3A_235 = arith.constant 0 : i32
            %dma_wait3A_236 = tpu.memref_slice %arg7[%dma_wait3A_233, %dma_wait3A_234, %dma_wait3A_235] : memref<2x16x128xi32, #tpu.memory_space<vmem>> -> memref<1x1x128xi32, #tpu.memory_space<vmem>>
            %dma_wait3A_237 = tpu.memref_squeeze %dma_wait3A_236 : memref<1x1x128xi32, #tpu.memory_space<vmem>> -> memref<128xi32, #tpu.memory_space<vmem>>
            %dma_wait3A_238 = arith.constant 0 : i32
            %dma_wait3A_239 = arith.constant 0 : i32
            %dma_wait3A_240 = tpu.memref_slice %arg10[%dma_wait3A_238, %dma_wait3A_239] : memref<10000x128xf32, #tpu.memory_space<vmem_shared>> -> memref<10000x128xf32, #tpu.memory_space<vmem_shared>>
            tpu.wait_indirect_dma semaphore(%arg14 : memref<!tpu.dma_semaphore, #tpu.memory_space<semaphore_mem>>) src(%arg9 : memref<128x128xf32, #tpu.memory_space<vmem>>) dst(%dma_wait3A_240 : memref<10000x128xf32, #tpu.memory_space<vmem_shared>>)
          } else {
          }
          %dma_start3A_227 = arith.constant 0 : i32
          %dma_start3A_228 = tpu.memref_slice %arg6[%rem3A_204, %rem3A_208, %dma_start3A_227] : memref<2x16x128xi32, #tpu.memory_space<vmem>> -> memref<1x1x128xi32, #tpu.memory_space<vmem>>
          %dma_start3A_229 = tpu.memref_squeeze %dma_start3A_228 : memref<1x1x128xi32, #tpu.memory_space<vmem>> -> memref<128xi32, #tpu.memory_space<vmem>>
          %dma_start3A_230 = arith.constant 0 : i32
          %dma_start3A_231 = arith.constant 0 : i32
          %dma_start3A_232 = tpu.memref_slice %arg2[%dma_start3A_230, %dma_start3A_231] : memref<10000x128xf32, #tpu.memory_space<hbm>> -> memref<10000x128xf32, #tpu.memory_space<hbm>>
          tpu.enqueue_indirect_dma source(%dma_start3A_232 : memref<10000x128xf32, #tpu.memory_space<hbm>>) target(%arg9 : memref<128x128xf32, #tpu.memory_space<vmem>>) offsets(%dma_start3A_229 : memref<128xi32, #tpu.memory_space<vmem>>) semaphore(%arg12 : memref<!tpu.dma_semaphore, #tpu.memory_space<semaphore_mem>>)
        } else {
        }
        %rem3A_216 = arith.constant 2 : i32
        %rem3A_217 = arith.remsi %while3A_127, %rem3A_216 : i32
        %eq3A_218 = arith.constant 1 : i32
        %eq3A_219 = arith.cmpi eq, %rem3A_217, %eq3A_218 : i32
        %convert_element_type3A_220 = arith.extui %eq3A_219 : i1 to i32
        %cond3A_221 = arith.constant 0 : i32
        %cond3A_222 = arith.cmpi ne, %convert_element_type3A_220, %cond3A_221 : i32
        scf.if %cond3A_222 {
          %dma_wait3A_223 = arith.constant 0 : i32
          %dma_wait3A_224 = arith.constant 0 : i32
          %dma_wait3A_225 = arith.constant 0 : i32
          %dma_wait3A_226 = tpu.memref_slice %arg7[%dma_wait3A_223, %dma_wait3A_224, %dma_wait3A_225] : memref<2x16x128xi32, #tpu.memory_space<vmem>> -> memref<1x1x128xi32, #tpu.memory_space<vmem>>
          %dma_wait3A_227 = tpu.memref_squeeze %dma_wait3A_226 : memref<1x1x128xi32, #tpu.memory_space<vmem>> -> memref<128xi32, #tpu.memory_space<vmem>>
          %dma_wait3A_228 = arith.constant 0 : i32
          %dma_wait3A_229 = arith.constant 0 : i32
          %dma_wait3A_230 = tpu.memref_slice %arg10[%dma_wait3A_228, %dma_wait3A_229] : memref<10000x128xf32, #tpu.memory_space<vmem_shared>> -> memref<10000x128xf32, #tpu.memory_space<vmem_shared>>
          tpu.wait_indirect_dma semaphore(%arg13 : memref<!tpu.dma_semaphore, #tpu.memory_space<semaphore_mem>>) src(%arg8 : memref<128x128xf32, #tpu.memory_space<vmem>>) dst(%dma_wait3A_230 : memref<10000x128xf32, #tpu.memory_space<vmem_shared>>)
          %dma_start3A_231 = arith.constant 0 : i32
          %dma_start3A_232 = tpu.memref_slice %arg6[%rem3A_204, %rem3A_208, %dma_start3A_231] : memref<2x16x128xi32, #tpu.memory_space<vmem>> -> memref<1x1x128xi32, #tpu.memory_space<vmem>>
          %dma_start3A_233 = tpu.memref_squeeze %dma_start3A_232 : memref<1x1x128xi32, #tpu.memory_space<vmem>> -> memref<128xi32, #tpu.memory_space<vmem>>
          %dma_start3A_234 = arith.constant 0 : i32
          %dma_start3A_235 = arith.constant 0 : i32
          %dma_start3A_236 = tpu.memref_slice %arg2[%dma_start3A_234, %dma_start3A_235] : memref<10000x128xf32, #tpu.memory_space<hbm>> -> memref<10000x128xf32, #tpu.memory_space<hbm>>
          tpu.enqueue_indirect_dma source(%dma_start3A_236 : memref<10000x128xf32, #tpu.memory_space<hbm>>) target(%arg8 : memref<128x128xf32, #tpu.memory_space<vmem>>) offsets(%dma_start3A_233 : memref<128xi32, #tpu.memory_space<vmem>>) semaphore(%arg11 : memref<!tpu.dma_semaphore, #tpu.memory_space<semaphore_mem>>)
        } else {
        }
      } else {
      }
      %rem3A_163 = arith.constant 2 : i32
      %rem3A_164 = arith.remsi %while3A_127, %rem3A_163 : i32
      %eq3A_165 = arith.constant 0 : i32
      %eq3A_166 = arith.cmpi eq, %rem3A_164, %eq3A_165 : i32
      %convert_element_type3A_167 = arith.extui %eq3A_166 : i1 to i32
      %cond3A_168 = arith.constant 0 : i32
      %cond3A_169 = arith.cmpi ne, %convert_element_type3A_167, %cond3A_168 : i32
      scf.if %cond3A_169 {
        %dma_wait3A_177 = arith.constant 0 : i32
        %dma_wait3A_178 = tpu.memref_slice %arg6[%rem3A_153, %rem3A_155, %dma_wait3A_177] : memref<2x16x128xi32, #tpu.memory_space<vmem>> -> memref<1x1x128xi32, #tpu.memory_space<vmem>>
        %dma_wait3A_179 = tpu.memref_squeeze %dma_wait3A_178 : memref<1x1x128xi32, #tpu.memory_space<vmem>> -> memref<128xi32, #tpu.memory_space<vmem>>
        %dma_wait3A_180 = arith.constant 0 : i32
        %dma_wait3A_181 = arith.constant 0 : i32
        %dma_wait3A_182 = tpu.memref_slice %arg2[%dma_wait3A_180, %dma_wait3A_181] : memref<10000x128xf32, #tpu.memory_space<hbm>> -> memref<10000x128xf32, #tpu.memory_space<hbm>>
        tpu.wait_indirect_dma semaphore(%arg11 : memref<!tpu.dma_semaphore, #tpu.memory_space<semaphore_mem>>) src(%dma_wait3A_182 : memref<10000x128xf32, #tpu.memory_space<hbm>>) dst(%arg8 : memref<128x128xf32, #tpu.memory_space<vmem>>)
        %dma_start3A_183 = arith.constant 0 : i32
        %dma_start3A_184 = tpu.memref_slice %arg7[%rem3A_153, %rem3A_155, %dma_start3A_183] : memref<2x16x128xi32, #tpu.memory_space<vmem>> -> memref<1x1x128xi32, #tpu.memory_space<vmem>>
        %dma_start3A_185 = tpu.memref_squeeze %dma_start3A_184 : memref<1x1x128xi32, #tpu.memory_space<vmem>> -> memref<128xi32, #tpu.memory_space<vmem>>
        %dma_start3A_186 = arith.constant 0 : i32
        %dma_start3A_187 = arith.constant 0 : i32
        %dma_start3A_188 = tpu.memref_slice %arg10[%dma_start3A_186, %dma_start3A_187] : memref<10000x128xf32, #tpu.memory_space<vmem_shared>> -> memref<10000x128xf32, #tpu.memory_space<vmem_shared>>
        tpu.enqueue_indirect_dma source(%arg8 : memref<128x128xf32, #tpu.memory_space<vmem>>) target(%dma_start3A_188 : memref<10000x128xf32, #tpu.memory_space<vmem_shared>>) offsets(%dma_start3A_185 : memref<128xi32, #tpu.memory_space<vmem>>) semaphore(%arg13 : memref<!tpu.dma_semaphore, #tpu.memory_space<semaphore_mem>>) {add = true}
      } else {
      }
      %rem3A_170 = arith.constant 2 : i32
      %rem3A_171 = arith.remsi %while3A_127, %rem3A_170 : i32
      %eq3A_172 = arith.constant 1 : i32
      %eq3A_173 = arith.cmpi eq, %rem3A_171, %eq3A_172 : i32
      %convert_element_type3A_174 = arith.extui %eq3A_173 : i1 to i32
      %cond3A_175 = arith.constant 0 : i32
      %cond3A_176 = arith.cmpi ne, %convert_element_type3A_174, %cond3A_175 : i32
      scf.if %cond3A_176 {
        %dma_wait3A_177 = arith.constant 0 : i32
        %dma_wait3A_178 = tpu.memref_slice %arg6[%rem3A_153, %rem3A_155, %dma_wait3A_177] : memref<2x16x128xi32, #tpu.memory_space<vmem>> -> memref<1x1x128xi32, #tpu.memory_space<vmem>>
        %dma_wait3A_179 = tpu.memref_squeeze %dma_wait3A_178 : memref<1x1x128xi32, #tpu.memory_space<vmem>> -> memref<128xi32, #tpu.memory_space<vmem>>
        %dma_wait3A_180 = arith.constant 0 : i32
        %dma_wait3A_181 = arith.constant 0 : i32
        %dma_wait3A_182 = tpu.memref_slice %arg2[%dma_wait3A_180, %dma_wait3A_181] : memref<10000x128xf32, #tpu.memory_space<hbm>> -> memref<10000x128xf32, #tpu.memory_space<hbm>>
        tpu.wait_indirect_dma semaphore(%arg12 : memref<!tpu.dma_semaphore, #tpu.memory_space<semaphore_mem>>) src(%dma_wait3A_182 : memref<10000x128xf32, #tpu.memory_space<hbm>>) dst(%arg9 : memref<128x128xf32, #tpu.memory_space<vmem>>)
        %dma_start3A_183 = arith.constant 0 : i32
        %dma_start3A_184 = tpu.memref_slice %arg7[%rem3A_153, %rem3A_155, %dma_start3A_183] : memref<2x16x128xi32, #tpu.memory_space<vmem>> -> memref<1x1x128xi32, #tpu.memory_space<vmem>>
        %dma_start3A_185 = tpu.memref_squeeze %dma_start3A_184 : memref<1x1x128xi32, #tpu.memory_space<vmem>> -> memref<128xi32, #tpu.memory_space<vmem>>
        %dma_start3A_186 = arith.constant 0 : i32
        %dma_start3A_187 = arith.constant 0 : i32
        %dma_start3A_188 = tpu.memref_slice %arg10[%dma_start3A_186, %dma_start3A_187] : memref<10000x128xf32, #tpu.memory_space<vmem_shared>> -> memref<10000x128xf32, #tpu.memory_space<vmem_shared>>
        tpu.enqueue_indirect_dma source(%arg9 : memref<128x128xf32, #tpu.memory_space<vmem>>) target(%dma_start3A_188 : memref<10000x128xf32, #tpu.memory_space<vmem_shared>>) offsets(%dma_start3A_185 : memref<128xi32, #tpu.memory_space<vmem>>) semaphore(%arg14 : memref<!tpu.dma_semaphore, #tpu.memory_space<semaphore_mem>>) {add = true}
      } else {
      }
    }
    %dma_wait3A = arith.constant 0 : i32
    %dma_wait3A_91 = arith.constant 0 : i32
    %dma_wait3A_92 = arith.constant 0 : i32
    %dma_wait3A_93 = tpu.memref_slice %arg7[%dma_wait3A, %dma_wait3A_91, %dma_wait3A_92] : memref<2x16x128xi32, #tpu.memory_space<vmem>> -> memref<1x1x128xi32, #tpu.memory_space<vmem>>
    %dma_wait3A_94 = tpu.memref_squeeze %dma_wait3A_93 : memref<1x1x128xi32, #tpu.memory_space<vmem>> -> memref<128xi32, #tpu.memory_space<vmem>>
    %dma_wait3A_95 = arith.constant 0 : i32
    %dma_wait3A_96 = arith.constant 0 : i32
    %dma_wait3A_97 = tpu.memref_slice %arg10[%dma_wait3A_95, %dma_wait3A_96] : memref<10000x128xf32, #tpu.memory_space<vmem_shared>> -> memref<10000x128xf32, #tpu.memory_space<vmem_shared>>
    tpu.wait_indirect_dma semaphore(%arg13 : memref<!tpu.dma_semaphore, #tpu.memory_space<semaphore_mem>>) src(%arg8 : memref<128x128xf32, #tpu.memory_space<vmem>>) dst(%dma_wait3A_97 : memref<10000x128xf32, #tpu.memory_space<vmem_shared>>)
    %dma_wait3A_98 = arith.constant 0 : i32
    %dma_wait3A_99 = arith.constant 0 : i32
    %dma_wait3A_100 = arith.constant 0 : i32
    %dma_wait3A_101 = tpu.memref_slice %arg7[%dma_wait3A_98, %dma_wait3A_99, %dma_wait3A_100] : memref<2x16x128xi32, #tpu.memory_space<vmem>> -> memref<1x1x128xi32, #tpu.memory_space<vmem>>
    %dma_wait3A_102 = tpu.memref_squeeze %dma_wait3A_101 : memref<1x1x128xi32, #tpu.memory_space<vmem>> -> memref<128xi32, #tpu.memory_space<vmem>>
    %dma_wait3A_103 = arith.constant 0 : i32
    %dma_wait3A_104 = arith.constant 0 : i32
    %dma_wait3A_105 = tpu.memref_slice %arg10[%dma_wait3A_103, %dma_wait3A_104] : memref<10000x128xf32, #tpu.memory_space<vmem_shared>> -> memref<10000x128xf32, #tpu.memory_space<vmem_shared>>
    tpu.wait_indirect_dma semaphore(%arg14 : memref<!tpu.dma_semaphore, #tpu.memory_space<semaphore_mem>>) src(%arg9 : memref<128x128xf32, #tpu.memory_space<vmem>>) dst(%dma_wait3A_105 : memref<10000x128xf32, #tpu.memory_space<vmem_shared>>)
    %barrier3A_106 = arith.constant 0 : index
    tpu.barrier barrier_id(%barrier3A_106)
    %mul3A_107 = arith.constant 625 : i32
    %mul3A_108 = arith.muli %arg1, %mul3A_107 : i32
    %add3A_109 = arith.constant 0 : i32
    %add3A_110 = arith.addi %mul3A_108, %add3A_109 : i32
    "tpu.region"() ({
      %run_scoped3A_127 = tpu.sem_alloc : memref<!tpu.dma_semaphore, #tpu.memory_space<semaphore_mem>>
      %dma_start3A_128 = arith.constant 0 : i32
      %dma_start3A_129 = tpu.memref_slice %arg5[%arg0, %add3A_110, %dma_start3A_128] : memref<2x10000x128xf32, #tpu.memory_space<hbm>> -> memref<1x125x128xf32, #tpu.memory_space<hbm>>
      %dma_start3A_130 = tpu.memref_squeeze %dma_start3A_129 : memref<1x125x128xf32, #tpu.memory_space<hbm>> -> memref<125x128xf32, #tpu.memory_space<hbm>>
      %dma_start3A_131 = arith.constant 0 : i32
      %dma_start3A_132 = tpu.memref_slice %arg10[%add3A_110, %dma_start3A_131] : memref<10000x128xf32, #tpu.memory_space<vmem_shared>> -> memref<125x128xf32, #tpu.memory_space<vmem_shared>>
      tpu.enqueue_dma source(%dma_start3A_132 : memref<125x128xf32, #tpu.memory_space<vmem_shared>>) target(%dma_start3A_130 : memref<125x128xf32, #tpu.memory_space<hbm>>) target_semaphore(%run_scoped3A_127 : memref<!tpu.dma_semaphore, #tpu.memory_space<semaphore_mem>>)
      %dma_wait3A_133 = arith.constant 0 : i32
      %dma_wait3A_134 = tpu.memref_slice %arg5[%arg0, %add3A_110, %dma_wait3A_133] : memref<2x10000x128xf32, #tpu.memory_space<hbm>> -> memref<1x125x128xf32, #tpu.memory_space<hbm>>
      %dma_wait3A_135 = tpu.memref_squeeze %dma_wait3A_134 : memref<1x125x128xf32, #tpu.memory_space<hbm>> -> memref<125x128xf32, #tpu.memory_space<hbm>>
      %dma_wait3A_136 = arith.constant 0 : i32
      %dma_wait3A_137 = tpu.memref_slice %arg10[%add3A_110, %dma_wait3A_136] : memref<10000x128xf32, #tpu.memory_space<vmem_shared>> -> memref<125x128xf32, #tpu.memory_space<vmem_shared>>
      tpu.wait_dma2 semaphore(%run_scoped3A_127 : memref<!tpu.dma_semaphore, #tpu.memory_space<semaphore_mem>>) src(%dma_wait3A_137 : memref<125x128xf32, #tpu.memory_space<vmem_shared>>) dst(%dma_wait3A_135 : memref<125x128xf32, #tpu.memory_space<hbm>>)
      tpu.yield
    }) : () -> ()
    %mul3A_111 = arith.constant 625 : i32
    %mul3A_112 = arith.muli %arg1, %mul3A_111 : i32
    %add3A_113 = arith.constant 125 : i32
    %add3A_114 = arith.addi %mul3A_112, %add3A_113 : i32
    "tpu.region"() ({
      %run_scoped3A_127 = tpu.sem_alloc : memref<!tpu.dma_semaphore, #tpu.memory_space<semaphore_mem>>
      %dma_start3A_128 = arith.constant 0 : i32
      %dma_start3A_129 = tpu.memref_slice %arg5[%arg0, %add3A_114, %dma_start3A_128] : memref<2x10000x128xf32, #tpu.memory_space<hbm>> -> memref<1x125x128xf32, #tpu.memory_space<hbm>>
      %dma_start3A_130 = tpu.memref_squeeze %dma_start3A_129 : memref<1x125x128xf32, #tpu.memory_space<hbm>> -> memref<125x128xf32, #tpu.memory_space<hbm>>
      %dma_start3A_131 = arith.constant 0 : i32
      %dma_start3A_132 = tpu.memref_slice %arg10[%add3A_114, %dma_start3A_131] : memref<10000x128xf32, #tpu.memory_space<vmem_shared>> -> memref<125x128xf32, #tpu.memory_space<vmem_shared>>
      tpu.enqueue_dma source(%dma_start3A_132 : memref<125x128xf32, #tpu.memory_space<vmem_shared>>) target(%dma_start3A_130 : memref<125x128xf32, #tpu.memory_space<hbm>>) target_semaphore(%run_scoped3A_127 : memref<!tpu.dma_semaphore, #tpu.memory_space<semaphore_mem>>)
      %dma_wait3A_133 = arith.constant 0 : i32
      %dma_wait3A_134 = tpu.memref_slice %arg5[%arg0, %add3A_114, %dma_wait3A_133] : memref<2x10000x128xf32, #tpu.memory_space<hbm>> -> memref<1x125x128xf32, #tpu.memory_space<hbm>>
      %dma_wait3A_135 = tpu.memref_squeeze %dma_wait3A_134 : memref<1x125x128xf32, #tpu.memory_space<hbm>> -> memref<125x128xf32, #tpu.memory_space<hbm>>
      %dma_wait3A_136 = arith.constant 0 : i32
      %dma_wait3A_137 = tpu.memref_slice %arg10[%add3A_114, %dma_wait3A_136] : memref<10000x128xf32, #tpu.memory_space<vmem_shared>> -> memref<125x128xf32, #tpu.memory_space<vmem_shared>>
      tpu.wait_dma2 semaphore(%run_scoped3A_127 : memref<!tpu.dma_semaphore, #tpu.memory_space<semaphore_mem>>) src(%dma_wait3A_137 : memref<125x128xf32, #tpu.memory_space<vmem_shared>>) dst(%dma_wait3A_135 : memref<125x128xf32, #tpu.memory_space<hbm>>)
      tpu.yield
    }) : () -> ()
    %mul3A_115 = arith.constant 625 : i32
    %mul3A_116 = arith.muli %arg1, %mul3A_115 : i32
    %add3A_117 = arith.constant 250 : i32
    %add3A_118 = arith.addi %mul3A_116, %add3A_117 : i32
    "tpu.region"() ({
      %run_scoped3A_127 = tpu.sem_alloc : memref<!tpu.dma_semaphore, #tpu.memory_space<semaphore_mem>>
      %dma_start3A_128 = arith.constant 0 : i32
      %dma_start3A_129 = tpu.memref_slice %arg5[%arg0, %add3A_118, %dma_start3A_128] : memref<2x10000x128xf32, #tpu.memory_space<hbm>> -> memref<1x125x128xf32, #tpu.memory_space<hbm>>
      %dma_start3A_130 = tpu.memref_squeeze %dma_start3A_129 : memref<1x125x128xf32, #tpu.memory_space<hbm>> -> memref<125x128xf32, #tpu.memory_space<hbm>>
      %dma_start3A_131 = arith.constant 0 : i32
      %dma_start3A_132 = tpu.memref_slice %arg10[%add3A_118, %dma_start3A_131] : memref<10000x128xf32, #tpu.memory_space<vmem_shared>> -> memref<125x128xf32, #tpu.memory_space<vmem_shared>>
      tpu.enqueue_dma source(%dma_start3A_132 : memref<125x128xf32, #tpu.memory_space<vmem_shared>>) target(%dma_start3A_130 : memref<125x128xf32, #tpu.memory_space<hbm>>) target_semaphore(%run_scoped3A_127 : memref<!tpu.dma_semaphore, #tpu.memory_space<semaphore_mem>>)
      %dma_wait3A_133 = arith.constant 0 : i32
      %dma_wait3A_134 = tpu.memref_slice %arg5[%arg0, %add3A_118, %dma_wait3A_133] : memref<2x10000x128xf32, #tpu.memory_space<hbm>> -> memref<1x125x128xf32, #tpu.memory_space<hbm>>
      %dma_wait3A_135 = tpu.memref_squeeze %dma_wait3A_134 : memref<1x125x128xf32, #tpu.memory_space<hbm>> -> memref<125x128xf32, #tpu.memory_space<hbm>>
      %dma_wait3A_136 = arith.constant 0 : i32
      %dma_wait3A_137 = tpu.memref_slice %arg10[%add3A_118, %dma_wait3A_136] : memref<10000x128xf32, #tpu.memory_space<vmem_shared>> -> memref<125x128xf32, #tpu.memory_space<vmem_shared>>
      tpu.wait_dma2 semaphore(%run_scoped3A_127 : memref<!tpu.dma_semaphore, #tpu.memory_space<semaphore_mem>>) src(%dma_wait3A_137 : memref<125x128xf32, #tpu.memory_space<vmem_shared>>) dst(%dma_wait3A_135 : memref<125x128xf32, #tpu.memory_space<hbm>>)
      tpu.yield
    }) : () -> ()
    %mul3A_119 = arith.constant 625 : i32
    %mul3A_120 = arith.muli %arg1, %mul3A_119 : i32
    %add3A_121 = arith.constant 375 : i32
    %add3A_122 = arith.addi %mul3A_120, %add3A_121 : i32
    "tpu.region"() ({
      %run_scoped3A_127 = tpu.sem_alloc : memref<!tpu.dma_semaphore, #tpu.memory_space<semaphore_mem>>
      %dma_start3A_128 = arith.constant 0 : i32
      %dma_start3A_129 = tpu.memref_slice %arg5[%arg0, %add3A_122, %dma_start3A_128] : memref<2x10000x128xf32, #tpu.memory_space<hbm>> -> memref<1x125x128xf32, #tpu.memory_space<hbm>>
      %dma_start3A_130 = tpu.memref_squeeze %dma_start3A_129 : memref<1x125x128xf32, #tpu.memory_space<hbm>> -> memref<125x128xf32, #tpu.memory_space<hbm>>
      %dma_start3A_131 = arith.constant 0 : i32
      %dma_start3A_132 = tpu.memref_slice %arg10[%add3A_122, %dma_start3A_131] : memref<10000x128xf32, #tpu.memory_space<vmem_shared>> -> memref<125x128xf32, #tpu.memory_space<vmem_shared>>
      tpu.enqueue_dma source(%dma_start3A_132 : memref<125x128xf32, #tpu.memory_space<vmem_shared>>) target(%dma_start3A_130 : memref<125x128xf32, #tpu.memory_space<hbm>>) target_semaphore(%run_scoped3A_127 : memref<!tpu.dma_semaphore, #tpu.memory_space<semaphore_mem>>)
      %dma_wait3A_133 = arith.constant 0 : i32
      %dma_wait3A_134 = tpu.memref_slice %arg5[%arg0, %add3A_122, %dma_wait3A_133] : memref<2x10000x128xf32, #tpu.memory_space<hbm>> -> memref<1x125x128xf32, #tpu.memory_space<hbm>>
      %dma_wait3A_135 = tpu.memref_squeeze %dma_wait3A_134 : memref<1x125x128xf32, #tpu.memory_space<hbm>> -> memref<125x128xf32, #tpu.memory_space<hbm>>
      %dma_wait3A_136 = arith.constant 0 : i32
      %dma_wait3A_137 = tpu.memref_slice %arg10[%add3A_122, %dma_wait3A_136] : memref<10000x128xf32, #tpu.memory_space<vmem_shared>> -> memref<125x128xf32, #tpu.memory_space<vmem_shared>>
      tpu.wait_dma2 semaphore(%run_scoped3A_127 : memref<!tpu.dma_semaphore, #tpu.memory_space<semaphore_mem>>) src(%dma_wait3A_137 : memref<125x128xf32, #tpu.memory_space<vmem_shared>>) dst(%dma_wait3A_135 : memref<125x128xf32, #tpu.memory_space<hbm>>)
      tpu.yield
    }) : () -> ()
    %mul3A_123 = arith.constant 625 : i32
    %mul3A_124 = arith.muli %arg1, %mul3A_123 : i32
    %add3A_125 = arith.constant 500 : i32
    %add3A_126 = arith.addi %mul3A_124, %add3A_125 : i32
    "tpu.region"() ({
      %run_scoped3A_127 = tpu.sem_alloc : memref<!tpu.dma_semaphore, #tpu.memory_space<semaphore_mem>>
      %dma_start3A_128 = arith.constant 0 : i32
      %dma_start3A_129 = tpu.memref_slice %arg5[%arg0, %add3A_126, %dma_start3A_128] : memref<2x10000x128xf32, #tpu.memory_space<hbm>> -> memref<1x125x128xf32, #tpu.memory_space<hbm>>
      %dma_start3A_130 = tpu.memref_squeeze %dma_start3A_129 : memref<1x125x128xf32, #tpu.memory_space<hbm>> -> memref<125x128xf32, #tpu.memory_space<hbm>>
      %dma_start3A_131 = arith.constant 0 : i32
      %dma_start3A_132 = tpu.memref_slice %arg10[%add3A_126, %dma_start3A_131] : memref<10000x128xf32, #tpu.memory_space<vmem_shared>> -> memref<125x128xf32, #tpu.memory_space<vmem_shared>>
      tpu.enqueue_dma source(%dma_start3A_132 : memref<125x128xf32, #tpu.memory_space<vmem_shared>>) target(%dma_start3A_130 : memref<125x128xf32, #tpu.memory_space<hbm>>) target_semaphore(%run_scoped3A_127 : memref<!tpu.dma_semaphore, #tpu.memory_space<semaphore_mem>>)
      %dma_wait3A_133 = arith.constant 0 : i32
      %dma_wait3A_134 = tpu.memref_slice %arg5[%arg0, %add3A_126, %dma_wait3A_133] : memref<2x10000x128xf32, #tpu.memory_space<hbm>> -> memref<1x125x128xf32, #tpu.memory_space<hbm>>
      %dma_wait3A_135 = tpu.memref_squeeze %dma_wait3A_134 : memref<1x125x128xf32, #tpu.memory_space<hbm>> -> memref<125x128xf32, #tpu.memory_space<hbm>>
      %dma_wait3A_136 = arith.constant 0 : i32
      %dma_wait3A_137 = tpu.memref_slice %arg10[%add3A_126, %dma_wait3A_136] : memref<10000x128xf32, #tpu.memory_space<vmem_shared>> -> memref<125x128xf32, #tpu.memory_space<vmem_shared>>
      tpu.wait_dma2 semaphore(%run_scoped3A_127 : memref<!tpu.dma_semaphore, #tpu.memory_space<semaphore_mem>>) src(%dma_wait3A_137 : memref<125x128xf32, #tpu.memory_space<vmem_shared>>) dst(%dma_wait3A_135 : memref<125x128xf32, #tpu.memory_space<hbm>>)
      tpu.yield
    }) : () -> ()
    return
  }
}

#map = affine_map<(d0, d1) -> (0, 0)>
module attributes {stable_mosaic.version = 14 : i64} {
  func.func @deg_kernel(%arg0: i32, %arg1: i32, %arg2: memref<2517x128xi32, #tpu.memory_space<hbm>>, %arg3: memref<2x10240xf32, #tpu.memory_space<hbm>>, %arg4: memref<79x128xi32, #tpu.memory_space<vmem>>, %arg5: memref<128xf32, #tpu.memory_space<vmem>>, %arg6: memref<640xf32, #tpu.memory_space<vmem>>, %arg7: memref<10240xf32, #tpu.memory_space<vmem_shared>>) attributes {dimension_semantics = [#tpu.dimension_semantics<core_parallel>, #tpu.dimension_semantics<subcore_parallel>], iteration_bounds = array<i64: 2, 16>, scalar_prefetch = 0 : i64, scratch_operands = 4 : i64, tpu.core_type = #tpu.core_type<sc_vector_subcore>, window_params = [{transform_indices = #map}, {transform_indices = #map}]} {
    %mul3A = arith.constant 16 : i32
    %mul3A_0 = arith.muli %arg0, %mul3A : i32
    %add3A = arith.addi %mul3A_0, %arg1 : i32
    %mul3A_1 = arith.constant 2500 : i32
    %mul3A_2 = arith.muli %add3A, %mul3A_1 : i32
    %jit3A = arith.constant 32 : i32
    %div3A = arith.divsi %mul3A_2, %jit3A : i32
    %sign3A = arith.constant 0 : i32
    %sign3A_3 = arith.cmpi sgt, %mul3A_2, %sign3A : i32
    %sign3A_4 = arith.extui %sign3A_3 : i1 to i32
    %sign3A_5 = arith.constant 0 : i32
    %sign3A_6 = arith.cmpi slt, %mul3A_2, %sign3A_5 : i32
    %sign3A_7 = arith.extui %sign3A_6 : i1 to i32
    %sign3A_8 = arith.subi %sign3A_4, %sign3A_7 : i32
    %sign3A_9 = arith.constant 0 : i32
    %sign3A_10 = arith.cmpi sgt, %jit3A, %sign3A_9 : i32
    %sign3A_11 = arith.extui %sign3A_10 : i1 to i32
    %sign3A_12 = arith.constant 0 : i32
    %sign3A_13 = arith.cmpi slt, %jit3A, %sign3A_12 : i32
    %sign3A_14 = arith.extui %sign3A_13 : i1 to i32
    %sign3A_15 = arith.subi %sign3A_11, %sign3A_14 : i32
    %ne3A = arith.cmpi ne, %sign3A_8, %sign3A_15 : i32
    %rem3A = arith.remsi %mul3A_2, %jit3A : i32
    %ne3A_16 = arith.constant 0 : i32
    %ne3A_17 = arith.cmpi ne, %rem3A, %ne3A_16 : i32
    %and3A = arith.andi %ne3A, %ne3A_17 : i1
    %sub3A = arith.constant 1 : i32
    %sub3A_18 = arith.subi %div3A, %sub3A : i32
    %select_n3A = arith.select %and3A, %sub3A_18, %div3A : i32
    %add3A_19 = arith.constant 1 : i32
    %add3A_20 = arith.addi %add3A, %add3A_19 : i32
    %mul3A_21 = arith.constant 2500 : i32
    %mul3A_22 = arith.muli %add3A_20, %mul3A_21 : i32
    %jit3A_23 = arith.constant 32 : i32
    %div3A_24 = arith.divsi %mul3A_22, %jit3A_23 : i32
    %sign3A_25 = arith.constant 0 : i32
    %sign3A_26 = arith.cmpi sgt, %mul3A_22, %sign3A_25 : i32
    %sign3A_27 = arith.extui %sign3A_26 : i1 to i32
    %sign3A_28 = arith.constant 0 : i32
    %sign3A_29 = arith.cmpi slt, %mul3A_22, %sign3A_28 : i32
    %sign3A_30 = arith.extui %sign3A_29 : i1 to i32
    %sign3A_31 = arith.subi %sign3A_27, %sign3A_30 : i32
    %sign3A_32 = arith.constant 0 : i32
    %sign3A_33 = arith.cmpi sgt, %jit3A_23, %sign3A_32 : i32
    %sign3A_34 = arith.extui %sign3A_33 : i1 to i32
    %sign3A_35 = arith.constant 0 : i32
    %sign3A_36 = arith.cmpi slt, %jit3A_23, %sign3A_35 : i32
    %sign3A_37 = arith.extui %sign3A_36 : i1 to i32
    %sign3A_38 = arith.subi %sign3A_34, %sign3A_37 : i32
    %ne3A_39 = arith.cmpi ne, %sign3A_31, %sign3A_38 : i32
    %rem3A_40 = arith.remsi %mul3A_22, %jit3A_23 : i32
    %ne3A_41 = arith.constant 0 : i32
    %ne3A_42 = arith.cmpi ne, %rem3A_40, %ne3A_41 : i32
    %and3A_43 = arith.andi %ne3A_39, %ne3A_42 : i1
    %sub3A_44 = arith.constant 1 : i32
    %sub3A_45 = arith.subi %div3A_24, %sub3A_44 : i32
    %select_n3A_46 = arith.select %and3A_43, %sub3A_45, %div3A_24 : i32
    %sub3A_47 = arith.subi %select_n3A_46, %select_n3A : i32
    %broadcast_in_dim3A = arith.constant 1.000000e+00 : f32
    %broadcast_in_dim3A_48 = vector.broadcast %broadcast_in_dim3A : f32 to vector<16xf32>
    %broadcast_in_dim3A_49 = arith.constant 0.000000e+00 : f32
    %broadcast_in_dim3A_50 = vector.broadcast %broadcast_in_dim3A_49 : f32 to vector<16xf32>
    %swap3A = arith.constant 0 : index
    %swap3A_51 = tpu.vector_load %arg5[%swap3A] {strides = array<i32>} : memref<128xf32, #tpu.memory_space<vmem>>, vector<16xf32>,
    %swap3A_52 = vector.shape_cast %swap3A_51 : vector<16xf32> to vector<16xf32>
    %swap3A_53 = vector.shape_cast %broadcast_in_dim3A_48 : vector<16xf32> to vector<16xf32>
    tpu.vector_store %arg5[%swap3A], %swap3A_53 {strides = array<i32>} : memref<128xf32, #tpu.memory_space<vmem>>, vector<16xf32>,
    %swap3A_54 = arith.constant 16 : index
    %swap3A_55 = tpu.vector_load %arg5[%swap3A_54] {strides = array<i32>} : memref<128xf32, #tpu.memory_space<vmem>>, vector<16xf32>,
    %swap3A_56 = vector.shape_cast %swap3A_55 : vector<16xf32> to vector<16xf32>
    %swap3A_57 = vector.shape_cast %broadcast_in_dim3A_48 : vector<16xf32> to vector<16xf32>
    tpu.vector_store %arg5[%swap3A_54], %swap3A_57 {strides = array<i32>} : memref<128xf32, #tpu.memory_space<vmem>>, vector<16xf32>,
    %swap3A_58 = arith.constant 32 : index
    %swap3A_59 = tpu.vector_load %arg5[%swap3A_58] {strides = array<i32>} : memref<128xf32, #tpu.memory_space<vmem>>, vector<16xf32>,
    %swap3A_60 = vector.shape_cast %swap3A_59 : vector<16xf32> to vector<16xf32>
    %swap3A_61 = vector.shape_cast %broadcast_in_dim3A_48 : vector<16xf32> to vector<16xf32>
    tpu.vector_store %arg5[%swap3A_58], %swap3A_61 {strides = array<i32>} : memref<128xf32, #tpu.memory_space<vmem>>, vector<16xf32>,
    %swap3A_62 = arith.constant 48 : index
    %swap3A_63 = tpu.vector_load %arg5[%swap3A_62] {strides = array<i32>} : memref<128xf32, #tpu.memory_space<vmem>>, vector<16xf32>,
    %swap3A_64 = vector.shape_cast %swap3A_63 : vector<16xf32> to vector<16xf32>
    %swap3A_65 = vector.shape_cast %broadcast_in_dim3A_48 : vector<16xf32> to vector<16xf32>
    tpu.vector_store %arg5[%swap3A_62], %swap3A_65 {strides = array<i32>} : memref<128xf32, #tpu.memory_space<vmem>>, vector<16xf32>,
    %swap3A_66 = arith.constant 64 : index
    %swap3A_67 = tpu.vector_load %arg5[%swap3A_66] {strides = array<i32>} : memref<128xf32, #tpu.memory_space<vmem>>, vector<16xf32>,
    %swap3A_68 = vector.shape_cast %swap3A_67 : vector<16xf32> to vector<16xf32>
    %swap3A_69 = vector.shape_cast %broadcast_in_dim3A_48 : vector<16xf32> to vector<16xf32>
    tpu.vector_store %arg5[%swap3A_66], %swap3A_69 {strides = array<i32>} : memref<128xf32, #tpu.memory_space<vmem>>, vector<16xf32>,
    %swap3A_70 = arith.constant 80 : index
    %swap3A_71 = tpu.vector_load %arg5[%swap3A_70] {strides = array<i32>} : memref<128xf32, #tpu.memory_space<vmem>>, vector<16xf32>,
    %swap3A_72 = vector.shape_cast %swap3A_71 : vector<16xf32> to vector<16xf32>
    %swap3A_73 = vector.shape_cast %broadcast_in_dim3A_48 : vector<16xf32> to vector<16xf32>
    tpu.vector_store %arg5[%swap3A_70], %swap3A_73 {strides = array<i32>} : memref<128xf32, #tpu.memory_space<vmem>>, vector<16xf32>,
    %swap3A_74 = arith.constant 96 : index
    %swap3A_75 = tpu.vector_load %arg5[%swap3A_74] {strides = array<i32>} : memref<128xf32, #tpu.memory_space<vmem>>, vector<16xf32>,
    %swap3A_76 = vector.shape_cast %swap3A_75 : vector<16xf32> to vector<16xf32>
    %swap3A_77 = vector.shape_cast %broadcast_in_dim3A_48 : vector<16xf32> to vector<16xf32>
    tpu.vector_store %arg5[%swap3A_74], %swap3A_77 {strides = array<i32>} : memref<128xf32, #tpu.memory_space<vmem>>, vector<16xf32>,
    %swap3A_78 = arith.constant 112 : index
    %swap3A_79 = tpu.vector_load %arg5[%swap3A_78] {strides = array<i32>} : memref<128xf32, #tpu.memory_space<vmem>>, vector<16xf32>,
    %swap3A_80 = vector.shape_cast %swap3A_79 : vector<16xf32> to vector<16xf32>
    %swap3A_81 = vector.shape_cast %broadcast_in_dim3A_48 : vector<16xf32> to vector<16xf32>
    tpu.vector_store %arg5[%swap3A_78], %swap3A_81 {strides = array<i32>} : memref<128xf32, #tpu.memory_space<vmem>>, vector<16xf32>,
    %scan3A = arith.constant 0 : i32
    %scan3A_82 = arith.constant 0 : i32
    %scan3A_83 = arith.constant 40 : i32
    %scan3A_84 = arith.addi %scan3A_82, %scan3A_83 : i32
    %scan3A_85 = arith.constant 1 : i32
    scf.for %scan3A_100 = %scan3A_82 to %scan3A_84 step %scan3A_85  : i32 {
      %mul3A_101 = arith.constant 16 : i32
      %mul3A_102 = arith.muli %scan3A_100, %mul3A_101 : i32
      %swap3A_103 = arith.index_cast %mul3A_102 : i32 to index
      %swap3A_104 = tpu.vector_load %arg6[%swap3A_103] {strides = array<i32>} : memref<640xf32, #tpu.memory_space<vmem>>, vector<16xf32>,
      %swap3A_105 = vector.shape_cast %swap3A_104 : vector<16xf32> to vector<16xf32>
      %swap3A_106 = vector.shape_cast %broadcast_in_dim3A_50 : vector<16xf32> to vector<16xf32>
      tpu.vector_store %arg6[%swap3A_103], %swap3A_106 {strides = array<i32>} : memref<640xf32, #tpu.memory_space<vmem>>, vector<16xf32>,
    }
    %scan3A_86 = arith.constant 40 : i32
    %mul3A_87 = arith.constant 640 : i32
    %mul3A_88 = arith.muli %arg1, %mul3A_87 : i32
    "tpu.region"() ({
      %run_scoped3A = tpu.sem_alloc : memref<!tpu.dma_semaphore, #tpu.memory_space<semaphore_mem>>
      %dma_start3A = tpu.memref_slice %arg7[%mul3A_88] : memref<10240xf32, #tpu.memory_space<vmem_shared>> -> memref<640xf32, #tpu.memory_space<vmem_shared>>
      %dma_start3A_100 = tpu.memref_slice %arg7[%mul3A_88] : memref<10240xf32, #tpu.memory_space<vmem_shared>> -> memref<640xf32, #tpu.memory_space<vmem_shared>>
      tpu.enqueue_dma source(%arg6 : memref<640xf32, #tpu.memory_space<vmem>>) target(%dma_start3A_100 : memref<640xf32, #tpu.memory_space<vmem_shared>>) target_semaphore(%run_scoped3A : memref<!tpu.dma_semaphore, #tpu.memory_space<semaphore_mem>>)
      %dma_wait3A = tpu.memref_slice %arg7[%mul3A_88] : memref<10240xf32, #tpu.memory_space<vmem_shared>> -> memref<640xf32, #tpu.memory_space<vmem_shared>>
      %dma_wait3A_101 = tpu.memref_slice %arg7[%mul3A_88] : memref<10240xf32, #tpu.memory_space<vmem_shared>> -> memref<640xf32, #tpu.memory_space<vmem_shared>>
      tpu.wait_dma2 semaphore(%run_scoped3A : memref<!tpu.dma_semaphore, #tpu.memory_space<semaphore_mem>>) src(%arg6 : memref<640xf32, #tpu.memory_space<vmem>>) dst(%dma_wait3A_101 : memref<640xf32, #tpu.memory_space<vmem_shared>>)
      tpu.yield
    }) : () -> ()
    %barrier3A = arith.constant 0 : index
    tpu.barrier barrier_id(%barrier3A)
    "tpu.region"() ({
      %run_scoped3A = tpu.sem_alloc : memref<!tpu.dma_semaphore, #tpu.memory_space<semaphore_mem>>
      %dma_start3A = arith.constant 0 : i32
      %dma_start3A_100 = tpu.memref_slice %arg2[%select_n3A, %dma_start3A] : memref<2517x128xi32, #tpu.memory_space<hbm>> -> memref<79x128xi32, #tpu.memory_space<hbm>>
      %dma_start3A_101 = arith.constant 0 : i32
      %dma_start3A_102 = tpu.memref_slice %arg2[%select_n3A, %dma_start3A_101] : memref<2517x128xi32, #tpu.memory_space<hbm>> -> memref<79x128xi32, #tpu.memory_space<hbm>>
      tpu.enqueue_dma source(%dma_start3A_102 : memref<79x128xi32, #tpu.memory_space<hbm>>) target(%arg4 : memref<79x128xi32, #tpu.memory_space<vmem>>) target_semaphore(%run_scoped3A : memref<!tpu.dma_semaphore, #tpu.memory_space<semaphore_mem>>)
      %dma_wait3A = arith.constant 0 : i32
      %dma_wait3A_103 = tpu.memref_slice %arg2[%select_n3A, %dma_wait3A] : memref<2517x128xi32, #tpu.memory_space<hbm>> -> memref<79x128xi32, #tpu.memory_space<hbm>>
      %dma_wait3A_104 = arith.constant 0 : i32
      %dma_wait3A_105 = tpu.memref_slice %arg2[%select_n3A, %dma_wait3A_104] : memref<2517x128xi32, #tpu.memory_space<hbm>> -> memref<79x128xi32, #tpu.memory_space<hbm>>
      tpu.wait_dma2 semaphore(%run_scoped3A : memref<!tpu.dma_semaphore, #tpu.memory_space<semaphore_mem>>) src(%dma_wait3A_105 : memref<79x128xi32, #tpu.memory_space<hbm>>) dst(%arg4 : memref<79x128xi32, #tpu.memory_space<vmem>>)
      tpu.yield
    }) : () -> ()
    %scan3A_89 = arith.constant 0 : i32
    %scan3A_90 = arith.constant 0 : i32
    %scan3A_91 = arith.constant 79 : i32
    %scan3A_92 = arith.addi %scan3A_90, %scan3A_91 : i32
    %scan3A_93 = arith.constant 1 : i32
    scf.for %scan3A_100 = %scan3A_90 to %scan3A_92 step %scan3A_93  : i32 {
      %lt3A = arith.cmpi slt, %scan3A_100, %sub3A_47 : i32
      %convert_element_type3A = arith.extui %lt3A : i1 to i32
      %cond3A = arith.constant 0 : i32
      %cond3A_101 = arith.cmpi ne, %convert_element_type3A, %cond3A : i32
      scf.if %cond3A_101 {
        "tpu.region"() ({
          %run_scoped3A = tpu.sem_alloc : memref<!tpu.dma_semaphore, #tpu.memory_space<semaphore_mem>>
          %dma_start3A = arith.constant 0 : i32
          %dma_start3A_102 = tpu.memref_slice %arg4[%scan3A_100, %dma_start3A] : memref<79x128xi32, #tpu.memory_space<vmem>> -> memref<1x128xi32, #tpu.memory_space<vmem>>
          %dma_start3A_103 = tpu.memref_squeeze %dma_start3A_102 : memref<1x128xi32, #tpu.memory_space<vmem>> -> memref<128xi32, #tpu.memory_space<vmem>>
          %dma_start3A_104 = arith.constant 0 : i32
          %dma_start3A_105 = tpu.memref_slice %arg7[%dma_start3A_104] : memref<10240xf32, #tpu.memory_space<vmem_shared>> -> memref<10240xf32, #tpu.memory_space<vmem_shared>>
          tpu.enqueue_indirect_dma source(%arg5 : memref<128xf32, #tpu.memory_space<vmem>>) target(%dma_start3A_105 : memref<10240xf32, #tpu.memory_space<vmem_shared>>) offsets(%dma_start3A_103 : memref<128xi32, #tpu.memory_space<vmem>>) semaphore(%run_scoped3A : memref<!tpu.dma_semaphore, #tpu.memory_space<semaphore_mem>>) {add = true}
          %dma_wait3A = arith.constant 0 : i32
          %dma_wait3A_106 = tpu.memref_slice %arg4[%scan3A_100, %dma_wait3A] : memref<79x128xi32, #tpu.memory_space<vmem>> -> memref<1x128xi32, #tpu.memory_space<vmem>>
          %dma_wait3A_107 = tpu.memref_squeeze %dma_wait3A_106 : memref<1x128xi32, #tpu.memory_space<vmem>> -> memref<128xi32, #tpu.memory_space<vmem>>
          %dma_wait3A_108 = arith.constant 0 : i32
          %dma_wait3A_109 = tpu.memref_slice %arg7[%dma_wait3A_108] : memref<10240xf32, #tpu.memory_space<vmem_shared>> -> memref<10240xf32, #tpu.memory_space<vmem_shared>>
          tpu.wait_indirect_dma semaphore(%run_scoped3A : memref<!tpu.dma_semaphore, #tpu.memory_space<semaphore_mem>>) src(%arg5 : memref<128xf32, #tpu.memory_space<vmem>>) dst(%dma_wait3A_109 : memref<10240xf32, #tpu.memory_space<vmem_shared>>)
          tpu.yield
        }) : () -> ()
      } else {
      }
    }
    %scan3A_94 = arith.constant 79 : i32
    %barrier3A_95 = arith.constant 0 : index
    tpu.barrier barrier_id(%barrier3A_95)
    %mul3A_96 = arith.constant 640 : i32
    %mul3A_97 = arith.muli %arg1, %mul3A_96 : i32
    "tpu.region"() ({
      %run_scoped3A = tpu.sem_alloc : memref<!tpu.dma_semaphore, #tpu.memory_space<semaphore_mem>>
      %dma_start3A = tpu.memref_slice %arg7[%mul3A_97] : memref<10240xf32, #tpu.memory_space<vmem_shared>> -> memref<640xf32, #tpu.memory_space<vmem_shared>>
      %dma_start3A_100 = tpu.memref_slice %arg7[%mul3A_97] : memref<10240xf32, #tpu.memory_space<vmem_shared>> -> memref<640xf32, #tpu.memory_space<vmem_shared>>
      tpu.enqueue_dma source(%dma_start3A_100 : memref<640xf32, #tpu.memory_space<vmem_shared>>) target(%arg6 : memref<640xf32, #tpu.memory_space<vmem>>) target_semaphore(%run_scoped3A : memref<!tpu.dma_semaphore, #tpu.memory_space<semaphore_mem>>)
      %dma_wait3A = tpu.memref_slice %arg7[%mul3A_97] : memref<10240xf32, #tpu.memory_space<vmem_shared>> -> memref<640xf32, #tpu.memory_space<vmem_shared>>
      %dma_wait3A_101 = tpu.memref_slice %arg7[%mul3A_97] : memref<10240xf32, #tpu.memory_space<vmem_shared>> -> memref<640xf32, #tpu.memory_space<vmem_shared>>
      tpu.wait_dma2 semaphore(%run_scoped3A : memref<!tpu.dma_semaphore, #tpu.memory_space<semaphore_mem>>) src(%dma_wait3A_101 : memref<640xf32, #tpu.memory_space<vmem_shared>>) dst(%arg6 : memref<640xf32, #tpu.memory_space<vmem>>)
      tpu.yield
    }) : () -> ()
    %mul3A_98 = arith.constant 640 : i32
    %mul3A_99 = arith.muli %arg1, %mul3A_98 : i32
    "tpu.region"() ({
      %run_scoped3A = tpu.sem_alloc : memref<!tpu.dma_semaphore, #tpu.memory_space<semaphore_mem>>
      %dma_start3A = tpu.memref_slice %arg3[%arg0, %mul3A_99] : memref<2x10240xf32, #tpu.memory_space<hbm>> -> memref<1x640xf32, #tpu.memory_space<hbm>>
      %dma_start3A_100 = tpu.memref_squeeze %dma_start3A : memref<1x640xf32, #tpu.memory_space<hbm>> -> memref<640xf32, #tpu.memory_space<hbm>>
      %dma_start3A_101 = tpu.memref_slice %arg3[%arg0, %mul3A_99] : memref<2x10240xf32, #tpu.memory_space<hbm>> -> memref<1x640xf32, #tpu.memory_space<hbm>>
      %dma_start3A_102 = tpu.memref_squeeze %dma_start3A_101 : memref<1x640xf32, #tpu.memory_space<hbm>> -> memref<640xf32, #tpu.memory_space<hbm>>
      tpu.enqueue_dma source(%arg6 : memref<640xf32, #tpu.memory_space<vmem>>) target(%dma_start3A_102 : memref<640xf32, #tpu.memory_space<hbm>>) target_semaphore(%run_scoped3A : memref<!tpu.dma_semaphore, #tpu.memory_space<semaphore_mem>>)
      %dma_wait3A = tpu.memref_slice %arg3[%arg0, %mul3A_99] : memref<2x10240xf32, #tpu.memory_space<hbm>> -> memref<1x640xf32, #tpu.memory_space<hbm>>
      %dma_wait3A_103 = tpu.memref_squeeze %dma_wait3A : memref<1x640xf32, #tpu.memory_space<hbm>> -> memref<640xf32, #tpu.memory_space<hbm>>
      %dma_wait3A_104 = tpu.memref_slice %arg3[%arg0, %mul3A_99] : memref<2x10240xf32, #tpu.memory_space<hbm>> -> memref<1x640xf32, #tpu.memory_space<hbm>>
      %dma_wait3A_105 = tpu.memref_squeeze %dma_wait3A_104 : memref<1x640xf32, #tpu.memory_space<hbm>> -> memref<640xf32, #tpu.memory_space<hbm>>
      tpu.wait_dma2 semaphore(%run_scoped3A : memref<!tpu.dma_semaphore, #tpu.memory_space<semaphore_mem>>) src(%arg6 : memref<640xf32, #tpu.memory_space<vmem>>) dst(%dma_wait3A_105 : memref<640xf32, #tpu.memory_space<hbm>>)
      tpu.yield
    }) : () -> ()
    return
  }
}

#map = affine_map<(d0, d1) -> (0, 0)>
#map1 = affine_map<(d0, d1) -> (0, 0, 0)>
module attributes {stable_mosaic.version = 14 : i64} {
  func.func @prop_kernel(%arg0: i32, %arg1: i32, %arg2: memref<10000x128xf32, #tpu.memory_space<hbm>>, %arg3: memref<2517x128xi32, #tpu.memory_space<hbm>>, %arg4: memref<2517x128xi32, #tpu.memory_space<hbm>>, %arg5: memref<2x10000x128xf32, #tpu.memory_space<hbm>>, %arg6: memref<2x16x128xi32, #tpu.memory_space<vmem>>, %arg7: memref<2x16x128xi32, #tpu.memory_space<vmem>>, %arg8: memref<128x128xf32, #tpu.memory_space<vmem>>, %arg9: memref<128x128xf32, #tpu.memory_space<vmem>>, %arg10: memref<10000x128xf32, #tpu.memory_space<vmem_shared>>, %arg11: memref<!tpu.dma_semaphore, #tpu.memory_space<semaphore_mem>>, %arg12: memref<!tpu.dma_semaphore, #tpu.memory_space<semaphore_mem>>, %arg13: memref<!tpu.dma_semaphore, #tpu.memory_space<semaphore_mem>>, %arg14: memref<!tpu.dma_semaphore, #tpu.memory_space<semaphore_mem>>) attributes {dimension_semantics = [#tpu.dimension_semantics<core_parallel>, #tpu.dimension_semantics<subcore_parallel>], iteration_bounds = array<i64: 2, 16>, scalar_prefetch = 0 : i64, scratch_operands = 9 : i64, tpu.core_type = #tpu.core_type<sc_vector_subcore>, window_params = [{transform_indices = #map}, {transform_indices = #map}, {transform_indices = #map}, {transform_indices = #map1}]} {
    %mul3A = arith.constant 16 : i32
    %mul3A_0 = arith.muli %arg0, %mul3A : i32
    %add3A = arith.addi %mul3A_0, %arg1 : i32
    %mul3A_1 = arith.constant 2500 : i32
    %mul3A_2 = arith.muli %add3A, %mul3A_1 : i32
    %jit3A = arith.constant 32 : i32
    %div3A = arith.divsi %mul3A_2, %jit3A : i32
    %sign3A = arith.constant 0 : i32
    %sign3A_3 = arith.cmpi sgt, %mul3A_2, %sign3A : i32
    %sign3A_4 = arith.extui %sign3A_3 : i1 to i32
    %sign3A_5 = arith.constant 0 : i32
    %sign3A_6 = arith.cmpi slt, %mul3A_2, %sign3A_5 : i32
    %sign3A_7 = arith.extui %sign3A_6 : i1 to i32
    %sign3A_8 = arith.subi %sign3A_4, %sign3A_7 : i32
    %sign3A_9 = arith.constant 0 : i32
    %sign3A_10 = arith.cmpi sgt, %jit3A, %sign3A_9 : i32
    %sign3A_11 = arith.extui %sign3A_10 : i1 to i32
    %sign3A_12 = arith.constant 0 : i32
    %sign3A_13 = arith.cmpi slt, %jit3A, %sign3A_12 : i32
    %sign3A_14 = arith.extui %sign3A_13 : i1 to i32
    %sign3A_15 = arith.subi %sign3A_11, %sign3A_14 : i32
    %ne3A = arith.cmpi ne, %sign3A_8, %sign3A_15 : i32
    %rem3A = arith.remsi %mul3A_2, %jit3A : i32
    %ne3A_16 = arith.constant 0 : i32
    %ne3A_17 = arith.cmpi ne, %rem3A, %ne3A_16 : i32
    %and3A = arith.andi %ne3A, %ne3A_17 : i1
    %sub3A = arith.constant 1 : i32
    %sub3A_18 = arith.subi %div3A, %sub3A : i32
    %select_n3A = arith.select %and3A, %sub3A_18, %div3A : i32
    %add3A_19 = arith.constant 1 : i32
    %add3A_20 = arith.addi %add3A, %add3A_19 : i32
    %mul3A_21 = arith.constant 2500 : i32
    %mul3A_22 = arith.muli %add3A_20, %mul3A_21 : i32
    %jit3A_23 = arith.constant 32 : i32
    %div3A_24 = arith.divsi %mul3A_22, %jit3A_23 : i32
    %sign3A_25 = arith.constant 0 : i32
    %sign3A_26 = arith.cmpi sgt, %mul3A_22, %sign3A_25 : i32
    %sign3A_27 = arith.extui %sign3A_26 : i1 to i32
    %sign3A_28 = arith.constant 0 : i32
    %sign3A_29 = arith.cmpi slt, %mul3A_22, %sign3A_28 : i32
    %sign3A_30 = arith.extui %sign3A_29 : i1 to i32
    %sign3A_31 = arith.subi %sign3A_27, %sign3A_30 : i32
    %sign3A_32 = arith.constant 0 : i32
    %sign3A_33 = arith.cmpi sgt, %jit3A_23, %sign3A_32 : i32
    %sign3A_34 = arith.extui %sign3A_33 : i1 to i32
    %sign3A_35 = arith.constant 0 : i32
    %sign3A_36 = arith.cmpi slt, %jit3A_23, %sign3A_35 : i32
    %sign3A_37 = arith.extui %sign3A_36 : i1 to i32
    %sign3A_38 = arith.subi %sign3A_34, %sign3A_37 : i32
    %ne3A_39 = arith.cmpi ne, %sign3A_31, %sign3A_38 : i32
    %rem3A_40 = arith.remsi %mul3A_22, %jit3A_23 : i32
    %ne3A_41 = arith.constant 0 : i32
    %ne3A_42 = arith.cmpi ne, %rem3A_40, %ne3A_41 : i32
    %and3A_43 = arith.andi %ne3A_39, %ne3A_42 : i1
    %sub3A_44 = arith.constant 1 : i32
    %sub3A_45 = arith.subi %div3A_24, %sub3A_44 : i32
    %select_n3A_46 = arith.select %and3A_43, %sub3A_45, %div3A_24 : i32
    %sub3A_47 = arith.subi %select_n3A_46, %select_n3A : i32
    %run_scoped3A = arith.constant 0 : i32
    "tpu.region"() ({
      %run_scoped3A_127 = tpu.sem_alloc : memref<!tpu.dma_semaphore, #tpu.memory_space<semaphore_mem>>
      %dma_start3A_128 = arith.constant 0 : i32
      %dma_start3A_129 = arith.constant 0 : i32
      %dma_start3A_130 = tpu.memref_slice %arg6[%run_scoped3A, %dma_start3A_128, %dma_start3A_129] : memref<2x16x128xi32, #tpu.memory_space<vmem>> -> memref<1x16x128xi32, #tpu.memory_space<vmem>>
      %dma_start3A_131 = tpu.memref_squeeze %dma_start3A_130 : memref<1x16x128xi32, #tpu.memory_space<vmem>> -> memref<16x128xi32, #tpu.memory_space<vmem>>
      %dma_start3A_132 = arith.constant 0 : i32
      %dma_start3A_133 = tpu.memref_slice %arg3[%select_n3A, %dma_start3A_132] : memref<2517x128xi32, #tpu.memory_space<hbm>> -> memref<16x128xi32, #tpu.memory_space<hbm>>
      %dma_start3A_134 = arith.constant 0 : i32
      %dma_start3A_135 = arith.constant 0 : i32
      %dma_start3A_136 = tpu.memref_slice %arg6[%run_scoped3A, %dma_start3A_134, %dma_start3A_135] : memref<2x16x128xi32, #tpu.memory_space<vmem>> -> memref<1x16x128xi32, #tpu.memory_space<vmem>>
      %dma_start3A_137 = tpu.memref_squeeze %dma_start3A_136 : memref<1x16x128xi32, #tpu.memory_space<vmem>> -> memref<16x128xi32, #tpu.memory_space<vmem>>
      %dma_start3A_138 = arith.constant 0 : i32
      %dma_start3A_139 = tpu.memref_slice %arg3[%select_n3A, %dma_start3A_138] : memref<2517x128xi32, #tpu.memory_space<hbm>> -> memref<16x128xi32, #tpu.memory_space<hbm>>
      tpu.enqueue_dma source(%dma_start3A_139 : memref<16x128xi32, #tpu.memory_space<hbm>>) target(%dma_start3A_137 : memref<16x128xi32, #tpu.memory_space<vmem>>) target_semaphore(%run_scoped3A_127 : memref<!tpu.dma_semaphore, #tpu.memory_space<semaphore_mem>>)
      %dma_wait3A_140 = arith.constant 0 : i32
      %dma_wait3A_141 = arith.constant 0 : i32
      %dma_wait3A_142 = tpu.memref_slice %arg6[%run_scoped3A, %dma_wait3A_140, %dma_wait3A_141] : memref<2x16x128xi32, #tpu.memory_space<vmem>> -> memref<1x16x128xi32, #tpu.memory_space<vmem>>
      %dma_wait3A_143 = tpu.memref_squeeze %dma_wait3A_142 : memref<1x16x128xi32, #tpu.memory_space<vmem>> -> memref<16x128xi32, #tpu.memory_space<vmem>>
      %dma_wait3A_144 = arith.constant 0 : i32
      %dma_wait3A_145 = tpu.memref_slice %arg3[%select_n3A, %dma_wait3A_144] : memref<2517x128xi32, #tpu.memory_space<hbm>> -> memref<16x128xi32, #tpu.memory_space<hbm>>
      %dma_wait3A_146 = arith.constant 0 : i32
      %dma_wait3A_147 = arith.constant 0 : i32
      %dma_wait3A_148 = tpu.memref_slice %arg6[%run_scoped3A, %dma_wait3A_146, %dma_wait3A_147] : memref<2x16x128xi32, #tpu.memory_space<vmem>> -> memref<1x16x128xi32, #tpu.memory_space<vmem>>
      %dma_wait3A_149 = tpu.memref_squeeze %dma_wait3A_148 : memref<1x16x128xi32, #tpu.memory_space<vmem>> -> memref<16x128xi32, #tpu.memory_space<vmem>>
      %dma_wait3A_150 = arith.constant 0 : i32
      %dma_wait3A_151 = tpu.memref_slice %arg3[%select_n3A, %dma_wait3A_150] : memref<2517x128xi32, #tpu.memory_space<hbm>> -> memref<16x128xi32, #tpu.memory_space<hbm>>
      tpu.wait_dma2 semaphore(%run_scoped3A_127 : memref<!tpu.dma_semaphore, #tpu.memory_space<semaphore_mem>>) src(%dma_wait3A_151 : memref<16x128xi32, #tpu.memory_space<hbm>>) dst(%dma_wait3A_149 : memref<16x128xi32, #tpu.memory_space<vmem>>)
      tpu.yield
    }) : () -> ()
    %run_scoped3A_48 = arith.constant 0 : i32
    "tpu.region"() ({
      %run_scoped3A_127 = tpu.sem_alloc : memref<!tpu.dma_semaphore, #tpu.memory_space<semaphore_mem>>
      %dma_start3A_128 = arith.constant 0 : i32
      %dma_start3A_129 = arith.constant 0 : i32
      %dma_start3A_130 = tpu.memref_slice %arg7[%run_scoped3A_48, %dma_start3A_128, %dma_start3A_129] : memref<2x16x128xi32, #tpu.memory_space<vmem>> -> memref<1x16x128xi32, #tpu.memory_space<vmem>>
      %dma_start3A_131 = tpu.memref_squeeze %dma_start3A_130 : memref<1x16x128xi32, #tpu.memory_space<vmem>> -> memref<16x128xi32, #tpu.memory_space<vmem>>
      %dma_start3A_132 = arith.constant 0 : i32
      %dma_start3A_133 = tpu.memref_slice %arg4[%select_n3A, %dma_start3A_132] : memref<2517x128xi32, #tpu.memory_space<hbm>> -> memref<16x128xi32, #tpu.memory_space<hbm>>
      %dma_start3A_134 = arith.constant 0 : i32
      %dma_start3A_135 = arith.constant 0 : i32
      %dma_start3A_136 = tpu.memref_slice %arg7[%run_scoped3A_48, %dma_start3A_134, %dma_start3A_135] : memref<2x16x128xi32, #tpu.memory_space<vmem>> -> memref<1x16x128xi32, #tpu.memory_space<vmem>>
      %dma_start3A_137 = tpu.memref_squeeze %dma_start3A_136 : memref<1x16x128xi32, #tpu.memory_space<vmem>> -> memref<16x128xi32, #tpu.memory_space<vmem>>
      %dma_start3A_138 = arith.constant 0 : i32
      %dma_start3A_139 = tpu.memref_slice %arg4[%select_n3A, %dma_start3A_138] : memref<2517x128xi32, #tpu.memory_space<hbm>> -> memref<16x128xi32, #tpu.memory_space<hbm>>
      tpu.enqueue_dma source(%dma_start3A_139 : memref<16x128xi32, #tpu.memory_space<hbm>>) target(%dma_start3A_137 : memref<16x128xi32, #tpu.memory_space<vmem>>) target_semaphore(%run_scoped3A_127 : memref<!tpu.dma_semaphore, #tpu.memory_space<semaphore_mem>>)
      %dma_wait3A_140 = arith.constant 0 : i32
      %dma_wait3A_141 = arith.constant 0 : i32
      %dma_wait3A_142 = tpu.memref_slice %arg7[%run_scoped3A_48, %dma_wait3A_140, %dma_wait3A_141] : memref<2x16x128xi32, #tpu.memory_space<vmem>> -> memref<1x16x128xi32, #tpu.memory_space<vmem>>
      %dma_wait3A_143 = tpu.memref_squeeze %dma_wait3A_142 : memref<1x16x128xi32, #tpu.memory_space<vmem>> -> memref<16x128xi32, #tpu.memory_space<vmem>>
      %dma_wait3A_144 = arith.constant 0 : i32
      %dma_wait3A_145 = tpu.memref_slice %arg4[%select_n3A, %dma_wait3A_144] : memref<2517x128xi32, #tpu.memory_space<hbm>> -> memref<16x128xi32, #tpu.memory_space<hbm>>
      %dma_wait3A_146 = arith.constant 0 : i32
      %dma_wait3A_147 = arith.constant 0 : i32
      %dma_wait3A_148 = tpu.memref_slice %arg7[%run_scoped3A_48, %dma_wait3A_146, %dma_wait3A_147] : memref<2x16x128xi32, #tpu.memory_space<vmem>> -> memref<1x16x128xi32, #tpu.memory_space<vmem>>
      %dma_wait3A_149 = tpu.memref_squeeze %dma_wait3A_148 : memref<1x16x128xi32, #tpu.memory_space<vmem>> -> memref<16x128xi32, #tpu.memory_space<vmem>>
      %dma_wait3A_150 = arith.constant 0 : i32
      %dma_wait3A_151 = tpu.memref_slice %arg4[%select_n3A, %dma_wait3A_150] : memref<2517x128xi32, #tpu.memory_space<hbm>> -> memref<16x128xi32, #tpu.memory_space<hbm>>
      tpu.wait_dma2 semaphore(%run_scoped3A_127 : memref<!tpu.dma_semaphore, #tpu.memory_space<semaphore_mem>>) src(%dma_wait3A_151 : memref<16x128xi32, #tpu.memory_space<hbm>>) dst(%dma_wait3A_149 : memref<16x128xi32, #tpu.memory_space<vmem>>)
      tpu.yield
    }) : () -> ()
    %dma_start3A = arith.constant 0 : i32
    %dma_start3A_49 = arith.constant 0 : i32
    %dma_start3A_50 = arith.constant 0 : i32
    %dma_start3A_51 = tpu.memref_slice %arg6[%dma_start3A, %dma_start3A_49, %dma_start3A_50] : memref<2x16x128xi32, #tpu.memory_space<vmem>> -> memref<1x1x128xi32, #tpu.memory_space<vmem>>
    %dma_start3A_52 = tpu.memref_squeeze %dma_start3A_51 : memref<1x1x128xi32, #tpu.memory_space<vmem>> -> memref<128xi32, #tpu.memory_space<vmem>>
    %dma_start3A_53 = arith.constant 0 : i32
    %dma_start3A_54 = arith.constant 0 : i32
    %dma_start3A_55 = tpu.memref_slice %arg2[%dma_start3A_53, %dma_start3A_54] : memref<10000x128xf32, #tpu.memory_space<hbm>> -> memref<10000x128xf32, #tpu.memory_space<hbm>>
    tpu.enqueue_indirect_dma source(%dma_start3A_55 : memref<10000x128xf32, #tpu.memory_space<hbm>>) target(%arg8 : memref<128x128xf32, #tpu.memory_space<vmem>>) offsets(%dma_start3A_52 : memref<128xi32, #tpu.memory_space<vmem>>) semaphore(%arg11 : memref<!tpu.dma_semaphore, #tpu.memory_space<semaphore_mem>>)
    %broadcast_in_dim3A = arith.constant 0.000000e+00 : f32
    %broadcast_in_dim3A_56 = vector.broadcast %broadcast_in_dim3A : f32 to vector<16xf32>
    %scan3A = arith.constant 0 : i32
    %scan3A_57 = arith.constant 0 : i32
    %scan3A_58 = arith.constant 125 : i32
    %scan3A_59 = arith.addi %scan3A_57, %scan3A_58 : i32
    %scan3A_60 = arith.constant 1 : i32
    scf.for %scan3A_127 = %scan3A_57 to %scan3A_59 step %scan3A_60  : i32 {
      %swap3A = arith.index_cast %scan3A_127 : i32 to index
      %swap3A_128 = arith.constant 0 : index
      %swap3A_129 = tpu.vector_load %arg9[%swap3A, %swap3A_128] {strides = array<i32>} : memref<128x128xf32, #tpu.memory_space<vmem>>, vector<1x16xf32>,
      %swap3A_130 = vector.shape_cast %swap3A_129 : vector<1x16xf32> to vector<16xf32>
      %swap3A_131 = vector.shape_cast %broadcast_in_dim3A_56 : vector<16xf32> to vector<1x16xf32>
      tpu.vector_store %arg9[%swap3A, %swap3A_128], %swap3A_131 {strides = array<i32>} : memref<128x128xf32, #tpu.memory_space<vmem>>, vector<1x16xf32>,
      %swap3A_132 = arith.index_cast %scan3A_127 : i32 to index
      %swap3A_133 = arith.constant 16 : index
      %swap3A_134 = tpu.vector_load %arg9[%swap3A_132, %swap3A_133] {strides = array<i32>} : memref<128x128xf32, #tpu.memory_space<vmem>>, vector<1x16xf32>,
      %swap3A_135 = vector.shape_cast %swap3A_134 : vector<1x16xf32> to vector<16xf32>
      %swap3A_136 = vector.shape_cast %broadcast_in_dim3A_56 : vector<16xf32> to vector<1x16xf32>
      tpu.vector_store %arg9[%swap3A_132, %swap3A_133], %swap3A_136 {strides = array<i32>} : memref<128x128xf32, #tpu.memory_space<vmem>>, vector<1x16xf32>,
      %swap3A_137 = arith.index_cast %scan3A_127 : i32 to index
      %swap3A_138 = arith.constant 32 : index
      %swap3A_139 = tpu.vector_load %arg9[%swap3A_137, %swap3A_138] {strides = array<i32>} : memref<128x128xf32, #tpu.memory_space<vmem>>, vector<1x16xf32>,
      %swap3A_140 = vector.shape_cast %swap3A_139 : vector<1x16xf32> to vector<16xf32>
      %swap3A_141 = vector.shape_cast %broadcast_in_dim3A_56 : vector<16xf32> to vector<1x16xf32>
      tpu.vector_store %arg9[%swap3A_137, %swap3A_138], %swap3A_141 {strides = array<i32>} : memref<128x128xf32, #tpu.memory_space<vmem>>, vector<1x16xf32>,
      %swap3A_142 = arith.index_cast %scan3A_127 : i32 to index
      %swap3A_143 = arith.constant 48 : index
      %swap3A_144 = tpu.vector_load %arg9[%swap3A_142, %swap3A_143] {strides = array<i32>} : memref<128x128xf32, #tpu.memory_space<vmem>>, vector<1x16xf32>,
      %swap3A_145 = vector.shape_cast %swap3A_144 : vector<1x16xf32> to vector<16xf32>
      %swap3A_146 = vector.shape_cast %broadcast_in_dim3A_56 : vector<16xf32> to vector<1x16xf32>
      tpu.vector_store %arg9[%swap3A_142, %swap3A_143], %swap3A_146 {strides = array<i32>} : memref<128x128xf32, #tpu.memory_space<vmem>>, vector<1x16xf32>,
      %swap3A_147 = arith.index_cast %scan3A_127 : i32 to index
      %swap3A_148 = arith.constant 64 : index
      %swap3A_149 = tpu.vector_load %arg9[%swap3A_147, %swap3A_148] {strides = array<i32>} : memref<128x128xf32, #tpu.memory_space<vmem>>, vector<1x16xf32>,
      %swap3A_150 = vector.shape_cast %swap3A_149 : vector<1x16xf32> to vector<16xf32>
      %swap3A_151 = vector.shape_cast %broadcast_in_dim3A_56 : vector<16xf32> to vector<1x16xf32>
      tpu.vector_store %arg9[%swap3A_147, %swap3A_148], %swap3A_151 {strides = array<i32>} : memref<128x128xf32, #tpu.memory_space<vmem>>, vector<1x16xf32>,
      %swap3A_152 = arith.index_cast %scan3A_127 : i32 to index
      %swap3A_153 = arith.constant 80 : index
      %swap3A_154 = tpu.vector_load %arg9[%swap3A_152, %swap3A_153] {strides = array<i32>} : memref<128x128xf32, #tpu.memory_space<vmem>>, vector<1x16xf32>,
      %swap3A_155 = vector.shape_cast %swap3A_154 : vector<1x16xf32> to vector<16xf32>
      %swap3A_156 = vector.shape_cast %broadcast_in_dim3A_56 : vector<16xf32> to vector<1x16xf32>
      tpu.vector_store %arg9[%swap3A_152, %swap3A_153], %swap3A_156 {strides = array<i32>} : memref<128x128xf32, #tpu.memory_space<vmem>>, vector<1x16xf32>,
      %swap3A_157 = arith.index_cast %scan3A_127 : i32 to index
      %swap3A_158 = arith.constant 96 : index
      %swap3A_159 = tpu.vector_load %arg9[%swap3A_157, %swap3A_158] {strides = array<i32>} : memref<128x128xf32, #tpu.memory_space<vmem>>, vector<1x16xf32>,
      %swap3A_160 = vector.shape_cast %swap3A_159 : vector<1x16xf32> to vector<16xf32>
      %swap3A_161 = vector.shape_cast %broadcast_in_dim3A_56 : vector<16xf32> to vector<1x16xf32>
      tpu.vector_store %arg9[%swap3A_157, %swap3A_158], %swap3A_161 {strides = array<i32>} : memref<128x128xf32, #tpu.memory_space<vmem>>, vector<1x16xf32>,
      %swap3A_162 = arith.index_cast %scan3A_127 : i32 to index
      %swap3A_163 = arith.constant 112 : index
      %swap3A_164 = tpu.vector_load %arg9[%swap3A_162, %swap3A_163] {strides = array<i32>} : memref<128x128xf32, #tpu.memory_space<vmem>>, vector<1x16xf32>,
      %swap3A_165 = vector.shape_cast %swap3A_164 : vector<1x16xf32> to vector<16xf32>
      %swap3A_166 = vector.shape_cast %broadcast_in_dim3A_56 : vector<16xf32> to vector<1x16xf32>
      tpu.vector_store %arg9[%swap3A_162, %swap3A_163], %swap3A_166 {strides = array<i32>} : memref<128x128xf32, #tpu.memory_space<vmem>>, vector<1x16xf32>,
    }
    %scan3A_61 = arith.constant 125 : i32
    %mul3A_62 = arith.constant 625 : i32
    %mul3A_63 = arith.muli %arg1, %mul3A_62 : i32
    %add3A_64 = arith.constant 0 : i32
    %add3A_65 = arith.addi %mul3A_63, %add3A_64 : i32
    "tpu.region"() ({
      %run_scoped3A_127 = tpu.sem_alloc : memref<!tpu.dma_semaphore, #tpu.memory_space<semaphore_mem>>
      %dma_start3A_128 = arith.constant 0 : i32
      %dma_start3A_129 = arith.constant 0 : i32
      %dma_start3A_130 = tpu.memref_slice %arg9[%dma_start3A_128, %dma_start3A_129] : memref<128x128xf32, #tpu.memory_space<vmem>> -> memref<125x128xf32, #tpu.memory_space<vmem>>
      %dma_start3A_131 = arith.constant 0 : i32
      %dma_start3A_132 = tpu.memref_slice %arg10[%add3A_65, %dma_start3A_131] : memref<10000x128xf32, #tpu.memory_space<vmem_shared>> -> memref<125x128xf32, #tpu.memory_space<vmem_shared>>
      %dma_start3A_133 = arith.constant 0 : i32
      %dma_start3A_134 = tpu.memref_slice %arg10[%add3A_65, %dma_start3A_133] : memref<10000x128xf32, #tpu.memory_space<vmem_shared>> -> memref<125x128xf32, #tpu.memory_space<vmem_shared>>
      %dma_start3A_135 = arith.constant 0 : i32
      %dma_start3A_136 = arith.constant 0 : i32
      %dma_start3A_137 = tpu.memref_slice %arg9[%dma_start3A_135, %dma_start3A_136] : memref<128x128xf32, #tpu.memory_space<vmem>> -> memref<125x128xf32, #tpu.memory_space<vmem>>
      tpu.enqueue_dma source(%dma_start3A_137 : memref<125x128xf32, #tpu.memory_space<vmem>>) target(%dma_start3A_134 : memref<125x128xf32, #tpu.memory_space<vmem_shared>>) target_semaphore(%run_scoped3A_127 : memref<!tpu.dma_semaphore, #tpu.memory_space<semaphore_mem>>)
      %dma_wait3A_138 = arith.constant 0 : i32
      %dma_wait3A_139 = arith.constant 0 : i32
      %dma_wait3A_140 = tpu.memref_slice %arg9[%dma_wait3A_138, %dma_wait3A_139] : memref<128x128xf32, #tpu.memory_space<vmem>> -> memref<125x128xf32, #tpu.memory_space<vmem>>
      %dma_wait3A_141 = arith.constant 0 : i32
      %dma_wait3A_142 = tpu.memref_slice %arg10[%add3A_65, %dma_wait3A_141] : memref<10000x128xf32, #tpu.memory_space<vmem_shared>> -> memref<125x128xf32, #tpu.memory_space<vmem_shared>>
      %dma_wait3A_143 = arith.constant 0 : i32
      %dma_wait3A_144 = tpu.memref_slice %arg10[%add3A_65, %dma_wait3A_143] : memref<10000x128xf32, #tpu.memory_space<vmem_shared>> -> memref<125x128xf32, #tpu.memory_space<vmem_shared>>
      %dma_wait3A_145 = arith.constant 0 : i32
      %dma_wait3A_146 = arith.constant 0 : i32
      %dma_wait3A_147 = tpu.memref_slice %arg9[%dma_wait3A_145, %dma_wait3A_146] : memref<128x128xf32, #tpu.memory_space<vmem>> -> memref<125x128xf32, #tpu.memory_space<vmem>>
      tpu.wait_dma2 semaphore(%run_scoped3A_127 : memref<!tpu.dma_semaphore, #tpu.memory_space<semaphore_mem>>) src(%dma_wait3A_147 : memref<125x128xf32, #tpu.memory_space<vmem>>) dst(%dma_wait3A_144 : memref<125x128xf32, #tpu.memory_space<vmem_shared>>)
      tpu.yield
    }) : () -> ()
    %mul3A_66 = arith.constant 625 : i32
    %mul3A_67 = arith.muli %arg1, %mul3A_66 : i32
    %add3A_68 = arith.constant 125 : i32
    %add3A_69 = arith.addi %mul3A_67, %add3A_68 : i32
    "tpu.region"() ({
      %run_scoped3A_127 = tpu.sem_alloc : memref<!tpu.dma_semaphore, #tpu.memory_space<semaphore_mem>>
      %dma_start3A_128 = arith.constant 0 : i32
      %dma_start3A_129 = arith.constant 0 : i32
      %dma_start3A_130 = tpu.memref_slice %arg9[%dma_start3A_128, %dma_start3A_129] : memref<128x128xf32, #tpu.memory_space<vmem>> -> memref<125x128xf32, #tpu.memory_space<vmem>>
      %dma_start3A_131 = arith.constant 0 : i32
      %dma_start3A_132 = tpu.memref_slice %arg10[%add3A_69, %dma_start3A_131] : memref<10000x128xf32, #tpu.memory_space<vmem_shared>> -> memref<125x128xf32, #tpu.memory_space<vmem_shared>>
      %dma_start3A_133 = arith.constant 0 : i32
      %dma_start3A_134 = tpu.memref_slice %arg10[%add3A_69, %dma_start3A_133] : memref<10000x128xf32, #tpu.memory_space<vmem_shared>> -> memref<125x128xf32, #tpu.memory_space<vmem_shared>>
      %dma_start3A_135 = arith.constant 0 : i32
      %dma_start3A_136 = arith.constant 0 : i32
      %dma_start3A_137 = tpu.memref_slice %arg9[%dma_start3A_135, %dma_start3A_136] : memref<128x128xf32, #tpu.memory_space<vmem>> -> memref<125x128xf32, #tpu.memory_space<vmem>>
      tpu.enqueue_dma source(%dma_start3A_137 : memref<125x128xf32, #tpu.memory_space<vmem>>) target(%dma_start3A_134 : memref<125x128xf32, #tpu.memory_space<vmem_shared>>) target_semaphore(%run_scoped3A_127 : memref<!tpu.dma_semaphore, #tpu.memory_space<semaphore_mem>>)
      %dma_wait3A_138 = arith.constant 0 : i32
      %dma_wait3A_139 = arith.constant 0 : i32
      %dma_wait3A_140 = tpu.memref_slice %arg9[%dma_wait3A_138, %dma_wait3A_139] : memref<128x128xf32, #tpu.memory_space<vmem>> -> memref<125x128xf32, #tpu.memory_space<vmem>>
      %dma_wait3A_141 = arith.constant 0 : i32
      %dma_wait3A_142 = tpu.memref_slice %arg10[%add3A_69, %dma_wait3A_141] : memref<10000x128xf32, #tpu.memory_space<vmem_shared>> -> memref<125x128xf32, #tpu.memory_space<vmem_shared>>
      %dma_wait3A_143 = arith.constant 0 : i32
      %dma_wait3A_144 = tpu.memref_slice %arg10[%add3A_69, %dma_wait3A_143] : memref<10000x128xf32, #tpu.memory_space<vmem_shared>> -> memref<125x128xf32, #tpu.memory_space<vmem_shared>>
      %dma_wait3A_145 = arith.constant 0 : i32
      %dma_wait3A_146 = arith.constant 0 : i32
      %dma_wait3A_147 = tpu.memref_slice %arg9[%dma_wait3A_145, %dma_wait3A_146] : memref<128x128xf32, #tpu.memory_space<vmem>> -> memref<125x128xf32, #tpu.memory_space<vmem>>
      tpu.wait_dma2 semaphore(%run_scoped3A_127 : memref<!tpu.dma_semaphore, #tpu.memory_space<semaphore_mem>>) src(%dma_wait3A_147 : memref<125x128xf32, #tpu.memory_space<vmem>>) dst(%dma_wait3A_144 : memref<125x128xf32, #tpu.memory_space<vmem_shared>>)
      tpu.yield
    }) : () -> ()
    %mul3A_70 = arith.constant 625 : i32
    %mul3A_71 = arith.muli %arg1, %mul3A_70 : i32
    %add3A_72 = arith.constant 250 : i32
    %add3A_73 = arith.addi %mul3A_71, %add3A_72 : i32
    "tpu.region"() ({
      %run_scoped3A_127 = tpu.sem_alloc : memref<!tpu.dma_semaphore, #tpu.memory_space<semaphore_mem>>
      %dma_start3A_128 = arith.constant 0 : i32
      %dma_start3A_129 = arith.constant 0 : i32
      %dma_start3A_130 = tpu.memref_slice %arg9[%dma_start3A_128, %dma_start3A_129] : memref<128x128xf32, #tpu.memory_space<vmem>> -> memref<125x128xf32, #tpu.memory_space<vmem>>
      %dma_start3A_131 = arith.constant 0 : i32
      %dma_start3A_132 = tpu.memref_slice %arg10[%add3A_73, %dma_start3A_131] : memref<10000x128xf32, #tpu.memory_space<vmem_shared>> -> memref<125x128xf32, #tpu.memory_space<vmem_shared>>
      %dma_start3A_133 = arith.constant 0 : i32
      %dma_start3A_134 = tpu.memref_slice %arg10[%add3A_73, %dma_start3A_133] : memref<10000x128xf32, #tpu.memory_space<vmem_shared>> -> memref<125x128xf32, #tpu.memory_space<vmem_shared>>
      %dma_start3A_135 = arith.constant 0 : i32
      %dma_start3A_136 = arith.constant 0 : i32
      %dma_start3A_137 = tpu.memref_slice %arg9[%dma_start3A_135, %dma_start3A_136] : memref<128x128xf32, #tpu.memory_space<vmem>> -> memref<125x128xf32, #tpu.memory_space<vmem>>
      tpu.enqueue_dma source(%dma_start3A_137 : memref<125x128xf32, #tpu.memory_space<vmem>>) target(%dma_start3A_134 : memref<125x128xf32, #tpu.memory_space<vmem_shared>>) target_semaphore(%run_scoped3A_127 : memref<!tpu.dma_semaphore, #tpu.memory_space<semaphore_mem>>)
      %dma_wait3A_138 = arith.constant 0 : i32
      %dma_wait3A_139 = arith.constant 0 : i32
      %dma_wait3A_140 = tpu.memref_slice %arg9[%dma_wait3A_138, %dma_wait3A_139] : memref<128x128xf32, #tpu.memory_space<vmem>> -> memref<125x128xf32, #tpu.memory_space<vmem>>
      %dma_wait3A_141 = arith.constant 0 : i32
      %dma_wait3A_142 = tpu.memref_slice %arg10[%add3A_73, %dma_wait3A_141] : memref<10000x128xf32, #tpu.memory_space<vmem_shared>> -> memref<125x128xf32, #tpu.memory_space<vmem_shared>>
      %dma_wait3A_143 = arith.constant 0 : i32
      %dma_wait3A_144 = tpu.memref_slice %arg10[%add3A_73, %dma_wait3A_143] : memref<10000x128xf32, #tpu.memory_space<vmem_shared>> -> memref<125x128xf32, #tpu.memory_space<vmem_shared>>
      %dma_wait3A_145 = arith.constant 0 : i32
      %dma_wait3A_146 = arith.constant 0 : i32
      %dma_wait3A_147 = tpu.memref_slice %arg9[%dma_wait3A_145, %dma_wait3A_146] : memref<128x128xf32, #tpu.memory_space<vmem>> -> memref<125x128xf32, #tpu.memory_space<vmem>>
      tpu.wait_dma2 semaphore(%run_scoped3A_127 : memref<!tpu.dma_semaphore, #tpu.memory_space<semaphore_mem>>) src(%dma_wait3A_147 : memref<125x128xf32, #tpu.memory_space<vmem>>) dst(%dma_wait3A_144 : memref<125x128xf32, #tpu.memory_space<vmem_shared>>)
      tpu.yield
    }) : () -> ()
    %mul3A_74 = arith.constant 625 : i32
    %mul3A_75 = arith.muli %arg1, %mul3A_74 : i32
    %add3A_76 = arith.constant 375 : i32
    %add3A_77 = arith.addi %mul3A_75, %add3A_76 : i32
    "tpu.region"() ({
      %run_scoped3A_127 = tpu.sem_alloc : memref<!tpu.dma_semaphore, #tpu.memory_space<semaphore_mem>>
      %dma_start3A_128 = arith.constant 0 : i32
      %dma_start3A_129 = arith.constant 0 : i32
      %dma_start3A_130 = tpu.memref_slice %arg9[%dma_start3A_128, %dma_start3A_129] : memref<128x128xf32, #tpu.memory_space<vmem>> -> memref<125x128xf32, #tpu.memory_space<vmem>>
      %dma_start3A_131 = arith.constant 0 : i32
      %dma_start3A_132 = tpu.memref_slice %arg10[%add3A_77, %dma_start3A_131] : memref<10000x128xf32, #tpu.memory_space<vmem_shared>> -> memref<125x128xf32, #tpu.memory_space<vmem_shared>>
      %dma_start3A_133 = arith.constant 0 : i32
      %dma_start3A_134 = tpu.memref_slice %arg10[%add3A_77, %dma_start3A_133] : memref<10000x128xf32, #tpu.memory_space<vmem_shared>> -> memref<125x128xf32, #tpu.memory_space<vmem_shared>>
      %dma_start3A_135 = arith.constant 0 : i32
      %dma_start3A_136 = arith.constant 0 : i32
      %dma_start3A_137 = tpu.memref_slice %arg9[%dma_start3A_135, %dma_start3A_136] : memref<128x128xf32, #tpu.memory_space<vmem>> -> memref<125x128xf32, #tpu.memory_space<vmem>>
      tpu.enqueue_dma source(%dma_start3A_137 : memref<125x128xf32, #tpu.memory_space<vmem>>) target(%dma_start3A_134 : memref<125x128xf32, #tpu.memory_space<vmem_shared>>) target_semaphore(%run_scoped3A_127 : memref<!tpu.dma_semaphore, #tpu.memory_space<semaphore_mem>>)
      %dma_wait3A_138 = arith.constant 0 : i32
      %dma_wait3A_139 = arith.constant 0 : i32
      %dma_wait3A_140 = tpu.memref_slice %arg9[%dma_wait3A_138, %dma_wait3A_139] : memref<128x128xf32, #tpu.memory_space<vmem>> -> memref<125x128xf32, #tpu.memory_space<vmem>>
      %dma_wait3A_141 = arith.constant 0 : i32
      %dma_wait3A_142 = tpu.memref_slice %arg10[%add3A_77, %dma_wait3A_141] : memref<10000x128xf32, #tpu.memory_space<vmem_shared>> -> memref<125x128xf32, #tpu.memory_space<vmem_shared>>
      %dma_wait3A_143 = arith.constant 0 : i32
      %dma_wait3A_144 = tpu.memref_slice %arg10[%add3A_77, %dma_wait3A_143] : memref<10000x128xf32, #tpu.memory_space<vmem_shared>> -> memref<125x128xf32, #tpu.memory_space<vmem_shared>>
      %dma_wait3A_145 = arith.constant 0 : i32
      %dma_wait3A_146 = arith.constant 0 : i32
      %dma_wait3A_147 = tpu.memref_slice %arg9[%dma_wait3A_145, %dma_wait3A_146] : memref<128x128xf32, #tpu.memory_space<vmem>> -> memref<125x128xf32, #tpu.memory_space<vmem>>
      tpu.wait_dma2 semaphore(%run_scoped3A_127 : memref<!tpu.dma_semaphore, #tpu.memory_space<semaphore_mem>>) src(%dma_wait3A_147 : memref<125x128xf32, #tpu.memory_space<vmem>>) dst(%dma_wait3A_144 : memref<125x128xf32, #tpu.memory_space<vmem_shared>>)
      tpu.yield
    }) : () -> ()
    %mul3A_78 = arith.constant 625 : i32
    %mul3A_79 = arith.muli %arg1, %mul3A_78 : i32
    %add3A_80 = arith.constant 500 : i32
    %add3A_81 = arith.addi %mul3A_79, %add3A_80 : i32
    "tpu.region"() ({
      %run_scoped3A_127 = tpu.sem_alloc : memref<!tpu.dma_semaphore, #tpu.memory_space<semaphore_mem>>
      %dma_start3A_128 = arith.constant 0 : i32
      %dma_start3A_129 = arith.constant 0 : i32
      %dma_start3A_130 = tpu.memref_slice %arg9[%dma_start3A_128, %dma_start3A_129] : memref<128x128xf32, #tpu.memory_space<vmem>> -> memref<125x128xf32, #tpu.memory_space<vmem>>
      %dma_start3A_131 = arith.constant 0 : i32
      %dma_start3A_132 = tpu.memref_slice %arg10[%add3A_81, %dma_start3A_131] : memref<10000x128xf32, #tpu.memory_space<vmem_shared>> -> memref<125x128xf32, #tpu.memory_space<vmem_shared>>
      %dma_start3A_133 = arith.constant 0 : i32
      %dma_start3A_134 = tpu.memref_slice %arg10[%add3A_81, %dma_start3A_133] : memref<10000x128xf32, #tpu.memory_space<vmem_shared>> -> memref<125x128xf32, #tpu.memory_space<vmem_shared>>
      %dma_start3A_135 = arith.constant 0 : i32
      %dma_start3A_136 = arith.constant 0 : i32
      %dma_start3A_137 = tpu.memref_slice %arg9[%dma_start3A_135, %dma_start3A_136] : memref<128x128xf32, #tpu.memory_space<vmem>> -> memref<125x128xf32, #tpu.memory_space<vmem>>
      tpu.enqueue_dma source(%dma_start3A_137 : memref<125x128xf32, #tpu.memory_space<vmem>>) target(%dma_start3A_134 : memref<125x128xf32, #tpu.memory_space<vmem_shared>>) target_semaphore(%run_scoped3A_127 : memref<!tpu.dma_semaphore, #tpu.memory_space<semaphore_mem>>)
      %dma_wait3A_138 = arith.constant 0 : i32
      %dma_wait3A_139 = arith.constant 0 : i32
      %dma_wait3A_140 = tpu.memref_slice %arg9[%dma_wait3A_138, %dma_wait3A_139] : memref<128x128xf32, #tpu.memory_space<vmem>> -> memref<125x128xf32, #tpu.memory_space<vmem>>
      %dma_wait3A_141 = arith.constant 0 : i32
      %dma_wait3A_142 = tpu.memref_slice %arg10[%add3A_81, %dma_wait3A_141] : memref<10000x128xf32, #tpu.memory_space<vmem_shared>> -> memref<125x128xf32, #tpu.memory_space<vmem_shared>>
      %dma_wait3A_143 = arith.constant 0 : i32
      %dma_wait3A_144 = tpu.memref_slice %arg10[%add3A_81, %dma_wait3A_143] : memref<10000x128xf32, #tpu.memory_space<vmem_shared>> -> memref<125x128xf32, #tpu.memory_space<vmem_shared>>
      %dma_wait3A_145 = arith.constant 0 : i32
      %dma_wait3A_146 = arith.constant 0 : i32
      %dma_wait3A_147 = tpu.memref_slice %arg9[%dma_wait3A_145, %dma_wait3A_146] : memref<128x128xf32, #tpu.memory_space<vmem>> -> memref<125x128xf32, #tpu.memory_space<vmem>>
      tpu.wait_dma2 semaphore(%run_scoped3A_127 : memref<!tpu.dma_semaphore, #tpu.memory_space<semaphore_mem>>) src(%dma_wait3A_147 : memref<125x128xf32, #tpu.memory_space<vmem>>) dst(%dma_wait3A_144 : memref<125x128xf32, #tpu.memory_space<vmem_shared>>)
      tpu.yield
    }) : () -> ()
    %barrier3A = arith.constant 0 : index
    tpu.barrier barrier_id(%barrier3A)
    %while3A = arith.constant 0 : i32
    %while3A_82 = arith.constant 0 : i32
    %while3A_83 = arith.subi %sub3A_47, %while3A_82 : i32
    %while3A_84 = arith.addi %while3A_82, %while3A_83 : i32
    %while3A_85 = arith.constant 1 : i32
    %while3A_86 = arith.divsi %while3A_83, %while3A_85 : i32
    %while3A_87 = arith.muli %while3A_86, %while3A_85 : i32
    %while3A_88 = arith.addi %while3A_82, %while3A_87 : i32
    %while3A_89 = arith.constant 1 : i32
    scf.for %while3A_127 = %while3A_82 to %while3A_88 step %while3A_89  : i32 {
      %jit3A_128 = arith.constant 16 : i32
      %div3A_129 = arith.divsi %while3A_127, %jit3A_128 : i32
      %sign3A_130 = arith.constant 0 : i32
      %sign3A_131 = arith.cmpi sgt, %while3A_127, %sign3A_130 : i32
      %sign3A_132 = arith.extui %sign3A_131 : i1 to i32
      %sign3A_133 = arith.constant 0 : i32
      %sign3A_134 = arith.cmpi slt, %while3A_127, %sign3A_133 : i32
      %sign3A_135 = arith.extui %sign3A_134 : i1 to i32
      %sign3A_136 = arith.subi %sign3A_132, %sign3A_135 : i32
      %sign3A_137 = arith.constant 0 : i32
      %sign3A_138 = arith.cmpi sgt, %jit3A_128, %sign3A_137 : i32
      %sign3A_139 = arith.extui %sign3A_138 : i1 to i32
      %sign3A_140 = arith.constant 0 : i32
      %sign3A_141 = arith.cmpi slt, %jit3A_128, %sign3A_140 : i32
      %sign3A_142 = arith.extui %sign3A_141 : i1 to i32
      %sign3A_143 = arith.subi %sign3A_139, %sign3A_142 : i32
      %ne3A_144 = arith.cmpi ne, %sign3A_136, %sign3A_143 : i32
      %rem3A_145 = arith.remsi %while3A_127, %jit3A_128 : i32
      %ne3A_146 = arith.constant 0 : i32
      %ne3A_147 = arith.cmpi ne, %rem3A_145, %ne3A_146 : i32
      %and3A_148 = arith.andi %ne3A_144, %ne3A_147 : i1
      %sub3A_149 = arith.constant 1 : i32
      %sub3A_150 = arith.subi %div3A_129, %sub3A_149 : i32
      %select_n3A_151 = arith.select %and3A_148, %sub3A_150, %div3A_129 : i32
      %rem3A_152 = arith.constant 2 : i32
      %rem3A_153 = arith.remsi %select_n3A_151, %rem3A_152 : i32
      %rem3A_154 = arith.constant 16 : i32
      %rem3A_155 = arith.remsi %while3A_127, %rem3A_154 : i32
      %eq3A = arith.constant 0 : i32
      %eq3A_156 = arith.cmpi eq, %rem3A_155, %eq3A : i32
      %convert_element_type3A = arith.extui %eq3A_156 : i1 to i32
      %cond3A = arith.constant 0 : i32
      %cond3A_157 = arith.cmpi ne, %convert_element_type3A, %cond3A : i32
      scf.if %cond3A_157 {
        %add3A_177 = arith.addi %select_n3A, %while3A_127 : i32
        %add3A_178 = arith.constant 16 : i32
        %add3A_179 = arith.addi %add3A_177, %add3A_178 : i32
        %sub3A_180 = arith.constant 1 : i32
        %sub3A_181 = arith.subi %sub3A_180, %rem3A_153 : i32
        "tpu.region"() ({
          %run_scoped3A_187 = tpu.sem_alloc : memref<!tpu.dma_semaphore, #tpu.memory_space<semaphore_mem>>
          %dma_start3A_188 = arith.constant 0 : i32
          %dma_start3A_189 = arith.constant 0 : i32
          %dma_start3A_190 = tpu.memref_slice %arg6[%sub3A_181, %dma_start3A_188, %dma_start3A_189] : memref<2x16x128xi32, #tpu.memory_space<vmem>> -> memref<1x16x128xi32, #tpu.memory_space<vmem>>
          %dma_start3A_191 = tpu.memref_squeeze %dma_start3A_190 : memref<1x16x128xi32, #tpu.memory_space<vmem>> -> memref<16x128xi32, #tpu.memory_space<vmem>>
          %dma_start3A_192 = arith.constant 0 : i32
          %dma_start3A_193 = tpu.memref_slice %arg3[%add3A_179, %dma_start3A_192] : memref<2517x128xi32, #tpu.memory_space<hbm>> -> memref<16x128xi32, #tpu.memory_space<hbm>>
          %dma_start3A_194 = arith.constant 0 : i32
          %dma_start3A_195 = arith.constant 0 : i32
          %dma_start3A_196 = tpu.memref_slice %arg6[%sub3A_181, %dma_start3A_194, %dma_start3A_195] : memref<2x16x128xi32, #tpu.memory_space<vmem>> -> memref<1x16x128xi32, #tpu.memory_space<vmem>>
          %dma_start3A_197 = tpu.memref_squeeze %dma_start3A_196 : memref<1x16x128xi32, #tpu.memory_space<vmem>> -> memref<16x128xi32, #tpu.memory_space<vmem>>
          %dma_start3A_198 = arith.constant 0 : i32
          %dma_start3A_199 = tpu.memref_slice %arg3[%add3A_179, %dma_start3A_198] : memref<2517x128xi32, #tpu.memory_space<hbm>> -> memref<16x128xi32, #tpu.memory_space<hbm>>
          tpu.enqueue_dma source(%dma_start3A_199 : memref<16x128xi32, #tpu.memory_space<hbm>>) target(%dma_start3A_197 : memref<16x128xi32, #tpu.memory_space<vmem>>) target_semaphore(%run_scoped3A_187 : memref<!tpu.dma_semaphore, #tpu.memory_space<semaphore_mem>>)
          %dma_wait3A_200 = arith.constant 0 : i32
          %dma_wait3A_201 = arith.constant 0 : i32
          %dma_wait3A_202 = tpu.memref_slice %arg6[%sub3A_181, %dma_wait3A_200, %dma_wait3A_201] : memref<2x16x128xi32, #tpu.memory_space<vmem>> -> memref<1x16x128xi32, #tpu.memory_space<vmem>>
          %dma_wait3A_203 = tpu.memref_squeeze %dma_wait3A_202 : memref<1x16x128xi32, #tpu.memory_space<vmem>> -> memref<16x128xi32, #tpu.memory_space<vmem>>
          %dma_wait3A_204 = arith.constant 0 : i32
          %dma_wait3A_205 = tpu.memref_slice %arg3[%add3A_179, %dma_wait3A_204] : memref<2517x128xi32, #tpu.memory_space<hbm>> -> memref<16x128xi32, #tpu.memory_space<hbm>>
          %dma_wait3A_206 = arith.constant 0 : i32
          %dma_wait3A_207 = arith.constant 0 : i32
          %dma_wait3A_208 = tpu.memref_slice %arg6[%sub3A_181, %dma_wait3A_206, %dma_wait3A_207] : memref<2x16x128xi32, #tpu.memory_space<vmem>> -> memref<1x16x128xi32, #tpu.memory_space<vmem>>
          %dma_wait3A_209 = tpu.memref_squeeze %dma_wait3A_208 : memref<1x16x128xi32, #tpu.memory_space<vmem>> -> memref<16x128xi32, #tpu.memory_space<vmem>>
          %dma_wait3A_210 = arith.constant 0 : i32
          %dma_wait3A_211 = tpu.memref_slice %arg3[%add3A_179, %dma_wait3A_210] : memref<2517x128xi32, #tpu.memory_space<hbm>> -> memref<16x128xi32, #tpu.memory_space<hbm>>
          tpu.wait_dma2 semaphore(%run_scoped3A_187 : memref<!tpu.dma_semaphore, #tpu.memory_space<semaphore_mem>>) src(%dma_wait3A_211 : memref<16x128xi32, #tpu.memory_space<hbm>>) dst(%dma_wait3A_209 : memref<16x128xi32, #tpu.memory_space<vmem>>)
          tpu.yield
        }) : () -> ()
        %add3A_182 = arith.addi %select_n3A, %while3A_127 : i32
        %add3A_183 = arith.constant 16 : i32
        %add3A_184 = arith.addi %add3A_182, %add3A_183 : i32
        %sub3A_185 = arith.constant 1 : i32
        %sub3A_186 = arith.subi %sub3A_185, %rem3A_153 : i32
        "tpu.region"() ({
          %run_scoped3A_187 = tpu.sem_alloc : memref<!tpu.dma_semaphore, #tpu.memory_space<semaphore_mem>>
          %dma_start3A_188 = arith.constant 0 : i32
          %dma_start3A_189 = arith.constant 0 : i32
          %dma_start3A_190 = tpu.memref_slice %arg7[%sub3A_186, %dma_start3A_188, %dma_start3A_189] : memref<2x16x128xi32, #tpu.memory_space<vmem>> -> memref<1x16x128xi32, #tpu.memory_space<vmem>>
          %dma_start3A_191 = tpu.memref_squeeze %dma_start3A_190 : memref<1x16x128xi32, #tpu.memory_space<vmem>> -> memref<16x128xi32, #tpu.memory_space<vmem>>
          %dma_start3A_192 = arith.constant 0 : i32
          %dma_start3A_193 = tpu.memref_slice %arg4[%add3A_184, %dma_start3A_192] : memref<2517x128xi32, #tpu.memory_space<hbm>> -> memref<16x128xi32, #tpu.memory_space<hbm>>
          %dma_start3A_194 = arith.constant 0 : i32
          %dma_start3A_195 = arith.constant 0 : i32
          %dma_start3A_196 = tpu.memref_slice %arg7[%sub3A_186, %dma_start3A_194, %dma_start3A_195] : memref<2x16x128xi32, #tpu.memory_space<vmem>> -> memref<1x16x128xi32, #tpu.memory_space<vmem>>
          %dma_start3A_197 = tpu.memref_squeeze %dma_start3A_196 : memref<1x16x128xi32, #tpu.memory_space<vmem>> -> memref<16x128xi32, #tpu.memory_space<vmem>>
          %dma_start3A_198 = arith.constant 0 : i32
          %dma_start3A_199 = tpu.memref_slice %arg4[%add3A_184, %dma_start3A_198] : memref<2517x128xi32, #tpu.memory_space<hbm>> -> memref<16x128xi32, #tpu.memory_space<hbm>>
          tpu.enqueue_dma source(%dma_start3A_199 : memref<16x128xi32, #tpu.memory_space<hbm>>) target(%dma_start3A_197 : memref<16x128xi32, #tpu.memory_space<vmem>>) target_semaphore(%run_scoped3A_187 : memref<!tpu.dma_semaphore, #tpu.memory_space<semaphore_mem>>)
          %dma_wait3A_200 = arith.constant 0 : i32
          %dma_wait3A_201 = arith.constant 0 : i32
          %dma_wait3A_202 = tpu.memref_slice %arg7[%sub3A_186, %dma_wait3A_200, %dma_wait3A_201] : memref<2x16x128xi32, #tpu.memory_space<vmem>> -> memref<1x16x128xi32, #tpu.memory_space<vmem>>
          %dma_wait3A_203 = tpu.memref_squeeze %dma_wait3A_202 : memref<1x16x128xi32, #tpu.memory_space<vmem>> -> memref<16x128xi32, #tpu.memory_space<vmem>>
          %dma_wait3A_204 = arith.constant 0 : i32
          %dma_wait3A_205 = tpu.memref_slice %arg4[%add3A_184, %dma_wait3A_204] : memref<2517x128xi32, #tpu.memory_space<hbm>> -> memref<16x128xi32, #tpu.memory_space<hbm>>
          %dma_wait3A_206 = arith.constant 0 : i32
          %dma_wait3A_207 = arith.constant 0 : i32
          %dma_wait3A_208 = tpu.memref_slice %arg7[%sub3A_186, %dma_wait3A_206, %dma_wait3A_207] : memref<2x16x128xi32, #tpu.memory_space<vmem>> -> memref<1x16x128xi32, #tpu.memory_space<vmem>>
          %dma_wait3A_209 = tpu.memref_squeeze %dma_wait3A_208 : memref<1x16x128xi32, #tpu.memory_space<vmem>> -> memref<16x128xi32, #tpu.memory_space<vmem>>
          %dma_wait3A_210 = arith.constant 0 : i32
          %dma_wait3A_211 = tpu.memref_slice %arg4[%add3A_184, %dma_wait3A_210] : memref<2517x128xi32, #tpu.memory_space<hbm>> -> memref<16x128xi32, #tpu.memory_space<hbm>>
          tpu.wait_dma2 semaphore(%run_scoped3A_187 : memref<!tpu.dma_semaphore, #tpu.memory_space<semaphore_mem>>) src(%dma_wait3A_211 : memref<16x128xi32, #tpu.memory_space<hbm>>) dst(%dma_wait3A_209 : memref<16x128xi32, #tpu.memory_space<vmem>>)
          tpu.yield
        }) : () -> ()
      } else {
      }
      %add3A_158 = arith.constant 1 : i32
      %add3A_159 = arith.addi %while3A_127, %add3A_158 : i32
      %lt3A = arith.cmpi slt, %add3A_159, %sub3A_47 : i32
      %convert_element_type3A_160 = arith.extui %lt3A : i1 to i32
      %cond3A_161 = arith.constant 0 : i32
      %cond3A_162 = arith.cmpi ne, %convert_element_type3A_160, %cond3A_161 : i32
      scf.if %cond3A_162 {
        %add3A_177 = arith.constant 1 : i32
        %add3A_178 = arith.addi %while3A_127, %add3A_177 : i32
        %jit3A_179 = arith.constant 16 : i32
        %div3A_180 = arith.divsi %add3A_178, %jit3A_179 : i32
        %sign3A_181 = arith.constant 0 : i32
        %sign3A_182 = arith.cmpi sgt, %add3A_178, %sign3A_181 : i32
        %sign3A_183 = arith.extui %sign3A_182 : i1 to i32
        %sign3A_184 = arith.constant 0 : i32
        %sign3A_185 = arith.cmpi slt, %add3A_178, %sign3A_184 : i32
        %sign3A_186 = arith.extui %sign3A_185 : i1 to i32
        %sign3A_187 = arith.subi %sign3A_183, %sign3A_186 : i32
        %sign3A_188 = arith.constant 0 : i32
        %sign3A_189 = arith.cmpi sgt, %jit3A_179, %sign3A_188 : i32
        %sign3A_190 = arith.extui %sign3A_189 : i1 to i32
        %sign3A_191 = arith.constant 0 : i32
        %sign3A_192 = arith.cmpi slt, %jit3A_179, %sign3A_191 : i32
        %sign3A_193 = arith.extui %sign3A_192 : i1 to i32
        %sign3A_194 = arith.subi %sign3A_190, %sign3A_193 : i32
        %ne3A_195 = arith.cmpi ne, %sign3A_187, %sign3A_194 : i32
        %rem3A_196 = arith.remsi %add3A_178, %jit3A_179 : i32
        %ne3A_197 = arith.constant 0 : i32
        %ne3A_198 = arith.cmpi ne, %rem3A_196, %ne3A_197 : i32
        %and3A_199 = arith.andi %ne3A_195, %ne3A_198 : i1
        %sub3A_200 = arith.constant 1 : i32
        %sub3A_201 = arith.subi %div3A_180, %sub3A_200 : i32
        %select_n3A_202 = arith.select %and3A_199, %sub3A_201, %div3A_180 : i32
        %rem3A_203 = arith.constant 2 : i32
        %rem3A_204 = arith.remsi %select_n3A_202, %rem3A_203 : i32
        %add3A_205 = arith.constant 1 : i32
        %add3A_206 = arith.addi %while3A_127, %add3A_205 : i32
        %rem3A_207 = arith.constant 16 : i32
        %rem3A_208 = arith.remsi %add3A_206, %rem3A_207 : i32
        %rem3A_209 = arith.constant 2 : i32
        %rem3A_210 = arith.remsi %while3A_127, %rem3A_209 : i32
        %eq3A_211 = arith.constant 0 : i32
        %eq3A_212 = arith.cmpi eq, %rem3A_210, %eq3A_211 : i32
        %convert_element_type3A_213 = arith.extui %eq3A_212 : i1 to i32
        %cond3A_214 = arith.constant 0 : i32
        %cond3A_215 = arith.cmpi ne, %convert_element_type3A_213, %cond3A_214 : i32
        scf.if %cond3A_215 {
          %gt3A = arith.constant 0 : i32
          %gt3A_223 = arith.cmpi sgt, %while3A_127, %gt3A : i32
          %convert_element_type3A_224 = arith.extui %gt3A_223 : i1 to i32
          %cond3A_225 = arith.constant 0 : i32
          %cond3A_226 = arith.cmpi ne, %convert_element_type3A_224, %cond3A_225 : i32
          scf.if %cond3A_226 {
            %dma_wait3A_233 = arith.constant 0 : i32
            %dma_wait3A_234 = arith.constant 0 : i32
            %dma_wait3A_235 = arith.constant 0 : i32
            %dma_wait3A_236 = tpu.memref_slice %arg7[%dma_wait3A_233, %dma_wait3A_234, %dma_wait3A_235] : memref<2x16x128xi32, #tpu.memory_space<vmem>> -> memref<1x1x128xi32, #tpu.memory_space<vmem>>
            %dma_wait3A_237 = tpu.memref_squeeze %dma_wait3A_236 : memref<1x1x128xi32, #tpu.memory_space<vmem>> -> memref<128xi32, #tpu.memory_space<vmem>>
            %dma_wait3A_238 = arith.constant 0 : i32
            %dma_wait3A_239 = arith.constant 0 : i32
            %dma_wait3A_240 = tpu.memref_slice %arg10[%dma_wait3A_238, %dma_wait3A_239] : memref<10000x128xf32, #tpu.memory_space<vmem_shared>> -> memref<10000x128xf32, #tpu.memory_space<vmem_shared>>
            tpu.wait_indirect_dma semaphore(%arg14 : memref<!tpu.dma_semaphore, #tpu.memory_space<semaphore_mem>>) src(%arg9 : memref<128x128xf32, #tpu.memory_space<vmem>>) dst(%dma_wait3A_240 : memref<10000x128xf32, #tpu.memory_space<vmem_shared>>)
          } else {
          }
          %dma_start3A_227 = arith.constant 0 : i32
          %dma_start3A_228 = tpu.memref_slice %arg6[%rem3A_204, %rem3A_208, %dma_start3A_227] : memref<2x16x128xi32, #tpu.memory_space<vmem>> -> memref<1x1x128xi32, #tpu.memory_space<vmem>>
          %dma_start3A_229 = tpu.memref_squeeze %dma_start3A_228 : memref<1x1x128xi32, #tpu.memory_space<vmem>> -> memref<128xi32, #tpu.memory_space<vmem>>
          %dma_start3A_230 = arith.constant 0 : i32
          %dma_start3A_231 = arith.constant 0 : i32
          %dma_start3A_232 = tpu.memref_slice %arg2[%dma_start3A_230, %dma_start3A_231] : memref<10000x128xf32, #tpu.memory_space<hbm>> -> memref<10000x128xf32, #tpu.memory_space<hbm>>
          tpu.enqueue_indirect_dma source(%dma_start3A_232 : memref<10000x128xf32, #tpu.memory_space<hbm>>) target(%arg9 : memref<128x128xf32, #tpu.memory_space<vmem>>) offsets(%dma_start3A_229 : memref<128xi32, #tpu.memory_space<vmem>>) semaphore(%arg12 : memref<!tpu.dma_semaphore, #tpu.memory_space<semaphore_mem>>)
        } else {
        }
        %rem3A_216 = arith.constant 2 : i32
        %rem3A_217 = arith.remsi %while3A_127, %rem3A_216 : i32
        %eq3A_218 = arith.constant 1 : i32
        %eq3A_219 = arith.cmpi eq, %rem3A_217, %eq3A_218 : i32
        %convert_element_type3A_220 = arith.extui %eq3A_219 : i1 to i32
        %cond3A_221 = arith.constant 0 : i32
        %cond3A_222 = arith.cmpi ne, %convert_element_type3A_220, %cond3A_221 : i32
        scf.if %cond3A_222 {
          %dma_wait3A_223 = arith.constant 0 : i32
          %dma_wait3A_224 = arith.constant 0 : i32
          %dma_wait3A_225 = arith.constant 0 : i32
          %dma_wait3A_226 = tpu.memref_slice %arg7[%dma_wait3A_223, %dma_wait3A_224, %dma_wait3A_225] : memref<2x16x128xi32, #tpu.memory_space<vmem>> -> memref<1x1x128xi32, #tpu.memory_space<vmem>>
          %dma_wait3A_227 = tpu.memref_squeeze %dma_wait3A_226 : memref<1x1x128xi32, #tpu.memory_space<vmem>> -> memref<128xi32, #tpu.memory_space<vmem>>
          %dma_wait3A_228 = arith.constant 0 : i32
          %dma_wait3A_229 = arith.constant 0 : i32
          %dma_wait3A_230 = tpu.memref_slice %arg10[%dma_wait3A_228, %dma_wait3A_229] : memref<10000x128xf32, #tpu.memory_space<vmem_shared>> -> memref<10000x128xf32, #tpu.memory_space<vmem_shared>>
          tpu.wait_indirect_dma semaphore(%arg13 : memref<!tpu.dma_semaphore, #tpu.memory_space<semaphore_mem>>) src(%arg8 : memref<128x128xf32, #tpu.memory_space<vmem>>) dst(%dma_wait3A_230 : memref<10000x128xf32, #tpu.memory_space<vmem_shared>>)
          %dma_start3A_231 = arith.constant 0 : i32
          %dma_start3A_232 = tpu.memref_slice %arg6[%rem3A_204, %rem3A_208, %dma_start3A_231] : memref<2x16x128xi32, #tpu.memory_space<vmem>> -> memref<1x1x128xi32, #tpu.memory_space<vmem>>
          %dma_start3A_233 = tpu.memref_squeeze %dma_start3A_232 : memref<1x1x128xi32, #tpu.memory_space<vmem>> -> memref<128xi32, #tpu.memory_space<vmem>>
          %dma_start3A_234 = arith.constant 0 : i32
          %dma_start3A_235 = arith.constant 0 : i32
          %dma_start3A_236 = tpu.memref_slice %arg2[%dma_start3A_234, %dma_start3A_235] : memref<10000x128xf32, #tpu.memory_space<hbm>> -> memref<10000x128xf32, #tpu.memory_space<hbm>>
          tpu.enqueue_indirect_dma source(%dma_start3A_236 : memref<10000x128xf32, #tpu.memory_space<hbm>>) target(%arg8 : memref<128x128xf32, #tpu.memory_space<vmem>>) offsets(%dma_start3A_233 : memref<128xi32, #tpu.memory_space<vmem>>) semaphore(%arg11 : memref<!tpu.dma_semaphore, #tpu.memory_space<semaphore_mem>>)
        } else {
        }
      } else {
      }
      %rem3A_163 = arith.constant 2 : i32
      %rem3A_164 = arith.remsi %while3A_127, %rem3A_163 : i32
      %eq3A_165 = arith.constant 0 : i32
      %eq3A_166 = arith.cmpi eq, %rem3A_164, %eq3A_165 : i32
      %convert_element_type3A_167 = arith.extui %eq3A_166 : i1 to i32
      %cond3A_168 = arith.constant 0 : i32
      %cond3A_169 = arith.cmpi ne, %convert_element_type3A_167, %cond3A_168 : i32
      scf.if %cond3A_169 {
        %dma_wait3A_177 = arith.constant 0 : i32
        %dma_wait3A_178 = tpu.memref_slice %arg6[%rem3A_153, %rem3A_155, %dma_wait3A_177] : memref<2x16x128xi32, #tpu.memory_space<vmem>> -> memref<1x1x128xi32, #tpu.memory_space<vmem>>
        %dma_wait3A_179 = tpu.memref_squeeze %dma_wait3A_178 : memref<1x1x128xi32, #tpu.memory_space<vmem>> -> memref<128xi32, #tpu.memory_space<vmem>>
        %dma_wait3A_180 = arith.constant 0 : i32
        %dma_wait3A_181 = arith.constant 0 : i32
        %dma_wait3A_182 = tpu.memref_slice %arg2[%dma_wait3A_180, %dma_wait3A_181] : memref<10000x128xf32, #tpu.memory_space<hbm>> -> memref<10000x128xf32, #tpu.memory_space<hbm>>
        tpu.wait_indirect_dma semaphore(%arg11 : memref<!tpu.dma_semaphore, #tpu.memory_space<semaphore_mem>>) src(%dma_wait3A_182 : memref<10000x128xf32, #tpu.memory_space<hbm>>) dst(%arg8 : memref<128x128xf32, #tpu.memory_space<vmem>>)
        %dma_start3A_183 = arith.constant 0 : i32
        %dma_start3A_184 = tpu.memref_slice %arg7[%rem3A_153, %rem3A_155, %dma_start3A_183] : memref<2x16x128xi32, #tpu.memory_space<vmem>> -> memref<1x1x128xi32, #tpu.memory_space<vmem>>
        %dma_start3A_185 = tpu.memref_squeeze %dma_start3A_184 : memref<1x1x128xi32, #tpu.memory_space<vmem>> -> memref<128xi32, #tpu.memory_space<vmem>>
        %dma_start3A_186 = arith.constant 0 : i32
        %dma_start3A_187 = arith.constant 0 : i32
        %dma_start3A_188 = tpu.memref_slice %arg10[%dma_start3A_186, %dma_start3A_187] : memref<10000x128xf32, #tpu.memory_space<vmem_shared>> -> memref<10000x128xf32, #tpu.memory_space<vmem_shared>>
        tpu.enqueue_indirect_dma source(%arg8 : memref<128x128xf32, #tpu.memory_space<vmem>>) target(%dma_start3A_188 : memref<10000x128xf32, #tpu.memory_space<vmem_shared>>) offsets(%dma_start3A_185 : memref<128xi32, #tpu.memory_space<vmem>>) semaphore(%arg13 : memref<!tpu.dma_semaphore, #tpu.memory_space<semaphore_mem>>) {add = true}
      } else {
      }
      %rem3A_170 = arith.constant 2 : i32
      %rem3A_171 = arith.remsi %while3A_127, %rem3A_170 : i32
      %eq3A_172 = arith.constant 1 : i32
      %eq3A_173 = arith.cmpi eq, %rem3A_171, %eq3A_172 : i32
      %convert_element_type3A_174 = arith.extui %eq3A_173 : i1 to i32
      %cond3A_175 = arith.constant 0 : i32
      %cond3A_176 = arith.cmpi ne, %convert_element_type3A_174, %cond3A_175 : i32
      scf.if %cond3A_176 {
        %dma_wait3A_177 = arith.constant 0 : i32
        %dma_wait3A_178 = tpu.memref_slice %arg6[%rem3A_153, %rem3A_155, %dma_wait3A_177] : memref<2x16x128xi32, #tpu.memory_space<vmem>> -> memref<1x1x128xi32, #tpu.memory_space<vmem>>
        %dma_wait3A_179 = tpu.memref_squeeze %dma_wait3A_178 : memref<1x1x128xi32, #tpu.memory_space<vmem>> -> memref<128xi32, #tpu.memory_space<vmem>>
        %dma_wait3A_180 = arith.constant 0 : i32
        %dma_wait3A_181 = arith.constant 0 : i32
        %dma_wait3A_182 = tpu.memref_slice %arg2[%dma_wait3A_180, %dma_wait3A_181] : memref<10000x128xf32, #tpu.memory_space<hbm>> -> memref<10000x128xf32, #tpu.memory_space<hbm>>
        tpu.wait_indirect_dma semaphore(%arg12 : memref<!tpu.dma_semaphore, #tpu.memory_space<semaphore_mem>>) src(%dma_wait3A_182 : memref<10000x128xf32, #tpu.memory_space<hbm>>) dst(%arg9 : memref<128x128xf32, #tpu.memory_space<vmem>>)
        %dma_start3A_183 = arith.constant 0 : i32
        %dma_start3A_184 = tpu.memref_slice %arg7[%rem3A_153, %rem3A_155, %dma_start3A_183] : memref<2x16x128xi32, #tpu.memory_space<vmem>> -> memref<1x1x128xi32, #tpu.memory_space<vmem>>
        %dma_start3A_185 = tpu.memref_squeeze %dma_start3A_184 : memref<1x1x128xi32, #tpu.memory_space<vmem>> -> memref<128xi32, #tpu.memory_space<vmem>>
        %dma_start3A_186 = arith.constant 0 : i32
        %dma_start3A_187 = arith.constant 0 : i32
        %dma_start3A_188 = tpu.memref_slice %arg10[%dma_start3A_186, %dma_start3A_187] : memref<10000x128xf32, #tpu.memory_space<vmem_shared>> -> memref<10000x128xf32, #tpu.memory_space<vmem_shared>>
        tpu.enqueue_indirect_dma source(%arg9 : memref<128x128xf32, #tpu.memory_space<vmem>>) target(%dma_start3A_188 : memref<10000x128xf32, #tpu.memory_space<vmem_shared>>) offsets(%dma_start3A_185 : memref<128xi32, #tpu.memory_space<vmem>>) semaphore(%arg14 : memref<!tpu.dma_semaphore, #tpu.memory_space<semaphore_mem>>) {add = true}
      } else {
      }
    }
    %while3A_90 = arith.constant 1 : i32
    scf.for %while3A_127 = %while3A_88 to %while3A_84 step %while3A_90  : i32 {
      %jit3A_128 = arith.constant 16 : i32
      %div3A_129 = arith.divsi %while3A_127, %jit3A_128 : i32
      %sign3A_130 = arith.constant 0 : i32
      %sign3A_131 = arith.cmpi sgt, %while3A_127, %sign3A_130 : i32
      %sign3A_132 = arith.extui %sign3A_131 : i1 to i32
      %sign3A_133 = arith.constant 0 : i32
      %sign3A_134 = arith.cmpi slt, %while3A_127, %sign3A_133 : i32
      %sign3A_135 = arith.extui %sign3A_134 : i1 to i32
      %sign3A_136 = arith.subi %sign3A_132, %sign3A_135 : i32
      %sign3A_137 = arith.constant 0 : i32
      %sign3A_138 = arith.cmpi sgt, %jit3A_128, %sign3A_137 : i32
      %sign3A_139 = arith.extui %sign3A_138 : i1 to i32
      %sign3A_140 = arith.constant 0 : i32
      %sign3A_141 = arith.cmpi slt, %jit3A_128, %sign3A_140 : i32
      %sign3A_142 = arith.extui %sign3A_141 : i1 to i32
      %sign3A_143 = arith.subi %sign3A_139, %sign3A_142 : i32
      %ne3A_144 = arith.cmpi ne, %sign3A_136, %sign3A_143 : i32
      %rem3A_145 = arith.remsi %while3A_127, %jit3A_128 : i32
      %ne3A_146 = arith.constant 0 : i32
      %ne3A_147 = arith.cmpi ne, %rem3A_145, %ne3A_146 : i32
      %and3A_148 = arith.andi %ne3A_144, %ne3A_147 : i1
      %sub3A_149 = arith.constant 1 : i32
      %sub3A_150 = arith.subi %div3A_129, %sub3A_149 : i32
      %select_n3A_151 = arith.select %and3A_148, %sub3A_150, %div3A_129 : i32
      %rem3A_152 = arith.constant 2 : i32
      %rem3A_153 = arith.remsi %select_n3A_151, %rem3A_152 : i32
      %rem3A_154 = arith.constant 16 : i32
      %rem3A_155 = arith.remsi %while3A_127, %rem3A_154 : i32
      %eq3A = arith.constant 0 : i32
      %eq3A_156 = arith.cmpi eq, %rem3A_155, %eq3A : i32
      %convert_element_type3A = arith.extui %eq3A_156 : i1 to i32
      %cond3A = arith.constant 0 : i32
      %cond3A_157 = arith.cmpi ne, %convert_element_type3A, %cond3A : i32
      scf.if %cond3A_157 {
        %add3A_177 = arith.addi %select_n3A, %while3A_127 : i32
        %add3A_178 = arith.constant 16 : i32
        %add3A_179 = arith.addi %add3A_177, %add3A_178 : i32
        %sub3A_180 = arith.constant 1 : i32
        %sub3A_181 = arith.subi %sub3A_180, %rem3A_153 : i32
        "tpu.region"() ({
          %run_scoped3A_187 = tpu.sem_alloc : memref<!tpu.dma_semaphore, #tpu.memory_space<semaphore_mem>>
          %dma_start3A_188 = arith.constant 0 : i32
          %dma_start3A_189 = arith.constant 0 : i32
          %dma_start3A_190 = tpu.memref_slice %arg6[%sub3A_181, %dma_start3A_188, %dma_start3A_189] : memref<2x16x128xi32, #tpu.memory_space<vmem>> -> memref<1x16x128xi32, #tpu.memory_space<vmem>>
          %dma_start3A_191 = tpu.memref_squeeze %dma_start3A_190 : memref<1x16x128xi32, #tpu.memory_space<vmem>> -> memref<16x128xi32, #tpu.memory_space<vmem>>
          %dma_start3A_192 = arith.constant 0 : i32
          %dma_start3A_193 = tpu.memref_slice %arg3[%add3A_179, %dma_start3A_192] : memref<2517x128xi32, #tpu.memory_space<hbm>> -> memref<16x128xi32, #tpu.memory_space<hbm>>
          %dma_start3A_194 = arith.constant 0 : i32
          %dma_start3A_195 = arith.constant 0 : i32
          %dma_start3A_196 = tpu.memref_slice %arg6[%sub3A_181, %dma_start3A_194, %dma_start3A_195] : memref<2x16x128xi32, #tpu.memory_space<vmem>> -> memref<1x16x128xi32, #tpu.memory_space<vmem>>
          %dma_start3A_197 = tpu.memref_squeeze %dma_start3A_196 : memref<1x16x128xi32, #tpu.memory_space<vmem>> -> memref<16x128xi32, #tpu.memory_space<vmem>>
          %dma_start3A_198 = arith.constant 0 : i32
          %dma_start3A_199 = tpu.memref_slice %arg3[%add3A_179, %dma_start3A_198] : memref<2517x128xi32, #tpu.memory_space<hbm>> -> memref<16x128xi32, #tpu.memory_space<hbm>>
          tpu.enqueue_dma source(%dma_start3A_199 : memref<16x128xi32, #tpu.memory_space<hbm>>) target(%dma_start3A_197 : memref<16x128xi32, #tpu.memory_space<vmem>>) target_semaphore(%run_scoped3A_187 : memref<!tpu.dma_semaphore, #tpu.memory_space<semaphore_mem>>)
          %dma_wait3A_200 = arith.constant 0 : i32
          %dma_wait3A_201 = arith.constant 0 : i32
          %dma_wait3A_202 = tpu.memref_slice %arg6[%sub3A_181, %dma_wait3A_200, %dma_wait3A_201] : memref<2x16x128xi32, #tpu.memory_space<vmem>> -> memref<1x16x128xi32, #tpu.memory_space<vmem>>
          %dma_wait3A_203 = tpu.memref_squeeze %dma_wait3A_202 : memref<1x16x128xi32, #tpu.memory_space<vmem>> -> memref<16x128xi32, #tpu.memory_space<vmem>>
          %dma_wait3A_204 = arith.constant 0 : i32
          %dma_wait3A_205 = tpu.memref_slice %arg3[%add3A_179, %dma_wait3A_204] : memref<2517x128xi32, #tpu.memory_space<hbm>> -> memref<16x128xi32, #tpu.memory_space<hbm>>
          %dma_wait3A_206 = arith.constant 0 : i32
          %dma_wait3A_207 = arith.constant 0 : i32
          %dma_wait3A_208 = tpu.memref_slice %arg6[%sub3A_181, %dma_wait3A_206, %dma_wait3A_207] : memref<2x16x128xi32, #tpu.memory_space<vmem>> -> memref<1x16x128xi32, #tpu.memory_space<vmem>>
          %dma_wait3A_209 = tpu.memref_squeeze %dma_wait3A_208 : memref<1x16x128xi32, #tpu.memory_space<vmem>> -> memref<16x128xi32, #tpu.memory_space<vmem>>
          %dma_wait3A_210 = arith.constant 0 : i32
          %dma_wait3A_211 = tpu.memref_slice %arg3[%add3A_179, %dma_wait3A_210] : memref<2517x128xi32, #tpu.memory_space<hbm>> -> memref<16x128xi32, #tpu.memory_space<hbm>>
          tpu.wait_dma2 semaphore(%run_scoped3A_187 : memref<!tpu.dma_semaphore, #tpu.memory_space<semaphore_mem>>) src(%dma_wait3A_211 : memref<16x128xi32, #tpu.memory_space<hbm>>) dst(%dma_wait3A_209 : memref<16x128xi32, #tpu.memory_space<vmem>>)
          tpu.yield
        }) : () -> ()
        %add3A_182 = arith.addi %select_n3A, %while3A_127 : i32
        %add3A_183 = arith.constant 16 : i32
        %add3A_184 = arith.addi %add3A_182, %add3A_183 : i32
        %sub3A_185 = arith.constant 1 : i32
        %sub3A_186 = arith.subi %sub3A_185, %rem3A_153 : i32
        "tpu.region"() ({
          %run_scoped3A_187 = tpu.sem_alloc : memref<!tpu.dma_semaphore, #tpu.memory_space<semaphore_mem>>
          %dma_start3A_188 = arith.constant 0 : i32
          %dma_start3A_189 = arith.constant 0 : i32
          %dma_start3A_190 = tpu.memref_slice %arg7[%sub3A_186, %dma_start3A_188, %dma_start3A_189] : memref<2x16x128xi32, #tpu.memory_space<vmem>> -> memref<1x16x128xi32, #tpu.memory_space<vmem>>
          %dma_start3A_191 = tpu.memref_squeeze %dma_start3A_190 : memref<1x16x128xi32, #tpu.memory_space<vmem>> -> memref<16x128xi32, #tpu.memory_space<vmem>>
          %dma_start3A_192 = arith.constant 0 : i32
          %dma_start3A_193 = tpu.memref_slice %arg4[%add3A_184, %dma_start3A_192] : memref<2517x128xi32, #tpu.memory_space<hbm>> -> memref<16x128xi32, #tpu.memory_space<hbm>>
          %dma_start3A_194 = arith.constant 0 : i32
          %dma_start3A_195 = arith.constant 0 : i32
          %dma_start3A_196 = tpu.memref_slice %arg7[%sub3A_186, %dma_start3A_194, %dma_start3A_195] : memref<2x16x128xi32, #tpu.memory_space<vmem>> -> memref<1x16x128xi32, #tpu.memory_space<vmem>>
          %dma_start3A_197 = tpu.memref_squeeze %dma_start3A_196 : memref<1x16x128xi32, #tpu.memory_space<vmem>> -> memref<16x128xi32, #tpu.memory_space<vmem>>
          %dma_start3A_198 = arith.constant 0 : i32
          %dma_start3A_199 = tpu.memref_slice %arg4[%add3A_184, %dma_start3A_198] : memref<2517x128xi32, #tpu.memory_space<hbm>> -> memref<16x128xi32, #tpu.memory_space<hbm>>
          tpu.enqueue_dma source(%dma_start3A_199 : memref<16x128xi32, #tpu.memory_space<hbm>>) target(%dma_start3A_197 : memref<16x128xi32, #tpu.memory_space<vmem>>) target_semaphore(%run_scoped3A_187 : memref<!tpu.dma_semaphore, #tpu.memory_space<semaphore_mem>>)
          %dma_wait3A_200 = arith.constant 0 : i32
          %dma_wait3A_201 = arith.constant 0 : i32
          %dma_wait3A_202 = tpu.memref_slice %arg7[%sub3A_186, %dma_wait3A_200, %dma_wait3A_201] : memref<2x16x128xi32, #tpu.memory_space<vmem>> -> memref<1x16x128xi32, #tpu.memory_space<vmem>>
          %dma_wait3A_203 = tpu.memref_squeeze %dma_wait3A_202 : memref<1x16x128xi32, #tpu.memory_space<vmem>> -> memref<16x128xi32, #tpu.memory_space<vmem>>
          %dma_wait3A_204 = arith.constant 0 : i32
          %dma_wait3A_205 = tpu.memref_slice %arg4[%add3A_184, %dma_wait3A_204] : memref<2517x128xi32, #tpu.memory_space<hbm>> -> memref<16x128xi32, #tpu.memory_space<hbm>>
          %dma_wait3A_206 = arith.constant 0 : i32
          %dma_wait3A_207 = arith.constant 0 : i32
          %dma_wait3A_208 = tpu.memref_slice %arg7[%sub3A_186, %dma_wait3A_206, %dma_wait3A_207] : memref<2x16x128xi32, #tpu.memory_space<vmem>> -> memref<1x16x128xi32, #tpu.memory_space<vmem>>
          %dma_wait3A_209 = tpu.memref_squeeze %dma_wait3A_208 : memref<1x16x128xi32, #tpu.memory_space<vmem>> -> memref<16x128xi32, #tpu.memory_space<vmem>>
          %dma_wait3A_210 = arith.constant 0 : i32
          %dma_wait3A_211 = tpu.memref_slice %arg4[%add3A_184, %dma_wait3A_210] : memref<2517x128xi32, #tpu.memory_space<hbm>> -> memref<16x128xi32, #tpu.memory_space<hbm>>
          tpu.wait_dma2 semaphore(%run_scoped3A_187 : memref<!tpu.dma_semaphore, #tpu.memory_space<semaphore_mem>>) src(%dma_wait3A_211 : memref<16x128xi32, #tpu.memory_space<hbm>>) dst(%dma_wait3A_209 : memref<16x128xi32, #tpu.memory_space<vmem>>)
          tpu.yield
        }) : () -> ()
      } else {
      }
      %add3A_158 = arith.constant 1 : i32
      %add3A_159 = arith.addi %while3A_127, %add3A_158 : i32
      %lt3A = arith.cmpi slt, %add3A_159, %sub3A_47 : i32
      %convert_element_type3A_160 = arith.extui %lt3A : i1 to i32
      %cond3A_161 = arith.constant 0 : i32
      %cond3A_162 = arith.cmpi ne, %convert_element_type3A_160, %cond3A_161 : i32
      scf.if %cond3A_162 {
        %add3A_177 = arith.constant 1 : i32
        %add3A_178 = arith.addi %while3A_127, %add3A_177 : i32
        %jit3A_179 = arith.constant 16 : i32
        %div3A_180 = arith.divsi %add3A_178, %jit3A_179 : i32
        %sign3A_181 = arith.constant 0 : i32
        %sign3A_182 = arith.cmpi sgt, %add3A_178, %sign3A_181 : i32
        %sign3A_183 = arith.extui %sign3A_182 : i1 to i32
        %sign3A_184 = arith.constant 0 : i32
        %sign3A_185 = arith.cmpi slt, %add3A_178, %sign3A_184 : i32
        %sign3A_186 = arith.extui %sign3A_185 : i1 to i32
        %sign3A_187 = arith.subi %sign3A_183, %sign3A_186 : i32
        %sign3A_188 = arith.constant 0 : i32
        %sign3A_189 = arith.cmpi sgt, %jit3A_179, %sign3A_188 : i32
        %sign3A_190 = arith.extui %sign3A_189 : i1 to i32
        %sign3A_191 = arith.constant 0 : i32
        %sign3A_192 = arith.cmpi slt, %jit3A_179, %sign3A_191 : i32
        %sign3A_193 = arith.extui %sign3A_192 : i1 to i32
        %sign3A_194 = arith.subi %sign3A_190, %sign3A_193 : i32
        %ne3A_195 = arith.cmpi ne, %sign3A_187, %sign3A_194 : i32
        %rem3A_196 = arith.remsi %add3A_178, %jit3A_179 : i32
        %ne3A_197 = arith.constant 0 : i32
        %ne3A_198 = arith.cmpi ne, %rem3A_196, %ne3A_197 : i32
        %and3A_199 = arith.andi %ne3A_195, %ne3A_198 : i1
        %sub3A_200 = arith.constant 1 : i32
        %sub3A_201 = arith.subi %div3A_180, %sub3A_200 : i32
        %select_n3A_202 = arith.select %and3A_199, %sub3A_201, %div3A_180 : i32
        %rem3A_203 = arith.constant 2 : i32
        %rem3A_204 = arith.remsi %select_n3A_202, %rem3A_203 : i32
        %add3A_205 = arith.constant 1 : i32
        %add3A_206 = arith.addi %while3A_127, %add3A_205 : i32
        %rem3A_207 = arith.constant 16 : i32
        %rem3A_208 = arith.remsi %add3A_206, %rem3A_207 : i32
        %rem3A_209 = arith.constant 2 : i32
        %rem3A_210 = arith.remsi %while3A_127, %rem3A_209 : i32
        %eq3A_211 = arith.constant 0 : i32
        %eq3A_212 = arith.cmpi eq, %rem3A_210, %eq3A_211 : i32
        %convert_element_type3A_213 = arith.extui %eq3A_212 : i1 to i32
        %cond3A_214 = arith.constant 0 : i32
        %cond3A_215 = arith.cmpi ne, %convert_element_type3A_213, %cond3A_214 : i32
        scf.if %cond3A_215 {
          %gt3A = arith.constant 0 : i32
          %gt3A_223 = arith.cmpi sgt, %while3A_127, %gt3A : i32
          %convert_element_type3A_224 = arith.extui %gt3A_223 : i1 to i32
          %cond3A_225 = arith.constant 0 : i32
          %cond3A_226 = arith.cmpi ne, %convert_element_type3A_224, %cond3A_225 : i32
          scf.if %cond3A_226 {
            %dma_wait3A_233 = arith.constant 0 : i32
            %dma_wait3A_234 = arith.constant 0 : i32
            %dma_wait3A_235 = arith.constant 0 : i32
            %dma_wait3A_236 = tpu.memref_slice %arg7[%dma_wait3A_233, %dma_wait3A_234, %dma_wait3A_235] : memref<2x16x128xi32, #tpu.memory_space<vmem>> -> memref<1x1x128xi32, #tpu.memory_space<vmem>>
            %dma_wait3A_237 = tpu.memref_squeeze %dma_wait3A_236 : memref<1x1x128xi32, #tpu.memory_space<vmem>> -> memref<128xi32, #tpu.memory_space<vmem>>
            %dma_wait3A_238 = arith.constant 0 : i32
            %dma_wait3A_239 = arith.constant 0 : i32
            %dma_wait3A_240 = tpu.memref_slice %arg10[%dma_wait3A_238, %dma_wait3A_239] : memref<10000x128xf32, #tpu.memory_space<vmem_shared>> -> memref<10000x128xf32, #tpu.memory_space<vmem_shared>>
            tpu.wait_indirect_dma semaphore(%arg14 : memref<!tpu.dma_semaphore, #tpu.memory_space<semaphore_mem>>) src(%arg9 : memref<128x128xf32, #tpu.memory_space<vmem>>) dst(%dma_wait3A_240 : memref<10000x128xf32, #tpu.memory_space<vmem_shared>>)
          } else {
          }
          %dma_start3A_227 = arith.constant 0 : i32
          %dma_start3A_228 = tpu.memref_slice %arg6[%rem3A_204, %rem3A_208, %dma_start3A_227] : memref<2x16x128xi32, #tpu.memory_space<vmem>> -> memref<1x1x128xi32, #tpu.memory_space<vmem>>
          %dma_start3A_229 = tpu.memref_squeeze %dma_start3A_228 : memref<1x1x128xi32, #tpu.memory_space<vmem>> -> memref<128xi32, #tpu.memory_space<vmem>>
          %dma_start3A_230 = arith.constant 0 : i32
          %dma_start3A_231 = arith.constant 0 : i32
          %dma_start3A_232 = tpu.memref_slice %arg2[%dma_start3A_230, %dma_start3A_231] : memref<10000x128xf32, #tpu.memory_space<hbm>> -> memref<10000x128xf32, #tpu.memory_space<hbm>>
          tpu.enqueue_indirect_dma source(%dma_start3A_232 : memref<10000x128xf32, #tpu.memory_space<hbm>>) target(%arg9 : memref<128x128xf32, #tpu.memory_space<vmem>>) offsets(%dma_start3A_229 : memref<128xi32, #tpu.memory_space<vmem>>) semaphore(%arg12 : memref<!tpu.dma_semaphore, #tpu.memory_space<semaphore_mem>>)
        } else {
        }
        %rem3A_216 = arith.constant 2 : i32
        %rem3A_217 = arith.remsi %while3A_127, %rem3A_216 : i32
        %eq3A_218 = arith.constant 1 : i32
        %eq3A_219 = arith.cmpi eq, %rem3A_217, %eq3A_218 : i32
        %convert_element_type3A_220 = arith.extui %eq3A_219 : i1 to i32
        %cond3A_221 = arith.constant 0 : i32
        %cond3A_222 = arith.cmpi ne, %convert_element_type3A_220, %cond3A_221 : i32
        scf.if %cond3A_222 {
          %dma_wait3A_223 = arith.constant 0 : i32
          %dma_wait3A_224 = arith.constant 0 : i32
          %dma_wait3A_225 = arith.constant 0 : i32
          %dma_wait3A_226 = tpu.memref_slice %arg7[%dma_wait3A_223, %dma_wait3A_224, %dma_wait3A_225] : memref<2x16x128xi32, #tpu.memory_space<vmem>> -> memref<1x1x128xi32, #tpu.memory_space<vmem>>
          %dma_wait3A_227 = tpu.memref_squeeze %dma_wait3A_226 : memref<1x1x128xi32, #tpu.memory_space<vmem>> -> memref<128xi32, #tpu.memory_space<vmem>>
          %dma_wait3A_228 = arith.constant 0 : i32
          %dma_wait3A_229 = arith.constant 0 : i32
          %dma_wait3A_230 = tpu.memref_slice %arg10[%dma_wait3A_228, %dma_wait3A_229] : memref<10000x128xf32, #tpu.memory_space<vmem_shared>> -> memref<10000x128xf32, #tpu.memory_space<vmem_shared>>
          tpu.wait_indirect_dma semaphore(%arg13 : memref<!tpu.dma_semaphore, #tpu.memory_space<semaphore_mem>>) src(%arg8 : memref<128x128xf32, #tpu.memory_space<vmem>>) dst(%dma_wait3A_230 : memref<10000x128xf32, #tpu.memory_space<vmem_shared>>)
          %dma_start3A_231 = arith.constant 0 : i32
          %dma_start3A_232 = tpu.memref_slice %arg6[%rem3A_204, %rem3A_208, %dma_start3A_231] : memref<2x16x128xi32, #tpu.memory_space<vmem>> -> memref<1x1x128xi32, #tpu.memory_space<vmem>>
          %dma_start3A_233 = tpu.memref_squeeze %dma_start3A_232 : memref<1x1x128xi32, #tpu.memory_space<vmem>> -> memref<128xi32, #tpu.memory_space<vmem>>
          %dma_start3A_234 = arith.constant 0 : i32
          %dma_start3A_235 = arith.constant 0 : i32
          %dma_start3A_236 = tpu.memref_slice %arg2[%dma_start3A_234, %dma_start3A_235] : memref<10000x128xf32, #tpu.memory_space<hbm>> -> memref<10000x128xf32, #tpu.memory_space<hbm>>
          tpu.enqueue_indirect_dma source(%dma_start3A_236 : memref<10000x128xf32, #tpu.memory_space<hbm>>) target(%arg8 : memref<128x128xf32, #tpu.memory_space<vmem>>) offsets(%dma_start3A_233 : memref<128xi32, #tpu.memory_space<vmem>>) semaphore(%arg11 : memref<!tpu.dma_semaphore, #tpu.memory_space<semaphore_mem>>)
        } else {
        }
      } else {
      }
      %rem3A_163 = arith.constant 2 : i32
      %rem3A_164 = arith.remsi %while3A_127, %rem3A_163 : i32
      %eq3A_165 = arith.constant 0 : i32
      %eq3A_166 = arith.cmpi eq, %rem3A_164, %eq3A_165 : i32
      %convert_element_type3A_167 = arith.extui %eq3A_166 : i1 to i32
      %cond3A_168 = arith.constant 0 : i32
      %cond3A_169 = arith.cmpi ne, %convert_element_type3A_167, %cond3A_168 : i32
      scf.if %cond3A_169 {
        %dma_wait3A_177 = arith.constant 0 : i32
        %dma_wait3A_178 = tpu.memref_slice %arg6[%rem3A_153, %rem3A_155, %dma_wait3A_177] : memref<2x16x128xi32, #tpu.memory_space<vmem>> -> memref<1x1x128xi32, #tpu.memory_space<vmem>>
        %dma_wait3A_179 = tpu.memref_squeeze %dma_wait3A_178 : memref<1x1x128xi32, #tpu.memory_space<vmem>> -> memref<128xi32, #tpu.memory_space<vmem>>
        %dma_wait3A_180 = arith.constant 0 : i32
        %dma_wait3A_181 = arith.constant 0 : i32
        %dma_wait3A_182 = tpu.memref_slice %arg2[%dma_wait3A_180, %dma_wait3A_181] : memref<10000x128xf32, #tpu.memory_space<hbm>> -> memref<10000x128xf32, #tpu.memory_space<hbm>>
        tpu.wait_indirect_dma semaphore(%arg11 : memref<!tpu.dma_semaphore, #tpu.memory_space<semaphore_mem>>) src(%dma_wait3A_182 : memref<10000x128xf32, #tpu.memory_space<hbm>>) dst(%arg8 : memref<128x128xf32, #tpu.memory_space<vmem>>)
        %dma_start3A_183 = arith.constant 0 : i32
        %dma_start3A_184 = tpu.memref_slice %arg7[%rem3A_153, %rem3A_155, %dma_start3A_183] : memref<2x16x128xi32, #tpu.memory_space<vmem>> -> memref<1x1x128xi32, #tpu.memory_space<vmem>>
        %dma_start3A_185 = tpu.memref_squeeze %dma_start3A_184 : memref<1x1x128xi32, #tpu.memory_space<vmem>> -> memref<128xi32, #tpu.memory_space<vmem>>
        %dma_start3A_186 = arith.constant 0 : i32
        %dma_start3A_187 = arith.constant 0 : i32
        %dma_start3A_188 = tpu.memref_slice %arg10[%dma_start3A_186, %dma_start3A_187] : memref<10000x128xf32, #tpu.memory_space<vmem_shared>> -> memref<10000x128xf32, #tpu.memory_space<vmem_shared>>
        tpu.enqueue_indirect_dma source(%arg8 : memref<128x128xf32, #tpu.memory_space<vmem>>) target(%dma_start3A_188 : memref<10000x128xf32, #tpu.memory_space<vmem_shared>>) offsets(%dma_start3A_185 : memref<128xi32, #tpu.memory_space<vmem>>) semaphore(%arg13 : memref<!tpu.dma_semaphore, #tpu.memory_space<semaphore_mem>>) {add = true}
      } else {
      }
      %rem3A_170 = arith.constant 2 : i32
      %rem3A_171 = arith.remsi %while3A_127, %rem3A_170 : i32
      %eq3A_172 = arith.constant 1 : i32
      %eq3A_173 = arith.cmpi eq, %rem3A_171, %eq3A_172 : i32
      %convert_element_type3A_174 = arith.extui %eq3A_173 : i1 to i32
      %cond3A_175 = arith.constant 0 : i32
      %cond3A_176 = arith.cmpi ne, %convert_element_type3A_174, %cond3A_175 : i32
      scf.if %cond3A_176 {
        %dma_wait3A_177 = arith.constant 0 : i32
        %dma_wait3A_178 = tpu.memref_slice %arg6[%rem3A_153, %rem3A_155, %dma_wait3A_177] : memref<2x16x128xi32, #tpu.memory_space<vmem>> -> memref<1x1x128xi32, #tpu.memory_space<vmem>>
        %dma_wait3A_179 = tpu.memref_squeeze %dma_wait3A_178 : memref<1x1x128xi32, #tpu.memory_space<vmem>> -> memref<128xi32, #tpu.memory_space<vmem>>
        %dma_wait3A_180 = arith.constant 0 : i32
        %dma_wait3A_181 = arith.constant 0 : i32
        %dma_wait3A_182 = tpu.memref_slice %arg2[%dma_wait3A_180, %dma_wait3A_181] : memref<10000x128xf32, #tpu.memory_space<hbm>> -> memref<10000x128xf32, #tpu.memory_space<hbm>>
        tpu.wait_indirect_dma semaphore(%arg12 : memref<!tpu.dma_semaphore, #tpu.memory_space<semaphore_mem>>) src(%dma_wait3A_182 : memref<10000x128xf32, #tpu.memory_space<hbm>>) dst(%arg9 : memref<128x128xf32, #tpu.memory_space<vmem>>)
        %dma_start3A_183 = arith.constant 0 : i32
        %dma_start3A_184 = tpu.memref_slice %arg7[%rem3A_153, %rem3A_155, %dma_start3A_183] : memref<2x16x128xi32, #tpu.memory_space<vmem>> -> memref<1x1x128xi32, #tpu.memory_space<vmem>>
        %dma_start3A_185 = tpu.memref_squeeze %dma_start3A_184 : memref<1x1x128xi32, #tpu.memory_space<vmem>> -> memref<128xi32, #tpu.memory_space<vmem>>
        %dma_start3A_186 = arith.constant 0 : i32
        %dma_start3A_187 = arith.constant 0 : i32
        %dma_start3A_188 = tpu.memref_slice %arg10[%dma_start3A_186, %dma_start3A_187] : memref<10000x128xf32, #tpu.memory_space<vmem_shared>> -> memref<10000x128xf32, #tpu.memory_space<vmem_shared>>
        tpu.enqueue_indirect_dma source(%arg9 : memref<128x128xf32, #tpu.memory_space<vmem>>) target(%dma_start3A_188 : memref<10000x128xf32, #tpu.memory_space<vmem_shared>>) offsets(%dma_start3A_185 : memref<128xi32, #tpu.memory_space<vmem>>) semaphore(%arg14 : memref<!tpu.dma_semaphore, #tpu.memory_space<semaphore_mem>>) {add = true}
      } else {
      }
    }
    %dma_wait3A = arith.constant 0 : i32
    %dma_wait3A_91 = arith.constant 0 : i32
    %dma_wait3A_92 = arith.constant 0 : i32
    %dma_wait3A_93 = tpu.memref_slice %arg7[%dma_wait3A, %dma_wait3A_91, %dma_wait3A_92] : memref<2x16x128xi32, #tpu.memory_space<vmem>> -> memref<1x1x128xi32, #tpu.memory_space<vmem>>
    %dma_wait3A_94 = tpu.memref_squeeze %dma_wait3A_93 : memref<1x1x128xi32, #tpu.memory_space<vmem>> -> memref<128xi32, #tpu.memory_space<vmem>>
    %dma_wait3A_95 = arith.constant 0 : i32
    %dma_wait3A_96 = arith.constant 0 : i32
    %dma_wait3A_97 = tpu.memref_slice %arg10[%dma_wait3A_95, %dma_wait3A_96] : memref<10000x128xf32, #tpu.memory_space<vmem_shared>> -> memref<10000x128xf32, #tpu.memory_space<vmem_shared>>
    tpu.wait_indirect_dma semaphore(%arg13 : memref<!tpu.dma_semaphore, #tpu.memory_space<semaphore_mem>>) src(%arg8 : memref<128x128xf32, #tpu.memory_space<vmem>>) dst(%dma_wait3A_97 : memref<10000x128xf32, #tpu.memory_space<vmem_shared>>)
    %dma_wait3A_98 = arith.constant 0 : i32
    %dma_wait3A_99 = arith.constant 0 : i32
    %dma_wait3A_100 = arith.constant 0 : i32
    %dma_wait3A_101 = tpu.memref_slice %arg7[%dma_wait3A_98, %dma_wait3A_99, %dma_wait3A_100] : memref<2x16x128xi32, #tpu.memory_space<vmem>> -> memref<1x1x128xi32, #tpu.memory_space<vmem>>
    %dma_wait3A_102 = tpu.memref_squeeze %dma_wait3A_101 : memref<1x1x128xi32, #tpu.memory_space<vmem>> -> memref<128xi32, #tpu.memory_space<vmem>>
    %dma_wait3A_103 = arith.constant 0 : i32
    %dma_wait3A_104 = arith.constant 0 : i32
    %dma_wait3A_105 = tpu.memref_slice %arg10[%dma_wait3A_103, %dma_wait3A_104] : memref<10000x128xf32, #tpu.memory_space<vmem_shared>> -> memref<10000x128xf32, #tpu.memory_space<vmem_shared>>
    tpu.wait_indirect_dma semaphore(%arg14 : memref<!tpu.dma_semaphore, #tpu.memory_space<semaphore_mem>>) src(%arg9 : memref<128x128xf32, #tpu.memory_space<vmem>>) dst(%dma_wait3A_105 : memref<10000x128xf32, #tpu.memory_space<vmem_shared>>)
    %barrier3A_106 = arith.constant 0 : index
    tpu.barrier barrier_id(%barrier3A_106)
    %mul3A_107 = arith.constant 625 : i32
    %mul3A_108 = arith.muli %arg1, %mul3A_107 : i32
    %add3A_109 = arith.constant 0 : i32
    %add3A_110 = arith.addi %mul3A_108, %add3A_109 : i32
    "tpu.region"() ({
      %run_scoped3A_127 = tpu.sem_alloc : memref<!tpu.dma_semaphore, #tpu.memory_space<semaphore_mem>>
      %dma_start3A_128 = arith.constant 0 : i32
      %dma_start3A_129 = tpu.memref_slice %arg5[%arg0, %add3A_110, %dma_start3A_128] : memref<2x10000x128xf32, #tpu.memory_space<hbm>> -> memref<1x125x128xf32, #tpu.memory_space<hbm>>
      %dma_start3A_130 = tpu.memref_squeeze %dma_start3A_129 : memref<1x125x128xf32, #tpu.memory_space<hbm>> -> memref<125x128xf32, #tpu.memory_space<hbm>>
      %dma_start3A_131 = arith.constant 0 : i32
      %dma_start3A_132 = tpu.memref_slice %arg10[%add3A_110, %dma_start3A_131] : memref<10000x128xf32, #tpu.memory_space<vmem_shared>> -> memref<125x128xf32, #tpu.memory_space<vmem_shared>>
      tpu.enqueue_dma source(%dma_start3A_132 : memref<125x128xf32, #tpu.memory_space<vmem_shared>>) target(%dma_start3A_130 : memref<125x128xf32, #tpu.memory_space<hbm>>) target_semaphore(%run_scoped3A_127 : memref<!tpu.dma_semaphore, #tpu.memory_space<semaphore_mem>>)
      %dma_wait3A_133 = arith.constant 0 : i32
      %dma_wait3A_134 = tpu.memref_slice %arg5[%arg0, %add3A_110, %dma_wait3A_133] : memref<2x10000x128xf32, #tpu.memory_space<hbm>> -> memref<1x125x128xf32, #tpu.memory_space<hbm>>
      %dma_wait3A_135 = tpu.memref_squeeze %dma_wait3A_134 : memref<1x125x128xf32, #tpu.memory_space<hbm>> -> memref<125x128xf32, #tpu.memory_space<hbm>>
      %dma_wait3A_136 = arith.constant 0 : i32
      %dma_wait3A_137 = tpu.memref_slice %arg10[%add3A_110, %dma_wait3A_136] : memref<10000x128xf32, #tpu.memory_space<vmem_shared>> -> memref<125x128xf32, #tpu.memory_space<vmem_shared>>
      tpu.wait_dma2 semaphore(%run_scoped3A_127 : memref<!tpu.dma_semaphore, #tpu.memory_space<semaphore_mem>>) src(%dma_wait3A_137 : memref<125x128xf32, #tpu.memory_space<vmem_shared>>) dst(%dma_wait3A_135 : memref<125x128xf32, #tpu.memory_space<hbm>>)
      tpu.yield
    }) : () -> ()
    %mul3A_111 = arith.constant 625 : i32
    %mul3A_112 = arith.muli %arg1, %mul3A_111 : i32
    %add3A_113 = arith.constant 125 : i32
    %add3A_114 = arith.addi %mul3A_112, %add3A_113 : i32
    "tpu.region"() ({
      %run_scoped3A_127 = tpu.sem_alloc : memref<!tpu.dma_semaphore, #tpu.memory_space<semaphore_mem>>
      %dma_start3A_128 = arith.constant 0 : i32
      %dma_start3A_129 = tpu.memref_slice %arg5[%arg0, %add3A_114, %dma_start3A_128] : memref<2x10000x128xf32, #tpu.memory_space<hbm>> -> memref<1x125x128xf32, #tpu.memory_space<hbm>>
      %dma_start3A_130 = tpu.memref_squeeze %dma_start3A_129 : memref<1x125x128xf32, #tpu.memory_space<hbm>> -> memref<125x128xf32, #tpu.memory_space<hbm>>
      %dma_start3A_131 = arith.constant 0 : i32
      %dma_start3A_132 = tpu.memref_slice %arg10[%add3A_114, %dma_start3A_131] : memref<10000x128xf32, #tpu.memory_space<vmem_shared>> -> memref<125x128xf32, #tpu.memory_space<vmem_shared>>
      tpu.enqueue_dma source(%dma_start3A_132 : memref<125x128xf32, #tpu.memory_space<vmem_shared>>) target(%dma_start3A_130 : memref<125x128xf32, #tpu.memory_space<hbm>>) target_semaphore(%run_scoped3A_127 : memref<!tpu.dma_semaphore, #tpu.memory_space<semaphore_mem>>)
      %dma_wait3A_133 = arith.constant 0 : i32
      %dma_wait3A_134 = tpu.memref_slice %arg5[%arg0, %add3A_114, %dma_wait3A_133] : memref<2x10000x128xf32, #tpu.memory_space<hbm>> -> memref<1x125x128xf32, #tpu.memory_space<hbm>>
      %dma_wait3A_135 = tpu.memref_squeeze %dma_wait3A_134 : memref<1x125x128xf32, #tpu.memory_space<hbm>> -> memref<125x128xf32, #tpu.memory_space<hbm>>
      %dma_wait3A_136 = arith.constant 0 : i32
      %dma_wait3A_137 = tpu.memref_slice %arg10[%add3A_114, %dma_wait3A_136] : memref<10000x128xf32, #tpu.memory_space<vmem_shared>> -> memref<125x128xf32, #tpu.memory_space<vmem_shared>>
      tpu.wait_dma2 semaphore(%run_scoped3A_127 : memref<!tpu.dma_semaphore, #tpu.memory_space<semaphore_mem>>) src(%dma_wait3A_137 : memref<125x128xf32, #tpu.memory_space<vmem_shared>>) dst(%dma_wait3A_135 : memref<125x128xf32, #tpu.memory_space<hbm>>)
      tpu.yield
    }) : () -> ()
    %mul3A_115 = arith.constant 625 : i32
    %mul3A_116 = arith.muli %arg1, %mul3A_115 : i32
    %add3A_117 = arith.constant 250 : i32
    %add3A_118 = arith.addi %mul3A_116, %add3A_117 : i32
    "tpu.region"() ({
      %run_scoped3A_127 = tpu.sem_alloc : memref<!tpu.dma_semaphore, #tpu.memory_space<semaphore_mem>>
      %dma_start3A_128 = arith.constant 0 : i32
      %dma_start3A_129 = tpu.memref_slice %arg5[%arg0, %add3A_118, %dma_start3A_128] : memref<2x10000x128xf32, #tpu.memory_space<hbm>> -> memref<1x125x128xf32, #tpu.memory_space<hbm>>
      %dma_start3A_130 = tpu.memref_squeeze %dma_start3A_129 : memref<1x125x128xf32, #tpu.memory_space<hbm>> -> memref<125x128xf32, #tpu.memory_space<hbm>>
      %dma_start3A_131 = arith.constant 0 : i32
      %dma_start3A_132 = tpu.memref_slice %arg10[%add3A_118, %dma_start3A_131] : memref<10000x128xf32, #tpu.memory_space<vmem_shared>> -> memref<125x128xf32, #tpu.memory_space<vmem_shared>>
      tpu.enqueue_dma source(%dma_start3A_132 : memref<125x128xf32, #tpu.memory_space<vmem_shared>>) target(%dma_start3A_130 : memref<125x128xf32, #tpu.memory_space<hbm>>) target_semaphore(%run_scoped3A_127 : memref<!tpu.dma_semaphore, #tpu.memory_space<semaphore_mem>>)
      %dma_wait3A_133 = arith.constant 0 : i32
      %dma_wait3A_134 = tpu.memref_slice %arg5[%arg0, %add3A_118, %dma_wait3A_133] : memref<2x10000x128xf32, #tpu.memory_space<hbm>> -> memref<1x125x128xf32, #tpu.memory_space<hbm>>
      %dma_wait3A_135 = tpu.memref_squeeze %dma_wait3A_134 : memref<1x125x128xf32, #tpu.memory_space<hbm>> -> memref<125x128xf32, #tpu.memory_space<hbm>>
      %dma_wait3A_136 = arith.constant 0 : i32
      %dma_wait3A_137 = tpu.memref_slice %arg10[%add3A_118, %dma_wait3A_136] : memref<10000x128xf32, #tpu.memory_space<vmem_shared>> -> memref<125x128xf32, #tpu.memory_space<vmem_shared>>
      tpu.wait_dma2 semaphore(%run_scoped3A_127 : memref<!tpu.dma_semaphore, #tpu.memory_space<semaphore_mem>>) src(%dma_wait3A_137 : memref<125x128xf32, #tpu.memory_space<vmem_shared>>) dst(%dma_wait3A_135 : memref<125x128xf32, #tpu.memory_space<hbm>>)
      tpu.yield
    }) : () -> ()
    %mul3A_119 = arith.constant 625 : i32
    %mul3A_120 = arith.muli %arg1, %mul3A_119 : i32
    %add3A_121 = arith.constant 375 : i32
    %add3A_122 = arith.addi %mul3A_120, %add3A_121 : i32
    "tpu.region"() ({
      %run_scoped3A_127 = tpu.sem_alloc : memref<!tpu.dma_semaphore, #tpu.memory_space<semaphore_mem>>
      %dma_start3A_128 = arith.constant 0 : i32
      %dma_start3A_129 = tpu.memref_slice %arg5[%arg0, %add3A_122, %dma_start3A_128] : memref<2x10000x128xf32, #tpu.memory_space<hbm>> -> memref<1x125x128xf32, #tpu.memory_space<hbm>>
      %dma_start3A_130 = tpu.memref_squeeze %dma_start3A_129 : memref<1x125x128xf32, #tpu.memory_space<hbm>> -> memref<125x128xf32, #tpu.memory_space<hbm>>
      %dma_start3A_131 = arith.constant 0 : i32
      %dma_start3A_132 = tpu.memref_slice %arg10[%add3A_122, %dma_start3A_131] : memref<10000x128xf32, #tpu.memory_space<vmem_shared>> -> memref<125x128xf32, #tpu.memory_space<vmem_shared>>
      tpu.enqueue_dma source(%dma_start3A_132 : memref<125x128xf32, #tpu.memory_space<vmem_shared>>) target(%dma_start3A_130 : memref<125x128xf32, #tpu.memory_space<hbm>>) target_semaphore(%run_scoped3A_127 : memref<!tpu.dma_semaphore, #tpu.memory_space<semaphore_mem>>)
      %dma_wait3A_133 = arith.constant 0 : i32
      %dma_wait3A_134 = tpu.memref_slice %arg5[%arg0, %add3A_122, %dma_wait3A_133] : memref<2x10000x128xf32, #tpu.memory_space<hbm>> -> memref<1x125x128xf32, #tpu.memory_space<hbm>>
      %dma_wait3A_135 = tpu.memref_squeeze %dma_wait3A_134 : memref<1x125x128xf32, #tpu.memory_space<hbm>> -> memref<125x128xf32, #tpu.memory_space<hbm>>
      %dma_wait3A_136 = arith.constant 0 : i32
      %dma_wait3A_137 = tpu.memref_slice %arg10[%add3A_122, %dma_wait3A_136] : memref<10000x128xf32, #tpu.memory_space<vmem_shared>> -> memref<125x128xf32, #tpu.memory_space<vmem_shared>>
      tpu.wait_dma2 semaphore(%run_scoped3A_127 : memref<!tpu.dma_semaphore, #tpu.memory_space<semaphore_mem>>) src(%dma_wait3A_137 : memref<125x128xf32, #tpu.memory_space<vmem_shared>>) dst(%dma_wait3A_135 : memref<125x128xf32, #tpu.memory_space<hbm>>)
      tpu.yield
    }) : () -> ()
    %mul3A_123 = arith.constant 625 : i32
    %mul3A_124 = arith.muli %arg1, %mul3A_123 : i32
    %add3A_125 = arith.constant 500 : i32
    %add3A_126 = arith.addi %mul3A_124, %add3A_125 : i32
    "tpu.region"() ({
      %run_scoped3A_127 = tpu.sem_alloc : memref<!tpu.dma_semaphore, #tpu.memory_space<semaphore_mem>>
      %dma_start3A_128 = arith.constant 0 : i32
      %dma_start3A_129 = tpu.memref_slice %arg5[%arg0, %add3A_126, %dma_start3A_128] : memref<2x10000x128xf32, #tpu.memory_space<hbm>> -> memref<1x125x128xf32, #tpu.memory_space<hbm>>
      %dma_start3A_130 = tpu.memref_squeeze %dma_start3A_129 : memref<1x125x128xf32, #tpu.memory_space<hbm>> -> memref<125x128xf32, #tpu.memory_space<hbm>>
      %dma_start3A_131 = arith.constant 0 : i32
      %dma_start3A_132 = tpu.memref_slice %arg10[%add3A_126, %dma_start3A_131] : memref<10000x128xf32, #tpu.memory_space<vmem_shared>> -> memref<125x128xf32, #tpu.memory_space<vmem_shared>>
      tpu.enqueue_dma source(%dma_start3A_132 : memref<125x128xf32, #tpu.memory_space<vmem_shared>>) target(%dma_start3A_130 : memref<125x128xf32, #tpu.memory_space<hbm>>) target_semaphore(%run_scoped3A_127 : memref<!tpu.dma_semaphore, #tpu.memory_space<semaphore_mem>>)
      %dma_wait3A_133 = arith.constant 0 : i32
      %dma_wait3A_134 = tpu.memref_slice %arg5[%arg0, %add3A_126, %dma_wait3A_133] : memref<2x10000x128xf32, #tpu.memory_space<hbm>> -> memref<1x125x128xf32, #tpu.memory_space<hbm>>
      %dma_wait3A_135 = tpu.memref_squeeze %dma_wait3A_134 : memref<1x125x128xf32, #tpu.memory_space<hbm>> -> memref<125x128xf32, #tpu.memory_space<hbm>>
      %dma_wait3A_136 = arith.constant 0 : i32
      %dma_wait3A_137 = tpu.memref_slice %arg10[%add3A_126, %dma_wait3A_136] : memref<10000x128xf32, #tpu.memory_space<vmem_shared>> -> memref<125x128xf32, #tpu.memory_space<vmem_shared>>
      tpu.wait_dma2 semaphore(%run_scoped3A_127 : memref<!tpu.dma_semaphore, #tpu.memory_space<semaphore_mem>>) src(%dma_wait3A_137 : memref<125x128xf32, #tpu.memory_space<vmem_shared>>) dst(%dma_wait3A_135 : memref<125x128xf32, #tpu.memory_space<hbm>>)
      tpu.yield
    }) : () -> ()
    return
  }
}

#map = affine_map<(d0, d1) -> (0, 0)>
#map1 = affine_map<(d0, d1) -> (0, 0, 0)>
module attributes {stable_mosaic.version = 14 : i64} {
  func.func @prop_kernel(%arg0: i32, %arg1: i32, %arg2: memref<10000x128xf32, #tpu.memory_space<hbm>>, %arg3: memref<2517x128xi32, #tpu.memory_space<hbm>>, %arg4: memref<2517x128xi32, #tpu.memory_space<hbm>>, %arg5: memref<2x10000x128xf32, #tpu.memory_space<hbm>>, %arg6: memref<2x16x128xi32, #tpu.memory_space<vmem>>, %arg7: memref<2x16x128xi32, #tpu.memory_space<vmem>>, %arg8: memref<128x128xf32, #tpu.memory_space<vmem>>, %arg9: memref<128x128xf32, #tpu.memory_space<vmem>>, %arg10: memref<10000x128xf32, #tpu.memory_space<vmem_shared>>, %arg11: memref<!tpu.dma_semaphore, #tpu.memory_space<semaphore_mem>>, %arg12: memref<!tpu.dma_semaphore, #tpu.memory_space<semaphore_mem>>, %arg13: memref<!tpu.dma_semaphore, #tpu.memory_space<semaphore_mem>>, %arg14: memref<!tpu.dma_semaphore, #tpu.memory_space<semaphore_mem>>) attributes {dimension_semantics = [#tpu.dimension_semantics<core_parallel>, #tpu.dimension_semantics<subcore_parallel>], iteration_bounds = array<i64: 2, 16>, scalar_prefetch = 0 : i64, scratch_operands = 9 : i64, tpu.core_type = #tpu.core_type<sc_vector_subcore>, window_params = [{transform_indices = #map}, {transform_indices = #map}, {transform_indices = #map}, {transform_indices = #map1}]} {
    %mul3A = arith.constant 16 : i32
    %mul3A_0 = arith.muli %arg0, %mul3A : i32
    %add3A = arith.addi %mul3A_0, %arg1 : i32
    %mul3A_1 = arith.constant 2500 : i32
    %mul3A_2 = arith.muli %add3A, %mul3A_1 : i32
    %jit3A = arith.constant 32 : i32
    %div3A = arith.divsi %mul3A_2, %jit3A : i32
    %sign3A = arith.constant 0 : i32
    %sign3A_3 = arith.cmpi sgt, %mul3A_2, %sign3A : i32
    %sign3A_4 = arith.extui %sign3A_3 : i1 to i32
    %sign3A_5 = arith.constant 0 : i32
    %sign3A_6 = arith.cmpi slt, %mul3A_2, %sign3A_5 : i32
    %sign3A_7 = arith.extui %sign3A_6 : i1 to i32
    %sign3A_8 = arith.subi %sign3A_4, %sign3A_7 : i32
    %sign3A_9 = arith.constant 0 : i32
    %sign3A_10 = arith.cmpi sgt, %jit3A, %sign3A_9 : i32
    %sign3A_11 = arith.extui %sign3A_10 : i1 to i32
    %sign3A_12 = arith.constant 0 : i32
    %sign3A_13 = arith.cmpi slt, %jit3A, %sign3A_12 : i32
    %sign3A_14 = arith.extui %sign3A_13 : i1 to i32
    %sign3A_15 = arith.subi %sign3A_11, %sign3A_14 : i32
    %ne3A = arith.cmpi ne, %sign3A_8, %sign3A_15 : i32
    %rem3A = arith.remsi %mul3A_2, %jit3A : i32
    %ne3A_16 = arith.constant 0 : i32
    %ne3A_17 = arith.cmpi ne, %rem3A, %ne3A_16 : i32
    %and3A = arith.andi %ne3A, %ne3A_17 : i1
    %sub3A = arith.constant 1 : i32
    %sub3A_18 = arith.subi %div3A, %sub3A : i32
    %select_n3A = arith.select %and3A, %sub3A_18, %div3A : i32
    %add3A_19 = arith.constant 1 : i32
    %add3A_20 = arith.addi %add3A, %add3A_19 : i32
    %mul3A_21 = arith.constant 2500 : i32
    %mul3A_22 = arith.muli %add3A_20, %mul3A_21 : i32
    %jit3A_23 = arith.constant 32 : i32
    %div3A_24 = arith.divsi %mul3A_22, %jit3A_23 : i32
    %sign3A_25 = arith.constant 0 : i32
    %sign3A_26 = arith.cmpi sgt, %mul3A_22, %sign3A_25 : i32
    %sign3A_27 = arith.extui %sign3A_26 : i1 to i32
    %sign3A_28 = arith.constant 0 : i32
    %sign3A_29 = arith.cmpi slt, %mul3A_22, %sign3A_28 : i32
    %sign3A_30 = arith.extui %sign3A_29 : i1 to i32
    %sign3A_31 = arith.subi %sign3A_27, %sign3A_30 : i32
    %sign3A_32 = arith.constant 0 : i32
    %sign3A_33 = arith.cmpi sgt, %jit3A_23, %sign3A_32 : i32
    %sign3A_34 = arith.extui %sign3A_33 : i1 to i32
    %sign3A_35 = arith.constant 0 : i32
    %sign3A_36 = arith.cmpi slt, %jit3A_23, %sign3A_35 : i32
    %sign3A_37 = arith.extui %sign3A_36 : i1 to i32
    %sign3A_38 = arith.subi %sign3A_34, %sign3A_37 : i32
    %ne3A_39 = arith.cmpi ne, %sign3A_31, %sign3A_38 : i32
    %rem3A_40 = arith.remsi %mul3A_22, %jit3A_23 : i32
    %ne3A_41 = arith.constant 0 : i32
    %ne3A_42 = arith.cmpi ne, %rem3A_40, %ne3A_41 : i32
    %and3A_43 = arith.andi %ne3A_39, %ne3A_42 : i1
    %sub3A_44 = arith.constant 1 : i32
    %sub3A_45 = arith.subi %div3A_24, %sub3A_44 : i32
    %select_n3A_46 = arith.select %and3A_43, %sub3A_45, %div3A_24 : i32
    %sub3A_47 = arith.subi %select_n3A_46, %select_n3A : i32
    %run_scoped3A = arith.constant 0 : i32
    "tpu.region"() ({
      %run_scoped3A_127 = tpu.sem_alloc : memref<!tpu.dma_semaphore, #tpu.memory_space<semaphore_mem>>
      %dma_start3A_128 = arith.constant 0 : i32
      %dma_start3A_129 = arith.constant 0 : i32
      %dma_start3A_130 = tpu.memref_slice %arg6[%run_scoped3A, %dma_start3A_128, %dma_start3A_129] : memref<2x16x128xi32, #tpu.memory_space<vmem>> -> memref<1x16x128xi32, #tpu.memory_space<vmem>>
      %dma_start3A_131 = tpu.memref_squeeze %dma_start3A_130 : memref<1x16x128xi32, #tpu.memory_space<vmem>> -> memref<16x128xi32, #tpu.memory_space<vmem>>
      %dma_start3A_132 = arith.constant 0 : i32
      %dma_start3A_133 = tpu.memref_slice %arg3[%select_n3A, %dma_start3A_132] : memref<2517x128xi32, #tpu.memory_space<hbm>> -> memref<16x128xi32, #tpu.memory_space<hbm>>
      %dma_start3A_134 = arith.constant 0 : i32
      %dma_start3A_135 = arith.constant 0 : i32
      %dma_start3A_136 = tpu.memref_slice %arg6[%run_scoped3A, %dma_start3A_134, %dma_start3A_135] : memref<2x16x128xi32, #tpu.memory_space<vmem>> -> memref<1x16x128xi32, #tpu.memory_space<vmem>>
      %dma_start3A_137 = tpu.memref_squeeze %dma_start3A_136 : memref<1x16x128xi32, #tpu.memory_space<vmem>> -> memref<16x128xi32, #tpu.memory_space<vmem>>
      %dma_start3A_138 = arith.constant 0 : i32
      %dma_start3A_139 = tpu.memref_slice %arg3[%select_n3A, %dma_start3A_138] : memref<2517x128xi32, #tpu.memory_space<hbm>> -> memref<16x128xi32, #tpu.memory_space<hbm>>
      tpu.enqueue_dma source(%dma_start3A_139 : memref<16x128xi32, #tpu.memory_space<hbm>>) target(%dma_start3A_137 : memref<16x128xi32, #tpu.memory_space<vmem>>) target_semaphore(%run_scoped3A_127 : memref<!tpu.dma_semaphore, #tpu.memory_space<semaphore_mem>>)
      %dma_wait3A_140 = arith.constant 0 : i32
      %dma_wait3A_141 = arith.constant 0 : i32
      %dma_wait3A_142 = tpu.memref_slice %arg6[%run_scoped3A, %dma_wait3A_140, %dma_wait3A_141] : memref<2x16x128xi32, #tpu.memory_space<vmem>> -> memref<1x16x128xi32, #tpu.memory_space<vmem>>
      %dma_wait3A_143 = tpu.memref_squeeze %dma_wait3A_142 : memref<1x16x128xi32, #tpu.memory_space<vmem>> -> memref<16x128xi32, #tpu.memory_space<vmem>>
      %dma_wait3A_144 = arith.constant 0 : i32
      %dma_wait3A_145 = tpu.memref_slice %arg3[%select_n3A, %dma_wait3A_144] : memref<2517x128xi32, #tpu.memory_space<hbm>> -> memref<16x128xi32, #tpu.memory_space<hbm>>
      %dma_wait3A_146 = arith.constant 0 : i32
      %dma_wait3A_147 = arith.constant 0 : i32
      %dma_wait3A_148 = tpu.memref_slice %arg6[%run_scoped3A, %dma_wait3A_146, %dma_wait3A_147] : memref<2x16x128xi32, #tpu.memory_space<vmem>> -> memref<1x16x128xi32, #tpu.memory_space<vmem>>
      %dma_wait3A_149 = tpu.memref_squeeze %dma_wait3A_148 : memref<1x16x128xi32, #tpu.memory_space<vmem>> -> memref<16x128xi32, #tpu.memory_space<vmem>>
      %dma_wait3A_150 = arith.constant 0 : i32
      %dma_wait3A_151 = tpu.memref_slice %arg3[%select_n3A, %dma_wait3A_150] : memref<2517x128xi32, #tpu.memory_space<hbm>> -> memref<16x128xi32, #tpu.memory_space<hbm>>
      tpu.wait_dma2 semaphore(%run_scoped3A_127 : memref<!tpu.dma_semaphore, #tpu.memory_space<semaphore_mem>>) src(%dma_wait3A_151 : memref<16x128xi32, #tpu.memory_space<hbm>>) dst(%dma_wait3A_149 : memref<16x128xi32, #tpu.memory_space<vmem>>)
      tpu.yield
    }) : () -> ()
    %run_scoped3A_48 = arith.constant 0 : i32
    "tpu.region"() ({
      %run_scoped3A_127 = tpu.sem_alloc : memref<!tpu.dma_semaphore, #tpu.memory_space<semaphore_mem>>
      %dma_start3A_128 = arith.constant 0 : i32
      %dma_start3A_129 = arith.constant 0 : i32
      %dma_start3A_130 = tpu.memref_slice %arg7[%run_scoped3A_48, %dma_start3A_128, %dma_start3A_129] : memref<2x16x128xi32, #tpu.memory_space<vmem>> -> memref<1x16x128xi32, #tpu.memory_space<vmem>>
      %dma_start3A_131 = tpu.memref_squeeze %dma_start3A_130 : memref<1x16x128xi32, #tpu.memory_space<vmem>> -> memref<16x128xi32, #tpu.memory_space<vmem>>
      %dma_start3A_132 = arith.constant 0 : i32
      %dma_start3A_133 = tpu.memref_slice %arg4[%select_n3A, %dma_start3A_132] : memref<2517x128xi32, #tpu.memory_space<hbm>> -> memref<16x128xi32, #tpu.memory_space<hbm>>
      %dma_start3A_134 = arith.constant 0 : i32
      %dma_start3A_135 = arith.constant 0 : i32
      %dma_start3A_136 = tpu.memref_slice %arg7[%run_scoped3A_48, %dma_start3A_134, %dma_start3A_135] : memref<2x16x128xi32, #tpu.memory_space<vmem>> -> memref<1x16x128xi32, #tpu.memory_space<vmem>>
      %dma_start3A_137 = tpu.memref_squeeze %dma_start3A_136 : memref<1x16x128xi32, #tpu.memory_space<vmem>> -> memref<16x128xi32, #tpu.memory_space<vmem>>
      %dma_start3A_138 = arith.constant 0 : i32
      %dma_start3A_139 = tpu.memref_slice %arg4[%select_n3A, %dma_start3A_138] : memref<2517x128xi32, #tpu.memory_space<hbm>> -> memref<16x128xi32, #tpu.memory_space<hbm>>
      tpu.enqueue_dma source(%dma_start3A_139 : memref<16x128xi32, #tpu.memory_space<hbm>>) target(%dma_start3A_137 : memref<16x128xi32, #tpu.memory_space<vmem>>) target_semaphore(%run_scoped3A_127 : memref<!tpu.dma_semaphore, #tpu.memory_space<semaphore_mem>>)
      %dma_wait3A_140 = arith.constant 0 : i32
      %dma_wait3A_141 = arith.constant 0 : i32
      %dma_wait3A_142 = tpu.memref_slice %arg7[%run_scoped3A_48, %dma_wait3A_140, %dma_wait3A_141] : memref<2x16x128xi32, #tpu.memory_space<vmem>> -> memref<1x16x128xi32, #tpu.memory_space<vmem>>
      %dma_wait3A_143 = tpu.memref_squeeze %dma_wait3A_142 : memref<1x16x128xi32, #tpu.memory_space<vmem>> -> memref<16x128xi32, #tpu.memory_space<vmem>>
      %dma_wait3A_144 = arith.constant 0 : i32
      %dma_wait3A_145 = tpu.memref_slice %arg4[%select_n3A, %dma_wait3A_144] : memref<2517x128xi32, #tpu.memory_space<hbm>> -> memref<16x128xi32, #tpu.memory_space<hbm>>
      %dma_wait3A_146 = arith.constant 0 : i32
      %dma_wait3A_147 = arith.constant 0 : i32
      %dma_wait3A_148 = tpu.memref_slice %arg7[%run_scoped3A_48, %dma_wait3A_146, %dma_wait3A_147] : memref<2x16x128xi32, #tpu.memory_space<vmem>> -> memref<1x16x128xi32, #tpu.memory_space<vmem>>
      %dma_wait3A_149 = tpu.memref_squeeze %dma_wait3A_148 : memref<1x16x128xi32, #tpu.memory_space<vmem>> -> memref<16x128xi32, #tpu.memory_space<vmem>>
      %dma_wait3A_150 = arith.constant 0 : i32
      %dma_wait3A_151 = tpu.memref_slice %arg4[%select_n3A, %dma_wait3A_150] : memref<2517x128xi32, #tpu.memory_space<hbm>> -> memref<16x128xi32, #tpu.memory_space<hbm>>
      tpu.wait_dma2 semaphore(%run_scoped3A_127 : memref<!tpu.dma_semaphore, #tpu.memory_space<semaphore_mem>>) src(%dma_wait3A_151 : memref<16x128xi32, #tpu.memory_space<hbm>>) dst(%dma_wait3A_149 : memref<16x128xi32, #tpu.memory_space<vmem>>)
      tpu.yield
    }) : () -> ()
    %dma_start3A = arith.constant 0 : i32
    %dma_start3A_49 = arith.constant 0 : i32
    %dma_start3A_50 = arith.constant 0 : i32
    %dma_start3A_51 = tpu.memref_slice %arg6[%dma_start3A, %dma_start3A_49, %dma_start3A_50] : memref<2x16x128xi32, #tpu.memory_space<vmem>> -> memref<1x1x128xi32, #tpu.memory_space<vmem>>
    %dma_start3A_52 = tpu.memref_squeeze %dma_start3A_51 : memref<1x1x128xi32, #tpu.memory_space<vmem>> -> memref<128xi32, #tpu.memory_space<vmem>>
    %dma_start3A_53 = arith.constant 0 : i32
    %dma_start3A_54 = arith.constant 0 : i32
    %dma_start3A_55 = tpu.memref_slice %arg2[%dma_start3A_53, %dma_start3A_54] : memref<10000x128xf32, #tpu.memory_space<hbm>> -> memref<10000x128xf32, #tpu.memory_space<hbm>>
    tpu.enqueue_indirect_dma source(%dma_start3A_55 : memref<10000x128xf32, #tpu.memory_space<hbm>>) target(%arg8 : memref<128x128xf32, #tpu.memory_space<vmem>>) offsets(%dma_start3A_52 : memref<128xi32, #tpu.memory_space<vmem>>) semaphore(%arg11 : memref<!tpu.dma_semaphore, #tpu.memory_space<semaphore_mem>>)
    %broadcast_in_dim3A = arith.constant 0.000000e+00 : f32
    %broadcast_in_dim3A_56 = vector.broadcast %broadcast_in_dim3A : f32 to vector<16xf32>
    %scan3A = arith.constant 0 : i32
    %scan3A_57 = arith.constant 0 : i32
    %scan3A_58 = arith.constant 125 : i32
    %scan3A_59 = arith.addi %scan3A_57, %scan3A_58 : i32
    %scan3A_60 = arith.constant 1 : i32
    scf.for %scan3A_127 = %scan3A_57 to %scan3A_59 step %scan3A_60  : i32 {
      %swap3A = arith.index_cast %scan3A_127 : i32 to index
      %swap3A_128 = arith.constant 0 : index
      %swap3A_129 = tpu.vector_load %arg9[%swap3A, %swap3A_128] {strides = array<i32>} : memref<128x128xf32, #tpu.memory_space<vmem>>, vector<1x16xf32>,
      %swap3A_130 = vector.shape_cast %swap3A_129 : vector<1x16xf32> to vector<16xf32>
      %swap3A_131 = vector.shape_cast %broadcast_in_dim3A_56 : vector<16xf32> to vector<1x16xf32>
      tpu.vector_store %arg9[%swap3A, %swap3A_128], %swap3A_131 {strides = array<i32>} : memref<128x128xf32, #tpu.memory_space<vmem>>, vector<1x16xf32>,
      %swap3A_132 = arith.index_cast %scan3A_127 : i32 to index
      %swap3A_133 = arith.constant 16 : index
      %swap3A_134 = tpu.vector_load %arg9[%swap3A_132, %swap3A_133] {strides = array<i32>} : memref<128x128xf32, #tpu.memory_space<vmem>>, vector<1x16xf32>,
      %swap3A_135 = vector.shape_cast %swap3A_134 : vector<1x16xf32> to vector<16xf32>
      %swap3A_136 = vector.shape_cast %broadcast_in_dim3A_56 : vector<16xf32> to vector<1x16xf32>
      tpu.vector_store %arg9[%swap3A_132, %swap3A_133], %swap3A_136 {strides = array<i32>} : memref<128x128xf32, #tpu.memory_space<vmem>>, vector<1x16xf32>,
      %swap3A_137 = arith.index_cast %scan3A_127 : i32 to index
      %swap3A_138 = arith.constant 32 : index
      %swap3A_139 = tpu.vector_load %arg9[%swap3A_137, %swap3A_138] {strides = array<i32>} : memref<128x128xf32, #tpu.memory_space<vmem>>, vector<1x16xf32>,
      %swap3A_140 = vector.shape_cast %swap3A_139 : vector<1x16xf32> to vector<16xf32>
      %swap3A_141 = vector.shape_cast %broadcast_in_dim3A_56 : vector<16xf32> to vector<1x16xf32>
      tpu.vector_store %arg9[%swap3A_137, %swap3A_138], %swap3A_141 {strides = array<i32>} : memref<128x128xf32, #tpu.memory_space<vmem>>, vector<1x16xf32>,
      %swap3A_142 = arith.index_cast %scan3A_127 : i32 to index
      %swap3A_143 = arith.constant 48 : index
      %swap3A_144 = tpu.vector_load %arg9[%swap3A_142, %swap3A_143] {strides = array<i32>} : memref<128x128xf32, #tpu.memory_space<vmem>>, vector<1x16xf32>,
      %swap3A_145 = vector.shape_cast %swap3A_144 : vector<1x16xf32> to vector<16xf32>
      %swap3A_146 = vector.shape_cast %broadcast_in_dim3A_56 : vector<16xf32> to vector<1x16xf32>
      tpu.vector_store %arg9[%swap3A_142, %swap3A_143], %swap3A_146 {strides = array<i32>} : memref<128x128xf32, #tpu.memory_space<vmem>>, vector<1x16xf32>,
      %swap3A_147 = arith.index_cast %scan3A_127 : i32 to index
      %swap3A_148 = arith.constant 64 : index
      %swap3A_149 = tpu.vector_load %arg9[%swap3A_147, %swap3A_148] {strides = array<i32>} : memref<128x128xf32, #tpu.memory_space<vmem>>, vector<1x16xf32>,
      %swap3A_150 = vector.shape_cast %swap3A_149 : vector<1x16xf32> to vector<16xf32>
      %swap3A_151 = vector.shape_cast %broadcast_in_dim3A_56 : vector<16xf32> to vector<1x16xf32>
      tpu.vector_store %arg9[%swap3A_147, %swap3A_148], %swap3A_151 {strides = array<i32>} : memref<128x128xf32, #tpu.memory_space<vmem>>, vector<1x16xf32>,
      %swap3A_152 = arith.index_cast %scan3A_127 : i32 to index
      %swap3A_153 = arith.constant 80 : index
      %swap3A_154 = tpu.vector_load %arg9[%swap3A_152, %swap3A_153] {strides = array<i32>} : memref<128x128xf32, #tpu.memory_space<vmem>>, vector<1x16xf32>,
      %swap3A_155 = vector.shape_cast %swap3A_154 : vector<1x16xf32> to vector<16xf32>
      %swap3A_156 = vector.shape_cast %broadcast_in_dim3A_56 : vector<16xf32> to vector<1x16xf32>
      tpu.vector_store %arg9[%swap3A_152, %swap3A_153], %swap3A_156 {strides = array<i32>} : memref<128x128xf32, #tpu.memory_space<vmem>>, vector<1x16xf32>,
      %swap3A_157 = arith.index_cast %scan3A_127 : i32 to index
      %swap3A_158 = arith.constant 96 : index
      %swap3A_159 = tpu.vector_load %arg9[%swap3A_157, %swap3A_158] {strides = array<i32>} : memref<128x128xf32, #tpu.memory_space<vmem>>, vector<1x16xf32>,
      %swap3A_160 = vector.shape_cast %swap3A_159 : vector<1x16xf32> to vector<16xf32>
      %swap3A_161 = vector.shape_cast %broadcast_in_dim3A_56 : vector<16xf32> to vector<1x16xf32>
      tpu.vector_store %arg9[%swap3A_157, %swap3A_158], %swap3A_161 {strides = array<i32>} : memref<128x128xf32, #tpu.memory_space<vmem>>, vector<1x16xf32>,
      %swap3A_162 = arith.index_cast %scan3A_127 : i32 to index
      %swap3A_163 = arith.constant 112 : index
      %swap3A_164 = tpu.vector_load %arg9[%swap3A_162, %swap3A_163] {strides = array<i32>} : memref<128x128xf32, #tpu.memory_space<vmem>>, vector<1x16xf32>,
      %swap3A_165 = vector.shape_cast %swap3A_164 : vector<1x16xf32> to vector<16xf32>
      %swap3A_166 = vector.shape_cast %broadcast_in_dim3A_56 : vector<16xf32> to vector<1x16xf32>
      tpu.vector_store %arg9[%swap3A_162, %swap3A_163], %swap3A_166 {strides = array<i32>} : memref<128x128xf32, #tpu.memory_space<vmem>>, vector<1x16xf32>,
    }
    %scan3A_61 = arith.constant 125 : i32
    %mul3A_62 = arith.constant 625 : i32
    %mul3A_63 = arith.muli %arg1, %mul3A_62 : i32
    %add3A_64 = arith.constant 0 : i32
    %add3A_65 = arith.addi %mul3A_63, %add3A_64 : i32
    "tpu.region"() ({
      %run_scoped3A_127 = tpu.sem_alloc : memref<!tpu.dma_semaphore, #tpu.memory_space<semaphore_mem>>
      %dma_start3A_128 = arith.constant 0 : i32
      %dma_start3A_129 = arith.constant 0 : i32
      %dma_start3A_130 = tpu.memref_slice %arg9[%dma_start3A_128, %dma_start3A_129] : memref<128x128xf32, #tpu.memory_space<vmem>> -> memref<125x128xf32, #tpu.memory_space<vmem>>
      %dma_start3A_131 = arith.constant 0 : i32
      %dma_start3A_132 = tpu.memref_slice %arg10[%add3A_65, %dma_start3A_131] : memref<10000x128xf32, #tpu.memory_space<vmem_shared>> -> memref<125x128xf32, #tpu.memory_space<vmem_shared>>
      %dma_start3A_133 = arith.constant 0 : i32
      %dma_start3A_134 = tpu.memref_slice %arg10[%add3A_65, %dma_start3A_133] : memref<10000x128xf32, #tpu.memory_space<vmem_shared>> -> memref<125x128xf32, #tpu.memory_space<vmem_shared>>
      %dma_start3A_135 = arith.constant 0 : i32
      %dma_start3A_136 = arith.constant 0 : i32
      %dma_start3A_137 = tpu.memref_slice %arg9[%dma_start3A_135, %dma_start3A_136] : memref<128x128xf32, #tpu.memory_space<vmem>> -> memref<125x128xf32, #tpu.memory_space<vmem>>
      tpu.enqueue_dma source(%dma_start3A_137 : memref<125x128xf32, #tpu.memory_space<vmem>>) target(%dma_start3A_134 : memref<125x128xf32, #tpu.memory_space<vmem_shared>>) target_semaphore(%run_scoped3A_127 : memref<!tpu.dma_semaphore, #tpu.memory_space<semaphore_mem>>)
      %dma_wait3A_138 = arith.constant 0 : i32
      %dma_wait3A_139 = arith.constant 0 : i32
      %dma_wait3A_140 = tpu.memref_slice %arg9[%dma_wait3A_138, %dma_wait3A_139] : memref<128x128xf32, #tpu.memory_space<vmem>> -> memref<125x128xf32, #tpu.memory_space<vmem>>
      %dma_wait3A_141 = arith.constant 0 : i32
      %dma_wait3A_142 = tpu.memref_slice %arg10[%add3A_65, %dma_wait3A_141] : memref<10000x128xf32, #tpu.memory_space<vmem_shared>> -> memref<125x128xf32, #tpu.memory_space<vmem_shared>>
      %dma_wait3A_143 = arith.constant 0 : i32
      %dma_wait3A_144 = tpu.memref_slice %arg10[%add3A_65, %dma_wait3A_143] : memref<10000x128xf32, #tpu.memory_space<vmem_shared>> -> memref<125x128xf32, #tpu.memory_space<vmem_shared>>
      %dma_wait3A_145 = arith.constant 0 : i32
      %dma_wait3A_146 = arith.constant 0 : i32
      %dma_wait3A_147 = tpu.memref_slice %arg9[%dma_wait3A_145, %dma_wait3A_146] : memref<128x128xf32, #tpu.memory_space<vmem>> -> memref<125x128xf32, #tpu.memory_space<vmem>>
      tpu.wait_dma2 semaphore(%run_scoped3A_127 : memref<!tpu.dma_semaphore, #tpu.memory_space<semaphore_mem>>) src(%dma_wait3A_147 : memref<125x128xf32, #tpu.memory_space<vmem>>) dst(%dma_wait3A_144 : memref<125x128xf32, #tpu.memory_space<vmem_shared>>)
      tpu.yield
    }) : () -> ()
    %mul3A_66 = arith.constant 625 : i32
    %mul3A_67 = arith.muli %arg1, %mul3A_66 : i32
    %add3A_68 = arith.constant 125 : i32
    %add3A_69 = arith.addi %mul3A_67, %add3A_68 : i32
    "tpu.region"() ({
      %run_scoped3A_127 = tpu.sem_alloc : memref<!tpu.dma_semaphore, #tpu.memory_space<semaphore_mem>>
      %dma_start3A_128 = arith.constant 0 : i32
      %dma_start3A_129 = arith.constant 0 : i32
      %dma_start3A_130 = tpu.memref_slice %arg9[%dma_start3A_128, %dma_start3A_129] : memref<128x128xf32, #tpu.memory_space<vmem>> -> memref<125x128xf32, #tpu.memory_space<vmem>>
      %dma_start3A_131 = arith.constant 0 : i32
      %dma_start3A_132 = tpu.memref_slice %arg10[%add3A_69, %dma_start3A_131] : memref<10000x128xf32, #tpu.memory_space<vmem_shared>> -> memref<125x128xf32, #tpu.memory_space<vmem_shared>>
      %dma_start3A_133 = arith.constant 0 : i32
      %dma_start3A_134 = tpu.memref_slice %arg10[%add3A_69, %dma_start3A_133] : memref<10000x128xf32, #tpu.memory_space<vmem_shared>> -> memref<125x128xf32, #tpu.memory_space<vmem_shared>>
      %dma_start3A_135 = arith.constant 0 : i32
      %dma_start3A_136 = arith.constant 0 : i32
      %dma_start3A_137 = tpu.memref_slice %arg9[%dma_start3A_135, %dma_start3A_136] : memref<128x128xf32, #tpu.memory_space<vmem>> -> memref<125x128xf32, #tpu.memory_space<vmem>>
      tpu.enqueue_dma source(%dma_start3A_137 : memref<125x128xf32, #tpu.memory_space<vmem>>) target(%dma_start3A_134 : memref<125x128xf32, #tpu.memory_space<vmem_shared>>) target_semaphore(%run_scoped3A_127 : memref<!tpu.dma_semaphore, #tpu.memory_space<semaphore_mem>>)
      %dma_wait3A_138 = arith.constant 0 : i32
      %dma_wait3A_139 = arith.constant 0 : i32
      %dma_wait3A_140 = tpu.memref_slice %arg9[%dma_wait3A_138, %dma_wait3A_139] : memref<128x128xf32, #tpu.memory_space<vmem>> -> memref<125x128xf32, #tpu.memory_space<vmem>>
      %dma_wait3A_141 = arith.constant 0 : i32
      %dma_wait3A_142 = tpu.memref_slice %arg10[%add3A_69, %dma_wait3A_141] : memref<10000x128xf32, #tpu.memory_space<vmem_shared>> -> memref<125x128xf32, #tpu.memory_space<vmem_shared>>
      %dma_wait3A_143 = arith.constant 0 : i32
      %dma_wait3A_144 = tpu.memref_slice %arg10[%add3A_69, %dma_wait3A_143] : memref<10000x128xf32, #tpu.memory_space<vmem_shared>> -> memref<125x128xf32, #tpu.memory_space<vmem_shared>>
      %dma_wait3A_145 = arith.constant 0 : i32
      %dma_wait3A_146 = arith.constant 0 : i32
      %dma_wait3A_147 = tpu.memref_slice %arg9[%dma_wait3A_145, %dma_wait3A_146] : memref<128x128xf32, #tpu.memory_space<vmem>> -> memref<125x128xf32, #tpu.memory_space<vmem>>
      tpu.wait_dma2 semaphore(%run_scoped3A_127 : memref<!tpu.dma_semaphore, #tpu.memory_space<semaphore_mem>>) src(%dma_wait3A_147 : memref<125x128xf32, #tpu.memory_space<vmem>>) dst(%dma_wait3A_144 : memref<125x128xf32, #tpu.memory_space<vmem_shared>>)
      tpu.yield
    }) : () -> ()
    %mul3A_70 = arith.constant 625 : i32
    %mul3A_71 = arith.muli %arg1, %mul3A_70 : i32
    %add3A_72 = arith.constant 250 : i32
    %add3A_73 = arith.addi %mul3A_71, %add3A_72 : i32
    "tpu.region"() ({
      %run_scoped3A_127 = tpu.sem_alloc : memref<!tpu.dma_semaphore, #tpu.memory_space<semaphore_mem>>
      %dma_start3A_128 = arith.constant 0 : i32
      %dma_start3A_129 = arith.constant 0 : i32
      %dma_start3A_130 = tpu.memref_slice %arg9[%dma_start3A_128, %dma_start3A_129] : memref<128x128xf32, #tpu.memory_space<vmem>> -> memref<125x128xf32, #tpu.memory_space<vmem>>
      %dma_start3A_131 = arith.constant 0 : i32
      %dma_start3A_132 = tpu.memref_slice %arg10[%add3A_73, %dma_start3A_131] : memref<10000x128xf32, #tpu.memory_space<vmem_shared>> -> memref<125x128xf32, #tpu.memory_space<vmem_shared>>
      %dma_start3A_133 = arith.constant 0 : i32
      %dma_start3A_134 = tpu.memref_slice %arg10[%add3A_73, %dma_start3A_133] : memref<10000x128xf32, #tpu.memory_space<vmem_shared>> -> memref<125x128xf32, #tpu.memory_space<vmem_shared>>
      %dma_start3A_135 = arith.constant 0 : i32
      %dma_start3A_136 = arith.constant 0 : i32
      %dma_start3A_137 = tpu.memref_slice %arg9[%dma_start3A_135, %dma_start3A_136] : memref<128x128xf32, #tpu.memory_space<vmem>> -> memref<125x128xf32, #tpu.memory_space<vmem>>
      tpu.enqueue_dma source(%dma_start3A_137 : memref<125x128xf32, #tpu.memory_space<vmem>>) target(%dma_start3A_134 : memref<125x128xf32, #tpu.memory_space<vmem_shared>>) target_semaphore(%run_scoped3A_127 : memref<!tpu.dma_semaphore, #tpu.memory_space<semaphore_mem>>)
      %dma_wait3A_138 = arith.constant 0 : i32
      %dma_wait3A_139 = arith.constant 0 : i32
      %dma_wait3A_140 = tpu.memref_slice %arg9[%dma_wait3A_138, %dma_wait3A_139] : memref<128x128xf32, #tpu.memory_space<vmem>> -> memref<125x128xf32, #tpu.memory_space<vmem>>
      %dma_wait3A_141 = arith.constant 0 : i32
      %dma_wait3A_142 = tpu.memref_slice %arg10[%add3A_73, %dma_wait3A_141] : memref<10000x128xf32, #tpu.memory_space<vmem_shared>> -> memref<125x128xf32, #tpu.memory_space<vmem_shared>>
      %dma_wait3A_143 = arith.constant 0 : i32
      %dma_wait3A_144 = tpu.memref_slice %arg10[%add3A_73, %dma_wait3A_143] : memref<10000x128xf32, #tpu.memory_space<vmem_shared>> -> memref<125x128xf32, #tpu.memory_space<vmem_shared>>
      %dma_wait3A_145 = arith.constant 0 : i32
      %dma_wait3A_146 = arith.constant 0 : i32
      %dma_wait3A_147 = tpu.memref_slice %arg9[%dma_wait3A_145, %dma_wait3A_146] : memref<128x128xf32, #tpu.memory_space<vmem>> -> memref<125x128xf32, #tpu.memory_space<vmem>>
      tpu.wait_dma2 semaphore(%run_scoped3A_127 : memref<!tpu.dma_semaphore, #tpu.memory_space<semaphore_mem>>) src(%dma_wait3A_147 : memref<125x128xf32, #tpu.memory_space<vmem>>) dst(%dma_wait3A_144 : memref<125x128xf32, #tpu.memory_space<vmem_shared>>)
      tpu.yield
    }) : () -> ()
    %mul3A_74 = arith.constant 625 : i32
    %mul3A_75 = arith.muli %arg1, %mul3A_74 : i32
    %add3A_76 = arith.constant 375 : i32
    %add3A_77 = arith.addi %mul3A_75, %add3A_76 : i32
    "tpu.region"() ({
      %run_scoped3A_127 = tpu.sem_alloc : memref<!tpu.dma_semaphore, #tpu.memory_space<semaphore_mem>>
      %dma_start3A_128 = arith.constant 0 : i32
      %dma_start3A_129 = arith.constant 0 : i32
      %dma_start3A_130 = tpu.memref_slice %arg9[%dma_start3A_128, %dma_start3A_129] : memref<128x128xf32, #tpu.memory_space<vmem>> -> memref<125x128xf32, #tpu.memory_space<vmem>>
      %dma_start3A_131 = arith.constant 0 : i32
      %dma_start3A_132 = tpu.memref_slice %arg10[%add3A_77, %dma_start3A_131] : memref<10000x128xf32, #tpu.memory_space<vmem_shared>> -> memref<125x128xf32, #tpu.memory_space<vmem_shared>>
      %dma_start3A_133 = arith.constant 0 : i32
      %dma_start3A_134 = tpu.memref_slice %arg10[%add3A_77, %dma_start3A_133] : memref<10000x128xf32, #tpu.memory_space<vmem_shared>> -> memref<125x128xf32, #tpu.memory_space<vmem_shared>>
      %dma_start3A_135 = arith.constant 0 : i32
      %dma_start3A_136 = arith.constant 0 : i32
      %dma_start3A_137 = tpu.memref_slice %arg9[%dma_start3A_135, %dma_start3A_136] : memref<128x128xf32, #tpu.memory_space<vmem>> -> memref<125x128xf32, #tpu.memory_space<vmem>>
      tpu.enqueue_dma source(%dma_start3A_137 : memref<125x128xf32, #tpu.memory_space<vmem>>) target(%dma_start3A_134 : memref<125x128xf32, #tpu.memory_space<vmem_shared>>) target_semaphore(%run_scoped3A_127 : memref<!tpu.dma_semaphore, #tpu.memory_space<semaphore_mem>>)
      %dma_wait3A_138 = arith.constant 0 : i32
      %dma_wait3A_139 = arith.constant 0 : i32
      %dma_wait3A_140 = tpu.memref_slice %arg9[%dma_wait3A_138, %dma_wait3A_139] : memref<128x128xf32, #tpu.memory_space<vmem>> -> memref<125x128xf32, #tpu.memory_space<vmem>>
      %dma_wait3A_141 = arith.constant 0 : i32
      %dma_wait3A_142 = tpu.memref_slice %arg10[%add3A_77, %dma_wait3A_141] : memref<10000x128xf32, #tpu.memory_space<vmem_shared>> -> memref<125x128xf32, #tpu.memory_space<vmem_shared>>
      %dma_wait3A_143 = arith.constant 0 : i32
      %dma_wait3A_144 = tpu.memref_slice %arg10[%add3A_77, %dma_wait3A_143] : memref<10000x128xf32, #tpu.memory_space<vmem_shared>> -> memref<125x128xf32, #tpu.memory_space<vmem_shared>>
      %dma_wait3A_145 = arith.constant 0 : i32
      %dma_wait3A_146 = arith.constant 0 : i32
      %dma_wait3A_147 = tpu.memref_slice %arg9[%dma_wait3A_145, %dma_wait3A_146] : memref<128x128xf32, #tpu.memory_space<vmem>> -> memref<125x128xf32, #tpu.memory_space<vmem>>
      tpu.wait_dma2 semaphore(%run_scoped3A_127 : memref<!tpu.dma_semaphore, #tpu.memory_space<semaphore_mem>>) src(%dma_wait3A_147 : memref<125x128xf32, #tpu.memory_space<vmem>>) dst(%dma_wait3A_144 : memref<125x128xf32, #tpu.memory_space<vmem_shared>>)
      tpu.yield
    }) : () -> ()
    %mul3A_78 = arith.constant 625 : i32
    %mul3A_79 = arith.muli %arg1, %mul3A_78 : i32
    %add3A_80 = arith.constant 500 : i32
    %add3A_81 = arith.addi %mul3A_79, %add3A_80 : i32
    "tpu.region"() ({
      %run_scoped3A_127 = tpu.sem_alloc : memref<!tpu.dma_semaphore, #tpu.memory_space<semaphore_mem>>
      %dma_start3A_128 = arith.constant 0 : i32
      %dma_start3A_129 = arith.constant 0 : i32
      %dma_start3A_130 = tpu.memref_slice %arg9[%dma_start3A_128, %dma_start3A_129] : memref<128x128xf32, #tpu.memory_space<vmem>> -> memref<125x128xf32, #tpu.memory_space<vmem>>
      %dma_start3A_131 = arith.constant 0 : i32
      %dma_start3A_132 = tpu.memref_slice %arg10[%add3A_81, %dma_start3A_131] : memref<10000x128xf32, #tpu.memory_space<vmem_shared>> -> memref<125x128xf32, #tpu.memory_space<vmem_shared>>
      %dma_start3A_133 = arith.constant 0 : i32
      %dma_start3A_134 = tpu.memref_slice %arg10[%add3A_81, %dma_start3A_133] : memref<10000x128xf32, #tpu.memory_space<vmem_shared>> -> memref<125x128xf32, #tpu.memory_space<vmem_shared>>
      %dma_start3A_135 = arith.constant 0 : i32
      %dma_start3A_136 = arith.constant 0 : i32
      %dma_start3A_137 = tpu.memref_slice %arg9[%dma_start3A_135, %dma_start3A_136] : memref<128x128xf32, #tpu.memory_space<vmem>> -> memref<125x128xf32, #tpu.memory_space<vmem>>
      tpu.enqueue_dma source(%dma_start3A_137 : memref<125x128xf32, #tpu.memory_space<vmem>>) target(%dma_start3A_134 : memref<125x128xf32, #tpu.memory_space<vmem_shared>>) target_semaphore(%run_scoped3A_127 : memref<!tpu.dma_semaphore, #tpu.memory_space<semaphore_mem>>)
      %dma_wait3A_138 = arith.constant 0 : i32
      %dma_wait3A_139 = arith.constant 0 : i32
      %dma_wait3A_140 = tpu.memref_slice %arg9[%dma_wait3A_138, %dma_wait3A_139] : memref<128x128xf32, #tpu.memory_space<vmem>> -> memref<125x128xf32, #tpu.memory_space<vmem>>
      %dma_wait3A_141 = arith.constant 0 : i32
      %dma_wait3A_142 = tpu.memref_slice %arg10[%add3A_81, %dma_wait3A_141] : memref<10000x128xf32, #tpu.memory_space<vmem_shared>> -> memref<125x128xf32, #tpu.memory_space<vmem_shared>>
      %dma_wait3A_143 = arith.constant 0 : i32
      %dma_wait3A_144 = tpu.memref_slice %arg10[%add3A_81, %dma_wait3A_143] : memref<10000x128xf32, #tpu.memory_space<vmem_shared>> -> memref<125x128xf32, #tpu.memory_space<vmem_shared>>
      %dma_wait3A_145 = arith.constant 0 : i32
      %dma_wait3A_146 = arith.constant 0 : i32
      %dma_wait3A_147 = tpu.memref_slice %arg9[%dma_wait3A_145, %dma_wait3A_146] : memref<128x128xf32, #tpu.memory_space<vmem>> -> memref<125x128xf32, #tpu.memory_space<vmem>>
      tpu.wait_dma2 semaphore(%run_scoped3A_127 : memref<!tpu.dma_semaphore, #tpu.memory_space<semaphore_mem>>) src(%dma_wait3A_147 : memref<125x128xf32, #tpu.memory_space<vmem>>) dst(%dma_wait3A_144 : memref<125x128xf32, #tpu.memory_space<vmem_shared>>)
      tpu.yield
    }) : () -> ()
    %barrier3A = arith.constant 0 : index
    tpu.barrier barrier_id(%barrier3A)
    %while3A = arith.constant 0 : i32
    %while3A_82 = arith.constant 0 : i32
    %while3A_83 = arith.subi %sub3A_47, %while3A_82 : i32
    %while3A_84 = arith.addi %while3A_82, %while3A_83 : i32
    %while3A_85 = arith.constant 1 : i32
    %while3A_86 = arith.divsi %while3A_83, %while3A_85 : i32
    %while3A_87 = arith.muli %while3A_86, %while3A_85 : i32
    %while3A_88 = arith.addi %while3A_82, %while3A_87 : i32
    %while3A_89 = arith.constant 1 : i32
    scf.for %while3A_127 = %while3A_82 to %while3A_88 step %while3A_89  : i32 {
      %jit3A_128 = arith.constant 16 : i32
      %div3A_129 = arith.divsi %while3A_127, %jit3A_128 : i32
      %sign3A_130 = arith.constant 0 : i32
      %sign3A_131 = arith.cmpi sgt, %while3A_127, %sign3A_130 : i32
      %sign3A_132 = arith.extui %sign3A_131 : i1 to i32
      %sign3A_133 = arith.constant 0 : i32
      %sign3A_134 = arith.cmpi slt, %while3A_127, %sign3A_133 : i32
      %sign3A_135 = arith.extui %sign3A_134 : i1 to i32
      %sign3A_136 = arith.subi %sign3A_132, %sign3A_135 : i32
      %sign3A_137 = arith.constant 0 : i32
      %sign3A_138 = arith.cmpi sgt, %jit3A_128, %sign3A_137 : i32
      %sign3A_139 = arith.extui %sign3A_138 : i1 to i32
      %sign3A_140 = arith.constant 0 : i32
      %sign3A_141 = arith.cmpi slt, %jit3A_128, %sign3A_140 : i32
      %sign3A_142 = arith.extui %sign3A_141 : i1 to i32
      %sign3A_143 = arith.subi %sign3A_139, %sign3A_142 : i32
      %ne3A_144 = arith.cmpi ne, %sign3A_136, %sign3A_143 : i32
      %rem3A_145 = arith.remsi %while3A_127, %jit3A_128 : i32
      %ne3A_146 = arith.constant 0 : i32
      %ne3A_147 = arith.cmpi ne, %rem3A_145, %ne3A_146 : i32
      %and3A_148 = arith.andi %ne3A_144, %ne3A_147 : i1
      %sub3A_149 = arith.constant 1 : i32
      %sub3A_150 = arith.subi %div3A_129, %sub3A_149 : i32
      %select_n3A_151 = arith.select %and3A_148, %sub3A_150, %div3A_129 : i32
      %rem3A_152 = arith.constant 2 : i32
      %rem3A_153 = arith.remsi %select_n3A_151, %rem3A_152 : i32
      %rem3A_154 = arith.constant 16 : i32
      %rem3A_155 = arith.remsi %while3A_127, %rem3A_154 : i32
      %eq3A = arith.constant 0 : i32
      %eq3A_156 = arith.cmpi eq, %rem3A_155, %eq3A : i32
      %convert_element_type3A = arith.extui %eq3A_156 : i1 to i32
      %cond3A = arith.constant 0 : i32
      %cond3A_157 = arith.cmpi ne, %convert_element_type3A, %cond3A : i32
      scf.if %cond3A_157 {
        %add3A_177 = arith.addi %select_n3A, %while3A_127 : i32
        %add3A_178 = arith.constant 16 : i32
        %add3A_179 = arith.addi %add3A_177, %add3A_178 : i32
        %sub3A_180 = arith.constant 1 : i32
        %sub3A_181 = arith.subi %sub3A_180, %rem3A_153 : i32
        "tpu.region"() ({
          %run_scoped3A_187 = tpu.sem_alloc : memref<!tpu.dma_semaphore, #tpu.memory_space<semaphore_mem>>
          %dma_start3A_188 = arith.constant 0 : i32
          %dma_start3A_189 = arith.constant 0 : i32
          %dma_start3A_190 = tpu.memref_slice %arg6[%sub3A_181, %dma_start3A_188, %dma_start3A_189] : memref<2x16x128xi32, #tpu.memory_space<vmem>> -> memref<1x16x128xi32, #tpu.memory_space<vmem>>
          %dma_start3A_191 = tpu.memref_squeeze %dma_start3A_190 : memref<1x16x128xi32, #tpu.memory_space<vmem>> -> memref<16x128xi32, #tpu.memory_space<vmem>>
          %dma_start3A_192 = arith.constant 0 : i32
          %dma_start3A_193 = tpu.memref_slice %arg3[%add3A_179, %dma_start3A_192] : memref<2517x128xi32, #tpu.memory_space<hbm>> -> memref<16x128xi32, #tpu.memory_space<hbm>>
          %dma_start3A_194 = arith.constant 0 : i32
          %dma_start3A_195 = arith.constant 0 : i32
          %dma_start3A_196 = tpu.memref_slice %arg6[%sub3A_181, %dma_start3A_194, %dma_start3A_195] : memref<2x16x128xi32, #tpu.memory_space<vmem>> -> memref<1x16x128xi32, #tpu.memory_space<vmem>>
          %dma_start3A_197 = tpu.memref_squeeze %dma_start3A_196 : memref<1x16x128xi32, #tpu.memory_space<vmem>> -> memref<16x128xi32, #tpu.memory_space<vmem>>
          %dma_start3A_198 = arith.constant 0 : i32
          %dma_start3A_199 = tpu.memref_slice %arg3[%add3A_179, %dma_start3A_198] : memref<2517x128xi32, #tpu.memory_space<hbm>> -> memref<16x128xi32, #tpu.memory_space<hbm>>
          tpu.enqueue_dma source(%dma_start3A_199 : memref<16x128xi32, #tpu.memory_space<hbm>>) target(%dma_start3A_197 : memref<16x128xi32, #tpu.memory_space<vmem>>) target_semaphore(%run_scoped3A_187 : memref<!tpu.dma_semaphore, #tpu.memory_space<semaphore_mem>>)
          %dma_wait3A_200 = arith.constant 0 : i32
          %dma_wait3A_201 = arith.constant 0 : i32
          %dma_wait3A_202 = tpu.memref_slice %arg6[%sub3A_181, %dma_wait3A_200, %dma_wait3A_201] : memref<2x16x128xi32, #tpu.memory_space<vmem>> -> memref<1x16x128xi32, #tpu.memory_space<vmem>>
          %dma_wait3A_203 = tpu.memref_squeeze %dma_wait3A_202 : memref<1x16x128xi32, #tpu.memory_space<vmem>> -> memref<16x128xi32, #tpu.memory_space<vmem>>
          %dma_wait3A_204 = arith.constant 0 : i32
          %dma_wait3A_205 = tpu.memref_slice %arg3[%add3A_179, %dma_wait3A_204] : memref<2517x128xi32, #tpu.memory_space<hbm>> -> memref<16x128xi32, #tpu.memory_space<hbm>>
          %dma_wait3A_206 = arith.constant 0 : i32
          %dma_wait3A_207 = arith.constant 0 : i32
          %dma_wait3A_208 = tpu.memref_slice %arg6[%sub3A_181, %dma_wait3A_206, %dma_wait3A_207] : memref<2x16x128xi32, #tpu.memory_space<vmem>> -> memref<1x16x128xi32, #tpu.memory_space<vmem>>
          %dma_wait3A_209 = tpu.memref_squeeze %dma_wait3A_208 : memref<1x16x128xi32, #tpu.memory_space<vmem>> -> memref<16x128xi32, #tpu.memory_space<vmem>>
          %dma_wait3A_210 = arith.constant 0 : i32
          %dma_wait3A_211 = tpu.memref_slice %arg3[%add3A_179, %dma_wait3A_210] : memref<2517x128xi32, #tpu.memory_space<hbm>> -> memref<16x128xi32, #tpu.memory_space<hbm>>
          tpu.wait_dma2 semaphore(%run_scoped3A_187 : memref<!tpu.dma_semaphore, #tpu.memory_space<semaphore_mem>>) src(%dma_wait3A_211 : memref<16x128xi32, #tpu.memory_space<hbm>>) dst(%dma_wait3A_209 : memref<16x128xi32, #tpu.memory_space<vmem>>)
          tpu.yield
        }) : () -> ()
        %add3A_182 = arith.addi %select_n3A, %while3A_127 : i32
        %add3A_183 = arith.constant 16 : i32
        %add3A_184 = arith.addi %add3A_182, %add3A_183 : i32
        %sub3A_185 = arith.constant 1 : i32
        %sub3A_186 = arith.subi %sub3A_185, %rem3A_153 : i32
        "tpu.region"() ({
          %run_scoped3A_187 = tpu.sem_alloc : memref<!tpu.dma_semaphore, #tpu.memory_space<semaphore_mem>>
          %dma_start3A_188 = arith.constant 0 : i32
          %dma_start3A_189 = arith.constant 0 : i32
          %dma_start3A_190 = tpu.memref_slice %arg7[%sub3A_186, %dma_start3A_188, %dma_start3A_189] : memref<2x16x128xi32, #tpu.memory_space<vmem>> -> memref<1x16x128xi32, #tpu.memory_space<vmem>>
          %dma_start3A_191 = tpu.memref_squeeze %dma_start3A_190 : memref<1x16x128xi32, #tpu.memory_space<vmem>> -> memref<16x128xi32, #tpu.memory_space<vmem>>
          %dma_start3A_192 = arith.constant 0 : i32
          %dma_start3A_193 = tpu.memref_slice %arg4[%add3A_184, %dma_start3A_192] : memref<2517x128xi32, #tpu.memory_space<hbm>> -> memref<16x128xi32, #tpu.memory_space<hbm>>
          %dma_start3A_194 = arith.constant 0 : i32
          %dma_start3A_195 = arith.constant 0 : i32
          %dma_start3A_196 = tpu.memref_slice %arg7[%sub3A_186, %dma_start3A_194, %dma_start3A_195] : memref<2x16x128xi32, #tpu.memory_space<vmem>> -> memref<1x16x128xi32, #tpu.memory_space<vmem>>
          %dma_start3A_197 = tpu.memref_squeeze %dma_start3A_196 : memref<1x16x128xi32, #tpu.memory_space<vmem>> -> memref<16x128xi32, #tpu.memory_space<vmem>>
          %dma_start3A_198 = arith.constant 0 : i32
          %dma_start3A_199 = tpu.memref_slice %arg4[%add3A_184, %dma_start3A_198] : memref<2517x128xi32, #tpu.memory_space<hbm>> -> memref<16x128xi32, #tpu.memory_space<hbm>>
          tpu.enqueue_dma source(%dma_start3A_199 : memref<16x128xi32, #tpu.memory_space<hbm>>) target(%dma_start3A_197 : memref<16x128xi32, #tpu.memory_space<vmem>>) target_semaphore(%run_scoped3A_187 : memref<!tpu.dma_semaphore, #tpu.memory_space<semaphore_mem>>)
          %dma_wait3A_200 = arith.constant 0 : i32
          %dma_wait3A_201 = arith.constant 0 : i32
          %dma_wait3A_202 = tpu.memref_slice %arg7[%sub3A_186, %dma_wait3A_200, %dma_wait3A_201] : memref<2x16x128xi32, #tpu.memory_space<vmem>> -> memref<1x16x128xi32, #tpu.memory_space<vmem>>
          %dma_wait3A_203 = tpu.memref_squeeze %dma_wait3A_202 : memref<1x16x128xi32, #tpu.memory_space<vmem>> -> memref<16x128xi32, #tpu.memory_space<vmem>>
          %dma_wait3A_204 = arith.constant 0 : i32
          %dma_wait3A_205 = tpu.memref_slice %arg4[%add3A_184, %dma_wait3A_204] : memref<2517x128xi32, #tpu.memory_space<hbm>> -> memref<16x128xi32, #tpu.memory_space<hbm>>
          %dma_wait3A_206 = arith.constant 0 : i32
          %dma_wait3A_207 = arith.constant 0 : i32
          %dma_wait3A_208 = tpu.memref_slice %arg7[%sub3A_186, %dma_wait3A_206, %dma_wait3A_207] : memref<2x16x128xi32, #tpu.memory_space<vmem>> -> memref<1x16x128xi32, #tpu.memory_space<vmem>>
          %dma_wait3A_209 = tpu.memref_squeeze %dma_wait3A_208 : memref<1x16x128xi32, #tpu.memory_space<vmem>> -> memref<16x128xi32, #tpu.memory_space<vmem>>
          %dma_wait3A_210 = arith.constant 0 : i32
          %dma_wait3A_211 = tpu.memref_slice %arg4[%add3A_184, %dma_wait3A_210] : memref<2517x128xi32, #tpu.memory_space<hbm>> -> memref<16x128xi32, #tpu.memory_space<hbm>>
          tpu.wait_dma2 semaphore(%run_scoped3A_187 : memref<!tpu.dma_semaphore, #tpu.memory_space<semaphore_mem>>) src(%dma_wait3A_211 : memref<16x128xi32, #tpu.memory_space<hbm>>) dst(%dma_wait3A_209 : memref<16x128xi32, #tpu.memory_space<vmem>>)
          tpu.yield
        }) : () -> ()
      } else {
      }
      %add3A_158 = arith.constant 1 : i32
      %add3A_159 = arith.addi %while3A_127, %add3A_158 : i32
      %lt3A = arith.cmpi slt, %add3A_159, %sub3A_47 : i32
      %convert_element_type3A_160 = arith.extui %lt3A : i1 to i32
      %cond3A_161 = arith.constant 0 : i32
      %cond3A_162 = arith.cmpi ne, %convert_element_type3A_160, %cond3A_161 : i32
      scf.if %cond3A_162 {
        %add3A_177 = arith.constant 1 : i32
        %add3A_178 = arith.addi %while3A_127, %add3A_177 : i32
        %jit3A_179 = arith.constant 16 : i32
        %div3A_180 = arith.divsi %add3A_178, %jit3A_179 : i32
        %sign3A_181 = arith.constant 0 : i32
        %sign3A_182 = arith.cmpi sgt, %add3A_178, %sign3A_181 : i32
        %sign3A_183 = arith.extui %sign3A_182 : i1 to i32
        %sign3A_184 = arith.constant 0 : i32
        %sign3A_185 = arith.cmpi slt, %add3A_178, %sign3A_184 : i32
        %sign3A_186 = arith.extui %sign3A_185 : i1 to i32
        %sign3A_187 = arith.subi %sign3A_183, %sign3A_186 : i32
        %sign3A_188 = arith.constant 0 : i32
        %sign3A_189 = arith.cmpi sgt, %jit3A_179, %sign3A_188 : i32
        %sign3A_190 = arith.extui %sign3A_189 : i1 to i32
        %sign3A_191 = arith.constant 0 : i32
        %sign3A_192 = arith.cmpi slt, %jit3A_179, %sign3A_191 : i32
        %sign3A_193 = arith.extui %sign3A_192 : i1 to i32
        %sign3A_194 = arith.subi %sign3A_190, %sign3A_193 : i32
        %ne3A_195 = arith.cmpi ne, %sign3A_187, %sign3A_194 : i32
        %rem3A_196 = arith.remsi %add3A_178, %jit3A_179 : i32
        %ne3A_197 = arith.constant 0 : i32
        %ne3A_198 = arith.cmpi ne, %rem3A_196, %ne3A_197 : i32
        %and3A_199 = arith.andi %ne3A_195, %ne3A_198 : i1
        %sub3A_200 = arith.constant 1 : i32
        %sub3A_201 = arith.subi %div3A_180, %sub3A_200 : i32
        %select_n3A_202 = arith.select %and3A_199, %sub3A_201, %div3A_180 : i32
        %rem3A_203 = arith.constant 2 : i32
        %rem3A_204 = arith.remsi %select_n3A_202, %rem3A_203 : i32
        %add3A_205 = arith.constant 1 : i32
        %add3A_206 = arith.addi %while3A_127, %add3A_205 : i32
        %rem3A_207 = arith.constant 16 : i32
        %rem3A_208 = arith.remsi %add3A_206, %rem3A_207 : i32
        %rem3A_209 = arith.constant 2 : i32
        %rem3A_210 = arith.remsi %while3A_127, %rem3A_209 : i32
        %eq3A_211 = arith.constant 0 : i32
        %eq3A_212 = arith.cmpi eq, %rem3A_210, %eq3A_211 : i32
        %convert_element_type3A_213 = arith.extui %eq3A_212 : i1 to i32
        %cond3A_214 = arith.constant 0 : i32
        %cond3A_215 = arith.cmpi ne, %convert_element_type3A_213, %cond3A_214 : i32
        scf.if %cond3A_215 {
          %gt3A = arith.constant 0 : i32
          %gt3A_223 = arith.cmpi sgt, %while3A_127, %gt3A : i32
          %convert_element_type3A_224 = arith.extui %gt3A_223 : i1 to i32
          %cond3A_225 = arith.constant 0 : i32
          %cond3A_226 = arith.cmpi ne, %convert_element_type3A_224, %cond3A_225 : i32
          scf.if %cond3A_226 {
            %dma_wait3A_233 = arith.constant 0 : i32
            %dma_wait3A_234 = arith.constant 0 : i32
            %dma_wait3A_235 = arith.constant 0 : i32
            %dma_wait3A_236 = tpu.memref_slice %arg7[%dma_wait3A_233, %dma_wait3A_234, %dma_wait3A_235] : memref<2x16x128xi32, #tpu.memory_space<vmem>> -> memref<1x1x128xi32, #tpu.memory_space<vmem>>
            %dma_wait3A_237 = tpu.memref_squeeze %dma_wait3A_236 : memref<1x1x128xi32, #tpu.memory_space<vmem>> -> memref<128xi32, #tpu.memory_space<vmem>>
            %dma_wait3A_238 = arith.constant 0 : i32
            %dma_wait3A_239 = arith.constant 0 : i32
            %dma_wait3A_240 = tpu.memref_slice %arg10[%dma_wait3A_238, %dma_wait3A_239] : memref<10000x128xf32, #tpu.memory_space<vmem_shared>> -> memref<10000x128xf32, #tpu.memory_space<vmem_shared>>
            tpu.wait_indirect_dma semaphore(%arg14 : memref<!tpu.dma_semaphore, #tpu.memory_space<semaphore_mem>>) src(%arg9 : memref<128x128xf32, #tpu.memory_space<vmem>>) dst(%dma_wait3A_240 : memref<10000x128xf32, #tpu.memory_space<vmem_shared>>)
          } else {
          }
          %dma_start3A_227 = arith.constant 0 : i32
          %dma_start3A_228 = tpu.memref_slice %arg6[%rem3A_204, %rem3A_208, %dma_start3A_227] : memref<2x16x128xi32, #tpu.memory_space<vmem>> -> memref<1x1x128xi32, #tpu.memory_space<vmem>>
          %dma_start3A_229 = tpu.memref_squeeze %dma_start3A_228 : memref<1x1x128xi32, #tpu.memory_space<vmem>> -> memref<128xi32, #tpu.memory_space<vmem>>
          %dma_start3A_230 = arith.constant 0 : i32
          %dma_start3A_231 = arith.constant 0 : i32
          %dma_start3A_232 = tpu.memref_slice %arg2[%dma_start3A_230, %dma_start3A_231] : memref<10000x128xf32, #tpu.memory_space<hbm>> -> memref<10000x128xf32, #tpu.memory_space<hbm>>
          tpu.enqueue_indirect_dma source(%dma_start3A_232 : memref<10000x128xf32, #tpu.memory_space<hbm>>) target(%arg9 : memref<128x128xf32, #tpu.memory_space<vmem>>) offsets(%dma_start3A_229 : memref<128xi32, #tpu.memory_space<vmem>>) semaphore(%arg12 : memref<!tpu.dma_semaphore, #tpu.memory_space<semaphore_mem>>)
        } else {
        }
        %rem3A_216 = arith.constant 2 : i32
        %rem3A_217 = arith.remsi %while3A_127, %rem3A_216 : i32
        %eq3A_218 = arith.constant 1 : i32
        %eq3A_219 = arith.cmpi eq, %rem3A_217, %eq3A_218 : i32
        %convert_element_type3A_220 = arith.extui %eq3A_219 : i1 to i32
        %cond3A_221 = arith.constant 0 : i32
        %cond3A_222 = arith.cmpi ne, %convert_element_type3A_220, %cond3A_221 : i32
        scf.if %cond3A_222 {
          %dma_wait3A_223 = arith.constant 0 : i32
          %dma_wait3A_224 = arith.constant 0 : i32
          %dma_wait3A_225 = arith.constant 0 : i32
          %dma_wait3A_226 = tpu.memref_slice %arg7[%dma_wait3A_223, %dma_wait3A_224, %dma_wait3A_225] : memref<2x16x128xi32, #tpu.memory_space<vmem>> -> memref<1x1x128xi32, #tpu.memory_space<vmem>>
          %dma_wait3A_227 = tpu.memref_squeeze %dma_wait3A_226 : memref<1x1x128xi32, #tpu.memory_space<vmem>> -> memref<128xi32, #tpu.memory_space<vmem>>
          %dma_wait3A_228 = arith.constant 0 : i32
          %dma_wait3A_229 = arith.constant 0 : i32
          %dma_wait3A_230 = tpu.memref_slice %arg10[%dma_wait3A_228, %dma_wait3A_229] : memref<10000x128xf32, #tpu.memory_space<vmem_shared>> -> memref<10000x128xf32, #tpu.memory_space<vmem_shared>>
          tpu.wait_indirect_dma semaphore(%arg13 : memref<!tpu.dma_semaphore, #tpu.memory_space<semaphore_mem>>) src(%arg8 : memref<128x128xf32, #tpu.memory_space<vmem>>) dst(%dma_wait3A_230 : memref<10000x128xf32, #tpu.memory_space<vmem_shared>>)
          %dma_start3A_231 = arith.constant 0 : i32
          %dma_start3A_232 = tpu.memref_slice %arg6[%rem3A_204, %rem3A_208, %dma_start3A_231] : memref<2x16x128xi32, #tpu.memory_space<vmem>> -> memref<1x1x128xi32, #tpu.memory_space<vmem>>
          %dma_start3A_233 = tpu.memref_squeeze %dma_start3A_232 : memref<1x1x128xi32, #tpu.memory_space<vmem>> -> memref<128xi32, #tpu.memory_space<vmem>>
          %dma_start3A_234 = arith.constant 0 : i32
          %dma_start3A_235 = arith.constant 0 : i32
          %dma_start3A_236 = tpu.memref_slice %arg2[%dma_start3A_234, %dma_start3A_235] : memref<10000x128xf32, #tpu.memory_space<hbm>> -> memref<10000x128xf32, #tpu.memory_space<hbm>>
          tpu.enqueue_indirect_dma source(%dma_start3A_236 : memref<10000x128xf32, #tpu.memory_space<hbm>>) target(%arg8 : memref<128x128xf32, #tpu.memory_space<vmem>>) offsets(%dma_start3A_233 : memref<128xi32, #tpu.memory_space<vmem>>) semaphore(%arg11 : memref<!tpu.dma_semaphore, #tpu.memory_space<semaphore_mem>>)
        } else {
        }
      } else {
      }
      %rem3A_163 = arith.constant 2 : i32
      %rem3A_164 = arith.remsi %while3A_127, %rem3A_163 : i32
      %eq3A_165 = arith.constant 0 : i32
      %eq3A_166 = arith.cmpi eq, %rem3A_164, %eq3A_165 : i32
      %convert_element_type3A_167 = arith.extui %eq3A_166 : i1 to i32
      %cond3A_168 = arith.constant 0 : i32
      %cond3A_169 = arith.cmpi ne, %convert_element_type3A_167, %cond3A_168 : i32
      scf.if %cond3A_169 {
        %dma_wait3A_177 = arith.constant 0 : i32
        %dma_wait3A_178 = tpu.memref_slice %arg6[%rem3A_153, %rem3A_155, %dma_wait3A_177] : memref<2x16x128xi32, #tpu.memory_space<vmem>> -> memref<1x1x128xi32, #tpu.memory_space<vmem>>
        %dma_wait3A_179 = tpu.memref_squeeze %dma_wait3A_178 : memref<1x1x128xi32, #tpu.memory_space<vmem>> -> memref<128xi32, #tpu.memory_space<vmem>>
        %dma_wait3A_180 = arith.constant 0 : i32
        %dma_wait3A_181 = arith.constant 0 : i32
        %dma_wait3A_182 = tpu.memref_slice %arg2[%dma_wait3A_180, %dma_wait3A_181] : memref<10000x128xf32, #tpu.memory_space<hbm>> -> memref<10000x128xf32, #tpu.memory_space<hbm>>
        tpu.wait_indirect_dma semaphore(%arg11 : memref<!tpu.dma_semaphore, #tpu.memory_space<semaphore_mem>>) src(%dma_wait3A_182 : memref<10000x128xf32, #tpu.memory_space<hbm>>) dst(%arg8 : memref<128x128xf32, #tpu.memory_space<vmem>>)
        %dma_start3A_183 = arith.constant 0 : i32
        %dma_start3A_184 = tpu.memref_slice %arg7[%rem3A_153, %rem3A_155, %dma_start3A_183] : memref<2x16x128xi32, #tpu.memory_space<vmem>> -> memref<1x1x128xi32, #tpu.memory_space<vmem>>
        %dma_start3A_185 = tpu.memref_squeeze %dma_start3A_184 : memref<1x1x128xi32, #tpu.memory_space<vmem>> -> memref<128xi32, #tpu.memory_space<vmem>>
        %dma_start3A_186 = arith.constant 0 : i32
        %dma_start3A_187 = arith.constant 0 : i32
        %dma_start3A_188 = tpu.memref_slice %arg10[%dma_start3A_186, %dma_start3A_187] : memref<10000x128xf32, #tpu.memory_space<vmem_shared>> -> memref<10000x128xf32, #tpu.memory_space<vmem_shared>>
        tpu.enqueue_indirect_dma source(%arg8 : memref<128x128xf32, #tpu.memory_space<vmem>>) target(%dma_start3A_188 : memref<10000x128xf32, #tpu.memory_space<vmem_shared>>) offsets(%dma_start3A_185 : memref<128xi32, #tpu.memory_space<vmem>>) semaphore(%arg13 : memref<!tpu.dma_semaphore, #tpu.memory_space<semaphore_mem>>) {add = true}
      } else {
      }
      %rem3A_170 = arith.constant 2 : i32
      %rem3A_171 = arith.remsi %while3A_127, %rem3A_170 : i32
      %eq3A_172 = arith.constant 1 : i32
      %eq3A_173 = arith.cmpi eq, %rem3A_171, %eq3A_172 : i32
      %convert_element_type3A_174 = arith.extui %eq3A_173 : i1 to i32
      %cond3A_175 = arith.constant 0 : i32
      %cond3A_176 = arith.cmpi ne, %convert_element_type3A_174, %cond3A_175 : i32
      scf.if %cond3A_176 {
        %dma_wait3A_177 = arith.constant 0 : i32
        %dma_wait3A_178 = tpu.memref_slice %arg6[%rem3A_153, %rem3A_155, %dma_wait3A_177] : memref<2x16x128xi32, #tpu.memory_space<vmem>> -> memref<1x1x128xi32, #tpu.memory_space<vmem>>
        %dma_wait3A_179 = tpu.memref_squeeze %dma_wait3A_178 : memref<1x1x128xi32, #tpu.memory_space<vmem>> -> memref<128xi32, #tpu.memory_space<vmem>>
        %dma_wait3A_180 = arith.constant 0 : i32
        %dma_wait3A_181 = arith.constant 0 : i32
        %dma_wait3A_182 = tpu.memref_slice %arg2[%dma_wait3A_180, %dma_wait3A_181] : memref<10000x128xf32, #tpu.memory_space<hbm>> -> memref<10000x128xf32, #tpu.memory_space<hbm>>
        tpu.wait_indirect_dma semaphore(%arg12 : memref<!tpu.dma_semaphore, #tpu.memory_space<semaphore_mem>>) src(%dma_wait3A_182 : memref<10000x128xf32, #tpu.memory_space<hbm>>) dst(%arg9 : memref<128x128xf32, #tpu.memory_space<vmem>>)
        %dma_start3A_183 = arith.constant 0 : i32
        %dma_start3A_184 = tpu.memref_slice %arg7[%rem3A_153, %rem3A_155, %dma_start3A_183] : memref<2x16x128xi32, #tpu.memory_space<vmem>> -> memref<1x1x128xi32, #tpu.memory_space<vmem>>
        %dma_start3A_185 = tpu.memref_squeeze %dma_start3A_184 : memref<1x1x128xi32, #tpu.memory_space<vmem>> -> memref<128xi32, #tpu.memory_space<vmem>>
        %dma_start3A_186 = arith.constant 0 : i32
        %dma_start3A_187 = arith.constant 0 : i32
        %dma_start3A_188 = tpu.memref_slice %arg10[%dma_start3A_186, %dma_start3A_187] : memref<10000x128xf32, #tpu.memory_space<vmem_shared>> -> memref<10000x128xf32, #tpu.memory_space<vmem_shared>>
        tpu.enqueue_indirect_dma source(%arg9 : memref<128x128xf32, #tpu.memory_space<vmem>>) target(%dma_start3A_188 : memref<10000x128xf32, #tpu.memory_space<vmem_shared>>) offsets(%dma_start3A_185 : memref<128xi32, #tpu.memory_space<vmem>>) semaphore(%arg14 : memref<!tpu.dma_semaphore, #tpu.memory_space<semaphore_mem>>) {add = true}
      } else {
      }
    }
    %while3A_90 = arith.constant 1 : i32
    scf.for %while3A_127 = %while3A_88 to %while3A_84 step %while3A_90  : i32 {
      %jit3A_128 = arith.constant 16 : i32
      %div3A_129 = arith.divsi %while3A_127, %jit3A_128 : i32
      %sign3A_130 = arith.constant 0 : i32
      %sign3A_131 = arith.cmpi sgt, %while3A_127, %sign3A_130 : i32
      %sign3A_132 = arith.extui %sign3A_131 : i1 to i32
      %sign3A_133 = arith.constant 0 : i32
      %sign3A_134 = arith.cmpi slt, %while3A_127, %sign3A_133 : i32
      %sign3A_135 = arith.extui %sign3A_134 : i1 to i32
      %sign3A_136 = arith.subi %sign3A_132, %sign3A_135 : i32
      %sign3A_137 = arith.constant 0 : i32
      %sign3A_138 = arith.cmpi sgt, %jit3A_128, %sign3A_137 : i32
      %sign3A_139 = arith.extui %sign3A_138 : i1 to i32
      %sign3A_140 = arith.constant 0 : i32
      %sign3A_141 = arith.cmpi slt, %jit3A_128, %sign3A_140 : i32
      %sign3A_142 = arith.extui %sign3A_141 : i1 to i32
      %sign3A_143 = arith.subi %sign3A_139, %sign3A_142 : i32
      %ne3A_144 = arith.cmpi ne, %sign3A_136, %sign3A_143 : i32
      %rem3A_145 = arith.remsi %while3A_127, %jit3A_128 : i32
      %ne3A_146 = arith.constant 0 : i32
      %ne3A_147 = arith.cmpi ne, %rem3A_145, %ne3A_146 : i32
      %and3A_148 = arith.andi %ne3A_144, %ne3A_147 : i1
      %sub3A_149 = arith.constant 1 : i32
      %sub3A_150 = arith.subi %div3A_129, %sub3A_149 : i32
      %select_n3A_151 = arith.select %and3A_148, %sub3A_150, %div3A_129 : i32
      %rem3A_152 = arith.constant 2 : i32
      %rem3A_153 = arith.remsi %select_n3A_151, %rem3A_152 : i32
      %rem3A_154 = arith.constant 16 : i32
      %rem3A_155 = arith.remsi %while3A_127, %rem3A_154 : i32
      %eq3A = arith.constant 0 : i32
      %eq3A_156 = arith.cmpi eq, %rem3A_155, %eq3A : i32
      %convert_element_type3A = arith.extui %eq3A_156 : i1 to i32
      %cond3A = arith.constant 0 : i32
      %cond3A_157 = arith.cmpi ne, %convert_element_type3A, %cond3A : i32
      scf.if %cond3A_157 {
        %add3A_177 = arith.addi %select_n3A, %while3A_127 : i32
        %add3A_178 = arith.constant 16 : i32
        %add3A_179 = arith.addi %add3A_177, %add3A_178 : i32
        %sub3A_180 = arith.constant 1 : i32
        %sub3A_181 = arith.subi %sub3A_180, %rem3A_153 : i32
        "tpu.region"() ({
          %run_scoped3A_187 = tpu.sem_alloc : memref<!tpu.dma_semaphore, #tpu.memory_space<semaphore_mem>>
          %dma_start3A_188 = arith.constant 0 : i32
          %dma_start3A_189 = arith.constant 0 : i32
          %dma_start3A_190 = tpu.memref_slice %arg6[%sub3A_181, %dma_start3A_188, %dma_start3A_189] : memref<2x16x128xi32, #tpu.memory_space<vmem>> -> memref<1x16x128xi32, #tpu.memory_space<vmem>>
          %dma_start3A_191 = tpu.memref_squeeze %dma_start3A_190 : memref<1x16x128xi32, #tpu.memory_space<vmem>> -> memref<16x128xi32, #tpu.memory_space<vmem>>
          %dma_start3A_192 = arith.constant 0 : i32
          %dma_start3A_193 = tpu.memref_slice %arg3[%add3A_179, %dma_start3A_192] : memref<2517x128xi32, #tpu.memory_space<hbm>> -> memref<16x128xi32, #tpu.memory_space<hbm>>
          %dma_start3A_194 = arith.constant 0 : i32
          %dma_start3A_195 = arith.constant 0 : i32
          %dma_start3A_196 = tpu.memref_slice %arg6[%sub3A_181, %dma_start3A_194, %dma_start3A_195] : memref<2x16x128xi32, #tpu.memory_space<vmem>> -> memref<1x16x128xi32, #tpu.memory_space<vmem>>
          %dma_start3A_197 = tpu.memref_squeeze %dma_start3A_196 : memref<1x16x128xi32, #tpu.memory_space<vmem>> -> memref<16x128xi32, #tpu.memory_space<vmem>>
          %dma_start3A_198 = arith.constant 0 : i32
          %dma_start3A_199 = tpu.memref_slice %arg3[%add3A_179, %dma_start3A_198] : memref<2517x128xi32, #tpu.memory_space<hbm>> -> memref<16x128xi32, #tpu.memory_space<hbm>>
          tpu.enqueue_dma source(%dma_start3A_199 : memref<16x128xi32, #tpu.memory_space<hbm>>) target(%dma_start3A_197 : memref<16x128xi32, #tpu.memory_space<vmem>>) target_semaphore(%run_scoped3A_187 : memref<!tpu.dma_semaphore, #tpu.memory_space<semaphore_mem>>)
          %dma_wait3A_200 = arith.constant 0 : i32
          %dma_wait3A_201 = arith.constant 0 : i32
          %dma_wait3A_202 = tpu.memref_slice %arg6[%sub3A_181, %dma_wait3A_200, %dma_wait3A_201] : memref<2x16x128xi32, #tpu.memory_space<vmem>> -> memref<1x16x128xi32, #tpu.memory_space<vmem>>
          %dma_wait3A_203 = tpu.memref_squeeze %dma_wait3A_202 : memref<1x16x128xi32, #tpu.memory_space<vmem>> -> memref<16x128xi32, #tpu.memory_space<vmem>>
          %dma_wait3A_204 = arith.constant 0 : i32
          %dma_wait3A_205 = tpu.memref_slice %arg3[%add3A_179, %dma_wait3A_204] : memref<2517x128xi32, #tpu.memory_space<hbm>> -> memref<16x128xi32, #tpu.memory_space<hbm>>
          %dma_wait3A_206 = arith.constant 0 : i32
          %dma_wait3A_207 = arith.constant 0 : i32
          %dma_wait3A_208 = tpu.memref_slice %arg6[%sub3A_181, %dma_wait3A_206, %dma_wait3A_207] : memref<2x16x128xi32, #tpu.memory_space<vmem>> -> memref<1x16x128xi32, #tpu.memory_space<vmem>>
          %dma_wait3A_209 = tpu.memref_squeeze %dma_wait3A_208 : memref<1x16x128xi32, #tpu.memory_space<vmem>> -> memref<16x128xi32, #tpu.memory_space<vmem>>
          %dma_wait3A_210 = arith.constant 0 : i32
          %dma_wait3A_211 = tpu.memref_slice %arg3[%add3A_179, %dma_wait3A_210] : memref<2517x128xi32, #tpu.memory_space<hbm>> -> memref<16x128xi32, #tpu.memory_space<hbm>>
          tpu.wait_dma2 semaphore(%run_scoped3A_187 : memref<!tpu.dma_semaphore, #tpu.memory_space<semaphore_mem>>) src(%dma_wait3A_211 : memref<16x128xi32, #tpu.memory_space<hbm>>) dst(%dma_wait3A_209 : memref<16x128xi32, #tpu.memory_space<vmem>>)
          tpu.yield
        }) : () -> ()
        %add3A_182 = arith.addi %select_n3A, %while3A_127 : i32
        %add3A_183 = arith.constant 16 : i32
        %add3A_184 = arith.addi %add3A_182, %add3A_183 : i32
        %sub3A_185 = arith.constant 1 : i32
        %sub3A_186 = arith.subi %sub3A_185, %rem3A_153 : i32
        "tpu.region"() ({
          %run_scoped3A_187 = tpu.sem_alloc : memref<!tpu.dma_semaphore, #tpu.memory_space<semaphore_mem>>
          %dma_start3A_188 = arith.constant 0 : i32
          %dma_start3A_189 = arith.constant 0 : i32
          %dma_start3A_190 = tpu.memref_slice %arg7[%sub3A_186, %dma_start3A_188, %dma_start3A_189] : memref<2x16x128xi32, #tpu.memory_space<vmem>> -> memref<1x16x128xi32, #tpu.memory_space<vmem>>
          %dma_start3A_191 = tpu.memref_squeeze %dma_start3A_190 : memref<1x16x128xi32, #tpu.memory_space<vmem>> -> memref<16x128xi32, #tpu.memory_space<vmem>>
          %dma_start3A_192 = arith.constant 0 : i32
          %dma_start3A_193 = tpu.memref_slice %arg4[%add3A_184, %dma_start3A_192] : memref<2517x128xi32, #tpu.memory_space<hbm>> -> memref<16x128xi32, #tpu.memory_space<hbm>>
          %dma_start3A_194 = arith.constant 0 : i32
          %dma_start3A_195 = arith.constant 0 : i32
          %dma_start3A_196 = tpu.memref_slice %arg7[%sub3A_186, %dma_start3A_194, %dma_start3A_195] : memref<2x16x128xi32, #tpu.memory_space<vmem>> -> memref<1x16x128xi32, #tpu.memory_space<vmem>>
          %dma_start3A_197 = tpu.memref_squeeze %dma_start3A_196 : memref<1x16x128xi32, #tpu.memory_space<vmem>> -> memref<16x128xi32, #tpu.memory_space<vmem>>
          %dma_start3A_198 = arith.constant 0 : i32
          %dma_start3A_199 = tpu.memref_slice %arg4[%add3A_184, %dma_start3A_198] : memref<2517x128xi32, #tpu.memory_space<hbm>> -> memref<16x128xi32, #tpu.memory_space<hbm>>
          tpu.enqueue_dma source(%dma_start3A_199 : memref<16x128xi32, #tpu.memory_space<hbm>>) target(%dma_start3A_197 : memref<16x128xi32, #tpu.memory_space<vmem>>) target_semaphore(%run_scoped3A_187 : memref<!tpu.dma_semaphore, #tpu.memory_space<semaphore_mem>>)
          %dma_wait3A_200 = arith.constant 0 : i32
          %dma_wait3A_201 = arith.constant 0 : i32
          %dma_wait3A_202 = tpu.memref_slice %arg7[%sub3A_186, %dma_wait3A_200, %dma_wait3A_201] : memref<2x16x128xi32, #tpu.memory_space<vmem>> -> memref<1x16x128xi32, #tpu.memory_space<vmem>>
          %dma_wait3A_203 = tpu.memref_squeeze %dma_wait3A_202 : memref<1x16x128xi32, #tpu.memory_space<vmem>> -> memref<16x128xi32, #tpu.memory_space<vmem>>
          %dma_wait3A_204 = arith.constant 0 : i32
          %dma_wait3A_205 = tpu.memref_slice %arg4[%add3A_184, %dma_wait3A_204] : memref<2517x128xi32, #tpu.memory_space<hbm>> -> memref<16x128xi32, #tpu.memory_space<hbm>>
          %dma_wait3A_206 = arith.constant 0 : i32
          %dma_wait3A_207 = arith.constant 0 : i32
          %dma_wait3A_208 = tpu.memref_slice %arg7[%sub3A_186, %dma_wait3A_206, %dma_wait3A_207] : memref<2x16x128xi32, #tpu.memory_space<vmem>> -> memref<1x16x128xi32, #tpu.memory_space<vmem>>
          %dma_wait3A_209 = tpu.memref_squeeze %dma_wait3A_208 : memref<1x16x128xi32, #tpu.memory_space<vmem>> -> memref<16x128xi32, #tpu.memory_space<vmem>>
          %dma_wait3A_210 = arith.constant 0 : i32
          %dma_wait3A_211 = tpu.memref_slice %arg4[%add3A_184, %dma_wait3A_210] : memref<2517x128xi32, #tpu.memory_space<hbm>> -> memref<16x128xi32, #tpu.memory_space<hbm>>
          tpu.wait_dma2 semaphore(%run_scoped3A_187 : memref<!tpu.dma_semaphore, #tpu.memory_space<semaphore_mem>>) src(%dma_wait3A_211 : memref<16x128xi32, #tpu.memory_space<hbm>>) dst(%dma_wait3A_209 : memref<16x128xi32, #tpu.memory_space<vmem>>)
          tpu.yield
        }) : () -> ()
      } else {
      }
      %add3A_158 = arith.constant 1 : i32
      %add3A_159 = arith.addi %while3A_127, %add3A_158 : i32
      %lt3A = arith.cmpi slt, %add3A_159, %sub3A_47 : i32
      %convert_element_type3A_160 = arith.extui %lt3A : i1 to i32
      %cond3A_161 = arith.constant 0 : i32
      %cond3A_162 = arith.cmpi ne, %convert_element_type3A_160, %cond3A_161 : i32
      scf.if %cond3A_162 {
        %add3A_177 = arith.constant 1 : i32
        %add3A_178 = arith.addi %while3A_127, %add3A_177 : i32
        %jit3A_179 = arith.constant 16 : i32
        %div3A_180 = arith.divsi %add3A_178, %jit3A_179 : i32
        %sign3A_181 = arith.constant 0 : i32
        %sign3A_182 = arith.cmpi sgt, %add3A_178, %sign3A_181 : i32
        %sign3A_183 = arith.extui %sign3A_182 : i1 to i32
        %sign3A_184 = arith.constant 0 : i32
        %sign3A_185 = arith.cmpi slt, %add3A_178, %sign3A_184 : i32
        %sign3A_186 = arith.extui %sign3A_185 : i1 to i32
        %sign3A_187 = arith.subi %sign3A_183, %sign3A_186 : i32
        %sign3A_188 = arith.constant 0 : i32
        %sign3A_189 = arith.cmpi sgt, %jit3A_179, %sign3A_188 : i32
        %sign3A_190 = arith.extui %sign3A_189 : i1 to i32
        %sign3A_191 = arith.constant 0 : i32
        %sign3A_192 = arith.cmpi slt, %jit3A_179, %sign3A_191 : i32
        %sign3A_193 = arith.extui %sign3A_192 : i1 to i32
        %sign3A_194 = arith.subi %sign3A_190, %sign3A_193 : i32
        %ne3A_195 = arith.cmpi ne, %sign3A_187, %sign3A_194 : i32
        %rem3A_196 = arith.remsi %add3A_178, %jit3A_179 : i32
        %ne3A_197 = arith.constant 0 : i32
        %ne3A_198 = arith.cmpi ne, %rem3A_196, %ne3A_197 : i32
        %and3A_199 = arith.andi %ne3A_195, %ne3A_198 : i1
        %sub3A_200 = arith.constant 1 : i32
        %sub3A_201 = arith.subi %div3A_180, %sub3A_200 : i32
        %select_n3A_202 = arith.select %and3A_199, %sub3A_201, %div3A_180 : i32
        %rem3A_203 = arith.constant 2 : i32
        %rem3A_204 = arith.remsi %select_n3A_202, %rem3A_203 : i32
        %add3A_205 = arith.constant 1 : i32
        %add3A_206 = arith.addi %while3A_127, %add3A_205 : i32
        %rem3A_207 = arith.constant 16 : i32
        %rem3A_208 = arith.remsi %add3A_206, %rem3A_207 : i32
        %rem3A_209 = arith.constant 2 : i32
        %rem3A_210 = arith.remsi %while3A_127, %rem3A_209 : i32
        %eq3A_211 = arith.constant 0 : i32
        %eq3A_212 = arith.cmpi eq, %rem3A_210, %eq3A_211 : i32
        %convert_element_type3A_213 = arith.extui %eq3A_212 : i1 to i32
        %cond3A_214 = arith.constant 0 : i32
        %cond3A_215 = arith.cmpi ne, %convert_element_type3A_213, %cond3A_214 : i32
        scf.if %cond3A_215 {
          %gt3A = arith.constant 0 : i32
          %gt3A_223 = arith.cmpi sgt, %while3A_127, %gt3A : i32
          %convert_element_type3A_224 = arith.extui %gt3A_223 : i1 to i32
          %cond3A_225 = arith.constant 0 : i32
          %cond3A_226 = arith.cmpi ne, %convert_element_type3A_224, %cond3A_225 : i32
          scf.if %cond3A_226 {
            %dma_wait3A_233 = arith.constant 0 : i32
            %dma_wait3A_234 = arith.constant 0 : i32
            %dma_wait3A_235 = arith.constant 0 : i32
            %dma_wait3A_236 = tpu.memref_slice %arg7[%dma_wait3A_233, %dma_wait3A_234, %dma_wait3A_235] : memref<2x16x128xi32, #tpu.memory_space<vmem>> -> memref<1x1x128xi32, #tpu.memory_space<vmem>>
            %dma_wait3A_237 = tpu.memref_squeeze %dma_wait3A_236 : memref<1x1x128xi32, #tpu.memory_space<vmem>> -> memref<128xi32, #tpu.memory_space<vmem>>
            %dma_wait3A_238 = arith.constant 0 : i32
            %dma_wait3A_239 = arith.constant 0 : i32
            %dma_wait3A_240 = tpu.memref_slice %arg10[%dma_wait3A_238, %dma_wait3A_239] : memref<10000x128xf32, #tpu.memory_space<vmem_shared>> -> memref<10000x128xf32, #tpu.memory_space<vmem_shared>>
            tpu.wait_indirect_dma semaphore(%arg14 : memref<!tpu.dma_semaphore, #tpu.memory_space<semaphore_mem>>) src(%arg9 : memref<128x128xf32, #tpu.memory_space<vmem>>) dst(%dma_wait3A_240 : memref<10000x128xf32, #tpu.memory_space<vmem_shared>>)
          } else {
          }
          %dma_start3A_227 = arith.constant 0 : i32
          %dma_start3A_228 = tpu.memref_slice %arg6[%rem3A_204, %rem3A_208, %dma_start3A_227] : memref<2x16x128xi32, #tpu.memory_space<vmem>> -> memref<1x1x128xi32, #tpu.memory_space<vmem>>
          %dma_start3A_229 = tpu.memref_squeeze %dma_start3A_228 : memref<1x1x128xi32, #tpu.memory_space<vmem>> -> memref<128xi32, #tpu.memory_space<vmem>>
          %dma_start3A_230 = arith.constant 0 : i32
          %dma_start3A_231 = arith.constant 0 : i32
          %dma_start3A_232 = tpu.memref_slice %arg2[%dma_start3A_230, %dma_start3A_231] : memref<10000x128xf32, #tpu.memory_space<hbm>> -> memref<10000x128xf32, #tpu.memory_space<hbm>>
          tpu.enqueue_indirect_dma source(%dma_start3A_232 : memref<10000x128xf32, #tpu.memory_space<hbm>>) target(%arg9 : memref<128x128xf32, #tpu.memory_space<vmem>>) offsets(%dma_start3A_229 : memref<128xi32, #tpu.memory_space<vmem>>) semaphore(%arg12 : memref<!tpu.dma_semaphore, #tpu.memory_space<semaphore_mem>>)
        } else {
        }
        %rem3A_216 = arith.constant 2 : i32
        %rem3A_217 = arith.remsi %while3A_127, %rem3A_216 : i32
        %eq3A_218 = arith.constant 1 : i32
        %eq3A_219 = arith.cmpi eq, %rem3A_217, %eq3A_218 : i32
        %convert_element_type3A_220 = arith.extui %eq3A_219 : i1 to i32
        %cond3A_221 = arith.constant 0 : i32
        %cond3A_222 = arith.cmpi ne, %convert_element_type3A_220, %cond3A_221 : i32
        scf.if %cond3A_222 {
          %dma_wait3A_223 = arith.constant 0 : i32
          %dma_wait3A_224 = arith.constant 0 : i32
          %dma_wait3A_225 = arith.constant 0 : i32
          %dma_wait3A_226 = tpu.memref_slice %arg7[%dma_wait3A_223, %dma_wait3A_224, %dma_wait3A_225] : memref<2x16x128xi32, #tpu.memory_space<vmem>> -> memref<1x1x128xi32, #tpu.memory_space<vmem>>
          %dma_wait3A_227 = tpu.memref_squeeze %dma_wait3A_226 : memref<1x1x128xi32, #tpu.memory_space<vmem>> -> memref<128xi32, #tpu.memory_space<vmem>>
          %dma_wait3A_228 = arith.constant 0 : i32
          %dma_wait3A_229 = arith.constant 0 : i32
          %dma_wait3A_230 = tpu.memref_slice %arg10[%dma_wait3A_228, %dma_wait3A_229] : memref<10000x128xf32, #tpu.memory_space<vmem_shared>> -> memref<10000x128xf32, #tpu.memory_space<vmem_shared>>
          tpu.wait_indirect_dma semaphore(%arg13 : memref<!tpu.dma_semaphore, #tpu.memory_space<semaphore_mem>>) src(%arg8 : memref<128x128xf32, #tpu.memory_space<vmem>>) dst(%dma_wait3A_230 : memref<10000x128xf32, #tpu.memory_space<vmem_shared>>)
          %dma_start3A_231 = arith.constant 0 : i32
          %dma_start3A_232 = tpu.memref_slice %arg6[%rem3A_204, %rem3A_208, %dma_start3A_231] : memref<2x16x128xi32, #tpu.memory_space<vmem>> -> memref<1x1x128xi32, #tpu.memory_space<vmem>>
          %dma_start3A_233 = tpu.memref_squeeze %dma_start3A_232 : memref<1x1x128xi32, #tpu.memory_space<vmem>> -> memref<128xi32, #tpu.memory_space<vmem>>
          %dma_start3A_234 = arith.constant 0 : i32
          %dma_start3A_235 = arith.constant 0 : i32
          %dma_start3A_236 = tpu.memref_slice %arg2[%dma_start3A_234, %dma_start3A_235] : memref<10000x128xf32, #tpu.memory_space<hbm>> -> memref<10000x128xf32, #tpu.memory_space<hbm>>
          tpu.enqueue_indirect_dma source(%dma_start3A_236 : memref<10000x128xf32, #tpu.memory_space<hbm>>) target(%arg8 : memref<128x128xf32, #tpu.memory_space<vmem>>) offsets(%dma_start3A_233 : memref<128xi32, #tpu.memory_space<vmem>>) semaphore(%arg11 : memref<!tpu.dma_semaphore, #tpu.memory_space<semaphore_mem>>)
        } else {
        }
      } else {
      }
      %rem3A_163 = arith.constant 2 : i32
      %rem3A_164 = arith.remsi %while3A_127, %rem3A_163 : i32
      %eq3A_165 = arith.constant 0 : i32
      %eq3A_166 = arith.cmpi eq, %rem3A_164, %eq3A_165 : i32
      %convert_element_type3A_167 = arith.extui %eq3A_166 : i1 to i32
      %cond3A_168 = arith.constant 0 : i32
      %cond3A_169 = arith.cmpi ne, %convert_element_type3A_167, %cond3A_168 : i32
      scf.if %cond3A_169 {
        %dma_wait3A_177 = arith.constant 0 : i32
        %dma_wait3A_178 = tpu.memref_slice %arg6[%rem3A_153, %rem3A_155, %dma_wait3A_177] : memref<2x16x128xi32, #tpu.memory_space<vmem>> -> memref<1x1x128xi32, #tpu.memory_space<vmem>>
        %dma_wait3A_179 = tpu.memref_squeeze %dma_wait3A_178 : memref<1x1x128xi32, #tpu.memory_space<vmem>> -> memref<128xi32, #tpu.memory_space<vmem>>
        %dma_wait3A_180 = arith.constant 0 : i32
        %dma_wait3A_181 = arith.constant 0 : i32
        %dma_wait3A_182 = tpu.memref_slice %arg2[%dma_wait3A_180, %dma_wait3A_181] : memref<10000x128xf32, #tpu.memory_space<hbm>> -> memref<10000x128xf32, #tpu.memory_space<hbm>>
        tpu.wait_indirect_dma semaphore(%arg11 : memref<!tpu.dma_semaphore, #tpu.memory_space<semaphore_mem>>) src(%dma_wait3A_182 : memref<10000x128xf32, #tpu.memory_space<hbm>>) dst(%arg8 : memref<128x128xf32, #tpu.memory_space<vmem>>)
        %dma_start3A_183 = arith.constant 0 : i32
        %dma_start3A_184 = tpu.memref_slice %arg7[%rem3A_153, %rem3A_155, %dma_start3A_183] : memref<2x16x128xi32, #tpu.memory_space<vmem>> -> memref<1x1x128xi32, #tpu.memory_space<vmem>>
        %dma_start3A_185 = tpu.memref_squeeze %dma_start3A_184 : memref<1x1x128xi32, #tpu.memory_space<vmem>> -> memref<128xi32, #tpu.memory_space<vmem>>
        %dma_start3A_186 = arith.constant 0 : i32
        %dma_start3A_187 = arith.constant 0 : i32
        %dma_start3A_188 = tpu.memref_slice %arg10[%dma_start3A_186, %dma_start3A_187] : memref<10000x128xf32, #tpu.memory_space<vmem_shared>> -> memref<10000x128xf32, #tpu.memory_space<vmem_shared>>
        tpu.enqueue_indirect_dma source(%arg8 : memref<128x128xf32, #tpu.memory_space<vmem>>) target(%dma_start3A_188 : memref<10000x128xf32, #tpu.memory_space<vmem_shared>>) offsets(%dma_start3A_185 : memref<128xi32, #tpu.memory_space<vmem>>) semaphore(%arg13 : memref<!tpu.dma_semaphore, #tpu.memory_space<semaphore_mem>>) {add = true}
      } else {
      }
      %rem3A_170 = arith.constant 2 : i32
      %rem3A_171 = arith.remsi %while3A_127, %rem3A_170 : i32
      %eq3A_172 = arith.constant 1 : i32
      %eq3A_173 = arith.cmpi eq, %rem3A_171, %eq3A_172 : i32
      %convert_element_type3A_174 = arith.extui %eq3A_173 : i1 to i32
      %cond3A_175 = arith.constant 0 : i32
      %cond3A_176 = arith.cmpi ne, %convert_element_type3A_174, %cond3A_175 : i32
      scf.if %cond3A_176 {
        %dma_wait3A_177 = arith.constant 0 : i32
        %dma_wait3A_178 = tpu.memref_slice %arg6[%rem3A_153, %rem3A_155, %dma_wait3A_177] : memref<2x16x128xi32, #tpu.memory_space<vmem>> -> memref<1x1x128xi32, #tpu.memory_space<vmem>>
        %dma_wait3A_179 = tpu.memref_squeeze %dma_wait3A_178 : memref<1x1x128xi32, #tpu.memory_space<vmem>> -> memref<128xi32, #tpu.memory_space<vmem>>
        %dma_wait3A_180 = arith.constant 0 : i32
        %dma_wait3A_181 = arith.constant 0 : i32
        %dma_wait3A_182 = tpu.memref_slice %arg2[%dma_wait3A_180, %dma_wait3A_181] : memref<10000x128xf32, #tpu.memory_space<hbm>> -> memref<10000x128xf32, #tpu.memory_space<hbm>>
        tpu.wait_indirect_dma semaphore(%arg12 : memref<!tpu.dma_semaphore, #tpu.memory_space<semaphore_mem>>) src(%dma_wait3A_182 : memref<10000x128xf32, #tpu.memory_space<hbm>>) dst(%arg9 : memref<128x128xf32, #tpu.memory_space<vmem>>)
        %dma_start3A_183 = arith.constant 0 : i32
        %dma_start3A_184 = tpu.memref_slice %arg7[%rem3A_153, %rem3A_155, %dma_start3A_183] : memref<2x16x128xi32, #tpu.memory_space<vmem>> -> memref<1x1x128xi32, #tpu.memory_space<vmem>>
        %dma_start3A_185 = tpu.memref_squeeze %dma_start3A_184 : memref<1x1x128xi32, #tpu.memory_space<vmem>> -> memref<128xi32, #tpu.memory_space<vmem>>
        %dma_start3A_186 = arith.constant 0 : i32
        %dma_start3A_187 = arith.constant 0 : i32
        %dma_start3A_188 = tpu.memref_slice %arg10[%dma_start3A_186, %dma_start3A_187] : memref<10000x128xf32, #tpu.memory_space<vmem_shared>> -> memref<10000x128xf32, #tpu.memory_space<vmem_shared>>
        tpu.enqueue_indirect_dma source(%arg9 : memref<128x128xf32, #tpu.memory_space<vmem>>) target(%dma_start3A_188 : memref<10000x128xf32, #tpu.memory_space<vmem_shared>>) offsets(%dma_start3A_185 : memref<128xi32, #tpu.memory_space<vmem>>) semaphore(%arg14 : memref<!tpu.dma_semaphore, #tpu.memory_space<semaphore_mem>>) {add = true}
      } else {
      }
    }
    %dma_wait3A = arith.constant 0 : i32
    %dma_wait3A_91 = arith.constant 0 : i32
    %dma_wait3A_92 = arith.constant 0 : i32
    %dma_wait3A_93 = tpu.memref_slice %arg7[%dma_wait3A, %dma_wait3A_91, %dma_wait3A_92] : memref<2x16x128xi32, #tpu.memory_space<vmem>> -> memref<1x1x128xi32, #tpu.memory_space<vmem>>
    %dma_wait3A_94 = tpu.memref_squeeze %dma_wait3A_93 : memref<1x1x128xi32, #tpu.memory_space<vmem>> -> memref<128xi32, #tpu.memory_space<vmem>>
    %dma_wait3A_95 = arith.constant 0 : i32
    %dma_wait3A_96 = arith.constant 0 : i32
    %dma_wait3A_97 = tpu.memref_slice %arg10[%dma_wait3A_95, %dma_wait3A_96] : memref<10000x128xf32, #tpu.memory_space<vmem_shared>> -> memref<10000x128xf32, #tpu.memory_space<vmem_shared>>
    tpu.wait_indirect_dma semaphore(%arg13 : memref<!tpu.dma_semaphore, #tpu.memory_space<semaphore_mem>>) src(%arg8 : memref<128x128xf32, #tpu.memory_space<vmem>>) dst(%dma_wait3A_97 : memref<10000x128xf32, #tpu.memory_space<vmem_shared>>)
    %dma_wait3A_98 = arith.constant 0 : i32
    %dma_wait3A_99 = arith.constant 0 : i32
    %dma_wait3A_100 = arith.constant 0 : i32
    %dma_wait3A_101 = tpu.memref_slice %arg7[%dma_wait3A_98, %dma_wait3A_99, %dma_wait3A_100] : memref<2x16x128xi32, #tpu.memory_space<vmem>> -> memref<1x1x128xi32, #tpu.memory_space<vmem>>
    %dma_wait3A_102 = tpu.memref_squeeze %dma_wait3A_101 : memref<1x1x128xi32, #tpu.memory_space<vmem>> -> memref<128xi32, #tpu.memory_space<vmem>>
    %dma_wait3A_103 = arith.constant 0 : i32
    %dma_wait3A_104 = arith.constant 0 : i32
    %dma_wait3A_105 = tpu.memref_slice %arg10[%dma_wait3A_103, %dma_wait3A_104] : memref<10000x128xf32, #tpu.memory_space<vmem_shared>> -> memref<10000x128xf32, #tpu.memory_space<vmem_shared>>
    tpu.wait_indirect_dma semaphore(%arg14 : memref<!tpu.dma_semaphore, #tpu.memory_space<semaphore_mem>>) src(%arg9 : memref<128x128xf32, #tpu.memory_space<vmem>>) dst(%dma_wait3A_105 : memref<10000x128xf32, #tpu.memory_space<vmem_shared>>)
    %barrier3A_106 = arith.constant 0 : index
    tpu.barrier barrier_id(%barrier3A_106)
    %mul3A_107 = arith.constant 625 : i32
    %mul3A_108 = arith.muli %arg1, %mul3A_107 : i32
    %add3A_109 = arith.constant 0 : i32
    %add3A_110 = arith.addi %mul3A_108, %add3A_109 : i32
    "tpu.region"() ({
      %run_scoped3A_127 = tpu.sem_alloc : memref<!tpu.dma_semaphore, #tpu.memory_space<semaphore_mem>>
      %dma_start3A_128 = arith.constant 0 : i32
      %dma_start3A_129 = tpu.memref_slice %arg5[%arg0, %add3A_110, %dma_start3A_128] : memref<2x10000x128xf32, #tpu.memory_space<hbm>> -> memref<1x125x128xf32, #tpu.memory_space<hbm>>
      %dma_start3A_130 = tpu.memref_squeeze %dma_start3A_129 : memref<1x125x128xf32, #tpu.memory_space<hbm>> -> memref<125x128xf32, #tpu.memory_space<hbm>>
      %dma_start3A_131 = arith.constant 0 : i32
      %dma_start3A_132 = tpu.memref_slice %arg10[%add3A_110, %dma_start3A_131] : memref<10000x128xf32, #tpu.memory_space<vmem_shared>> -> memref<125x128xf32, #tpu.memory_space<vmem_shared>>
      tpu.enqueue_dma source(%dma_start3A_132 : memref<125x128xf32, #tpu.memory_space<vmem_shared>>) target(%dma_start3A_130 : memref<125x128xf32, #tpu.memory_space<hbm>>) target_semaphore(%run_scoped3A_127 : memref<!tpu.dma_semaphore, #tpu.memory_space<semaphore_mem>>)
      %dma_wait3A_133 = arith.constant 0 : i32
      %dma_wait3A_134 = tpu.memref_slice %arg5[%arg0, %add3A_110, %dma_wait3A_133] : memref<2x10000x128xf32, #tpu.memory_space<hbm>> -> memref<1x125x128xf32, #tpu.memory_space<hbm>>
      %dma_wait3A_135 = tpu.memref_squeeze %dma_wait3A_134 : memref<1x125x128xf32, #tpu.memory_space<hbm>> -> memref<125x128xf32, #tpu.memory_space<hbm>>
      %dma_wait3A_136 = arith.constant 0 : i32
      %dma_wait3A_137 = tpu.memref_slice %arg10[%add3A_110, %dma_wait3A_136] : memref<10000x128xf32, #tpu.memory_space<vmem_shared>> -> memref<125x128xf32, #tpu.memory_space<vmem_shared>>
      tpu.wait_dma2 semaphore(%run_scoped3A_127 : memref<!tpu.dma_semaphore, #tpu.memory_space<semaphore_mem>>) src(%dma_wait3A_137 : memref<125x128xf32, #tpu.memory_space<vmem_shared>>) dst(%dma_wait3A_135 : memref<125x128xf32, #tpu.memory_space<hbm>>)
      tpu.yield
    }) : () -> ()
    %mul3A_111 = arith.constant 625 : i32
    %mul3A_112 = arith.muli %arg1, %mul3A_111 : i32
    %add3A_113 = arith.constant 125 : i32
    %add3A_114 = arith.addi %mul3A_112, %add3A_113 : i32
    "tpu.region"() ({
      %run_scoped3A_127 = tpu.sem_alloc : memref<!tpu.dma_semaphore, #tpu.memory_space<semaphore_mem>>
      %dma_start3A_128 = arith.constant 0 : i32
      %dma_start3A_129 = tpu.memref_slice %arg5[%arg0, %add3A_114, %dma_start3A_128] : memref<2x10000x128xf32, #tpu.memory_space<hbm>> -> memref<1x125x128xf32, #tpu.memory_space<hbm>>
      %dma_start3A_130 = tpu.memref_squeeze %dma_start3A_129 : memref<1x125x128xf32, #tpu.memory_space<hbm>> -> memref<125x128xf32, #tpu.memory_space<hbm>>
      %dma_start3A_131 = arith.constant 0 : i32
      %dma_start3A_132 = tpu.memref_slice %arg10[%add3A_114, %dma_start3A_131] : memref<10000x128xf32, #tpu.memory_space<vmem_shared>> -> memref<125x128xf32, #tpu.memory_space<vmem_shared>>
      tpu.enqueue_dma source(%dma_start3A_132 : memref<125x128xf32, #tpu.memory_space<vmem_shared>>) target(%dma_start3A_130 : memref<125x128xf32, #tpu.memory_space<hbm>>) target_semaphore(%run_scoped3A_127 : memref<!tpu.dma_semaphore, #tpu.memory_space<semaphore_mem>>)
      %dma_wait3A_133 = arith.constant 0 : i32
      %dma_wait3A_134 = tpu.memref_slice %arg5[%arg0, %add3A_114, %dma_wait3A_133] : memref<2x10000x128xf32, #tpu.memory_space<hbm>> -> memref<1x125x128xf32, #tpu.memory_space<hbm>>
      %dma_wait3A_135 = tpu.memref_squeeze %dma_wait3A_134 : memref<1x125x128xf32, #tpu.memory_space<hbm>> -> memref<125x128xf32, #tpu.memory_space<hbm>>
      %dma_wait3A_136 = arith.constant 0 : i32
      %dma_wait3A_137 = tpu.memref_slice %arg10[%add3A_114, %dma_wait3A_136] : memref<10000x128xf32, #tpu.memory_space<vmem_shared>> -> memref<125x128xf32, #tpu.memory_space<vmem_shared>>
      tpu.wait_dma2 semaphore(%run_scoped3A_127 : memref<!tpu.dma_semaphore, #tpu.memory_space<semaphore_mem>>) src(%dma_wait3A_137 : memref<125x128xf32, #tpu.memory_space<vmem_shared>>) dst(%dma_wait3A_135 : memref<125x128xf32, #tpu.memory_space<hbm>>)
      tpu.yield
    }) : () -> ()
    %mul3A_115 = arith.constant 625 : i32
    %mul3A_116 = arith.muli %arg1, %mul3A_115 : i32
    %add3A_117 = arith.constant 250 : i32
    %add3A_118 = arith.addi %mul3A_116, %add3A_117 : i32
    "tpu.region"() ({
      %run_scoped3A_127 = tpu.sem_alloc : memref<!tpu.dma_semaphore, #tpu.memory_space<semaphore_mem>>
      %dma_start3A_128 = arith.constant 0 : i32
      %dma_start3A_129 = tpu.memref_slice %arg5[%arg0, %add3A_118, %dma_start3A_128] : memref<2x10000x128xf32, #tpu.memory_space<hbm>> -> memref<1x125x128xf32, #tpu.memory_space<hbm>>
      %dma_start3A_130 = tpu.memref_squeeze %dma_start3A_129 : memref<1x125x128xf32, #tpu.memory_space<hbm>> -> memref<125x128xf32, #tpu.memory_space<hbm>>
      %dma_start3A_131 = arith.constant 0 : i32
      %dma_start3A_132 = tpu.memref_slice %arg10[%add3A_118, %dma_start3A_131] : memref<10000x128xf32, #tpu.memory_space<vmem_shared>> -> memref<125x128xf32, #tpu.memory_space<vmem_shared>>
      tpu.enqueue_dma source(%dma_start3A_132 : memref<125x128xf32, #tpu.memory_space<vmem_shared>>) target(%dma_start3A_130 : memref<125x128xf32, #tpu.memory_space<hbm>>) target_semaphore(%run_scoped3A_127 : memref<!tpu.dma_semaphore, #tpu.memory_space<semaphore_mem>>)
      %dma_wait3A_133 = arith.constant 0 : i32
      %dma_wait3A_134 = tpu.memref_slice %arg5[%arg0, %add3A_118, %dma_wait3A_133] : memref<2x10000x128xf32, #tpu.memory_space<hbm>> -> memref<1x125x128xf32, #tpu.memory_space<hbm>>
      %dma_wait3A_135 = tpu.memref_squeeze %dma_wait3A_134 : memref<1x125x128xf32, #tpu.memory_space<hbm>> -> memref<125x128xf32, #tpu.memory_space<hbm>>
      %dma_wait3A_136 = arith.constant 0 : i32
      %dma_wait3A_137 = tpu.memref_slice %arg10[%add3A_118, %dma_wait3A_136] : memref<10000x128xf32, #tpu.memory_space<vmem_shared>> -> memref<125x128xf32, #tpu.memory_space<vmem_shared>>
      tpu.wait_dma2 semaphore(%run_scoped3A_127 : memref<!tpu.dma_semaphore, #tpu.memory_space<semaphore_mem>>) src(%dma_wait3A_137 : memref<125x128xf32, #tpu.memory_space<vmem_shared>>) dst(%dma_wait3A_135 : memref<125x128xf32, #tpu.memory_space<hbm>>)
      tpu.yield
    }) : () -> ()
    %mul3A_119 = arith.constant 625 : i32
    %mul3A_120 = arith.muli %arg1, %mul3A_119 : i32
    %add3A_121 = arith.constant 375 : i32
    %add3A_122 = arith.addi %mul3A_120, %add3A_121 : i32
    "tpu.region"() ({
      %run_scoped3A_127 = tpu.sem_alloc : memref<!tpu.dma_semaphore, #tpu.memory_space<semaphore_mem>>
      %dma_start3A_128 = arith.constant 0 : i32
      %dma_start3A_129 = tpu.memref_slice %arg5[%arg0, %add3A_122, %dma_start3A_128] : memref<2x10000x128xf32, #tpu.memory_space<hbm>> -> memref<1x125x128xf32, #tpu.memory_space<hbm>>
      %dma_start3A_130 = tpu.memref_squeeze %dma_start3A_129 : memref<1x125x128xf32, #tpu.memory_space<hbm>> -> memref<125x128xf32, #tpu.memory_space<hbm>>
      %dma_start3A_131 = arith.constant 0 : i32
      %dma_start3A_132 = tpu.memref_slice %arg10[%add3A_122, %dma_start3A_131] : memref<10000x128xf32, #tpu.memory_space<vmem_shared>> -> memref<125x128xf32, #tpu.memory_space<vmem_shared>>
      tpu.enqueue_dma source(%dma_start3A_132 : memref<125x128xf32, #tpu.memory_space<vmem_shared>>) target(%dma_start3A_130 : memref<125x128xf32, #tpu.memory_space<hbm>>) target_semaphore(%run_scoped3A_127 : memref<!tpu.dma_semaphore, #tpu.memory_space<semaphore_mem>>)
      %dma_wait3A_133 = arith.constant 0 : i32
      %dma_wait3A_134 = tpu.memref_slice %arg5[%arg0, %add3A_122, %dma_wait3A_133] : memref<2x10000x128xf32, #tpu.memory_space<hbm>> -> memref<1x125x128xf32, #tpu.memory_space<hbm>>
      %dma_wait3A_135 = tpu.memref_squeeze %dma_wait3A_134 : memref<1x125x128xf32, #tpu.memory_space<hbm>> -> memref<125x128xf32, #tpu.memory_space<hbm>>
      %dma_wait3A_136 = arith.constant 0 : i32
      %dma_wait3A_137 = tpu.memref_slice %arg10[%add3A_122, %dma_wait3A_136] : memref<10000x128xf32, #tpu.memory_space<vmem_shared>> -> memref<125x128xf32, #tpu.memory_space<vmem_shared>>
      tpu.wait_dma2 semaphore(%run_scoped3A_127 : memref<!tpu.dma_semaphore, #tpu.memory_space<semaphore_mem>>) src(%dma_wait3A_137 : memref<125x128xf32, #tpu.memory_space<vmem_shared>>) dst(%dma_wait3A_135 : memref<125x128xf32, #tpu.memory_space<hbm>>)
      tpu.yield
    }) : () -> ()
    %mul3A_123 = arith.constant 625 : i32
    %mul3A_124 = arith.muli %arg1, %mul3A_123 : i32
    %add3A_125 = arith.constant 500 : i32
    %add3A_126 = arith.addi %mul3A_124, %add3A_125 : i32
    "tpu.region"() ({
      %run_scoped3A_127 = tpu.sem_alloc : memref<!tpu.dma_semaphore, #tpu.memory_space<semaphore_mem>>
      %dma_start3A_128 = arith.constant 0 : i32
      %dma_start3A_129 = tpu.memref_slice %arg5[%arg0, %add3A_126, %dma_start3A_128] : memref<2x10000x128xf32, #tpu.memory_space<hbm>> -> memref<1x125x128xf32, #tpu.memory_space<hbm>>
      %dma_start3A_130 = tpu.memref_squeeze %dma_start3A_129 : memref<1x125x128xf32, #tpu.memory_space<hbm>> -> memref<125x128xf32, #tpu.memory_space<hbm>>
      %dma_start3A_131 = arith.constant 0 : i32
      %dma_start3A_132 = tpu.memref_slice %arg10[%add3A_126, %dma_start3A_131] : memref<10000x128xf32, #tpu.memory_space<vmem_shared>> -> memref<125x128xf32, #tpu.memory_space<vmem_shared>>
      tpu.enqueue_dma source(%dma_start3A_132 : memref<125x128xf32, #tpu.memory_space<vmem_shared>>) target(%dma_start3A_130 : memref<125x128xf32, #tpu.memory_space<hbm>>) target_semaphore(%run_scoped3A_127 : memref<!tpu.dma_semaphore, #tpu.memory_space<semaphore_mem>>)
      %dma_wait3A_133 = arith.constant 0 : i32
      %dma_wait3A_134 = tpu.memref_slice %arg5[%arg0, %add3A_126, %dma_wait3A_133] : memref<2x10000x128xf32, #tpu.memory_space<hbm>> -> memref<1x125x128xf32, #tpu.memory_space<hbm>>
      %dma_wait3A_135 = tpu.memref_squeeze %dma_wait3A_134 : memref<1x125x128xf32, #tpu.memory_space<hbm>> -> memref<125x128xf32, #tpu.memory_space<hbm>>
      %dma_wait3A_136 = arith.constant 0 : i32
      %dma_wait3A_137 = tpu.memref_slice %arg10[%add3A_126, %dma_wait3A_136] : memref<10000x128xf32, #tpu.memory_space<vmem_shared>> -> memref<125x128xf32, #tpu.memory_space<vmem_shared>>
      tpu.wait_dma2 semaphore(%run_scoped3A_127 : memref<!tpu.dma_semaphore, #tpu.memory_space<semaphore_mem>>) src(%dma_wait3A_137 : memref<125x128xf32, #tpu.memory_space<vmem_shared>>) dst(%dma_wait3A_135 : memref<125x128xf32, #tpu.memory_space<hbm>>)
      tpu.yield
    }) : () -> ()
    return
  }
}

module attributes {stable_mosaic.version = 14 : i64} {
  func.func @body(%arg0: memref<2x10240x1xf32, #tpu.memory_space<vmem>>, %arg1: memref<10000x128xf32, #tpu.memory_space<vmem>>, %arg2: memref<10240x1xf32, #tpu.memory_space<vmem>>, %arg3: memref<10000x128xf32, #tpu.memory_space<vmem>>) attributes {dimension_semantics = [], scalar_prefetch = 0 : i64, scratch_operands = 0 : i64, tpu.core_type = #tpu.core_type<tc>} {
    %get3A = arith.constant 0 : index
    %get3A_0 = arith.constant 0 : index
    %get3A_1 = arith.constant 0 : index
    %get3A_2 = vector.load %arg0[%get3A, %get3A_0, %get3A_1] : memref<2x10240x1xf32, #tpu.memory_space<vmem>>, vector<1x10240x1xf32>
    %get3A_3 = vector.shape_cast %get3A_2 : vector<1x10240x1xf32> to vector<10240x1xf32>
    %get3A_4 = arith.constant 1 : index
    %get3A_5 = arith.constant 0 : index
    %get3A_6 = arith.constant 0 : index
    %get3A_7 = vector.load %arg0[%get3A_4, %get3A_5, %get3A_6] : memref<2x10240x1xf32, #tpu.memory_space<vmem>>, vector<1x10240x1xf32>
    %get3A_8 = vector.shape_cast %get3A_7 : vector<1x10240x1xf32> to vector<10240x1xf32>
    %add3A = arith.addf %get3A_3, %get3A_8 : vector<10240x1xf32>
    %add3A_9 = arith.constant 1.000000e+00 : f32
    %add3A_10 = vector.broadcast %add3A_9 : f32 to vector<10240x1xf32>
    %add3A_11 = arith.addf %add3A, %add3A_10 : vector<10240x1xf32>
    %rsqrt3A = math.rsqrt %add3A_11 : vector<10240x1xf32>
    %swap3A = arith.constant 0 : index
    %swap3A_12 = arith.constant 0 : index
    %swap3A_13 = vector.load %arg2[%swap3A, %swap3A_12] : memref<10240x1xf32, #tpu.memory_space<vmem>>, vector<10240x1xf32>
    tpu.vector_store %arg2[%swap3A, %swap3A_12], %rsqrt3A {strides = array<i32>} : memref<10240x1xf32, #tpu.memory_space<vmem>>, vector<10240x1xf32>,
    %get3A_14 = arith.constant 0 : index
    %get3A_15 = arith.constant 0 : index
    %get3A_16 = vector.load %arg1[%get3A_14, %get3A_15] : memref<10000x128xf32, #tpu.memory_space<vmem>>, vector<10000x128xf32>
    %slice3A = vector.extract_strided_slice %rsqrt3A {offsets = [0, 0], sizes = [10000, 1], strides = [1, 1]} : vector<10240x1xf32> to vector<10000x1xf32>
    %mul3A = vector.broadcast %slice3A : vector<10000x1xf32> to vector<10000x128xf32>
    %mul3A_17 = arith.mulf %get3A_16, %mul3A : vector<10000x128xf32>
    %swap3A_18 = arith.constant 0 : index
    %swap3A_19 = arith.constant 0 : index
    %swap3A_20 = vector.load %arg3[%swap3A_18, %swap3A_19] : memref<10000x128xf32, #tpu.memory_space<vmem>>, vector<10000x128xf32>
    tpu.vector_store %arg3[%swap3A_18, %swap3A_19], %mul3A_17 {strides = array<i32>} : memref<10000x128xf32, #tpu.memory_space<vmem>>, vector<10000x128xf32>,
    return
  }
}

module attributes {stable_mosaic.version = 14 : i64} {
  func.func @body(%arg0: i32, %arg1: memref<2x2000x128xf32, #tpu.memory_space<vmem>>, %arg2: memref<2000x128xf32, #tpu.memory_space<vmem>>, %arg3: memref<2000x1xf32, #tpu.memory_space<vmem>>, %arg4: memref<128x128xf32, #tpu.memory_space<vmem>>, %arg5: memref<1x128xf32, #tpu.memory_space<vmem>>, %arg6: memref<2000x128xf32, #tpu.memory_space<vmem>>) attributes {dimension_semantics = [#tpu.dimension_semantics<arbitrary>], iteration_bounds = array<i64: 5>, scalar_prefetch = 0 : i64, scratch_operands = 0 : i64, tpu.core_type = #tpu.core_type<tc>, window_params = [{transform_indices = @transform_0, window_bounds = array<i64: 2, 2000, 128>}, {transform_indices = @transform_1, window_bounds = array<i64: 2000, 128>}, {transform_indices = @transform_2, window_bounds = array<i64: 2000, 1>}, {pipeline_mode = #tpu.pipeline_mode<synchronous>, transform_indices = @transform_3, window_bounds = array<i64: 128, 128>}, {pipeline_mode = #tpu.pipeline_mode<synchronous>, transform_indices = @transform_4, window_bounds = array<i64: 1, 128>}, {transform_indices = @transform_5, window_bounds = array<i64: 2000, 128>}]} {
    %get3A = arith.constant 0 : index
    %get3A_0 = arith.constant 0 : index
    %get3A_1 = arith.constant 0 : index
    %get3A_2 = vector.load %arg1[%get3A, %get3A_0, %get3A_1] : memref<2x2000x128xf32, #tpu.memory_space<vmem>>, vector<1x2000x128xf32>
    %get3A_3 = vector.shape_cast %get3A_2 : vector<1x2000x128xf32> to vector<2000x128xf32>
    %get3A_4 = arith.constant 1 : index
    %get3A_5 = arith.constant 0 : index
    %get3A_6 = arith.constant 0 : index
    %get3A_7 = vector.load %arg1[%get3A_4, %get3A_5, %get3A_6] : memref<2x2000x128xf32, #tpu.memory_space<vmem>>, vector<1x2000x128xf32>
    %get3A_8 = vector.shape_cast %get3A_7 : vector<1x2000x128xf32> to vector<2000x128xf32>
    %add3A = arith.addf %get3A_3, %get3A_8 : vector<2000x128xf32>
    %get3A_9 = arith.constant 0 : index
    %get3A_10 = arith.constant 0 : index
    %get3A_11 = vector.load %arg2[%get3A_9, %get3A_10] : memref<2000x128xf32, #tpu.memory_space<vmem>>, vector<2000x128xf32>
    %add3A_12 = arith.addf %add3A, %get3A_11 : vector<2000x128xf32>
    %get3A_13 = arith.constant 0 : index
    %get3A_14 = arith.constant 0 : index
    %get3A_15 = vector.load %arg3[%get3A_13, %get3A_14] : memref<2000x1xf32, #tpu.memory_space<vmem>>, vector<2000x1xf32>
    %mul3A = vector.broadcast %get3A_15 : vector<2000x1xf32> to vector<2000x128xf32>
    %mul3A_16 = arith.mulf %add3A_12, %mul3A : vector<2000x128xf32>
    %get3A_17 = arith.constant 0 : index
    %get3A_18 = arith.constant 0 : index
    %get3A_19 = vector.load %arg4[%get3A_17, %get3A_18] : memref<128x128xf32, #tpu.memory_space<vmem>>, vector<128x128xf32>
    %dot_general3A = arith.constant dense<0.000000e+00> : vector<2000x128xf32>
    %dot_general3A_20 = tpu.matmul %mul3A_16, %get3A_19, %dot_general3A {dimension_numbers = #tpu.dot_dimension_numbers<[1], [0], [0], [1], [0, 0, 1, 1], [], []>, transpose_lhs_hint = false} : vector<2000x128xf32>, vector<128x128xf32>, vector<2000x128xf32> -> vector<2000x128xf32>
    %get3A_21 = arith.constant 0 : index
    %get3A_22 = arith.constant 0 : index
    %get3A_23 = vector.load %arg5[%get3A_21, %get3A_22] : memref<1x128xf32, #tpu.memory_space<vmem>>, vector<1x128xf32>
    %add3A_24 = vector.broadcast %get3A_23 : vector<1x128xf32> to vector<2000x128xf32>
    %add3A_25 = arith.addf %dot_general3A_20, %add3A_24 : vector<2000x128xf32>
    %max3A = arith.constant 0.000000e+00 : f32
    %max3A_26 = vector.broadcast %max3A : f32 to vector<2000x128xf32>
    %max3A_27 = arith.maximumf %add3A_25, %max3A_26 : vector<2000x128xf32>
    %get3A_28 = arith.constant 0 : index
    %get3A_29 = arith.constant 0 : index
    %get3A_30 = vector.load %arg3[%get3A_28, %get3A_29] : memref<2000x1xf32, #tpu.memory_space<vmem>>, vector<2000x1xf32>
    %mul3A_31 = vector.broadcast %get3A_30 : vector<2000x1xf32> to vector<2000x128xf32>
    %mul3A_32 = arith.mulf %max3A_27, %mul3A_31 : vector<2000x128xf32>
    %swap3A = arith.constant 0 : index
    %swap3A_33 = arith.constant 0 : index
    %swap3A_34 = vector.load %arg6[%swap3A, %swap3A_33] : memref<2000x128xf32, #tpu.memory_space<vmem>>, vector<2000x128xf32>
    tpu.vector_store %arg6[%swap3A, %swap3A_33], %mul3A_32 {strides = array<i32>} : memref<2000x128xf32, #tpu.memory_space<vmem>>, vector<2000x128xf32>,
    return
  }
  func.func @transform_0(%arg0: i32) -> (i32, i32, i32) {
    %c0_i32 = arith.constant 0 : i32
    %c0_i32_0 = arith.constant 0 : i32
    %c0_i32_1 = arith.constant 0 : i32
    return %c0_i32, %arg0, %c0_i32_0 : i32, i32, i32
  }
  func.func @transform_1(%arg0: i32) -> (i32, i32) {
    %c0_i32 = arith.constant 0 : i32
    %c0_i32_0 = arith.constant 0 : i32
    return %arg0, %c0_i32 : i32, i32
  }
  func.func @transform_2(%arg0: i32) -> (i32, i32) {
    %c0_i32 = arith.constant 0 : i32
    %c0_i32_0 = arith.constant 0 : i32
    return %arg0, %c0_i32 : i32, i32
  }
  func.func @transform_3(%arg0: i32) -> (i32, i32) {
    %c0_i32 = arith.constant 0 : i32
    %c0_i32_0 = arith.constant 0 : i32
    %c0_i32_1 = arith.constant 0 : i32
    return %c0_i32, %c0_i32_0 : i32, i32
  }
  func.func @transform_4(%arg0: i32) -> (i32, i32) {
    %c0_i32 = arith.constant 0 : i32
    %c0_i32_0 = arith.constant 0 : i32
    %c0_i32_1 = arith.constant 0 : i32
    return %c0_i32, %c0_i32_0 : i32, i32
  }
  func.func @transform_5(%arg0: i32) -> (i32, i32) {
    %c0_i32 = arith.constant 0 : i32
    %c0_i32_0 = arith.constant 0 : i32
    return %arg0, %c0_i32 : i32, i32
  }
}

module attributes {stable_mosaic.version = 14 : i64} {
  func.func @body(%arg0: i32, %arg1: memref<2x2000x128xf32, #tpu.memory_space<vmem>>, %arg2: memref<2000x128xf32, #tpu.memory_space<vmem>>, %arg3: memref<2000x1xf32, #tpu.memory_space<vmem>>, %arg4: memref<128x128xf32, #tpu.memory_space<vmem>>, %arg5: memref<1x128xf32, #tpu.memory_space<vmem>>, %arg6: memref<2000x128xf32, #tpu.memory_space<vmem>>) attributes {dimension_semantics = [#tpu.dimension_semantics<arbitrary>], iteration_bounds = array<i64: 5>, scalar_prefetch = 0 : i64, scratch_operands = 0 : i64, tpu.core_type = #tpu.core_type<tc>, window_params = [{transform_indices = @transform_0, window_bounds = array<i64: 2, 2000, 128>}, {transform_indices = @transform_1, window_bounds = array<i64: 2000, 128>}, {transform_indices = @transform_2, window_bounds = array<i64: 2000, 1>}, {pipeline_mode = #tpu.pipeline_mode<synchronous>, transform_indices = @transform_3, window_bounds = array<i64: 128, 128>}, {pipeline_mode = #tpu.pipeline_mode<synchronous>, transform_indices = @transform_4, window_bounds = array<i64: 1, 128>}, {transform_indices = @transform_5, window_bounds = array<i64: 2000, 128>}]} {
    %get3A = arith.constant 0 : index
    %get3A_0 = arith.constant 0 : index
    %get3A_1 = arith.constant 0 : index
    %get3A_2 = vector.load %arg1[%get3A, %get3A_0, %get3A_1] : memref<2x2000x128xf32, #tpu.memory_space<vmem>>, vector<1x2000x128xf32>
    %get3A_3 = vector.shape_cast %get3A_2 : vector<1x2000x128xf32> to vector<2000x128xf32>
    %get3A_4 = arith.constant 1 : index
    %get3A_5 = arith.constant 0 : index
    %get3A_6 = arith.constant 0 : index
    %get3A_7 = vector.load %arg1[%get3A_4, %get3A_5, %get3A_6] : memref<2x2000x128xf32, #tpu.memory_space<vmem>>, vector<1x2000x128xf32>
    %get3A_8 = vector.shape_cast %get3A_7 : vector<1x2000x128xf32> to vector<2000x128xf32>
    %add3A = arith.addf %get3A_3, %get3A_8 : vector<2000x128xf32>
    %get3A_9 = arith.constant 0 : index
    %get3A_10 = arith.constant 0 : index
    %get3A_11 = vector.load %arg2[%get3A_9, %get3A_10] : memref<2000x128xf32, #tpu.memory_space<vmem>>, vector<2000x128xf32>
    %add3A_12 = arith.addf %add3A, %get3A_11 : vector<2000x128xf32>
    %get3A_13 = arith.constant 0 : index
    %get3A_14 = arith.constant 0 : index
    %get3A_15 = vector.load %arg3[%get3A_13, %get3A_14] : memref<2000x1xf32, #tpu.memory_space<vmem>>, vector<2000x1xf32>
    %mul3A = vector.broadcast %get3A_15 : vector<2000x1xf32> to vector<2000x128xf32>
    %mul3A_16 = arith.mulf %add3A_12, %mul3A : vector<2000x128xf32>
    %get3A_17 = arith.constant 0 : index
    %get3A_18 = arith.constant 0 : index
    %get3A_19 = vector.load %arg4[%get3A_17, %get3A_18] : memref<128x128xf32, #tpu.memory_space<vmem>>, vector<128x128xf32>
    %dot_general3A = arith.constant dense<0.000000e+00> : vector<2000x128xf32>
    %dot_general3A_20 = tpu.matmul %mul3A_16, %get3A_19, %dot_general3A {dimension_numbers = #tpu.dot_dimension_numbers<[1], [0], [0], [1], [0, 0, 1, 1], [], []>, transpose_lhs_hint = false} : vector<2000x128xf32>, vector<128x128xf32>, vector<2000x128xf32> -> vector<2000x128xf32>
    %get3A_21 = arith.constant 0 : index
    %get3A_22 = arith.constant 0 : index
    %get3A_23 = vector.load %arg5[%get3A_21, %get3A_22] : memref<1x128xf32, #tpu.memory_space<vmem>>, vector<1x128xf32>
    %add3A_24 = vector.broadcast %get3A_23 : vector<1x128xf32> to vector<2000x128xf32>
    %add3A_25 = arith.addf %dot_general3A_20, %add3A_24 : vector<2000x128xf32>
    %swap3A = arith.constant 0 : index
    %swap3A_26 = arith.constant 0 : index
    %swap3A_27 = vector.load %arg6[%swap3A, %swap3A_26] : memref<2000x128xf32, #tpu.memory_space<vmem>>, vector<2000x128xf32>
    tpu.vector_store %arg6[%swap3A, %swap3A_26], %add3A_25 {strides = array<i32>} : memref<2000x128xf32, #tpu.memory_space<vmem>>, vector<2000x128xf32>,
    return
  }
  func.func @transform_0(%arg0: i32) -> (i32, i32, i32) {
    %c0_i32 = arith.constant 0 : i32
    %c0_i32_0 = arith.constant 0 : i32
    %c0_i32_1 = arith.constant 0 : i32
    return %c0_i32, %arg0, %c0_i32_0 : i32, i32, i32
  }
  func.func @transform_1(%arg0: i32) -> (i32, i32) {
    %c0_i32 = arith.constant 0 : i32
    %c0_i32_0 = arith.constant 0 : i32
    return %arg0, %c0_i32 : i32, i32
  }
  func.func @transform_2(%arg0: i32) -> (i32, i32) {
    %c0_i32 = arith.constant 0 : i32
    %c0_i32_0 = arith.constant 0 : i32
    return %arg0, %c0_i32 : i32, i32
  }
  func.func @transform_3(%arg0: i32) -> (i32, i32) {
    %c0_i32 = arith.constant 0 : i32
    %c0_i32_0 = arith.constant 0 : i32
    %c0_i32_1 = arith.constant 0 : i32
    return %c0_i32, %c0_i32_0 : i32, i32
  }
  func.func @transform_4(%arg0: i32) -> (i32, i32) {
    %c0_i32 = arith.constant 0 : i32
    %c0_i32_0 = arith.constant 0 : i32
    %c0_i32_1 = arith.constant 0 : i32
    return %c0_i32, %c0_i32_0 : i32, i32
  }
  func.func @transform_5(%arg0: i32) -> (i32, i32) {
    %c0_i32 = arith.constant 0 : i32
    %c0_i32_0 = arith.constant 0 : i32
    return %arg0, %c0_i32 : i32, i32
  }
}

</mosaic_0001>

<sc_bundles>
// kernel: kernel.10.cloned.1.call-start
scs
__scs_entry_jumppad:
0x0: {  	(pc) =	sbr.rel $0x88, $3  }
0x1: {  	(tag) =	ssettag $0x0;
	lr =	simm.s32 $0x1  }
0x2: {  	[smem:$0x3F99] =	sst lr;
	_ =	strace $0xD0000000  }
0x3: {  	_ = 	snop  }
0x4: {  	_ = 	snop  }
0x5: {  	_ = 	snop  }
0x6: {  	_ = 	snop  }
0x7: {  	_ = 	snop  }
__scs_overlays_trampoline_lowered:
0x8: {  	[smem:$0x3FA8] =	sst s0  }
0x9: {  	[smem:$0x3FA9] =	sst s1  }
0xa: {  	[smem:$0x3FAA] =	sst s2  }
0xb: {  	[smem:$0x3FAB] =	sst s3  }
0xc: {  	[smem:$0x3FAC] =	sst s4  }
0xd: {  	[smem:$0x3FAD] =	sst s5  }
0xe: {  	[smem:$0x3FAE] =	sst s6  }
0xf: {  	[smem:$0x3FAF] =	sst s7  }
0x10: {  	[smem:$0x3FB0] =	sst s8  }
0x11: {  	[smem:$0x3FB1] =	sst s9;
	s0 =	simm.s32 @!p0 $0x0  }
0x12: {  	s1 =	sld [smem:$0x3F97];
	s0 =	simm.s32 @p0 $0x1  }
0x13: {  	[smem:$0x3FB2] =	sst s0;
	s0 =	simm.s32 @!p1 $0x0  }
0x14: {  	s2 =	sld [smem:$0x3F96];
	s0 =	simm.s32 @p1 $0x1  }
0x15: {  	[smem:$0x3FB3] =	sst s0;
	s0 =	simm.s32 @!p2 $0x0  }
0x16: {  	s3 =	sld [smem:$0x3FDB];
	s0 =	simm.s32 @p2 $0x1  }
0x17: {  	s4 =	simm.s32 $0x1BF5;
	[smem:$0x3FB5] =	sst s0  }
0x18: {  	s0 =	sld [smem:$0x3F98];
	_ =	swait.ge [sflag:s4], $0x0  }
0x19: {  	s7 =	sld [smem:$0x3F99]  }
0x1a: {  	s8 =	sadd.s32 $0xFFFFE003, lr  }
0x1b: {  	s9 =	sadd.s32 $0xFFFFFEF7, lr;
	s5 =	simm.s32 $0xFFFFFFFF;
	p2 =	slt.u32 s8, $0xFFFFF086  }
0x1c: {  	p1 =	slt.u32 s9, $0xF7A;
	s5 =	simm.s32 @!p2 $0x0  }
0x1d: {  	s5 =	simm.s32 @p1 $0x1;
	p0 =	seq.s32 s7, s2  }
0x1e: {  	s7 =	smul.u32 @!p0 $0xF7A, s2;
	p2 =	seq.s32 @!p0 s5, $0x0  }
0x1f: {  	s9 =	smul.u32 $0xF7A, s1;
	s8 =	simm.s32 @!p0 $0x1BF5;
	p2 =	por !p2, p0  }
0x20: {  	[sflag:s8] =	ssyncset.s32 @!p0 $0xFFFFF086;
	s6 =	sadd.s32 @!p0 s3, s7;
	s7 =	simm.s32 @!p0 $0x108  }
0x21: {  	s3 =	sadd.s32 s3, s9;
	s6 =	sadd.s32 @!p0 $0x88, s6;
	s7 =	simm.s32 @p2 $0x1082  }
0x22: {  	[simem:s7], [sflag:s8] =	dma.local @!p0 [hbm:s6], $0xF7A  }
0x23: {  	s9 =	sor.u32 $0xD0000000, s2;
	s6 =	simm.s32 $0x108;
	_ =	swait.ge @!p0 [sflag:s8], $0x0  }
0x24: {  	s3 =	sadd.s32 $0x88, s3;
	s6 =	simm.s32 @!p1 $0x1082;
	[sflag:s4] =	ssyncset.s32 $0xFFFFF086  }
0x25: {  	[simem:s6], [sflag:s4] =	dma.local [hbm:s3], $0xF7A  }
0x26: {  	[smem:$0x3F99] =	sst s1;
	(tag) =	ssettag s2;
	_ =	strace s9  }
0x27: {  	s1 =	sld [smem:$0x3FA9]  }
0x28: {  	s2 =	sld [smem:$0x3FAA]  }
0x29: {  	s4 =	sld [smem:$0x3FAC]  }
0x2a: {  	p0 =	seq.s32 s5, $0x0;
	s5 =	sld [smem:$0x3FAD]  }
0x2b: {  	s6 =	sld [smem:$0x3FAE]  }
0x2c: {  	s7 =	sld [smem:$0x3FAF]  }
0x2d: {  	s3 =	simm.s32 $0x108;
	s8 =	sld [smem:$0x3FB0]  }
0x2e: {  	s3 =	simm.s32 @!p0 $0x1082;
	s9 =	sld [smem:$0x3FB1]  }
0x2f: {  	lr =	sadd.s32 s0, s3;
	s0 =	sld [smem:$0x3FA8]  }
0x30: {  	s3 =	sld [smem:$0x3FAB]  }
0x31: {  	[smem:$0x3FB4] =	sst s10  }
0x32: {  	s10 =	sld [smem:$0x3FB2];
	_ =	sdelay $0x3  }
0x33: {  	p0 =	seq.s32 s10, $0x1;
	s10 =	sld [smem:$0x3FB4];
	_ =	sdelay $0x3  }
0x34: {  	[smem:$0x3FB4] =	sst s10  }
0x35: {  	s10 =	sld [smem:$0x3FB3];
	_ =	sdelay $0x3  }
0x36: {  	p1 =	seq.s32 s10, $0x1;
	s10 =	sld [smem:$0x3FB4];
	_ =	sdelay $0x3  }
0x37: {  	[smem:$0x3FB4] =	sst s10  }
0x38: {  	s10 =	sld [smem:$0x3FB5]  }
0x39: {  	_ = 	snop;
	(pc) =	sbr.ind lr, $3  }
0x3a: {  	_ = 	snop  }
0x3b: {  	_ = 	snop  }
0x3c: {  	p2 =	seq.s32 s10, $0x1;
	s10 =	sld [smem:$0x3FB4]  }
0x3d: {  	_ =	shalt  }
0x3e: {  	_ =	shalt  }
0x3f: {  	_ =	shalt  }
0x40: {  	_ =	shalt  }
0x41: {  	_ =	shalt  }
0x42: {  	_ =	shalt  }
0x43: {  	_ =	shalt  }
0x44: {  	_ =	shalt  }
0x45: {  	_ =	shalt  }
0x46: {  	_ =	shalt  }
0x47: {  	_ =	shalt  }
0x48: {  	_ =	shalt  }
0x49: {  	_ =	shalt  }
0x4a: {  	_ =	shalt  }
0x4b: {  	_ =	shalt  }
0x4c: {  	_ =	shalt  }
0x4d: {  	_ =	shalt  }
0x4e: {  	_ =	shalt  }
0x4f: {  	_ =	shalt  }
0x50: {  	_ =	shalt  }
0x51: {  	_ =	shalt  }
0x52: {  	_ =	shalt  }
0x53: {  	_ =	shalt  }
0x54: {  	_ =	shalt  }
0x55: {  	_ =	shalt  }
0x56: {  	_ =	shalt  }
0x57: {  	_ =	shalt  }
0x58: {  	_ =	shalt  }
0x59: {  	_ =	shalt  }
0x5a: {  	_ =	shalt  }
0x5b: {  	_ =	shalt  }
0x5c: {  	_ =	shalt  }
0x5d: {  	_ =	shalt  }
0x5e: {  	_ =	shalt  }
0x5f: {  	_ =	shalt  }
0x60: {  	_ =	shalt  }
0x61: {  	_ =	shalt  }
0x62: {  	_ =	shalt  }
0x63: {  	_ =	shalt  }
0x64: {  	_ =	shalt  }
0x65: {  	_ =	shalt  }
0x66: {  	_ =	shalt  }
0x67: {  	_ =	shalt  }
0x68: {  	_ =	shalt  }
0x69: {  	_ =	shalt  }
0x6a: {  	_ =	shalt  }
0x6b: {  	_ =	shalt  }
0x6c: {  	_ =	shalt  }
0x6d: {  	_ =	shalt  }
0x6e: {  	_ =	shalt  }
0x6f: {  	_ =	shalt  }
0x70: {  	_ =	shalt  }
0x71: {  	_ =	shalt  }
0x72: {  	_ =	shalt  }
0x73: {  	_ =	shalt  }
0x74: {  	_ =	shalt  }
0x75: {  	_ =	shalt  }
0x76: {  	_ =	shalt  }
0x77: {  	_ =	shalt  }
0x78: {  	_ =	shalt  }
0x79: {  	_ =	shalt  }
0x7a: {  	_ =	shalt  }
0x7b: {  	_ =	shalt  }
0x7c: {  	_ =	shalt  }
0x7d: {  	_ =	shalt  }
0x7e: {  	_ =	shalt  }
0x7f: {  	_ =	shalt  }
0x80: {  	_ =	shalt  }
0x81: {  	_ =	shalt  }
0x82: {  	_ =	shalt  }
0x83: {  	_ =	shalt  }
0x84: {  	_ =	shalt  }
0x85: {  	_ =	shalt  }
0x86: {  	_ =	shalt  }
0x87: {  	_ =	shalt  }
.Lfunc_end0:
.L_simem_size_0:
called_computation_lowered:
.L_overlay_start_0:
0x88: {  	s2 =	sld [smem:$0x3FD9]  }
0x89: {  	s3 =	sld [smem:$0x3FFE];
	_ =	sdelay $0x1  }
0x8a: {  	s1 =	srdreg.scid  }
0x8b: {  	s0 =	sand.u32 $0x1, s1  }
0x8c: {  	s17 =	sshll.u32 s0, $0xA;
	s2 =	sadd.s32 s3, s2  }
0x8d: {  	s2 =	sadd.s32 s2, s17  }
0x8e: {  	[smem:$0x3FC0] =	sst s2  }
0x8f: {  	_ = 	snop  }
0x90: {  	s2 =	sld [smem:$0x3FD0];
	(tm) =	ssettm $0x1  }
0x91: {  	s18 =	sld [smem:$0x3FFB];
	_ =	sdelay $0x3  }
0x92: {  	_ =	strace s18  }
0x93: {  	s3 =	sld [smem:$0x3FFC];
	_ =	sdelay $0x3  }
0x94: {  	_ =	strace s3  }
0x95: {  	s3 =	sld [smem:$0x3FFD];
	_ =	sdelay $0x3  }
0x96: {  	_ =	strace s3  }
0x97: {  	_ =	strace $0x8FFFFFFF  }
0x98: {  	s19 =	sld [smem:$0x3FDB];
	_ =	sdelay $0x1  }
0x99: {  	s4 =	simm.s32 $_scs_section_size  }
0x9a: {  	s5 =	simm.s32 $_size__tile_overlayer_lowered;
	s6 =	simm.s32 $_tile_overlayer_lowered  }
0x9b: {  	s22 =	simm.s32 $0x1BFF;
	s21 =	sshll.u32 s6, $0x1;
	s3 =	sadd.s32 s4, s19  }
0x9c: {  	s7 =	simm.s32 $0x0;
	s20 =	sshll.u32 s5, $0x1;
	s5 =	sadd.s32 s21, s3  }
0x9d: {  	[timem:s7], [sflag:s22] =	dma.local [hbm:s5], s20  }
0x9e: {  	_ =	swait.ge [sflag:s22], s20  }
0x9f: {  	s4 =	ssub.s32 $0x0, s20;
	[sflag:s22] =	ssyncset.done $0x0  }
0xa0: {  	[sflag:s22] =	ssyncadd.s32 s4;
	_ =	sdelay $0x1  }
0xa1: {  	s23 =	simm.s32 $0x1B8B  }
0xa2: {  	_ =	swait.ge [sflag:s23], $0x1  }
0xa3: {  	[sflag:s23] =	ssyncset.done $0x0  }
0xa4: {  	s25 =	simm.s32 $0x1B8E;
	s24 =	sld [smem:$0x3FFE];
	[sflag:s23] =	ssyncadd.s32 $0xFFFFFFFF  }
0xa5: {  	s26 =	simm.s32 $execute0_lowered;
	[smem:$0x3FD2] =	sst s25  }
0xa6: {  	s5 =	sshll.u32 s26, $0x1;
	_ =	strace $0x80000046;
	[dreg:$0x1] =	wrdreg $0xFFFFFFFF  }
0xa7: {  	s28 =	simm.s32 $_size_execute0_lowered;
	s3 =	sadd.s32 s3, s5;
	[dreg:$0x0] =	wrdreg $0x0  }
0xa8: {  	s5 =	sshll.u32 s28, $0x1;
	[dreg:$0x2] =	wrdreg s3  }
0xa9: {  	[dreg:$0x3] =	wrdreg s5  }
0xaa: {  	[dreg:$0x4] =	wrdreg $0xC0  }
0xab: {  	_ =	task [dreg:s7], $0x5FFFF  }
0xac: {  	[dreg:$0x1] =	wrdreg $0xFFFFFFFF  }
0xad: {  	[dreg:$0x0] =	wrdreg $0x60  }
0xae: {  	[dreg:$0x2] =	wrdreg s24  }
0xaf: {  	[dreg:$0x3] =	wrdreg s2  }
0xb0: {  	[dreg:$0x4] =	wrdreg $0x2A800  }
0xb1: {  	[dreg:$0x5] =	wrdreg $0x9  }
0xb2: {  	_ =	task.clear_ibuf [dreg:s7], $0x6FFFF;
	_ =	strace $0x90000046  }
0xb3: {  	s29 =	simm.s32 $0x9;
	_ =	strace $0x80000048  }
0xb4: {  	_ =	swait.ge [sflag:s29], $0x1  }
0xb5: {  	[sflag:s29] =	ssyncadd.s32 $0xFFFFFFFF  }
0xb6: {  	_ =	strace $0x90000048  }
0xb7: {  	_ =	sfence  }
0xb8: {  	s30 =	sld [smem:$0x0];
	_ =	sdelay $0x2  }
0xb9: {  	s31 =	sshll.u32 s1, $0xD;
	s1 =	sshrl.u32 s1, $0x2  }
0xba: {  	s3 =	sand.u32 $0x4000, s31;
	s1 =	sadd.s32 s1, s30  }
0xbb: {  	s0 =	sor.u32 s3, s0;
	s1 =	sshll.u32 s1, $0x11  }
0xbc: {  	s0 =	sor.u32 s1, s0  }
0xbd: {  	s0 =	sadd.s32 $0x8F2B, s0  }
0xbe: {  	[sflag:s0] =	ssyncadd.remote.s32 $0x1  }
0xbf: {  	_ =	sfence.sel $0xFFFF  }
0xc0: {  	[dreg:$0x0] =	wrdreg $0xFFFFFFFF;
	(pc) =	sbr.abs _section_cstart, $3  }
0xc1: {  	[dreg:$0x1] =	wrdreg $0xFFFFFFFF  }
0xc2: {  	_ =	task.clear_ibuf [dreg:s7], $0x2FFFF;
	_ =	strace $0x9FFFFFFF  }
0xc3: {  	(tm) =	ssettm $0x7FFFFFFF  }
tec
execute0_lowered:
.L_overlay_start_1:
0x0: {  	(tag) =	ssettag $0x1  }
0x1: {  	s4 =	rddreg [dreg:$0x0]  }
0x2: {  	s7 =	rddreg [dreg:$0x1]  }
0x3: {  	s0 =	srdreg.scid;
	s2 =	rddreg [dreg:$0x2]  }
0x4: {  	s1 =	stileid.u32;
	s3 =	simm.s32 $0x0;
	s5 =	sand.u32 $0x1, s0  }
0x5: {  	s0 =	rddreg [dreg:$0x3];
	s10 =	smul.u32 $0x280, s1;
	s6 =	sshll.u32 s5, $0x4  }
0x6: {  	s9 =	ssub.s32 $0x2, s5;
	s5 =	smul.u32 $0x2800, s5;
	s6 =	sor.u32 s1, s6  }
0x7: {  	[smem:$0x7FF] =	sst s3;
	s11 =	sshrl.u32 s9, $0x1;
	s6 =	smul.u32 $0x9C4, s6  }
0x8: {  	_ =	strace $0x80000047;
	s9 =	ssub.s32 s9, s11;
	s30 =	sadd.s32 s10, s5  }
0x9: {  	s5 =	sadd.s32 s10, s2;
	s10 =	simm.s32 $0x1;
	s8 =	sshrl.u32 s6, $0x1  }
0xa: {  	s31 =	sshrl.u32 s30, $0x3;
	s29 =	sadd.s32 $0x9C4, s6;
	s8 =	sand.u32 $0xFFF0, s8  }
0xb: {  	s6 =	sshrl.u32 s6, $0x5;
	s8 =	sadd.s32 s8, s4;
	s4 =	sshrl.u32 s29, $0x5  }
0xc: {  	s11 =	simm.s32 $0x0;
	s7 =	sadd.s32 s7, s31;
	s4 =	ssub.s32 s4, s6  }
0xd: {  	v0 =	vimm.f32 $1.000000000e+00;
	v1 =	vimm.f32 $0.0e+00;
	s6 =	sadd.s32 $0x2C00, s8;
	s8 =	smax.u32 s9, $0x1;
	s9 =	simm.s32 $0x2800  }
.LBB2_1:
0xe: {  	[tilespmem:$0x2780] =	vst v0  }
0xf: {  	[tilespmem:$0x2790] =	vst v0  }
0x10: {  	[tilespmem:$0x27A0] =	vst v0  }
0x11: {  	[tilespmem:$0x27B0] =	vst v0  }
0x12: {  	[tilespmem:$0x27C0] =	vst v0  }
0x13: {  	[tilespmem:$0x27D0] =	vst v0  }
0x14: {  	[tilespmem:$0x27E0] =	vst v0  }
0x15: {  	[tilespmem:$0x27F0] =	vst v0  }
0x16: {  	[tilespmem:$0x2800] =	vst v1  }
0x17: {  	[tilespmem:$0x2810] =	vst v1  }
0x18: {  	[tilespmem:$0x2820] =	vst v1  }
0x19: {  	[tilespmem:$0x2830] =	vst v1  }
0x1a: {  	[tilespmem:$0x2840] =	vst v1  }
0x1b: {  	[tilespmem:$0x2850] =	vst v1  }
0x1c: {  	[tilespmem:$0x2860] =	vst v1  }
0x1d: {  	[tilespmem:$0x2870] =	vst v1  }
0x1e: {  	[tilespmem:$0x2880] =	vst v1  }
0x1f: {  	[tilespmem:$0x2890] =	vst v1  }
0x20: {  	[tilespmem:$0x28A0] =	vst v1  }
0x21: {  	[tilespmem:$0x28B0] =	vst v1  }
0x22: {  	[tilespmem:$0x28C0] =	vst v1  }
0x23: {  	[tilespmem:$0x28D0] =	vst v1  }
0x24: {  	[tilespmem:$0x28E0] =	vst v1  }
0x25: {  	[tilespmem:$0x28F0] =	vst v1  }
0x26: {  	[tilespmem:$0x2900] =	vst v1  }
0x27: {  	[tilespmem:$0x2910] =	vst v1  }
0x28: {  	[tilespmem:$0x2920] =	vst v1  }
0x29: {  	[tilespmem:$0x2930] =	vst v1  }
0x2a: {  	[tilespmem:$0x2940] =	vst v1  }
0x2b: {  	[tilespmem:$0x2950] =	vst v1  }
0x2c: {  	[tilespmem:$0x2960] =	vst v1  }
0x2d: {  	[tilespmem:$0x2970] =	vst v1  }
0x2e: {  	[tilespmem:$0x2980] =	vst v1  }
0x2f: {  	[tilespmem:$0x2990] =	vst v1  }
0x30: {  	[tilespmem:$0x29A0] =	vst v1  }
0x31: {  	[tilespmem:$0x29B0] =	vst v1  }
0x32: {  	[tilespmem:$0x29C0] =	vst v1  }
0x33: {  	[tilespmem:$0x29D0] =	vst v1  }
0x34: {  	[tilespmem:$0x29E0] =	vst v1  }
0x35: {  	[tilespmem:$0x29F0] =	vst v1  }
0x36: {  	[tilespmem:$0x2A00] =	vst v1  }
0x37: {  	[tilespmem:$0x2A10] =	vst v1  }
0x38: {  	[tilespmem:$0x2A20] =	vst v1  }
0x39: {  	[tilespmem:$0x2A30] =	vst v1  }
0x3a: {  	[tilespmem:$0x2A40] =	vst v1  }
0x3b: {  	[tilespmem:$0x2A50] =	vst v1  }
0x3c: {  	[tilespmem:$0x2A60] =	vst v1  }
0x3d: {  	[tilespmem:$0x2A70] =	vst v1  }
0x3e: {  	[spmem:s5] =	stream.linear.scatter [tilespmem:s9], [sflag:$0x1], $0x280, $0x38;
	[tilespmem:$0x2D00] =	vst v63  }
0x3f: {  	_ =	swait.ge [sflag:s10], $0x280  }
0x40: {  	[sflag:s10] =	ssyncset.done $0x0  }
0x41: {  	[sflag:s10] =	ssyncadd.s32 $0xFFFFFD80  }
0x42: {  	[bflag:$0x0] =	sbarrier.arrive $0xFFFF  }
0x43: {  	[tilespmem:s3], [sflag:$0x1] =	stream.linear.gather [hbm4b:s6+s3], $0x2780, $0x38;
	[tilespmem:$0x2D00] =	vst v63  }
0x44: {  	p0 =	sle.s32 s4, $0x0;
	_ =	swait.ge [sflag:s10], $0x2780  }
0x45: {  	s12 =	simm.s32 @!p0 $0x80;
	[sflag:s10] =	ssyncset.done $0x0  }
0x46: {  	s13 =	simm.s32 @!p0 $0x2780;
	s14 =	simm.s32 @!p0 $0x1;
	[sflag:s10] =	ssyncadd.s32 $0xFFFFD880  }
0x47: {  	[spmem:s2] =	stream.indirect.scatter.add.f32 @!p0 [tilespmem:s13], [sflag:$0x1], $0x1, s3, s12, $0xb8;
	[tilespmem:$0x2D00] =	vst v63  }
0x48: {  	_ =	swait.ge @!p0 [sflag:s14], $0x80  }
0x49: {  	s12 =	simm.s32 $0x1;
	s13 =	simm.s32 $0x0;
	[sflag:s14] =	ssyncset.done @!p0 $0x0  }
.LBB2_2:
0x4a: {  	[sflag:s14] =	ssyncadd.s32 @!p0 $0xFFFFFF80;
	s14 =	smov.u32 s12;
	s12 =	sadd.s32 $0x1, s12  }
0x4b: {  	s13 =	sadd.s32 $0x80, s13;
	p1 =	sne.s32 s12, $0x4F  }
.Ltmp0:
0x4c: {  	p0 =	sge.s32 s14, s4;
	(pc) =	sbr.rel @p1 .LBB2_2-.Ltmp0, $4  }
0x4d: {  	s15 =	simm.s32 @!p0 $0x80;
	s16 =	simm.s32 @!p0 $0x2780;
	s14 =	simm.s32 @!p0 $0x1  }
0x4e: {  	[spmem:s2] =	stream.indirect.scatter.add.f32 @!p0 [tilespmem:s16], [sflag:$0x1], $0x1, s13, s15, $0xb8;
	[tilespmem:$0x2D00] =	vst v63  }
0x4f: {  	_ =	swait.ge @!p0 [sflag:s14], $0x80  }
0x50: {  	[sflag:s14] =	ssyncset.done @!p0 $0x0  }
0x51: {  	[sflag:s14] =	ssyncadd.s32 @!p0 $0xFFFFFF80  }
0x52: {  	[bflag:$0x0] =	sbarrier.arrive $0xFFFF  }
0x53: {  	[tilespmem:s9], [sflag:$0x1] =	stream.linear.gather [spmem:s5], $0x280, $0x38;
	[tilespmem:$0x2D00] =	vst v63  }
0x54: {  	s11 =	sadd.s32 $0x1, s11;
	_ =	swait.ge [sflag:s10], $0x280  }
0x55: {  	p0 =	sne.s32 s11, s8;
	[sflag:s10] =	ssyncset.done $0x0  }
.Ltmp1:
0x56: {  	[sflag:s10] =	ssyncadd.s32 $0xFFFFFD80;
	(pc) =	sbr.rel @p0 .LBB2_1-.Ltmp1, $4  }
0x57: {  	[hbm4b:s7+s3] =	stream.linear.scatter [tilespmem:s9], [sflag:$0x1], $0x280, $0x38;
	[tilespmem:$0x2D00] =	vst v63  }
0x58: {  	_ =	swait.ge [sflag:s10], $0x280  }
0x59: {  	[sflag:s10] =	ssyncset.done $0x0  }
0x5a: {  	[sflag:s10] =	ssyncadd.s32 $0xFFFFFD80  }
0x5b: {  	_ =	sfence.sel $0x180000  }
0x5c: {  	[bflag:$0x0] =	sbarrier.arrive $0xFFFF  }
0x5d: {  	p0 =	sne.s32 s1, $0x0;
	_ =	strace $0x90000047  }
0x5e: {  	s0 =	sadd.s32 @!p0 $0x100000, s0;
	[bflag:$0x2] =	sbarrier.arrive $0xFFFF  }
0x5f: {  	[sflag:s0] =	ssyncadd.tile.s32 @!p0 $0x1;
	_ =	shalt  }
.Lfunc_end2:
_tile_overlayer_lowered:
.L_overlay_start_2:
0x60: {  	(tag) =	ssettag $0x2  }
0x61: {  	s0 =	rddreg [dreg:$0x0];
	s2 =	stileid.u32  }
0x62: {  	s1 =	rddreg [dreg:$0x1];
	p0 =	sne.s32 s2, $0x0  }
0x63: {  	s3 =	rddreg [dreg:$0x2];
	[bflag:$0x3] =	sbarrier.arrive $0xFFFF;
	s2 =	simm.s32 @!p0 $0x1C01  }
0x64: {  	[timem:s3], [sflag:s2] =	dma.local @!p0 [hbm:s0], s1  }
0x65: {  	s0 =	simm.s32 @!p0 $0x1  }
0x66: {  	_ =	swait.ge @!p0 [sflag:s0], s1  }
0x67: {  	s1 =	ssub.s32 @!p0 $0x0, s1;
	[sflag:s0] =	ssyncset.done @!p0 $0x0  }
0x68: {  	[sflag:s0] =	ssyncadd.s32 @!p0 s1  }
0x69: {  	[bflag:$0x3] =	sbarrier.arrive $0xFFFF  }
0x6a: {  	_ =	shalt  }

// kernel: kernel.13.cloned.1.call-start
scs
__scs_entry_jumppad:
0x0: {  	(pc) =	sbr.rel $0x88, $3  }
0x1: {  	(tag) =	ssettag $0x0;
	lr =	simm.s32 $0x1  }
0x2: {  	[smem:$0x3F99] =	sst lr;
	_ =	strace $0xD0000000  }
0x3: {  	_ = 	snop  }
0x4: {  	_ = 	snop  }
0x5: {  	_ = 	snop  }
0x6: {  	_ = 	snop  }
0x7: {  	_ = 	snop  }
__scs_overlays_trampoline_lowered:
0x8: {  	[smem:$0x3FA8] =	sst s0  }
0x9: {  	[smem:$0x3FA9] =	sst s1  }
0xa: {  	[smem:$0x3FAA] =	sst s2  }
0xb: {  	[smem:$0x3FAB] =	sst s3  }
0xc: {  	[smem:$0x3FAC] =	sst s4  }
0xd: {  	[smem:$0x3FAD] =	sst s5  }
0xe: {  	[smem:$0x3FAE] =	sst s6  }
0xf: {  	[smem:$0x3FAF] =	sst s7  }
0x10: {  	[smem:$0x3FB0] =	sst s8  }
0x11: {  	[smem:$0x3FB1] =	sst s9;
	s0 =	simm.s32 @!p0 $0x0  }
0x12: {  	s1 =	sld [smem:$0x3F97];
	s0 =	simm.s32 @p0 $0x1  }
0x13: {  	[smem:$0x3FB2] =	sst s0;
	s0 =	simm.s32 @!p1 $0x0  }
0x14: {  	s2 =	sld [smem:$0x3F96];
	s0 =	simm.s32 @p1 $0x1  }
0x15: {  	[smem:$0x3FB3] =	sst s0;
	s0 =	simm.s32 @!p2 $0x0  }
0x16: {  	s3 =	sld [smem:$0x3FDB];
	s0 =	simm.s32 @p2 $0x1  }
0x17: {  	s4 =	simm.s32 $0x1BF5;
	[smem:$0x3FB5] =	sst s0  }
0x18: {  	s0 =	sld [smem:$0x3F98];
	_ =	swait.ge [sflag:s4], $0x0  }
0x19: {  	s7 =	sld [smem:$0x3F99]  }
0x1a: {  	s8 =	sadd.s32 $0xFFFFE003, lr  }
0x1b: {  	s9 =	sadd.s32 $0xFFFFFEF7, lr;
	s5 =	simm.s32 $0xFFFFFFFF;
	p2 =	slt.u32 s8, $0xFFFFF086  }
0x1c: {  	p1 =	slt.u32 s9, $0xF7A;
	s5 =	simm.s32 @!p2 $0x0  }
0x1d: {  	s5 =	simm.s32 @p1 $0x1;
	p0 =	seq.s32 s7, s2  }
0x1e: {  	s7 =	smul.u32 @!p0 $0xF7A, s2;
	p2 =	seq.s32 @!p0 s5, $0x0  }
0x1f: {  	s9 =	smul.u32 $0xF7A, s1;
	s8 =	simm.s32 @!p0 $0x1BF5;
	p2 =	por !p2, p0  }
0x20: {  	[sflag:s8] =	ssyncset.s32 @!p0 $0xFFFFF086;
	s6 =	sadd.s32 @!p0 s3, s7;
	s7 =	simm.s32 @!p0 $0x108  }
0x21: {  	s3 =	sadd.s32 s3, s9;
	s6 =	sadd.s32 @!p0 $0x88, s6;
	s7 =	simm.s32 @p2 $0x1082  }
0x22: {  	[simem:s7], [sflag:s8] =	dma.local @!p0 [hbm:s6], $0xF7A  }
0x23: {  	s9 =	sor.u32 $0xD0000000, s2;
	s6 =	simm.s32 $0x108;
	_ =	swait.ge @!p0 [sflag:s8], $0x0  }
0x24: {  	s3 =	sadd.s32 $0x88, s3;
	s6 =	simm.s32 @!p1 $0x1082;
	[sflag:s4] =	ssyncset.s32 $0xFFFFF086  }
0x25: {  	[simem:s6], [sflag:s4] =	dma.local [hbm:s3], $0xF7A  }
0x26: {  	[smem:$0x3F99] =	sst s1;
	(tag) =	ssettag s2;
	_ =	strace s9  }
0x27: {  	s1 =	sld [smem:$0x3FA9]  }
0x28: {  	s2 =	sld [smem:$0x3FAA]  }
0x29: {  	s4 =	sld [smem:$0x3FAC]  }
0x2a: {  	p0 =	seq.s32 s5, $0x0;
	s5 =	sld [smem:$0x3FAD]  }
0x2b: {  	s6 =	sld [smem:$0x3FAE]  }
0x2c: {  	s7 =	sld [smem:$0x3FAF]  }
0x2d: {  	s3 =	simm.s32 $0x108;
	s8 =	sld [smem:$0x3FB0]  }
0x2e: {  	s3 =	simm.s32 @!p0 $0x1082;
	s9 =	sld [smem:$0x3FB1]  }
0x2f: {  	lr =	sadd.s32 s0, s3;
	s0 =	sld [smem:$0x3FA8]  }
0x30: {  	s3 =	sld [smem:$0x3FAB]  }
0x31: {  	[smem:$0x3FB4] =	sst s10  }
0x32: {  	s10 =	sld [smem:$0x3FB2];
	_ =	sdelay $0x3  }
0x33: {  	p0 =	seq.s32 s10, $0x1;
	s10 =	sld [smem:$0x3FB4];
	_ =	sdelay $0x3  }
0x34: {  	[smem:$0x3FB4] =	sst s10  }
0x35: {  	s10 =	sld [smem:$0x3FB3];
	_ =	sdelay $0x3  }
0x36: {  	p1 =	seq.s32 s10, $0x1;
	s10 =	sld [smem:$0x3FB4];
	_ =	sdelay $0x3  }
0x37: {  	[smem:$0x3FB4] =	sst s10  }
0x38: {  	s10 =	sld [smem:$0x3FB5]  }
0x39: {  	_ = 	snop;
	(pc) =	sbr.ind lr, $3  }
0x3a: {  	_ = 	snop  }
0x3b: {  	_ = 	snop  }
0x3c: {  	p2 =	seq.s32 s10, $0x1;
	s10 =	sld [smem:$0x3FB4]  }
0x3d: {  	_ =	shalt  }
0x3e: {  	_ =	shalt  }
0x3f: {  	_ =	shalt  }
0x40: {  	_ =	shalt  }
0x41: {  	_ =	shalt  }
0x42: {  	_ =	shalt  }
0x43: {  	_ =	shalt  }
0x44: {  	_ =	shalt  }
0x45: {  	_ =	shalt  }
0x46: {  	_ =	shalt  }
0x47: {  	_ =	shalt  }
0x48: {  	_ =	shalt  }
0x49: {  	_ =	shalt  }
0x4a: {  	_ =	shalt  }
0x4b: {  	_ =	shalt  }
0x4c: {  	_ =	shalt  }
0x4d: {  	_ =	shalt  }
0x4e: {  	_ =	shalt  }
0x4f: {  	_ =	shalt  }
0x50: {  	_ =	shalt  }
0x51: {  	_ =	shalt  }
0x52: {  	_ =	shalt  }
0x53: {  	_ =	shalt  }
0x54: {  	_ =	shalt  }
0x55: {  	_ =	shalt  }
0x56: {  	_ =	shalt  }
0x57: {  	_ =	shalt  }
0x58: {  	_ =	shalt  }
0x59: {  	_ =	shalt  }
0x5a: {  	_ =	shalt  }
0x5b: {  	_ =	shalt  }
0x5c: {  	_ =	shalt  }
0x5d: {  	_ =	shalt  }
0x5e: {  	_ =	shalt  }
0x5f: {  	_ =	shalt  }
0x60: {  	_ =	shalt  }
0x61: {  	_ =	shalt  }
0x62: {  	_ =	shalt  }
0x63: {  	_ =	shalt  }
0x64: {  	_ =	shalt  }
0x65: {  	_ =	shalt  }
0x66: {  	_ =	shalt  }
0x67: {  	_ =	shalt  }
0x68: {  	_ =	shalt  }
0x69: {  	_ =	shalt  }
0x6a: {  	_ =	shalt  }
0x6b: {  	_ =	shalt  }
0x6c: {  	_ =	shalt  }
0x6d: {  	_ =	shalt  }
0x6e: {  	_ =	shalt  }
0x6f: {  	_ =	shalt  }
0x70: {  	_ =	shalt  }
0x71: {  	_ =	shalt  }
0x72: {  	_ =	shalt  }
0x73: {  	_ =	shalt  }
0x74: {  	_ =	shalt  }
0x75: {  	_ =	shalt  }
0x76: {  	_ =	shalt  }
0x77: {  	_ =	shalt  }
0x78: {  	_ =	shalt  }
0x79: {  	_ =	shalt  }
0x7a: {  	_ =	shalt  }
0x7b: {  	_ =	shalt  }
0x7c: {  	_ =	shalt  }
0x7d: {  	_ =	shalt  }
0x7e: {  	_ =	shalt  }
0x7f: {  	_ =	shalt  }
0x80: {  	_ =	shalt  }
0x81: {  	_ =	shalt  }
0x82: {  	_ =	shalt  }
0x83: {  	_ =	shalt  }
0x84: {  	_ =	shalt  }
0x85: {  	_ =	shalt  }
0x86: {  	_ =	shalt  }
0x87: {  	_ =	shalt  }
.Lfunc_end0:
.L_simem_size_0:
called_computation.1_lowered:
.L_overlay_start_0:
0x88: {  	s2 =	sld [smem:$0x3FD9]  }
0x89: {  	s3 =	sld [smem:$0x3FFE];
	_ =	sdelay $0x1  }
0x8a: {  	s1 =	srdreg.scid  }
0x8b: {  	s0 =	sand.u32 $0x1, s1  }
0x8c: {  	s17 =	sshll.u32 s0, $0xA;
	s2 =	sadd.s32 s3, s2  }
0x8d: {  	s2 =	sadd.s32 s2, s17  }
0x8e: {  	[smem:$0x3FC0] =	sst s2  }
0x8f: {  	_ = 	snop  }
0x90: {  	s2 =	sld [smem:$0x3FD0];
	(tm) =	ssettm $0x1  }
0x91: {  	s18 =	sld [smem:$0x3FFB];
	_ =	sdelay $0x3  }
0x92: {  	_ =	strace s18  }
0x93: {  	s3 =	sld [smem:$0x3FFC];
	_ =	sdelay $0x3  }
0x94: {  	_ =	strace s3  }
0x95: {  	s3 =	sld [smem:$0x3FFD];
	_ =	sdelay $0x3  }
0x96: {  	_ =	strace s3  }
0x97: {  	_ =	strace $0x8FFFFFFF  }
0x98: {  	s19 =	sld [smem:$0x3FDB];
	_ =	sdelay $0x1  }
0x99: {  	s4 =	simm.s32 $_scs_section_size  }
0x9a: {  	s5 =	simm.s32 $_size__tile_overlayer_lowered;
	s6 =	simm.s32 $_tile_overlayer_lowered  }
0x9b: {  	s22 =	simm.s32 $0x1BFF;
	s21 =	sshll.u32 s6, $0x1;
	s3 =	sadd.s32 s4, s19  }
0x9c: {  	s7 =	simm.s32 $0x0;
	s20 =	sshll.u32 s5, $0x1;
	s5 =	sadd.s32 s21, s3  }
0x9d: {  	[timem:s7], [sflag:s22] =	dma.local [hbm:s5], s20  }
0x9e: {  	_ =	swait.ge [sflag:s22], s20  }
0x9f: {  	s4 =	ssub.s32 $0x0, s20;
	[sflag:s22] =	ssyncset.done $0x0  }
0xa0: {  	[sflag:s22] =	ssyncadd.s32 s4;
	_ =	sdelay $0x1  }
0xa1: {  	s23 =	simm.s32 $0x1B8B  }
0xa2: {  	_ =	swait.ge [sflag:s23], $0x1  }
0xa3: {  	[sflag:s23] =	ssyncset.done $0x0  }
0xa4: {  	s25 =	simm.s32 $0x1B8E;
	s24 =	sld [smem:$0x3FFE];
	[sflag:s23] =	ssyncadd.s32 $0xFFFFFFFF  }
0xa5: {  	s26 =	simm.s32 $execute0_lowered;
	[smem:$0x3FD2] =	sst s25  }
0xa6: {  	s5 =	sshll.u32 s26, $0x1;
	_ =	strace $0x80000049;
	[dreg:$0x1] =	wrdreg $0xFFFFFFFF  }
0xa7: {  	s28 =	simm.s32 $_size_execute0_lowered;
	s3 =	sadd.s32 s3, s5;
	[dreg:$0x0] =	wrdreg $0x0  }
0xa8: {  	s5 =	sshll.u32 s28, $0x1;
	[dreg:$0x2] =	wrdreg s3  }
0xa9: {  	[dreg:$0x3] =	wrdreg s5  }
0xaa: {  	[dreg:$0x4] =	wrdreg $0xC0  }
0xab: {  	_ =	task [dreg:s7], $0x5FFFF  }
0xac: {  	[dreg:$0x1] =	wrdreg $0xFFFFFFFF  }
0xad: {  	[dreg:$0x0] =	wrdreg $0x60  }
0xae: {  	[dreg:$0x2] =	wrdreg s2  }
0xaf: {  	[dreg:$0x3] =	wrdreg s24  }
0xb0: {  	[dreg:$0x4] =	wrdreg $0xA0000  }
0xb1: {  	[dreg:$0x5] =	wrdreg $0x9  }
0xb2: {  	_ =	task.clear_ibuf [dreg:s7], $0x6FFFF;
	_ =	strace $0x90000049  }
0xb3: {  	s29 =	simm.s32 $0x9;
	_ =	strace $0x8000004B  }
0xb4: {  	_ =	swait.ge [sflag:s29], $0x1  }
0xb5: {  	[sflag:s29] =	ssyncadd.s32 $0xFFFFFFFF  }
0xb6: {  	_ =	strace $0x9000004B  }
0xb7: {  	_ =	sfence  }
0xb8: {  	s30 =	sld [smem:$0x0];
	_ =	sdelay $0x2  }
0xb9: {  	s31 =	sshll.u32 s1, $0xD;
	s1 =	sshrl.u32 s1, $0x2  }
0xba: {  	s3 =	sand.u32 $0x4000, s31;
	s1 =	sadd.s32 s1, s30  }
0xbb: {  	s0 =	sor.u32 s3, s0;
	s1 =	sshll.u32 s1, $0x11  }
0xbc: {  	s0 =	sor.u32 s1, s0  }
0xbd: {  	s0 =	sadd.s32 $0x8F2B, s0  }
0xbe: {  	[sflag:s0] =	ssyncadd.remote.s32 $0x1  }
0xbf: {  	_ =	sfence.sel $0xFFFF  }
0xc0: {  	[dreg:$0x0] =	wrdreg $0xFFFFFFFF;
	(pc) =	sbr.abs _section_cstart, $3  }
0xc1: {  	[dreg:$0x1] =	wrdreg $0xFFFFFFFF  }
0xc2: {  	_ =	task.clear_ibuf [dreg:s7], $0x2FFFF;
	_ =	strace $0x9FFFFFFF  }
0xc3: {  	(tm) =	ssettm $0x7FFFFFFF  }
tec
execute0_lowered:
.L_overlay_start_1:
0x0: {  	(tag) =	ssettag $0x1  }
0x1: {  	s1 =	rddreg [dreg:$0x0]  }
0x2: {  	s0 =	rddreg [dreg:$0x1]  }
0x3: {  	s2 =	rddreg [dreg:$0x2];
	s3 =	srdreg.scid;
	s4 =	simm.s32 $0x0  }
0x4: {  	s21 =	stileid.u32;
	s28 =	simm.s32 $0x6000;
	s31 =	simm.s32 $0x1  }
0x5: {  	s29 =	simm.s32 $0x4;
	s30 =	simm.s32 $0x2;
	s3 =	sand.u32 $0x1, s3  }
0x6: {  	[smem:$0x7FF] =	sst s4;
	s6 =	sadd.s32 $0xCA00, s0;
	s7 =	sadd.s32 $0x2C00, s0  }
0x7: {  	s0 =	sadd.s32 $0x16800, s0;
	s12 =	smul.u32 $0x13880, s21;
	s5 =	sshll.u32 s3, $0x4  }
0x8: {  	_ =	strace $0x8000004A;
	s8 =	ssub.s32 $0x2, s3;
	s16 =	smul.u32 $0x138800, s3  }
0x9: {  	s3 =	smul.u32 $0xFFFF9C40, s3;
	s5 =	sor.u32 s21, s5;
	s9 =	sshrl.u32 s8, $0x1  }
0xa: {  	s14 =	sadd.s32 $0x3E80, s12;
	s15 =	sadd.s32 $0x7D00, s12;
	s21 =	smul.u32 $0x9C4, s21  }
0xb: {  	s17 =	sadd.s32 $0xBB80, s12;
	s20 =	sadd.s32 $0xFA00, s12;
	s5 =	smul.u32 $0x9C4, s5  }
0xc: {  	s19 =	ssub.s32 s8, s9;
	s9 =	sadd.s32 s14, s2;
	s14 =	sadd.s32 s16, s14  }
0xd: {  	s8 =	sadd.s32 s12, s2;
	s3 =	sand.u32 $0xFFC0, s3;
	s14 =	sshrl.u32 s14, $0x3  }
0xe: {  	s3 =	sadd.s32 s21, s3;
	s10 =	sshrl.u32 s5, $0x5;
	s5 =	sadd.s32 $0x9C4, s5  }
0xf: {  	s14 =	sadd.s32 s0, s14;
	s3 =	sshrl.u32 s3, $0x1;
	s5 =	sshrl.u32 s5, $0x5  }
0x10: {  	s18 =	sshll.u32 s10, $0x4;
	[dreg:$0x7] =	wrdreg s14;
	s3 =	sand.u32 $0xFFF0, s3  }
0x11: {  	s5 =	ssub.s32 s5, s10;
	s11 =	sadd.s32 s6, s18;
	s13 =	sadd.s32 s7, s18  }
0x12: {  	s10 =	sadd.s32 s15, s2;
	s15 =	sadd.s32 s16, s15;
	s22 =	sadd.s32 $0x100, s18  }
0x13: {  	s18 =	smax.u32 s19, $0x1;
	s24 =	sadd.s32 s3, s7;
	[dreg:$0x4] =	wrdreg s11  }
0x14: {  	s26 =	sadd.s32 s3, s6;
	[dreg:$0x5] =	wrdreg s13;
	s13 =	sadd.s32 s12, s16  }
0x15: {  	s11 =	sadd.s32 s17, s2;
	s12 =	sadd.s32 s20, s2;
	s15 =	sshrl.u32 s15, $0x3  }
0x16: {  	s17 =	sadd.s32 s16, s17;
	s20 =	sadd.s32 s16, s20;
	s23 =	sadd.s32 s6, s22  }
0x17: {  	s25 =	sadd.s32 $0x110, s24;
	p0 =	slt.s32 s5, $0x1;
	p1 =	seq.s32 s5, $0x1  }
0x18: {  	s13 =	sshrl.u32 s13, $0x3;
	s15 =	sadd.s32 s0, s15;
	[dreg:$0x9] =	wrdreg s23  }
0x19: {  	s17 =	sshrl.u32 s17, $0x3;
	s21 =	sshrl.u32 s20, $0x3;
	[dreg:$0xb] =	wrdreg s25  }
.Ltmp0:
0x1a: {  	s23 =	simm.s32 $0x5;
	s25 =	simm.s32 $0x80;
	(pc) =	sbr.rel .LBB2_1-.Ltmp0, $4  }
0x1b: {  	s13 =	sadd.s32 s0, s13;
	[dreg:$0x8] =	wrdreg s15;
	s16 =	sadd.s32 s0, s17  }
0x1c: {  	s17 =	sadd.s32 s0, s21;
	s0 =	sadd.s32 s7, s22;
	[dreg:$0x6] =	wrdreg s13  }
0x1d: {  	s21 =	simm.s32 $0x0;
	[dreg:$0xa] =	wrdreg s0;
	s0 =	sadd.s32 $0x110, s26  }
0x1e: {  	v0 =	vimm.f32 $0.0e+00;
	s26 =	simm.s32 $0x2000;
	[dreg:$0xc] =	wrdreg s0;
	s0 =	simm.s32 $0x3  }
.LBB2_14:
0x1f: {  	_ =	swait.ge [sflag:s31], $0x4000  }
0x20: {  	[sflag:s31] =	ssyncset.done $0x0  }
0x21: {  	s3 =	simm.s32 $0x1000;
	[sflag:s31] =	ssyncadd.s32 $0xFFFFC000  }
0x22: {  	[spmem:s2] =	stream.indirect.scatter.add.f32 [tilespmem:s26], [sflag:$0x3], $0x80, s3, s25, $0xb8;
	[tilespmem:$0x1D880] =	vst v63  }
.LBB2_15:
0x23: {  	_ =	swait.ge [sflag:s0], $0x4000  }
0x24: {  	[sflag:s0] =	ssyncset.done $0x0  }
0x25: {  	[sflag:s0] =	ssyncadd.s32 $0xFFFFC000  }
0x26: {  	_ =	swait.ge [sflag:s29], $0x4000  }
0x27: {  	[sflag:s29] =	ssyncset.done $0x0  }
0x28: {  	s3 =	stileid.u32;
	[sflag:s29] =	ssyncadd.s32 $0xFFFFC000  }
0x29: {  	s3 =	sshll.u32 s3, $0x6;
	[bflag:$0x0] =	sbarrier.arrive $0xFFFF  }
0x2a: {  	s6 =	sshrl.u32 s8, $0x3;
	s3 =	sor.u32 $0x1C05, s3;
	s7 =	rddreg [dreg:$0x6]  }
0x2b: {  	[hbm:s7], [sflag:s3] =	dma.local [spmem:s6], $0x7D0  }
0x2c: {  	_ =	swait.ge [sflag:s23], $0x7D0  }
0x2d: {  	[sflag:s23] =	ssyncset.done $0x0  }
0x2e: {  	s14 =	sshrl.u32 s9, $0x3;
	s15 =	rddreg [dreg:$0x7];
	[sflag:s23] =	ssyncadd.s32 $0xFFFFF830  }
0x2f: {  	[hbm:s15], [sflag:s3] =	dma.local [spmem:s14], $0x7D0  }
0x30: {  	_ =	swait.ge [sflag:s23], $0x7D0  }
0x31: {  	[sflag:s23] =	ssyncset.done $0x0  }
0x32: {  	s19 =	sshrl.u32 s10, $0x3;
	s20 =	rddreg [dreg:$0x8];
	[sflag:s23] =	ssyncadd.s32 $0xFFFFF830  }
0x33: {  	[hbm:s20], [sflag:s3] =	dma.local [spmem:s19], $0x7D0  }
0x34: {  	_ =	swait.ge [sflag:s23], $0x7D0  }
0x35: {  	[sflag:s23] =	ssyncset.done $0x0  }
0x36: {  	s22 =	sshrl.u32 s11, $0x3;
	[sflag:s23] =	ssyncadd.s32 $0xFFFFF830  }
0x37: {  	[hbm:s16], [sflag:s3] =	dma.local [spmem:s22], $0x7D0  }
0x38: {  	s21 =	sadd.s32 $0x1, s21;
	_ =	swait.ge [sflag:s23], $0x7D0  }
0x39: {  	p2 =	sne.s32 s21, s18;
	[sflag:s23] =	ssyncset.done $0x0  }
.Ltmp1:
0x3a: {  	s24 =	sshrl.u32 s12, $0x3;
	[sflag:s23] =	ssyncadd.s32 $0xFFFFF830;
	(pc) =	sbr.rel @!p2 .LBB2_16-.Ltmp1, $4  }
0x3b: {  	[hbm:s17], [sflag:s3] =	dma.local [spmem:s24], $0x7D0  }
0x3c: {  	_ =	swait.ge [sflag:s23], $0x7D0  }
0x3d: {  	[sflag:s23] =	ssyncset.done $0x0  }
0x3e: {  	[sflag:s23] =	ssyncadd.s32 $0xFFFFF830  }
.LBB2_1:
0x3f: {  	s3 =	rddreg [dreg:$0x4]  }
0x40: {  	[tilespmem:s4], [sflag:$0x5] =	stream.linear.gather [hbm4b:s3+s4], $0x800, $0x38;
	[tilespmem:$0x1D880] =	vst v63  }
0x41: {  	_ =	swait.ge [sflag:s23], $0x800  }
0x42: {  	[sflag:s23] =	ssyncset.done $0x0  }
0x43: {  	s6 =	simm.s32 $0x1000;
	s24 =	rddreg [dreg:$0x5];
	[sflag:s23] =	ssyncadd.s32 $0xFFFFF800  }
0x44: {  	[tilespmem:s6], [sflag:$0x5] =	stream.linear.gather [hbm4b:s24+s4], $0x800, $0x38;
	[tilespmem:$0x1D880] =	vst v63  }
0x45: {  	_ =	swait.ge [sflag:s23], $0x800  }
0x46: {  	[sflag:s23] =	ssyncset.done $0x0  }
0x47: {  	s3 =	simm.s32 $0x0;
	s6 =	simm.s32 $0x200;
	[sflag:s23] =	ssyncadd.s32 $0xFFFFF800  }
0x48: {  	[tilespmem:s26], [sflag:$0x1] =	stream.indirect.gather [hbm4b:s1+s25], $0x80, s4, s25, $0xb8;
	[tilespmem:$0x1D880] =	vst v63  }
.LBB2_2:
0x49: {  	p2 =	sne.s32 s6, $0xF800;
	[tilespmem:s3+$0x6070] =	vst v0  }
0x4a: {  	[tilespmem:s3+$0x6000] =	vst v0  }
0x4b: {  	[tilespmem:s3+$0x6010] =	vst v0  }
.Ltmp2:
0x4c: {  	[tilespmem:s3+$0x6020] =	vst v0;
	(pc) =	sbr.rel @p2 .LBB2_2-.Ltmp2, $4  }
0x4d: {  	[tilespmem:s3+$0x6030] =	vst v0  }
0x4e: {  	[tilespmem:s3+$0x6040] =	vst v0  }
0x4f: {  	[tilespmem:s3+$0x6050] =	vst v0  }
0x50: {  	[tilespmem:s3+$0x6060] =	vst v0;
	s3 =	sshra.s32 s6, $0x2;
	s6 =	sadd.s32 $0x200, s6  }
0x51: {  	[tilespmem:s3+$0x6070] =	vst v0  }
0x52: {  	[tilespmem:s3+$0x6000] =	vst v0  }
0x53: {  	[tilespmem:s3+$0x6010] =	vst v0  }
0x54: {  	[tilespmem:s3+$0x6020] =	vst v0  }
0x55: {  	[tilespmem:s3+$0x6030] =	vst v0  }
0x56: {  	[tilespmem:s3+$0x6040] =	vst v0  }
0x57: {  	[tilespmem:s3+$0x6050] =	vst v0  }
0x58: {  	[tilespmem:s3+$0x6060] =	vst v0  }
0x59: {  	[spmem:s8] =	stream.linear.scatter [tilespmem:s28], [sflag:$0x5], $0x3E80, $0x38;
	[tilespmem:$0x1D880] =	vst v63  }
0x5a: {  	_ =	swait.ge [sflag:s23], $0x3E80  }
0x5b: {  	[sflag:s23] =	ssyncset.done $0x0  }
0x5c: {  	[sflag:s23] =	ssyncadd.s32 $0xFFFFC180  }
0x5d: {  	[spmem:s9] =	stream.linear.scatter [tilespmem:s28], [sflag:$0x5], $0x3E80, $0x38;
	[tilespmem:$0x1D880] =	vst v63  }
0x5e: {  	_ =	swait.ge [sflag:s23], $0x3E80  }
0x5f: {  	[sflag:s23] =	ssyncset.done $0x0  }
0x60: {  	[sflag:s23] =	ssyncadd.s32 $0xFFFFC180  }
0x61: {  	[spmem:s10] =	stream.linear.scatter [tilespmem:s28], [sflag:$0x5], $0x3E80, $0x38;
	[tilespmem:$0x1D880] =	vst v63  }
0x62: {  	_ =	swait.ge [sflag:s23], $0x3E80  }
0x63: {  	[sflag:s23] =	ssyncset.done $0x0  }
0x64: {  	[sflag:s23] =	ssyncadd.s32 $0xFFFFC180  }
0x65: {  	[spmem:s11] =	stream.linear.scatter [tilespmem:s28], [sflag:$0x5], $0x3E80, $0x38;
	[tilespmem:$0x1D880] =	vst v63  }
0x66: {  	_ =	swait.ge [sflag:s23], $0x3E80  }
0x67: {  	[sflag:s23] =	ssyncset.done $0x0  }
0x68: {  	[sflag:s23] =	ssyncadd.s32 $0xFFFFC180  }
0x69: {  	[spmem:s12] =	stream.linear.scatter [tilespmem:s28], [sflag:$0x5], $0x3E80, $0x38;
	[tilespmem:$0x1D880] =	vst v63  }
.Ltmp3:
0x6a: {  	_ =	swait.ge [sflag:s23], $0x3E80;
	(pc) =	sbr.rel @p0 .LBB2_15-.Ltmp3, $3  }
0x6b: {  	[sflag:s23] =	ssyncset.done $0x0  }
0x6c: {  	[sflag:s23] =	ssyncadd.s32 $0xFFFFC180  }
0x6d: {  	[bflag:$0x0] =	sbarrier.arrive $0xFFFF;
	_ =	sdelay $0x1  }
0x6e: {  	s3 =	rddreg [dreg:$0x9];
	s6 =	simm.s32 $0x800  }
0x6f: {  	[tilespmem:s6], [sflag:$0x5] =	stream.linear.gather [hbm4b:s3+s4], $0x800, $0x38;
	[tilespmem:$0x1D880] =	vst v63  }
0x70: {  	_ =	swait.ge [sflag:s23], $0x800  }
0x71: {  	s24 =	simm.s32 $0x1800;
	[sflag:s23] =	ssyncset.done $0x0  }
.Ltmp4:
0x72: {  	s22 =	rddreg [dreg:$0xa];
	[sflag:s23] =	ssyncadd.s32 $0xFFFFF800;
	(pc) =	sbr.rel @p1 .LBB2_14-.Ltmp4, $4  }
0x73: {  	[tilespmem:s24], [sflag:$0x5] =	stream.linear.gather [hbm4b:s22+s4], $0x800, $0x38;
	[tilespmem:$0x1D880] =	vst v63  }
0x74: {  	_ =	swait.ge [sflag:s23], $0x800  }
0x75: {  	[sflag:s23] =	ssyncset.done $0x0  }
0x76: {  	[sflag:s23] =	ssyncadd.s32 $0xFFFFF800  }
0x77: {  	[tilespmem:s28], [sflag:$0x2] =	stream.indirect.gather [hbm4b:s1+s25], $0x80, s25, s25, $0xb8;
	[tilespmem:$0x1D880] =	vst v63  }
.Ltmp5:
0x78: {  	_ =	swait.ge [sflag:s31], $0x4000;
	(pc) =	sbr.rel .LBB2_6-.Ltmp5, $4  }
0x79: {  	[sflag:s31] =	ssyncset.done $0x0  }
0x7a: {  	s3 =	simm.s32 $0x1000;
	s19 =	rddreg [dreg:$0xb];
	[sflag:s31] =	ssyncadd.s32 $0xFFFFC000  }
0x7b: {  	[spmem:s2] =	stream.indirect.scatter.add.f32 [tilespmem:s26], [sflag:$0x3], $0x80, s3, s25, $0xb8;
	[tilespmem:$0x1D880] =	vst v63  }
0x7c: {  	s22 =	simm.s32 $0x400;
	s20 =	simm.s32 $0x2;
	s3 =	rddreg [dreg:$0xc]  }
.LBB2_11:
0x7d: {  	_ =	swait.ge [sflag:s0], $0x4000  }
0x7e: {  	[sflag:s0] =	ssyncset.done $0x0  }
0x7f: {  	[sflag:s0] =	ssyncadd.s32 $0xFFFFC000  }
0x80: {  	[tilespmem:s26], [sflag:$0x1] =	stream.indirect.gather [hbm4b:s1+s25], $0x80, s7, s25, $0xb8;
	[tilespmem:$0x1D880] =	vst v63  }
.LBB2_12:
0x81: {  	_ =	swait.ge [sflag:s30], $0x4000;
	s6 =	sshll.u32 s6, $0xB;
	s7 =	sshll.u32 s24, $0x7  }
0x82: {  	[sflag:s30] =	ssyncset.done $0x0;
	s6 =	sor.u32 s7, s6  }
0x83: {  	[sflag:s30] =	ssyncadd.s32 $0xFFFFC000;
	s6 =	sor.u32 $0x1000, s6  }
0x84: {  	[spmem:s2] =	stream.indirect.scatter.add.f32 [tilespmem:s28], [sflag:$0x4], $0x80, s6, s25, $0xb8;
	[tilespmem:$0x1D880] =	vst v63  }
.LBB2_13:
0x85: {  	p2 =	slt.s32 s20, s5  }
.Ltmp6:
0x86: {  	_ = 	snop;
	(pc) =	sbr.rel @!p2 .LBB2_15-.Ltmp6, $3  }
0x87: {  	_ =	sdelay $0x1  }
0x88: {  	s6 =	sadd.s32 $0x1, s20;
	s22 =	sadd.s32 $0x200, s22  }
0x89: {  	s19 =	sadd.s32 $0x10, s19;
	s3 =	sadd.s32 $0x10, s3;
	s20 =	smov.u32 s6  }
.LBB2_6:
0x8a: {  	s7 =	sadd.s32 $0xFFFFFFFF, s20  }
0x8b: {  	s6 =	sshrl.u32 s7, $0x4;
	s24 =	sand.u32 $0xF, s7  }
0x8c: {  	s6 =	sand.u32 $0x1, s6;
	p2 =	sne.s32 s24, $0x0  }
0x8d: {  	s13 =	sshll.u32 @!p2 s6, $0xB  }
0x8e: {  	s15 =	simm.s32 @!p2 $0x0;
	s14 =	sxor.u32 @!p2 $0x800, s13  }
0x8f: {  	[tilespmem:s14], [sflag:$0x5] =	stream.linear.gather @!p2 [hbm4b:s3+s15], $0x800, $0x38;
	[tilespmem:$0x1D880] =	vst v63  }
0x90: {  	s14 =	simm.s32 @!p2 $0x5  }
0x91: {  	_ =	swait.ge @!p2 [sflag:s14], $0x800  }
0x92: {  	p3 =	sge.s32 s20, s5;
	[sflag:s14] =	ssyncset.done @!p2 $0x0  }
.Ltmp7:
0x93: {  	s13 =	sxor.u32 @!p2 $0x1800, s13;
	[sflag:s14] =	ssyncadd.s32 @!p2 $0xFFFFF800;
	(pc) =	sbr.rel @p3 .LBB2_9-.Ltmp7, $4  }
0x94: {  	[tilespmem:s13], [sflag:$0x5] =	stream.linear.gather @!p2 [hbm4b:s19+s15], $0x800, $0x38;
	[tilespmem:$0x1D880] =	vst v63  }
0x95: {  	_ =	swait.ge @!p2 [sflag:s14], $0x800  }
0x96: {  	s7 =	sand.u32 $0x1, s7;
	[sflag:s14] =	ssyncset.done @!p2 $0x0  }
0x97: {  	[sflag:s14] =	ssyncadd.s32 @!p2 $0xFFFFF800;
	p2 =	seq.s32 s7, $0x1  }
.Ltmp8:
0x98: {  	(pc) =	sbr.rel @p2 .LBB2_11-.Ltmp8, $3  }
0x99: {  	_ =	sdelay $0x1  }
0x9a: {  	s7 =	sand.u32 $0x3E00, s22  }
0x9b: {  	s7 =	sshrl.u32 s7, $0x2  }
.Ltmp9:
0x9c: {  	(pc) =	sbr.rel .LBB2_10-.Ltmp9, $4  }
0x9d: {  	_ =	swait.ge [sflag:s29], $0x4000  }
0x9e: {  	[sflag:s29] =	ssyncset.done $0x0  }
0x9f: {  	[sflag:s29] =	ssyncadd.s32 $0xFFFFC000  }
0xa0: {  	[tilespmem:s28], [sflag:$0x2] =	stream.indirect.gather [hbm4b:s1+s25], $0x80, s7, s25, $0xb8;
	[tilespmem:$0x1D880] =	vst v63  }
.LBB2_9:
.Ltmp10:
0xa1: {  	(pc) =	sbr.rel @p2 .LBB2_12-.Ltmp10, $1  }
0xa2: {  	_ =	sdelay $0x3  }
.LBB2_10:
.Ltmp11:
0xa3: {  	(pc) =	sbr.rel .LBB2_13-.Ltmp11, $4  }
0xa4: {  	_ =	swait.ge [sflag:s31], $0x4000;
	s6 =	sshll.u32 s6, $0xB;
	s7 =	sshll.u32 s24, $0x7  }
0xa5: {  	[sflag:s31] =	ssyncset.done $0x0;
	s6 =	sor.u32 s7, s6  }
0xa6: {  	[sflag:s31] =	ssyncadd.s32 $0xFFFFC000;
	s6 =	sor.u32 $0x1000, s6  }
0xa7: {  	[spmem:s2] =	stream.indirect.scatter.add.f32 [tilespmem:s26], [sflag:$0x3], $0x80, s6, s25, $0xb8;
	[tilespmem:$0x1D880] =	vst v63  }
.LBB2_16:
0xa8: {  	_ =	sfence.sel $0x180000  }
0xa9: {  	[bflag:$0x0] =	sbarrier.arrive $0xFFFF  }
0xaa: {  	_ =	strace $0x9000004A  }
0xab: {  	s0 =	stileid.u32;
	[bflag:$0x2] =	sbarrier.arrive $0xFFFF  }
0xac: {  	p0 =	sne.s32 s0, $0x0;
	s0 =	rddreg [dreg:$0x3]  }
0xad: {  	s0 =	sadd.s32 @!p0 $0x100000, s0  }
0xae: {  	[sflag:s0] =	ssyncadd.tile.s32 @!p0 $0x1;
	_ =	shalt  }
.Lfunc_end2:
_tile_overlayer_lowered:
.L_overlay_start_2:
0xaf: {  	(tag) =	ssettag $0x2  }
0xb0: {  	s0 =	rddreg [dreg:$0x0];
	s2 =	stileid.u32  }
0xb1: {  	s1 =	rddreg [dreg:$0x1];
	p0 =	sne.s32 s2, $0x0  }
0xb2: {  	s3 =	rddreg [dreg:$0x2];
	[bflag:$0x3] =	sbarrier.arrive $0xFFFF;
	s2 =	simm.s32 @!p0 $0x1C05  }
0xb3: {  	[timem:s3], [sflag:s2] =	dma.local @!p0 [hbm:s0], s1  }
0xb4: {  	s0 =	simm.s32 @!p0 $0x5  }
0xb5: {  	_ =	swait.ge @!p0 [sflag:s0], s1  }
0xb6: {  	s1 =	ssub.s32 @!p0 $0x0, s1;
	[sflag:s0] =	ssyncset.done @!p0 $0x0  }
0xb7: {  	[sflag:s0] =	ssyncadd.s32 @!p0 s1  }
0xb8: {  	[bflag:$0x3] =	sbarrier.arrive $0xFFFF  }
0xb9: {  	_ =	shalt  }

// kernel: kernel.16.cloned.1.call-start
scs
__scs_entry_jumppad:
0x0: {  	(pc) =	sbr.rel $0x88, $3  }
0x1: {  	(tag) =	ssettag $0x0;
	lr =	simm.s32 $0x1  }
0x2: {  	[smem:$0x3F99] =	sst lr;
	_ =	strace $0xD0000000  }
0x3: {  	_ = 	snop  }
0x4: {  	_ = 	snop  }
0x5: {  	_ = 	snop  }
0x6: {  	_ = 	snop  }
0x7: {  	_ = 	snop  }
__scs_overlays_trampoline_lowered:
0x8: {  	[smem:$0x3FA8] =	sst s0  }
0x9: {  	[smem:$0x3FA9] =	sst s1  }
0xa: {  	[smem:$0x3FAA] =	sst s2  }
0xb: {  	[smem:$0x3FAB] =	sst s3  }
0xc: {  	[smem:$0x3FAC] =	sst s4  }
0xd: {  	[smem:$0x3FAD] =	sst s5  }
0xe: {  	[smem:$0x3FAE] =	sst s6  }
0xf: {  	[smem:$0x3FAF] =	sst s7  }
0x10: {  	[smem:$0x3FB0] =	sst s8  }
0x11: {  	[smem:$0x3FB1] =	sst s9;
	s0 =	simm.s32 @!p0 $0x0  }
0x12: {  	s1 =	sld [smem:$0x3F97];
	s0 =	simm.s32 @p0 $0x1  }
0x13: {  	[smem:$0x3FB2] =	sst s0;
	s0 =	simm.s32 @!p1 $0x0  }
0x14: {  	s2 =	sld [smem:$0x3F96];
	s0 =	simm.s32 @p1 $0x1  }
0x15: {  	[smem:$0x3FB3] =	sst s0;
	s0 =	simm.s32 @!p2 $0x0  }
0x16: {  	s3 =	sld [smem:$0x3FDB];
	s0 =	simm.s32 @p2 $0x1  }
0x17: {  	s4 =	simm.s32 $0x1BF5;
	[smem:$0x3FB5] =	sst s0  }
0x18: {  	s0 =	sld [smem:$0x3F98];
	_ =	swait.ge [sflag:s4], $0x0  }
0x19: {  	s7 =	sld [smem:$0x3F99]  }
0x1a: {  	s8 =	sadd.s32 $0xFFFFE003, lr  }
0x1b: {  	s9 =	sadd.s32 $0xFFFFFEF7, lr;
	s5 =	simm.s32 $0xFFFFFFFF;
	p2 =	slt.u32 s8, $0xFFFFF086  }
0x1c: {  	p1 =	slt.u32 s9, $0xF7A;
	s5 =	simm.s32 @!p2 $0x0  }
0x1d: {  	s5 =	simm.s32 @p1 $0x1;
	p0 =	seq.s32 s7, s2  }
0x1e: {  	s7 =	smul.u32 @!p0 $0xF7A, s2;
	p2 =	seq.s32 @!p0 s5, $0x0  }
0x1f: {  	s9 =	smul.u32 $0xF7A, s1;
	s8 =	simm.s32 @!p0 $0x1BF5;
	p2 =	por !p2, p0  }
0x20: {  	[sflag:s8] =	ssyncset.s32 @!p0 $0xFFFFF086;
	s6 =	sadd.s32 @!p0 s3, s7;
	s7 =	simm.s32 @!p0 $0x108  }
0x21: {  	s3 =	sadd.s32 s3, s9;
	s6 =	sadd.s32 @!p0 $0x88, s6;
	s7 =	simm.s32 @p2 $0x1082  }
0x22: {  	[simem:s7], [sflag:s8] =	dma.local @!p0 [hbm:s6], $0xF7A  }
0x23: {  	s9 =	sor.u32 $0xD0000000, s2;
	s6 =	simm.s32 $0x108;
	_ =	swait.ge @!p0 [sflag:s8], $0x0  }
0x24: {  	s3 =	sadd.s32 $0x88, s3;
	s6 =	simm.s32 @!p1 $0x1082;
	[sflag:s4] =	ssyncset.s32 $0xFFFFF086  }
0x25: {  	[simem:s6], [sflag:s4] =	dma.local [hbm:s3], $0xF7A  }
0x26: {  	[smem:$0x3F99] =	sst s1;
	(tag) =	ssettag s2;
	_ =	strace s9  }
0x27: {  	s1 =	sld [smem:$0x3FA9]  }
0x28: {  	s2 =	sld [smem:$0x3FAA]  }
0x29: {  	s4 =	sld [smem:$0x3FAC]  }
0x2a: {  	p0 =	seq.s32 s5, $0x0;
	s5 =	sld [smem:$0x3FAD]  }
0x2b: {  	s6 =	sld [smem:$0x3FAE]  }
0x2c: {  	s7 =	sld [smem:$0x3FAF]  }
0x2d: {  	s3 =	simm.s32 $0x108;
	s8 =	sld [smem:$0x3FB0]  }
0x2e: {  	s3 =	simm.s32 @!p0 $0x1082;
	s9 =	sld [smem:$0x3FB1]  }
0x2f: {  	lr =	sadd.s32 s0, s3;
	s0 =	sld [smem:$0x3FA8]  }
0x30: {  	s3 =	sld [smem:$0x3FAB]  }
0x31: {  	[smem:$0x3FB4] =	sst s10  }
0x32: {  	s10 =	sld [smem:$0x3FB2];
	_ =	sdelay $0x3  }
0x33: {  	p0 =	seq.s32 s10, $0x1;
	s10 =	sld [smem:$0x3FB4];
	_ =	sdelay $0x3  }
0x34: {  	[smem:$0x3FB4] =	sst s10  }
0x35: {  	s10 =	sld [smem:$0x3FB3];
	_ =	sdelay $0x3  }
0x36: {  	p1 =	seq.s32 s10, $0x1;
	s10 =	sld [smem:$0x3FB4];
	_ =	sdelay $0x3  }
0x37: {  	[smem:$0x3FB4] =	sst s10  }
0x38: {  	s10 =	sld [smem:$0x3FB5]  }
0x39: {  	_ = 	snop;
	(pc) =	sbr.ind lr, $3  }
0x3a: {  	_ = 	snop  }
0x3b: {  	_ = 	snop  }
0x3c: {  	p2 =	seq.s32 s10, $0x1;
	s10 =	sld [smem:$0x3FB4]  }
0x3d: {  	_ =	shalt  }
0x3e: {  	_ =	shalt  }
0x3f: {  	_ =	shalt  }
0x40: {  	_ =	shalt  }
0x41: {  	_ =	shalt  }
0x42: {  	_ =	shalt  }
0x43: {  	_ =	shalt  }
0x44: {  	_ =	shalt  }
0x45: {  	_ =	shalt  }
0x46: {  	_ =	shalt  }
0x47: {  	_ =	shalt  }
0x48: {  	_ =	shalt  }
0x49: {  	_ =	shalt  }
0x4a: {  	_ =	shalt  }
0x4b: {  	_ =	shalt  }
0x4c: {  	_ =	shalt  }
0x4d: {  	_ =	shalt  }
0x4e: {  	_ =	shalt  }
0x4f: {  	_ =	shalt  }
0x50: {  	_ =	shalt  }
0x51: {  	_ =	shalt  }
0x52: {  	_ =	shalt  }
0x53: {  	_ =	shalt  }
0x54: {  	_ =	shalt  }
0x55: {  	_ =	shalt  }
0x56: {  	_ =	shalt  }
0x57: {  	_ =	shalt  }
0x58: {  	_ =	shalt  }
0x59: {  	_ =	shalt  }
0x5a: {  	_ =	shalt  }
0x5b: {  	_ =	shalt  }
0x5c: {  	_ =	shalt  }
0x5d: {  	_ =	shalt  }
0x5e: {  	_ =	shalt  }
0x5f: {  	_ =	shalt  }
0x60: {  	_ =	shalt  }
0x61: {  	_ =	shalt  }
0x62: {  	_ =	shalt  }
0x63: {  	_ =	shalt  }
0x64: {  	_ =	shalt  }
0x65: {  	_ =	shalt  }
0x66: {  	_ =	shalt  }
0x67: {  	_ =	shalt  }
0x68: {  	_ =	shalt  }
0x69: {  	_ =	shalt  }
0x6a: {  	_ =	shalt  }
0x6b: {  	_ =	shalt  }
0x6c: {  	_ =	shalt  }
0x6d: {  	_ =	shalt  }
0x6e: {  	_ =	shalt  }
0x6f: {  	_ =	shalt  }
0x70: {  	_ =	shalt  }
0x71: {  	_ =	shalt  }
0x72: {  	_ =	shalt  }
0x73: {  	_ =	shalt  }
0x74: {  	_ =	shalt  }
0x75: {  	_ =	shalt  }
0x76: {  	_ =	shalt  }
0x77: {  	_ =	shalt  }
0x78: {  	_ =	shalt  }
0x79: {  	_ =	shalt  }
0x7a: {  	_ =	shalt  }
0x7b: {  	_ =	shalt  }
0x7c: {  	_ =	shalt  }
0x7d: {  	_ =	shalt  }
0x7e: {  	_ =	shalt  }
0x7f: {  	_ =	shalt  }
0x80: {  	_ =	shalt  }
0x81: {  	_ =	shalt  }
0x82: {  	_ =	shalt  }
0x83: {  	_ =	shalt  }
0x84: {  	_ =	shalt  }
0x85: {  	_ =	shalt  }
0x86: {  	_ =	shalt  }
0x87: {  	_ =	shalt  }
.Lfunc_end0:
.L_simem_size_0:
called_computation.2_lowered:
.L_overlay_start_0:
0x88: {  	s2 =	sld [smem:$0x3FD9]  }
0x89: {  	s3 =	sld [smem:$0x3FFE];
	_ =	sdelay $0x1  }
0x8a: {  	s1 =	srdreg.scid  }
0x8b: {  	s0 =	sand.u32 $0x1, s1  }
0x8c: {  	s17 =	sshll.u32 s0, $0xA;
	s2 =	sadd.s32 s3, s2  }
0x8d: {  	s2 =	sadd.s32 s2, s17  }
0x8e: {  	[smem:$0x3FC0] =	sst s2  }
0x8f: {  	_ = 	snop  }
0x90: {  	s2 =	sld [smem:$0x3FD0];
	(tm) =	ssettm $0x1  }
0x91: {  	s18 =	sld [smem:$0x3FFB];
	_ =	sdelay $0x3  }
0x92: {  	_ =	strace s18  }
0x93: {  	s3 =	sld [smem:$0x3FFC];
	_ =	sdelay $0x3  }
0x94: {  	_ =	strace s3  }
0x95: {  	s3 =	sld [smem:$0x3FFD];
	_ =	sdelay $0x3  }
0x96: {  	_ =	strace s3  }
0x97: {  	_ =	strace $0x8FFFFFFF  }
0x98: {  	s19 =	sld [smem:$0x3FDB];
	_ =	sdelay $0x1  }
0x99: {  	s4 =	simm.s32 $_scs_section_size  }
0x9a: {  	s5 =	simm.s32 $_size__tile_overlayer_lowered;
	s6 =	simm.s32 $_tile_overlayer_lowered  }
0x9b: {  	s22 =	simm.s32 $0x1BFF;
	s21 =	sshll.u32 s6, $0x1;
	s3 =	sadd.s32 s4, s19  }
0x9c: {  	s7 =	simm.s32 $0x0;
	s20 =	sshll.u32 s5, $0x1;
	s5 =	sadd.s32 s21, s3  }
0x9d: {  	[timem:s7], [sflag:s22] =	dma.local [hbm:s5], s20  }
0x9e: {  	_ =	swait.ge [sflag:s22], s20  }
0x9f: {  	s4 =	ssub.s32 $0x0, s20;
	[sflag:s22] =	ssyncset.done $0x0  }
0xa0: {  	[sflag:s22] =	ssyncadd.s32 s4;
	_ =	sdelay $0x1  }
0xa1: {  	s23 =	simm.s32 $0x1B8B  }
0xa2: {  	_ =	swait.ge [sflag:s23], $0x1  }
0xa3: {  	[sflag:s23] =	ssyncset.done $0x0  }
0xa4: {  	s25 =	simm.s32 $0x1B8E;
	s24 =	sld [smem:$0x3FFE];
	[sflag:s23] =	ssyncadd.s32 $0xFFFFFFFF  }
0xa5: {  	s26 =	simm.s32 $execute0_lowered;
	[smem:$0x3FD2] =	sst s25  }
0xa6: {  	s5 =	sshll.u32 s26, $0x1;
	_ =	strace $0x8000004C;
	[dreg:$0x1] =	wrdreg $0xFFFFFFFF  }
0xa7: {  	s28 =	simm.s32 $_size_execute0_lowered;
	s3 =	sadd.s32 s3, s5;
	[dreg:$0x0] =	wrdreg $0x0  }
0xa8: {  	s5 =	sshll.u32 s28, $0x1;
	[dreg:$0x2] =	wrdreg s3  }
0xa9: {  	[dreg:$0x3] =	wrdreg s5  }
0xaa: {  	[dreg:$0x4] =	wrdreg $0xC0  }
0xab: {  	_ =	task [dreg:s7], $0x5FFFF  }
0xac: {  	[dreg:$0x1] =	wrdreg $0xFFFFFFFF  }
0xad: {  	[dreg:$0x0] =	wrdreg $0x60  }
0xae: {  	[dreg:$0x2] =	wrdreg s2  }
0xaf: {  	[dreg:$0x3] =	wrdreg s24  }
0xb0: {  	[dreg:$0x4] =	wrdreg $0xA0000  }
0xb1: {  	[dreg:$0x5] =	wrdreg $0x9  }
0xb2: {  	_ =	task.clear_ibuf [dreg:s7], $0x6FFFF;
	_ =	strace $0x9000004C  }
0xb3: {  	s29 =	simm.s32 $0x9;
	_ =	strace $0x8000004E  }
0xb4: {  	_ =	swait.ge [sflag:s29], $0x1  }
0xb5: {  	[sflag:s29] =	ssyncadd.s32 $0xFFFFFFFF  }
0xb6: {  	_ =	strace $0x9000004E  }
0xb7: {  	_ =	sfence  }
0xb8: {  	s30 =	sld [smem:$0x0];
	_ =	sdelay $0x2  }
0xb9: {  	s31 =	sshll.u32 s1, $0xD;
	s1 =	sshrl.u32 s1, $0x2  }
0xba: {  	s3 =	sand.u32 $0x4000, s31;
	s1 =	sadd.s32 s1, s30  }
0xbb: {  	s0 =	sor.u32 s3, s0;
	s1 =	sshll.u32 s1, $0x11  }
0xbc: {  	s0 =	sor.u32 s1, s0  }
0xbd: {  	s0 =	sadd.s32 $0x8F2B, s0  }
0xbe: {  	[sflag:s0] =	ssyncadd.remote.s32 $0x1  }
0xbf: {  	_ =	sfence.sel $0xFFFF  }
0xc0: {  	[dreg:$0x0] =	wrdreg $0xFFFFFFFF;
	(pc) =	sbr.abs _section_cstart, $3  }
0xc1: {  	[dreg:$0x1] =	wrdreg $0xFFFFFFFF  }
0xc2: {  	_ =	task.clear_ibuf [dreg:s7], $0x2FFFF;
	_ =	strace $0x9FFFFFFF  }
0xc3: {  	(tm) =	ssettm $0x7FFFFFFF  }
tec
execute0_lowered:
.L_overlay_start_1:
0x0: {  	(tag) =	ssettag $0x1  }
0x1: {  	s1 =	rddreg [dreg:$0x0]  }
0x2: {  	s0 =	rddreg [dreg:$0x1]  }
0x3: {  	s2 =	rddreg [dreg:$0x2];
	s3 =	srdreg.scid;
	s4 =	simm.s32 $0x0  }
0x4: {  	s21 =	stileid.u32;
	s28 =	simm.s32 $0x6000;
	s31 =	simm.s32 $0x1  }
0x5: {  	s29 =	simm.s32 $0x4;
	s30 =	simm.s32 $0x2;
	s3 =	sand.u32 $0x1, s3  }
0x6: {  	[smem:$0x7FF] =	sst s4;
	s6 =	sadd.s32 $0xCA00, s0;
	s7 =	sadd.s32 $0x2C00, s0  }
0x7: {  	s0 =	sadd.s32 $0x16800, s0;
	s12 =	smul.u32 $0x13880, s21;
	s5 =	sshll.u32 s3, $0x4  }
0x8: {  	_ =	strace $0x8000004D;
	s8 =	ssub.s32 $0x2, s3;
	s16 =	smul.u32 $0x138800, s3  }
0x9: {  	s3 =	smul.u32 $0xFFFF9C40, s3;
	s5 =	sor.u32 s21, s5;
	s9 =	sshrl.u32 s8, $0x1  }
0xa: {  	s14 =	sadd.s32 $0x3E80, s12;
	s15 =	sadd.s32 $0x7D00, s12;
	s21 =	smul.u32 $0x9C4, s21  }
0xb: {  	s17 =	sadd.s32 $0xBB80, s12;
	s20 =	sadd.s32 $0xFA00, s12;
	s5 =	smul.u32 $0x9C4, s5  }
0xc: {  	s19 =	ssub.s32 s8, s9;
	s9 =	sadd.s32 s14, s2;
	s14 =	sadd.s32 s16, s14  }
0xd: {  	s8 =	sadd.s32 s12, s2;
	s3 =	sand.u32 $0xFFC0, s3;
	s14 =	sshrl.u32 s14, $0x3  }
0xe: {  	s3 =	sadd.s32 s21, s3;
	s10 =	sshrl.u32 s5, $0x5;
	s5 =	sadd.s32 $0x9C4, s5  }
0xf: {  	s14 =	sadd.s32 s0, s14;
	s3 =	sshrl.u32 s3, $0x1;
	s5 =	sshrl.u32 s5, $0x5  }
0x10: {  	s18 =	sshll.u32 s10, $0x4;
	[dreg:$0x7] =	wrdreg s14;
	s3 =	sand.u32 $0xFFF0, s3  }
0x11: {  	s5 =	ssub.s32 s5, s10;
	s11 =	sadd.s32 s6, s18;
	s13 =	sadd.s32 s7, s18  }
0x12: {  	s10 =	sadd.s32 s15, s2;
	s15 =	sadd.s32 s16, s15;
	s22 =	sadd.s32 $0x100, s18  }
0x13: {  	s18 =	smax.u32 s19, $0x1;
	s24 =	sadd.s32 s3, s7;
	[dreg:$0x4] =	wrdreg s11  }
0x14: {  	s26 =	sadd.s32 s3, s6;
	[dreg:$0x5] =	wrdreg s13;
	s13 =	sadd.s32 s12, s16  }
0x15: {  	s11 =	sadd.s32 s17, s2;
	s12 =	sadd.s32 s20, s2;
	s15 =	sshrl.u32 s15, $0x3  }
0x16: {  	s17 =	sadd.s32 s16, s17;
	s20 =	sadd.s32 s16, s20;
	s23 =	sadd.s32 s6, s22  }
0x17: {  	s25 =	sadd.s32 $0x110, s24;
	p0 =	slt.s32 s5, $0x1;
	p1 =	seq.s32 s5, $0x1  }
0x18: {  	s13 =	sshrl.u32 s13, $0x3;
	s15 =	sadd.s32 s0, s15;
	[dreg:$0x9] =	wrdreg s23  }
0x19: {  	s17 =	sshrl.u32 s17, $0x3;
	s21 =	sshrl.u32 s20, $0x3;
	[dreg:$0xb] =	wrdreg s25  }
.Ltmp0:
0x1a: {  	s23 =	simm.s32 $0x5;
	s25 =	simm.s32 $0x80;
	(pc) =	sbr.rel .LBB2_1-.Ltmp0, $4  }
0x1b: {  	s13 =	sadd.s32 s0, s13;
	[dreg:$0x8] =	wrdreg s15;
	s16 =	sadd.s32 s0, s17  }
0x1c: {  	s17 =	sadd.s32 s0, s21;
	s0 =	sadd.s32 s7, s22;
	[dreg:$0x6] =	wrdreg s13  }
0x1d: {  	s21 =	simm.s32 $0x0;
	[dreg:$0xa] =	wrdreg s0;
	s0 =	sadd.s32 $0x110, s26  }
0x1e: {  	v0 =	vimm.f32 $0.0e+00;
	s26 =	simm.s32 $0x2000;
	[dreg:$0xc] =	wrdreg s0;
	s0 =	simm.s32 $0x3  }
.LBB2_14:
0x1f: {  	_ =	swait.ge [sflag:s31], $0x4000  }
0x20: {  	[sflag:s31] =	ssyncset.done $0x0  }
0x21: {  	s3 =	simm.s32 $0x1000;
	[sflag:s31] =	ssyncadd.s32 $0xFFFFC000  }
0x22: {  	[spmem:s2] =	stream.indirect.scatter.add.f32 [tilespmem:s26], [sflag:$0x3], $0x80, s3, s25, $0xb8;
	[tilespmem:$0x1D880] =	vst v63  }
.LBB2_15:
0x23: {  	_ =	swait.ge [sflag:s0], $0x4000  }
0x24: {  	[sflag:s0] =	ssyncset.done $0x0  }
0x25: {  	[sflag:s0] =	ssyncadd.s32 $0xFFFFC000  }
0x26: {  	_ =	swait.ge [sflag:s29], $0x4000  }
0x27: {  	[sflag:s29] =	ssyncset.done $0x0  }
0x28: {  	s3 =	stileid.u32;
	[sflag:s29] =	ssyncadd.s32 $0xFFFFC000  }
0x29: {  	s3 =	sshll.u32 s3, $0x6;
	[bflag:$0x0] =	sbarrier.arrive $0xFFFF  }
0x2a: {  	s6 =	sshrl.u32 s8, $0x3;
	s3 =	sor.u32 $0x1C05, s3;
	s7 =	rddreg [dreg:$0x6]  }
0x2b: {  	[hbm:s7], [sflag:s3] =	dma.local [spmem:s6], $0x7D0  }
0x2c: {  	_ =	swait.ge [sflag:s23], $0x7D0  }
0x2d: {  	[sflag:s23] =	ssyncset.done $0x0  }
0x2e: {  	s14 =	sshrl.u32 s9, $0x3;
	s15 =	rddreg [dreg:$0x7];
	[sflag:s23] =	ssyncadd.s32 $0xFFFFF830  }
0x2f: {  	[hbm:s15], [sflag:s3] =	dma.local [spmem:s14], $0x7D0  }
0x30: {  	_ =	swait.ge [sflag:s23], $0x7D0  }
0x31: {  	[sflag:s23] =	ssyncset.done $0x0  }
0x32: {  	s19 =	sshrl.u32 s10, $0x3;
	s20 =	rddreg [dreg:$0x8];
	[sflag:s23] =	ssyncadd.s32 $0xFFFFF830  }
0x33: {  	[hbm:s20], [sflag:s3] =	dma.local [spmem:s19], $0x7D0  }
0x34: {  	_ =	swait.ge [sflag:s23], $0x7D0  }
0x35: {  	[sflag:s23] =	ssyncset.done $0x0  }
0x36: {  	s22 =	sshrl.u32 s11, $0x3;
	[sflag:s23] =	ssyncadd.s32 $0xFFFFF830  }
0x37: {  	[hbm:s16], [sflag:s3] =	dma.local [spmem:s22], $0x7D0  }
0x38: {  	s21 =	sadd.s32 $0x1, s21;
	_ =	swait.ge [sflag:s23], $0x7D0  }
0x39: {  	p2 =	sne.s32 s21, s18;
	[sflag:s23] =	ssyncset.done $0x0  }
.Ltmp1:
0x3a: {  	s24 =	sshrl.u32 s12, $0x3;
	[sflag:s23] =	ssyncadd.s32 $0xFFFFF830;
	(pc) =	sbr.rel @!p2 .LBB2_16-.Ltmp1, $4  }
0x3b: {  	[hbm:s17], [sflag:s3] =	dma.local [spmem:s24], $0x7D0  }
0x3c: {  	_ =	swait.ge [sflag:s23], $0x7D0  }
0x3d: {  	[sflag:s23] =	ssyncset.done $0x0  }
0x3e: {  	[sflag:s23] =	ssyncadd.s32 $0xFFFFF830  }
.LBB2_1:
0x3f: {  	s3 =	rddreg [dreg:$0x4]  }
0x40: {  	[tilespmem:s4], [sflag:$0x5] =	stream.linear.gather [hbm4b:s3+s4], $0x800, $0x38;
	[tilespmem:$0x1D880] =	vst v63  }
0x41: {  	_ =	swait.ge [sflag:s23], $0x800  }
0x42: {  	[sflag:s23] =	ssyncset.done $0x0  }
0x43: {  	s6 =	simm.s32 $0x1000;
	s24 =	rddreg [dreg:$0x5];
	[sflag:s23] =	ssyncadd.s32 $0xFFFFF800  }
0x44: {  	[tilespmem:s6], [sflag:$0x5] =	stream.linear.gather [hbm4b:s24+s4], $0x800, $0x38;
	[tilespmem:$0x1D880] =	vst v63  }
0x45: {  	_ =	swait.ge [sflag:s23], $0x800  }
0x46: {  	[sflag:s23] =	ssyncset.done $0x0  }
0x47: {  	s3 =	simm.s32 $0x0;
	s6 =	simm.s32 $0x200;
	[sflag:s23] =	ssyncadd.s32 $0xFFFFF800  }
0x48: {  	[tilespmem:s26], [sflag:$0x1] =	stream.indirect.gather [hbm4b:s1+s25], $0x80, s4, s25, $0xb8;
	[tilespmem:$0x1D880] =	vst v63  }
.LBB2_2:
0x49: {  	p2 =	sne.s32 s6, $0xF800;
	[tilespmem:s3+$0x6070] =	vst v0  }
0x4a: {  	[tilespmem:s3+$0x6000] =	vst v0  }
0x4b: {  	[tilespmem:s3+$0x6010] =	vst v0  }
.Ltmp2:
0x4c: {  	[tilespmem:s3+$0x6020] =	vst v0;
	(pc) =	sbr.rel @p2 .LBB2_2-.Ltmp2, $4  }
0x4d: {  	[tilespmem:s3+$0x6030] =	vst v0  }
0x4e: {  	[tilespmem:s3+$0x6040] =	vst v0  }
0x4f: {  	[tilespmem:s3+$0x6050] =	vst v0  }
0x50: {  	[tilespmem:s3+$0x6060] =	vst v0;
	s3 =	sshra.s32 s6, $0x2;
	s6 =	sadd.s32 $0x200, s6  }
0x51: {  	[tilespmem:s3+$0x6070] =	vst v0  }
0x52: {  	[tilespmem:s3+$0x6000] =	vst v0  }
0x53: {  	[tilespmem:s3+$0x6010] =	vst v0  }
0x54: {  	[tilespmem:s3+$0x6020] =	vst v0  }
0x55: {  	[tilespmem:s3+$0x6030] =	vst v0  }
0x56: {  	[tilespmem:s3+$0x6040] =	vst v0  }
0x57: {  	[tilespmem:s3+$0x6050] =	vst v0  }
0x58: {  	[tilespmem:s3+$0x6060] =	vst v0  }
0x59: {  	[spmem:s8] =	stream.linear.scatter [tilespmem:s28], [sflag:$0x5], $0x3E80, $0x38;
	[tilespmem:$0x1D880] =	vst v63  }
0x5a: {  	_ =	swait.ge [sflag:s23], $0x3E80  }
0x5b: {  	[sflag:s23] =	ssyncset.done $0x0  }
0x5c: {  	[sflag:s23] =	ssyncadd.s32 $0xFFFFC180  }
0x5d: {  	[spmem:s9] =	stream.linear.scatter [tilespmem:s28], [sflag:$0x5], $0x3E80, $0x38;
	[tilespmem:$0x1D880] =	vst v63  }
0x5e: {  	_ =	swait.ge [sflag:s23], $0x3E80  }
0x5f: {  	[sflag:s23] =	ssyncset.done $0x0  }
0x60: {  	[sflag:s23] =	ssyncadd.s32 $0xFFFFC180  }
0x61: {  	[spmem:s10] =	stream.linear.scatter [tilespmem:s28], [sflag:$0x5], $0x3E80, $0x38;
	[tilespmem:$0x1D880] =	vst v63  }
0x62: {  	_ =	swait.ge [sflag:s23], $0x3E80  }
0x63: {  	[sflag:s23] =	ssyncset.done $0x0  }
0x64: {  	[sflag:s23] =	ssyncadd.s32 $0xFFFFC180  }
0x65: {  	[spmem:s11] =	stream.linear.scatter [tilespmem:s28], [sflag:$0x5], $0x3E80, $0x38;
	[tilespmem:$0x1D880] =	vst v63  }
0x66: {  	_ =	swait.ge [sflag:s23], $0x3E80  }
0x67: {  	[sflag:s23] =	ssyncset.done $0x0  }
0x68: {  	[sflag:s23] =	ssyncadd.s32 $0xFFFFC180  }
0x69: {  	[spmem:s12] =	stream.linear.scatter [tilespmem:s28], [sflag:$0x5], $0x3E80, $0x38;
	[tilespmem:$0x1D880] =	vst v63  }
.Ltmp3:
0x6a: {  	_ =	swait.ge [sflag:s23], $0x3E80;
	(pc) =	sbr.rel @p0 .LBB2_15-.Ltmp3, $3  }
0x6b: {  	[sflag:s23] =	ssyncset.done $0x0  }
0x6c: {  	[sflag:s23] =	ssyncadd.s32 $0xFFFFC180  }
0x6d: {  	[bflag:$0x0] =	sbarrier.arrive $0xFFFF;
	_ =	sdelay $0x1  }
0x6e: {  	s3 =	rddreg [dreg:$0x9];
	s6 =	simm.s32 $0x800  }
0x6f: {  	[tilespmem:s6], [sflag:$0x5] =	stream.linear.gather [hbm4b:s3+s4], $0x800, $0x38;
	[tilespmem:$0x1D880] =	vst v63  }
0x70: {  	_ =	swait.ge [sflag:s23], $0x800  }
0x71: {  	s24 =	simm.s32 $0x1800;
	[sflag:s23] =	ssyncset.done $0x0  }
.Ltmp4:
0x72: {  	s22 =	rddreg [dreg:$0xa];
	[sflag:s23] =	ssyncadd.s32 $0xFFFFF800;
	(pc) =	sbr.rel @p1 .LBB2_14-.Ltmp4, $4  }
0x73: {  	[tilespmem:s24], [sflag:$0x5] =	stream.linear.gather [hbm4b:s22+s4], $0x800, $0x38;
	[tilespmem:$0x1D880] =	vst v63  }
0x74: {  	_ =	swait.ge [sflag:s23], $0x800  }
0x75: {  	[sflag:s23] =	ssyncset.done $0x0  }
0x76: {  	[sflag:s23] =	ssyncadd.s32 $0xFFFFF800  }
0x77: {  	[tilespmem:s28], [sflag:$0x2] =	stream.indirect.gather [hbm4b:s1+s25], $0x80, s25, s25, $0xb8;
	[tilespmem:$0x1D880] =	vst v63  }
.Ltmp5:
0x78: {  	_ =	swait.ge [sflag:s31], $0x4000;
	(pc) =	sbr.rel .LBB2_6-.Ltmp5, $4  }
0x79: {  	[sflag:s31] =	ssyncset.done $0x0  }
0x7a: {  	s3 =	simm.s32 $0x1000;
	s19 =	rddreg [dreg:$0xb];
	[sflag:s31] =	ssyncadd.s32 $0xFFFFC000  }
0x7b: {  	[spmem:s2] =	stream.indirect.scatter.add.f32 [tilespmem:s26], [sflag:$0x3], $0x80, s3, s25, $0xb8;
	[tilespmem:$0x1D880] =	vst v63  }
0x7c: {  	s22 =	simm.s32 $0x400;
	s20 =	simm.s32 $0x2;
	s3 =	rddreg [dreg:$0xc]  }
.LBB2_11:
0x7d: {  	_ =	swait.ge [sflag:s0], $0x4000  }
0x7e: {  	[sflag:s0] =	ssyncset.done $0x0  }
0x7f: {  	[sflag:s0] =	ssyncadd.s32 $0xFFFFC000  }
0x80: {  	[tilespmem:s26], [sflag:$0x1] =	stream.indirect.gather [hbm4b:s1+s25], $0x80, s7, s25, $0xb8;
	[tilespmem:$0x1D880] =	vst v63  }
.LBB2_12:
0x81: {  	_ =	swait.ge [sflag:s30], $0x4000;
	s6 =	sshll.u32 s6, $0xB;
	s7 =	sshll.u32 s24, $0x7  }
0x82: {  	[sflag:s30] =	ssyncset.done $0x0;
	s6 =	sor.u32 s7, s6  }
0x83: {  	[sflag:s30] =	ssyncadd.s32 $0xFFFFC000;
	s6 =	sor.u32 $0x1000, s6  }
0x84: {  	[spmem:s2] =	stream.indirect.scatter.add.f32 [tilespmem:s28], [sflag:$0x4], $0x80, s6, s25, $0xb8;
	[tilespmem:$0x1D880] =	vst v63  }
.LBB2_13:
0x85: {  	p2 =	slt.s32 s20, s5  }
.Ltmp6:
0x86: {  	_ = 	snop;
	(pc) =	sbr.rel @!p2 .LBB2_15-.Ltmp6, $3  }
0x87: {  	_ =	sdelay $0x1  }
0x88: {  	s6 =	sadd.s32 $0x1, s20;
	s22 =	sadd.s32 $0x200, s22  }
0x89: {  	s19 =	sadd.s32 $0x10, s19;
	s3 =	sadd.s32 $0x10, s3;
	s20 =	smov.u32 s6  }
.LBB2_6:
0x8a: {  	s7 =	sadd.s32 $0xFFFFFFFF, s20  }
0x8b: {  	s6 =	sshrl.u32 s7, $0x4;
	s24 =	sand.u32 $0xF, s7  }
0x8c: {  	s6 =	sand.u32 $0x1, s6;
	p2 =	sne.s32 s24, $0x0  }
0x8d: {  	s13 =	sshll.u32 @!p2 s6, $0xB  }
0x8e: {  	s15 =	simm.s32 @!p2 $0x0;
	s14 =	sxor.u32 @!p2 $0x800, s13  }
0x8f: {  	[tilespmem:s14], [sflag:$0x5] =	stream.linear.gather @!p2 [hbm4b:s3+s15], $0x800, $0x38;
	[tilespmem:$0x1D880] =	vst v63  }
0x90: {  	s14 =	simm.s32 @!p2 $0x5  }
0x91: {  	_ =	swait.ge @!p2 [sflag:s14], $0x800  }
0x92: {  	p3 =	sge.s32 s20, s5;
	[sflag:s14] =	ssyncset.done @!p2 $0x0  }
.Ltmp7:
0x93: {  	s13 =	sxor.u32 @!p2 $0x1800, s13;
	[sflag:s14] =	ssyncadd.s32 @!p2 $0xFFFFF800;
	(pc) =	sbr.rel @p3 .LBB2_9-.Ltmp7, $4  }
0x94: {  	[tilespmem:s13], [sflag:$0x5] =	stream.linear.gather @!p2 [hbm4b:s19+s15], $0x800, $0x38;
	[tilespmem:$0x1D880] =	vst v63  }
0x95: {  	_ =	swait.ge @!p2 [sflag:s14], $0x800  }
0x96: {  	s7 =	sand.u32 $0x1, s7;
	[sflag:s14] =	ssyncset.done @!p2 $0x0  }
0x97: {  	[sflag:s14] =	ssyncadd.s32 @!p2 $0xFFFFF800;
	p2 =	seq.s32 s7, $0x1  }
.Ltmp8:
0x98: {  	(pc) =	sbr.rel @p2 .LBB2_11-.Ltmp8, $3  }
0x99: {  	_ =	sdelay $0x1  }
0x9a: {  	s7 =	sand.u32 $0x3E00, s22  }
0x9b: {  	s7 =	sshrl.u32 s7, $0x2  }
.Ltmp9:
0x9c: {  	(pc) =	sbr.rel .LBB2_10-.Ltmp9, $4  }
0x9d: {  	_ =	swait.ge [sflag:s29], $0x4000  }
0x9e: {  	[sflag:s29] =	ssyncset.done $0x0  }
0x9f: {  	[sflag:s29] =	ssyncadd.s32 $0xFFFFC000  }
0xa0: {  	[tilespmem:s28], [sflag:$0x2] =	stream.indirect.gather [hbm4b:s1+s25], $0x80, s7, s25, $0xb8;
	[tilespmem:$0x1D880] =	vst v63  }
.LBB2_9:
.Ltmp10:
0xa1: {  	(pc) =	sbr.rel @p2 .LBB2_12-.Ltmp10, $1  }
0xa2: {  	_ =	sdelay $0x3  }
.LBB2_10:
.Ltmp11:
0xa3: {  	(pc) =	sbr.rel .LBB2_13-.Ltmp11, $4  }
0xa4: {  	_ =	swait.ge [sflag:s31], $0x4000;
	s6 =	sshll.u32 s6, $0xB;
	s7 =	sshll.u32 s24, $0x7  }
0xa5: {  	[sflag:s31] =	ssyncset.done $0x0;
	s6 =	sor.u32 s7, s6  }
0xa6: {  	[sflag:s31] =	ssyncadd.s32 $0xFFFFC000;
	s6 =	sor.u32 $0x1000, s6  }
0xa7: {  	[spmem:s2] =	stream.indirect.scatter.add.f32 [tilespmem:s26], [sflag:$0x3], $0x80, s6, s25, $0xb8;
	[tilespmem:$0x1D880] =	vst v63  }
.LBB2_16:
0xa8: {  	_ =	sfence.sel $0x180000  }
0xa9: {  	[bflag:$0x0] =	sbarrier.arrive $0xFFFF  }
0xaa: {  	_ =	strace $0x9000004D  }
0xab: {  	s0 =	stileid.u32;
	[bflag:$0x2] =	sbarrier.arrive $0xFFFF  }
0xac: {  	p0 =	sne.s32 s0, $0x0;
	s0 =	rddreg [dreg:$0x3]  }
0xad: {  	s0 =	sadd.s32 @!p0 $0x100000, s0  }
0xae: {  	[sflag:s0] =	ssyncadd.tile.s32 @!p0 $0x1;
	_ =	shalt  }
.Lfunc_end2:
_tile_overlayer_lowered:
.L_overlay_start_2:
0xaf: {  	(tag) =	ssettag $0x2  }
0xb0: {  	s0 =	rddreg [dreg:$0x0];
	s2 =	stileid.u32  }
0xb1: {  	s1 =	rddreg [dreg:$0x1];
	p0 =	sne.s32 s2, $0x0  }
0xb2: {  	s3 =	rddreg [dreg:$0x2];
	[bflag:$0x3] =	sbarrier.arrive $0xFFFF;
	s2 =	simm.s32 @!p0 $0x1C05  }
0xb3: {  	[timem:s3], [sflag:s2] =	dma.local @!p0 [hbm:s0], s1  }
0xb4: {  	s0 =	simm.s32 @!p0 $0x5  }
0xb5: {  	_ =	swait.ge @!p0 [sflag:s0], s1  }
0xb6: {  	s1 =	ssub.s32 @!p0 $0x0, s1;
	[sflag:s0] =	ssyncset.done @!p0 $0x0  }
0xb7: {  	[sflag:s0] =	ssyncadd.s32 @!p0 s1  }
0xb8: {  	[bflag:$0x3] =	sbarrier.arrive $0xFFFF  }
0xb9: {  	_ =	shalt  }

// kernel: kernel.19.cloned.1.call-start
scs
__scs_entry_jumppad:
0x0: {  	(pc) =	sbr.rel $0x88, $3  }
0x1: {  	(tag) =	ssettag $0x0;
	lr =	simm.s32 $0x1  }
0x2: {  	[smem:$0x3F99] =	sst lr;
	_ =	strace $0xD0000000  }
0x3: {  	_ = 	snop  }
0x4: {  	_ = 	snop  }
0x5: {  	_ = 	snop  }
0x6: {  	_ = 	snop  }
0x7: {  	_ = 	snop  }
__scs_overlays_trampoline_lowered:
0x8: {  	[smem:$0x3FA8] =	sst s0  }
0x9: {  	[smem:$0x3FA9] =	sst s1  }
0xa: {  	[smem:$0x3FAA] =	sst s2  }
0xb: {  	[smem:$0x3FAB] =	sst s3  }
0xc: {  	[smem:$0x3FAC] =	sst s4  }
0xd: {  	[smem:$0x3FAD] =	sst s5  }
0xe: {  	[smem:$0x3FAE] =	sst s6  }
0xf: {  	[smem:$0x3FAF] =	sst s7  }
0x10: {  	[smem:$0x3FB0] =	sst s8  }
0x11: {  	[smem:$0x3FB1] =	sst s9;
	s0 =	simm.s32 @!p0 $0x0  }
0x12: {  	s1 =	sld [smem:$0x3F97];
	s0 =	simm.s32 @p0 $0x1  }
0x13: {  	[smem:$0x3FB2] =	sst s0;
	s0 =	simm.s32 @!p1 $0x0  }
0x14: {  	s2 =	sld [smem:$0x3F96];
	s0 =	simm.s32 @p1 $0x1  }
0x15: {  	[smem:$0x3FB3] =	sst s0;
	s0 =	simm.s32 @!p2 $0x0  }
0x16: {  	s3 =	sld [smem:$0x3FDB];
	s0 =	simm.s32 @p2 $0x1  }
0x17: {  	s4 =	simm.s32 $0x1BF5;
	[smem:$0x3FB5] =	sst s0  }
0x18: {  	s0 =	sld [smem:$0x3F98];
	_ =	swait.ge [sflag:s4], $0x0  }
0x19: {  	s7 =	sld [smem:$0x3F99]  }
0x1a: {  	s8 =	sadd.s32 $0xFFFFE003, lr  }
0x1b: {  	s9 =	sadd.s32 $0xFFFFFEF7, lr;
	s5 =	simm.s32 $0xFFFFFFFF;
	p2 =	slt.u32 s8, $0xFFFFF086  }
0x1c: {  	p1 =	slt.u32 s9, $0xF7A;
	s5 =	simm.s32 @!p2 $0x0  }
0x1d: {  	s5 =	simm.s32 @p1 $0x1;
	p0 =	seq.s32 s7, s2  }
0x1e: {  	s7 =	smul.u32 @!p0 $0xF7A, s2;
	p2 =	seq.s32 @!p0 s5, $0x0  }
0x1f: {  	s9 =	smul.u32 $0xF7A, s1;
	s8 =	simm.s32 @!p0 $0x1BF5;
	p2 =	por !p2, p0  }
0x20: {  	[sflag:s8] =	ssyncset.s32 @!p0 $0xFFFFF086;
	s6 =	sadd.s32 @!p0 s3, s7;
	s7 =	simm.s32 @!p0 $0x108  }
0x21: {  	s3 =	sadd.s32 s3, s9;
	s6 =	sadd.s32 @!p0 $0x88, s6;
	s7 =	simm.s32 @p2 $0x1082  }
0x22: {  	[simem:s7], [sflag:s8] =	dma.local @!p0 [hbm:s6], $0xF7A  }
0x23: {  	s9 =	sor.u32 $0xD0000000, s2;
	s6 =	simm.s32 $0x108;
	_ =	swait.ge @!p0 [sflag:s8], $0x0  }
0x24: {  	s3 =	sadd.s32 $0x88, s3;
	s6 =	simm.s32 @!p1 $0x1082;
	[sflag:s4] =	ssyncset.s32 $0xFFFFF086  }
0x25: {  	[simem:s6], [sflag:s4] =	dma.local [hbm:s3], $0xF7A  }
0x26: {  	[smem:$0x3F99] =	sst s1;
	(tag) =	ssettag s2;
	_ =	strace s9  }
0x27: {  	s1 =	sld [smem:$0x3FA9]  }
0x28: {  	s2 =	sld [smem:$0x3FAA]  }
0x29: {  	s4 =	sld [smem:$0x3FAC]  }
0x2a: {  	p0 =	seq.s32 s5, $0x0;
	s5 =	sld [smem:$0x3FAD]  }
0x2b: {  	s6 =	sld [smem:$0x3FAE]  }
0x2c: {  	s7 =	sld [smem:$0x3FAF]  }
0x2d: {  	s3 =	simm.s32 $0x108;
	s8 =	sld [smem:$0x3FB0]  }
0x2e: {  	s3 =	simm.s32 @!p0 $0x1082;
	s9 =	sld [smem:$0x3FB1]  }
0x2f: {  	lr =	sadd.s32 s0, s3;
	s0 =	sld [smem:$0x3FA8]  }
0x30: {  	s3 =	sld [smem:$0x3FAB]  }
0x31: {  	[smem:$0x3FB4] =	sst s10  }
0x32: {  	s10 =	sld [smem:$0x3FB2];
	_ =	sdelay $0x3  }
0x33: {  	p0 =	seq.s32 s10, $0x1;
	s10 =	sld [smem:$0x3FB4];
	_ =	sdelay $0x3  }
0x34: {  	[smem:$0x3FB4] =	sst s10  }
0x35: {  	s10 =	sld [smem:$0x3FB3];
	_ =	sdelay $0x3  }
0x36: {  	p1 =	seq.s32 s10, $0x1;
	s10 =	sld [smem:$0x3FB4];
	_ =	sdelay $0x3  }
0x37: {  	[smem:$0x3FB4] =	sst s10  }
0x38: {  	s10 =	sld [smem:$0x3FB5]  }
0x39: {  	_ = 	snop;
	(pc) =	sbr.ind lr, $3  }
0x3a: {  	_ = 	snop  }
0x3b: {  	_ = 	snop  }
0x3c: {  	p2 =	seq.s32 s10, $0x1;
	s10 =	sld [smem:$0x3FB4]  }
0x3d: {  	_ =	shalt  }
0x3e: {  	_ =	shalt  }
0x3f: {  	_ =	shalt  }
0x40: {  	_ =	shalt  }
0x41: {  	_ =	shalt  }
0x42: {  	_ =	shalt  }
0x43: {  	_ =	shalt  }
0x44: {  	_ =	shalt  }
0x45: {  	_ =	shalt  }
0x46: {  	_ =	shalt  }
0x47: {  	_ =	shalt  }
0x48: {  	_ =	shalt  }
0x49: {  	_ =	shalt  }
0x4a: {  	_ =	shalt  }
0x4b: {  	_ =	shalt  }
0x4c: {  	_ =	shalt  }
0x4d: {  	_ =	shalt  }
0x4e: {  	_ =	shalt  }
0x4f: {  	_ =	shalt  }
0x50: {  	_ =	shalt  }
0x51: {  	_ =	shalt  }
0x52: {  	_ =	shalt  }
0x53: {  	_ =	shalt  }
0x54: {  	_ =	shalt  }
0x55: {  	_ =	shalt  }
0x56: {  	_ =	shalt  }
0x57: {  	_ =	shalt  }
0x58: {  	_ =	shalt  }
0x59: {  	_ =	shalt  }
0x5a: {  	_ =	shalt  }
0x5b: {  	_ =	shalt  }
0x5c: {  	_ =	shalt  }
0x5d: {  	_ =	shalt  }
0x5e: {  	_ =	shalt  }
0x5f: {  	_ =	shalt  }
0x60: {  	_ =	shalt  }
0x61: {  	_ =	shalt  }
0x62: {  	_ =	shalt  }
0x63: {  	_ =	shalt  }
0x64: {  	_ =	shalt  }
0x65: {  	_ =	shalt  }
0x66: {  	_ =	shalt  }
0x67: {  	_ =	shalt  }
0x68: {  	_ =	shalt  }
0x69: {  	_ =	shalt  }
0x6a: {  	_ =	shalt  }
0x6b: {  	_ =	shalt  }
0x6c: {  	_ =	shalt  }
0x6d: {  	_ =	shalt  }
0x6e: {  	_ =	shalt  }
0x6f: {  	_ =	shalt  }
0x70: {  	_ =	shalt  }
0x71: {  	_ =	shalt  }
0x72: {  	_ =	shalt  }
0x73: {  	_ =	shalt  }
0x74: {  	_ =	shalt  }
0x75: {  	_ =	shalt  }
0x76: {  	_ =	shalt  }
0x77: {  	_ =	shalt  }
0x78: {  	_ =	shalt  }
0x79: {  	_ =	shalt  }
0x7a: {  	_ =	shalt  }
0x7b: {  	_ =	shalt  }
0x7c: {  	_ =	shalt  }
0x7d: {  	_ =	shalt  }
0x7e: {  	_ =	shalt  }
0x7f: {  	_ =	shalt  }
0x80: {  	_ =	shalt  }
0x81: {  	_ =	shalt  }
0x82: {  	_ =	shalt  }
0x83: {  	_ =	shalt  }
0x84: {  	_ =	shalt  }
0x85: {  	_ =	shalt  }
0x86: {  	_ =	shalt  }
0x87: {  	_ =	shalt  }
.Lfunc_end0:
.L_simem_size_0:
called_computation.3_lowered:
.L_overlay_start_0:
0x88: {  	s2 =	sld [smem:$0x3FD9]  }
0x89: {  	s3 =	sld [smem:$0x3FFE];
	_ =	sdelay $0x1  }
0x8a: {  	s1 =	srdreg.scid  }
0x8b: {  	s0 =	sand.u32 $0x1, s1  }
0x8c: {  	s17 =	sshll.u32 s0, $0xA;
	s2 =	sadd.s32 s3, s2  }
0x8d: {  	s2 =	sadd.s32 s2, s17  }
0x8e: {  	[smem:$0x3FC0] =	sst s2  }
0x8f: {  	_ = 	snop  }
0x90: {  	s2 =	sld [smem:$0x3FD0];
	(tm) =	ssettm $0x1  }
0x91: {  	s18 =	sld [smem:$0x3FFB];
	_ =	sdelay $0x3  }
0x92: {  	_ =	strace s18  }
0x93: {  	s3 =	sld [smem:$0x3FFC];
	_ =	sdelay $0x3  }
0x94: {  	_ =	strace s3  }
0x95: {  	s3 =	sld [smem:$0x3FFD];
	_ =	sdelay $0x3  }
0x96: {  	_ =	strace s3  }
0x97: {  	_ =	strace $0x8FFFFFFF  }
0x98: {  	s19 =	sld [smem:$0x3FDB];
	_ =	sdelay $0x1  }
0x99: {  	s4 =	simm.s32 $_scs_section_size  }
0x9a: {  	s5 =	simm.s32 $_size__tile_overlayer_lowered;
	s6 =	simm.s32 $_tile_overlayer_lowered  }
0x9b: {  	s22 =	simm.s32 $0x1BFF;
	s21 =	sshll.u32 s6, $0x1;
	s3 =	sadd.s32 s4, s19  }
0x9c: {  	s7 =	simm.s32 $0x0;
	s20 =	sshll.u32 s5, $0x1;
	s5 =	sadd.s32 s21, s3  }
0x9d: {  	[timem:s7], [sflag:s22] =	dma.local [hbm:s5], s20  }
0x9e: {  	_ =	swait.ge [sflag:s22], s20  }
0x9f: {  	s4 =	ssub.s32 $0x0, s20;
	[sflag:s22] =	ssyncset.done $0x0  }
0xa0: {  	[sflag:s22] =	ssyncadd.s32 s4;
	_ =	sdelay $0x1  }
0xa1: {  	s23 =	simm.s32 $0x1B8B  }
0xa2: {  	_ =	swait.ge [sflag:s23], $0x1  }
0xa3: {  	[sflag:s23] =	ssyncset.done $0x0  }
0xa4: {  	s25 =	simm.s32 $0x1B8E;
	s24 =	sld [smem:$0x3FFE];
	[sflag:s23] =	ssyncadd.s32 $0xFFFFFFFF  }
0xa5: {  	s26 =	simm.s32 $execute0_lowered;
	[smem:$0x3FD2] =	sst s25  }
0xa6: {  	s5 =	sshll.u32 s26, $0x1;
	_ =	strace $0x8000004F;
	[dreg:$0x1] =	wrdreg $0xFFFFFFFF  }
0xa7: {  	s28 =	simm.s32 $_size_execute0_lowered;
	s3 =	sadd.s32 s3, s5;
	[dreg:$0x0] =	wrdreg $0x0  }
0xa8: {  	s5 =	sshll.u32 s28, $0x1;
	[dreg:$0x2] =	wrdreg s3  }
0xa9: {  	[dreg:$0x3] =	wrdreg s5  }
0xaa: {  	[dreg:$0x4] =	wrdreg $0xC0  }
0xab: {  	_ =	task [dreg:s7], $0x5FFFF  }
0xac: {  	[dreg:$0x1] =	wrdreg $0xFFFFFFFF  }
0xad: {  	[dreg:$0x0] =	wrdreg $0x60  }
0xae: {  	[dreg:$0x2] =	wrdreg s2  }
0xaf: {  	[dreg:$0x3] =	wrdreg s24  }
0xb0: {  	[dreg:$0x4] =	wrdreg $0xA0000  }
0xb1: {  	[dreg:$0x5] =	wrdreg $0x9  }
0xb2: {  	_ =	task.clear_ibuf [dreg:s7], $0x6FFFF;
	_ =	strace $0x9000004F  }
0xb3: {  	s29 =	simm.s32 $0x9;
	_ =	strace $0x80000051  }
0xb4: {  	_ =	swait.ge [sflag:s29], $0x1  }
0xb5: {  	[sflag:s29] =	ssyncadd.s32 $0xFFFFFFFF  }
0xb6: {  	_ =	strace $0x90000051  }
0xb7: {  	_ =	sfence  }
0xb8: {  	s30 =	sld [smem:$0x0];
	_ =	sdelay $0x2  }
0xb9: {  	s31 =	sshll.u32 s1, $0xD;
	s1 =	sshrl.u32 s1, $0x2  }
0xba: {  	s3 =	sand.u32 $0x4000, s31;
	s1 =	sadd.s32 s1, s30  }
0xbb: {  	s0 =	sor.u32 s3, s0;
	s1 =	sshll.u32 s1, $0x11  }
0xbc: {  	s0 =	sor.u32 s1, s0  }
0xbd: {  	s0 =	sadd.s32 $0x8F2B, s0  }
0xbe: {  	[sflag:s0] =	ssyncadd.remote.s32 $0x1  }
0xbf: {  	_ =	sfence.sel $0xFFFF  }
0xc0: {  	[dreg:$0x0] =	wrdreg $0xFFFFFFFF;
	(pc) =	sbr.abs _section_cstart, $3  }
0xc1: {  	[dreg:$0x1] =	wrdreg $0xFFFFFFFF  }
0xc2: {  	_ =	task.clear_ibuf [dreg:s7], $0x2FFFF;
	_ =	strace $0x9FFFFFFF  }
0xc3: {  	(tm) =	ssettm $0x7FFFFFFF  }
tec
execute0_lowered:
.L_overlay_start_1:
0x0: {  	(tag) =	ssettag $0x1  }
0x1: {  	s1 =	rddreg [dreg:$0x0]  }
0x2: {  	s0 =	rddreg [dreg:$0x1]  }
0x3: {  	s2 =	rddreg [dreg:$0x2];
	s3 =	srdreg.scid;
	s4 =	simm.s32 $0x0  }
0x4: {  	s21 =	stileid.u32;
	s28 =	simm.s32 $0x6000;
	s31 =	simm.s32 $0x1  }
0x5: {  	s29 =	simm.s32 $0x4;
	s30 =	simm.s32 $0x2;
	s3 =	sand.u32 $0x1, s3  }
0x6: {  	[smem:$0x7FF] =	sst s4;
	s6 =	sadd.s32 $0xCA00, s0;
	s7 =	sadd.s32 $0x2C00, s0  }
0x7: {  	s0 =	sadd.s32 $0x16800, s0;
	s12 =	smul.u32 $0x13880, s21;
	s5 =	sshll.u32 s3, $0x4  }
0x8: {  	_ =	strace $0x80000050;
	s8 =	ssub.s32 $0x2, s3;
	s16 =	smul.u32 $0x138800, s3  }
0x9: {  	s3 =	smul.u32 $0xFFFF9C40, s3;
	s5 =	sor.u32 s21, s5;
	s9 =	sshrl.u32 s8, $0x1  }
0xa: {  	s14 =	sadd.s32 $0x3E80, s12;
	s15 =	sadd.s32 $0x7D00, s12;
	s21 =	smul.u32 $0x9C4, s21  }
0xb: {  	s17 =	sadd.s32 $0xBB80, s12;
	s20 =	sadd.s32 $0xFA00, s12;
	s5 =	smul.u32 $0x9C4, s5  }
0xc: {  	s19 =	ssub.s32 s8, s9;
	s9 =	sadd.s32 s14, s2;
	s14 =	sadd.s32 s16, s14  }
0xd: {  	s8 =	sadd.s32 s12, s2;
	s3 =	sand.u32 $0xFFC0, s3;
	s14 =	sshrl.u32 s14, $0x3  }
0xe: {  	s3 =	sadd.s32 s21, s3;
	s10 =	sshrl.u32 s5, $0x5;
	s5 =	sadd.s32 $0x9C4, s5  }
0xf: {  	s14 =	sadd.s32 s0, s14;
	s3 =	sshrl.u32 s3, $0x1;
	s5 =	sshrl.u32 s5, $0x5  }
0x10: {  	s18 =	sshll.u32 s10, $0x4;
	[dreg:$0x7] =	wrdreg s14;
	s3 =	sand.u32 $0xFFF0, s3  }
0x11: {  	s5 =	ssub.s32 s5, s10;
	s11 =	sadd.s32 s6, s18;
	s13 =	sadd.s32 s7, s18  }
0x12: {  	s10 =	sadd.s32 s15, s2;
	s15 =	sadd.s32 s16, s15;
	s22 =	sadd.s32 $0x100, s18  }
0x13: {  	s18 =	smax.u32 s19, $0x1;
	s24 =	sadd.s32 s3, s7;
	[dreg:$0x4] =	wrdreg s11  }
0x14: {  	s26 =	sadd.s32 s3, s6;
	[dreg:$0x5] =	wrdreg s13;
	s13 =	sadd.s32 s12, s16  }
0x15: {  	s11 =	sadd.s32 s17, s2;
	s12 =	sadd.s32 s20, s2;
	s15 =	sshrl.u32 s15, $0x3  }
0x16: {  	s17 =	sadd.s32 s16, s17;
	s20 =	sadd.s32 s16, s20;
	s23 =	sadd.s32 s6, s22  }
0x17: {  	s25 =	sadd.s32 $0x110, s24;
	p0 =	slt.s32 s5, $0x1;
	p1 =	seq.s32 s5, $0x1  }
0x18: {  	s13 =	sshrl.u32 s13, $0x3;
	s15 =	sadd.s32 s0, s15;
	[dreg:$0x9] =	wrdreg s23  }
0x19: {  	s17 =	sshrl.u32 s17, $0x3;
	s21 =	sshrl.u32 s20, $0x3;
	[dreg:$0xb] =	wrdreg s25  }
.Ltmp0:
0x1a: {  	s23 =	simm.s32 $0x5;
	s25 =	simm.s32 $0x80;
	(pc) =	sbr.rel .LBB2_1-.Ltmp0, $4  }
0x1b: {  	s13 =	sadd.s32 s0, s13;
	[dreg:$0x8] =	wrdreg s15;
	s16 =	sadd.s32 s0, s17  }
0x1c: {  	s17 =	sadd.s32 s0, s21;
	s0 =	sadd.s32 s7, s22;
	[dreg:$0x6] =	wrdreg s13  }
0x1d: {  	s21 =	simm.s32 $0x0;
	[dreg:$0xa] =	wrdreg s0;
	s0 =	sadd.s32 $0x110, s26  }
0x1e: {  	v0 =	vimm.f32 $0.0e+00;
	s26 =	simm.s32 $0x2000;
	[dreg:$0xc] =	wrdreg s0;
	s0 =	simm.s32 $0x3  }
.LBB2_14:
0x1f: {  	_ =	swait.ge [sflag:s31], $0x4000  }
0x20: {  	[sflag:s31] =	ssyncset.done $0x0  }
0x21: {  	s3 =	simm.s32 $0x1000;
	[sflag:s31] =	ssyncadd.s32 $0xFFFFC000  }
0x22: {  	[spmem:s2] =	stream.indirect.scatter.add.f32 [tilespmem:s26], [sflag:$0x3], $0x80, s3, s25, $0xb8;
	[tilespmem:$0x1D880] =	vst v63  }
.LBB2_15:
0x23: {  	_ =	swait.ge [sflag:s0], $0x4000  }
0x24: {  	[sflag:s0] =	ssyncset.done $0x0  }
0x25: {  	[sflag:s0] =	ssyncadd.s32 $0xFFFFC000  }
0x26: {  	_ =	swait.ge [sflag:s29], $0x4000  }
0x27: {  	[sflag:s29] =	ssyncset.done $0x0  }
0x28: {  	s3 =	stileid.u32;
	[sflag:s29] =	ssyncadd.s32 $0xFFFFC000  }
0x29: {  	s3 =	sshll.u32 s3, $0x6;
	[bflag:$0x0] =	sbarrier.arrive $0xFFFF  }
0x2a: {  	s6 =	sshrl.u32 s8, $0x3;
	s3 =	sor.u32 $0x1C05, s3;
	s7 =	rddreg [dreg:$0x6]  }
0x2b: {  	[hbm:s7], [sflag:s3] =	dma.local [spmem:s6], $0x7D0  }
0x2c: {  	_ =	swait.ge [sflag:s23], $0x7D0  }
0x2d: {  	[sflag:s23] =	ssyncset.done $0x0  }
0x2e: {  	s14 =	sshrl.u32 s9, $0x3;
	s15 =	rddreg [dreg:$0x7];
	[sflag:s23] =	ssyncadd.s32 $0xFFFFF830  }
0x2f: {  	[hbm:s15], [sflag:s3] =	dma.local [spmem:s14], $0x7D0  }
0x30: {  	_ =	swait.ge [sflag:s23], $0x7D0  }
0x31: {  	[sflag:s23] =	ssyncset.done $0x0  }
0x32: {  	s19 =	sshrl.u32 s10, $0x3;
	s20 =	rddreg [dreg:$0x8];
	[sflag:s23] =	ssyncadd.s32 $0xFFFFF830  }
0x33: {  	[hbm:s20], [sflag:s3] =	dma.local [spmem:s19], $0x7D0  }
0x34: {  	_ =	swait.ge [sflag:s23], $0x7D0  }
0x35: {  	[sflag:s23] =	ssyncset.done $0x0  }
0x36: {  	s22 =	sshrl.u32 s11, $0x3;
	[sflag:s23] =	ssyncadd.s32 $0xFFFFF830  }
0x37: {  	[hbm:s16], [sflag:s3] =	dma.local [spmem:s22], $0x7D0  }
0x38: {  	s21 =	sadd.s32 $0x1, s21;
	_ =	swait.ge [sflag:s23], $0x7D0  }
0x39: {  	p2 =	sne.s32 s21, s18;
	[sflag:s23] =	ssyncset.done $0x0  }
.Ltmp1:
0x3a: {  	s24 =	sshrl.u32 s12, $0x3;
	[sflag:s23] =	ssyncadd.s32 $0xFFFFF830;
	(pc) =	sbr.rel @!p2 .LBB2_16-.Ltmp1, $4  }
0x3b: {  	[hbm:s17], [sflag:s3] =	dma.local [spmem:s24], $0x7D0  }
0x3c: {  	_ =	swait.ge [sflag:s23], $0x7D0  }
0x3d: {  	[sflag:s23] =	ssyncset.done $0x0  }
0x3e: {  	[sflag:s23] =	ssyncadd.s32 $0xFFFFF830  }
.LBB2_1:
0x3f: {  	s3 =	rddreg [dreg:$0x4]  }
0x40: {  	[tilespmem:s4], [sflag:$0x5] =	stream.linear.gather [hbm4b:s3+s4], $0x800, $0x38;
	[tilespmem:$0x1D880] =	vst v63  }
0x41: {  	_ =	swait.ge [sflag:s23], $0x800  }
0x42: {  	[sflag:s23] =	ssyncset.done $0x0  }
0x43: {  	s6 =	simm.s32 $0x1000;
	s24 =	rddreg [dreg:$0x5];
	[sflag:s23] =	ssyncadd.s32 $0xFFFFF800  }
0x44: {  	[tilespmem:s6], [sflag:$0x5] =	stream.linear.gather [hbm4b:s24+s4], $0x800, $0x38;
	[tilespmem:$0x1D880] =	vst v63  }
0x45: {  	_ =	swait.ge [sflag:s23], $0x800  }
0x46: {  	[sflag:s23] =	ssyncset.done $0x0  }
0x47: {  	s3 =	simm.s32 $0x0;
	s6 =	simm.s32 $0x200;
	[sflag:s23] =	ssyncadd.s32 $0xFFFFF800  }
0x48: {  	[tilespmem:s26], [sflag:$0x1] =	stream.indirect.gather [hbm4b:s1+s25], $0x80, s4, s25, $0xb8;
	[tilespmem:$0x1D880] =	vst v63  }
.LBB2_2:
0x49: {  	p2 =	sne.s32 s6, $0xF800;
	[tilespmem:s3+$0x6070] =	vst v0  }
0x4a: {  	[tilespmem:s3+$0x6000] =	vst v0  }
0x4b: {  	[tilespmem:s3+$0x6010] =	vst v0  }
.Ltmp2:
0x4c: {  	[tilespmem:s3+$0x6020] =	vst v0;
	(pc) =	sbr.rel @p2 .LBB2_2-.Ltmp2, $4  }
0x4d: {  	[tilespmem:s3+$0x6030] =	vst v0  }
0x4e: {  	[tilespmem:s3+$0x6040] =	vst v0  }
0x4f: {  	[tilespmem:s3+$0x6050] =	vst v0  }
0x50: {  	[tilespmem:s3+$0x6060] =	vst v0;
	s3 =	sshra.s32 s6, $0x2;
	s6 =	sadd.s32 $0x200, s6  }
0x51: {  	[tilespmem:s3+$0x6070] =	vst v0  }
0x52: {  	[tilespmem:s3+$0x6000] =	vst v0  }
0x53: {  	[tilespmem:s3+$0x6010] =	vst v0  }
0x54: {  	[tilespmem:s3+$0x6020] =	vst v0  }
0x55: {  	[tilespmem:s3+$0x6030] =	vst v0  }
0x56: {  	[tilespmem:s3+$0x6040] =	vst v0  }
0x57: {  	[tilespmem:s3+$0x6050] =	vst v0  }
0x58: {  	[tilespmem:s3+$0x6060] =	vst v0  }
0x59: {  	[spmem:s8] =	stream.linear.scatter [tilespmem:s28], [sflag:$0x5], $0x3E80, $0x38;
	[tilespmem:$0x1D880] =	vst v63  }
0x5a: {  	_ =	swait.ge [sflag:s23], $0x3E80  }
0x5b: {  	[sflag:s23] =	ssyncset.done $0x0  }
0x5c: {  	[sflag:s23] =	ssyncadd.s32 $0xFFFFC180  }
0x5d: {  	[spmem:s9] =	stream.linear.scatter [tilespmem:s28], [sflag:$0x5], $0x3E80, $0x38;
	[tilespmem:$0x1D880] =	vst v63  }
0x5e: {  	_ =	swait.ge [sflag:s23], $0x3E80  }
0x5f: {  	[sflag:s23] =	ssyncset.done $0x0  }
0x60: {  	[sflag:s23] =	ssyncadd.s32 $0xFFFFC180  }
0x61: {  	[spmem:s10] =	stream.linear.scatter [tilespmem:s28], [sflag:$0x5], $0x3E80, $0x38;
	[tilespmem:$0x1D880] =	vst v63  }
0x62: {  	_ =	swait.ge [sflag:s23], $0x3E80  }
0x63: {  	[sflag:s23] =	ssyncset.done $0x0  }
0x64: {  	[sflag:s23] =	ssyncadd.s32 $0xFFFFC180  }
0x65: {  	[spmem:s11] =	stream.linear.scatter [tilespmem:s28], [sflag:$0x5], $0x3E80, $0x38;
	[tilespmem:$0x1D880] =	vst v63  }
0x66: {  	_ =	swait.ge [sflag:s23], $0x3E80  }
0x67: {  	[sflag:s23] =	ssyncset.done $0x0  }
0x68: {  	[sflag:s23] =	ssyncadd.s32 $0xFFFFC180  }
0x69: {  	[spmem:s12] =	stream.linear.scatter [tilespmem:s28], [sflag:$0x5], $0x3E80, $0x38;
	[tilespmem:$0x1D880] =	vst v63  }
.Ltmp3:
0x6a: {  	_ =	swait.ge [sflag:s23], $0x3E80;
	(pc) =	sbr.rel @p0 .LBB2_15-.Ltmp3, $3  }
0x6b: {  	[sflag:s23] =	ssyncset.done $0x0  }
0x6c: {  	[sflag:s23] =	ssyncadd.s32 $0xFFFFC180  }
0x6d: {  	[bflag:$0x0] =	sbarrier.arrive $0xFFFF;
	_ =	sdelay $0x1  }
0x6e: {  	s3 =	rddreg [dreg:$0x9];
	s6 =	simm.s32 $0x800  }
0x6f: {  	[tilespmem:s6], [sflag:$0x5] =	stream.linear.gather [hbm4b:s3+s4], $0x800, $0x38;
	[tilespmem:$0x1D880] =	vst v63  }
0x70: {  	_ =	swait.ge [sflag:s23], $0x800  }
0x71: {  	s24 =	simm.s32 $0x1800;
	[sflag:s23] =	ssyncset.done $0x0  }
.Ltmp4:
0x72: {  	s22 =	rddreg [dreg:$0xa];
	[sflag:s23] =	ssyncadd.s32 $0xFFFFF800;
	(pc) =	sbr.rel @p1 .LBB2_14-.Ltmp4, $4  }
0x73: {  	[tilespmem:s24], [sflag:$0x5] =	stream.linear.gather [hbm4b:s22+s4], $0x800, $0x38;
	[tilespmem:$0x1D880] =	vst v63  }
0x74: {  	_ =	swait.ge [sflag:s23], $0x800  }
0x75: {  	[sflag:s23] =	ssyncset.done $0x0  }
0x76: {  	[sflag:s23] =	ssyncadd.s32 $0xFFFFF800  }
0x77: {  	[tilespmem:s28], [sflag:$0x2] =	stream.indirect.gather [hbm4b:s1+s25], $0x80, s25, s25, $0xb8;
	[tilespmem:$0x1D880] =	vst v63  }
.Ltmp5:
0x78: {  	_ =	swait.ge [sflag:s31], $0x4000;
	(pc) =	sbr.rel .LBB2_6-.Ltmp5, $4  }
0x79: {  	[sflag:s31] =	ssyncset.done $0x0  }
0x7a: {  	s3 =	simm.s32 $0x1000;
	s19 =	rddreg [dreg:$0xb];
	[sflag:s31] =	ssyncadd.s32 $0xFFFFC000  }
0x7b: {  	[spmem:s2] =	stream.indirect.scatter.add.f32 [tilespmem:s26], [sflag:$0x3], $0x80, s3, s25, $0xb8;
	[tilespmem:$0x1D880] =	vst v63  }
0x7c: {  	s22 =	simm.s32 $0x400;
	s20 =	simm.s32 $0x2;
	s3 =	rddreg [dreg:$0xc]  }
.LBB2_11:
0x7d: {  	_ =	swait.ge [sflag:s0], $0x4000  }
0x7e: {  	[sflag:s0] =	ssyncset.done $0x0  }
0x7f: {  	[sflag:s0] =	ssyncadd.s32 $0xFFFFC000  }
0x80: {  	[tilespmem:s26], [sflag:$0x1] =	stream.indirect.gather [hbm4b:s1+s25], $0x80, s7, s25, $0xb8;
	[tilespmem:$0x1D880] =	vst v63  }
.LBB2_12:
0x81: {  	_ =	swait.ge [sflag:s30], $0x4000;
	s6 =	sshll.u32 s6, $0xB;
	s7 =	sshll.u32 s24, $0x7  }
0x82: {  	[sflag:s30] =	ssyncset.done $0x0;
	s6 =	sor.u32 s7, s6  }
0x83: {  	[sflag:s30] =	ssyncadd.s32 $0xFFFFC000;
	s6 =	sor.u32 $0x1000, s6  }
0x84: {  	[spmem:s2] =	stream.indirect.scatter.add.f32 [tilespmem:s28], [sflag:$0x4], $0x80, s6, s25, $0xb8;
	[tilespmem:$0x1D880] =	vst v63  }
.LBB2_13:
0x85: {  	p2 =	slt.s32 s20, s5  }
.Ltmp6:
0x86: {  	_ = 	snop;
	(pc) =	sbr.rel @!p2 .LBB2_15-.Ltmp6, $3  }
0x87: {  	_ =	sdelay $0x1  }
0x88: {  	s6 =	sadd.s32 $0x1, s20;
	s22 =	sadd.s32 $0x200, s22  }
0x89: {  	s19 =	sadd.s32 $0x10, s19;
	s3 =	sadd.s32 $0x10, s3;
	s20 =	smov.u32 s6  }
.LBB2_6:
0x8a: {  	s7 =	sadd.s32 $0xFFFFFFFF, s20  }
0x8b: {  	s6 =	sshrl.u32 s7, $0x4;
	s24 =	sand.u32 $0xF, s7  }
0x8c: {  	s6 =	sand.u32 $0x1, s6;
	p2 =	sne.s32 s24, $0x0  }
0x8d: {  	s13 =	sshll.u32 @!p2 s6, $0xB  }
0x8e: {  	s15 =	simm.s32 @!p2 $0x0;
	s14 =	sxor.u32 @!p2 $0x800, s13  }
0x8f: {  	[tilespmem:s14], [sflag:$0x5] =	stream.linear.gather @!p2 [hbm4b:s3+s15], $0x800, $0x38;
	[tilespmem:$0x1D880] =	vst v63  }
0x90: {  	s14 =	simm.s32 @!p2 $0x5  }
0x91: {  	_ =	swait.ge @!p2 [sflag:s14], $0x800  }
0x92: {  	p3 =	sge.s32 s20, s5;
	[sflag:s14] =	ssyncset.done @!p2 $0x0  }
.Ltmp7:
0x93: {  	s13 =	sxor.u32 @!p2 $0x1800, s13;
	[sflag:s14] =	ssyncadd.s32 @!p2 $0xFFFFF800;
	(pc) =	sbr.rel @p3 .LBB2_9-.Ltmp7, $4  }
0x94: {  	[tilespmem:s13], [sflag:$0x5] =	stream.linear.gather @!p2 [hbm4b:s19+s15], $0x800, $0x38;
	[tilespmem:$0x1D880] =	vst v63  }
0x95: {  	_ =	swait.ge @!p2 [sflag:s14], $0x800  }
0x96: {  	s7 =	sand.u32 $0x1, s7;
	[sflag:s14] =	ssyncset.done @!p2 $0x0  }
0x97: {  	[sflag:s14] =	ssyncadd.s32 @!p2 $0xFFFFF800;
	p2 =	seq.s32 s7, $0x1  }
.Ltmp8:
0x98: {  	(pc) =	sbr.rel @p2 .LBB2_11-.Ltmp8, $3  }
0x99: {  	_ =	sdelay $0x1  }
0x9a: {  	s7 =	sand.u32 $0x3E00, s22  }
0x9b: {  	s7 =	sshrl.u32 s7, $0x2  }
.Ltmp9:
0x9c: {  	(pc) =	sbr.rel .LBB2_10-.Ltmp9, $4  }
0x9d: {  	_ =	swait.ge [sflag:s29], $0x4000  }
0x9e: {  	[sflag:s29] =	ssyncset.done $0x0  }
0x9f: {  	[sflag:s29] =	ssyncadd.s32 $0xFFFFC000  }
0xa0: {  	[tilespmem:s28], [sflag:$0x2] =	stream.indirect.gather [hbm4b:s1+s25], $0x80, s7, s25, $0xb8;
	[tilespmem:$0x1D880] =	vst v63  }
.LBB2_9:
.Ltmp10:
0xa1: {  	(pc) =	sbr.rel @p2 .LBB2_12-.Ltmp10, $1  }
0xa2: {  	_ =	sdelay $0x3  }
.LBB2_10:
.Ltmp11:
0xa3: {  	(pc) =	sbr.rel .LBB2_13-.Ltmp11, $4  }
0xa4: {  	_ =	swait.ge [sflag:s31], $0x4000;
	s6 =	sshll.u32 s6, $0xB;
	s7 =	sshll.u32 s24, $0x7  }
0xa5: {  	[sflag:s31] =	ssyncset.done $0x0;
	s6 =	sor.u32 s7, s6  }
0xa6: {  	[sflag:s31] =	ssyncadd.s32 $0xFFFFC000;
	s6 =	sor.u32 $0x1000, s6  }
0xa7: {  	[spmem:s2] =	stream.indirect.scatter.add.f32 [tilespmem:s26], [sflag:$0x3], $0x80, s6, s25, $0xb8;
	[tilespmem:$0x1D880] =	vst v63  }
.LBB2_16:
0xa8: {  	_ =	sfence.sel $0x180000  }
0xa9: {  	[bflag:$0x0] =	sbarrier.arrive $0xFFFF  }
0xaa: {  	_ =	strace $0x90000050  }
0xab: {  	s0 =	stileid.u32;
	[bflag:$0x2] =	sbarrier.arrive $0xFFFF  }
0xac: {  	p0 =	sne.s32 s0, $0x0;
	s0 =	rddreg [dreg:$0x3]  }
0xad: {  	s0 =	sadd.s32 @!p0 $0x100000, s0  }
0xae: {  	[sflag:s0] =	ssyncadd.tile.s32 @!p0 $0x1;
	_ =	shalt  }
.Lfunc_end2:
_tile_overlayer_lowered:
.L_overlay_start_2:
0xaf: {  	(tag) =	ssettag $0x2  }
0xb0: {  	s0 =	rddreg [dreg:$0x0];
	s2 =	stileid.u32  }
0xb1: {  	s1 =	rddreg [dreg:$0x1];
	p0 =	sne.s32 s2, $0x0  }
0xb2: {  	s3 =	rddreg [dreg:$0x2];
	[bflag:$0x3] =	sbarrier.arrive $0xFFFF;
	s2 =	simm.s32 @!p0 $0x1C05  }
0xb3: {  	[timem:s3], [sflag:s2] =	dma.local @!p0 [hbm:s0], s1  }
0xb4: {  	s0 =	simm.s32 @!p0 $0x5  }
0xb5: {  	_ =	swait.ge @!p0 [sflag:s0], s1  }
0xb6: {  	s1 =	ssub.s32 @!p0 $0x0, s1;
	[sflag:s0] =	ssyncset.done @!p0 $0x0  }
0xb7: {  	[sflag:s0] =	ssyncadd.s32 @!p0 s1  }
0xb8: {  	[bflag:$0x3] =	sbarrier.arrive $0xFFFF  }
0xb9: {  	_ =	shalt  }

</sc_bundles>
